<compile_context>
chip_gen: v7x
topology: tpu7x:2x2x1
jax: 0.10.2.dev20260603
libtpu: 0.0.44.dev20260713+nightly
codegen_flags: <defaults>
</compile_context>

<pallas_src>
import functools

import jax
import jax.numpy as jnp
from jax import lax
from jax.experimental import pallas as pl
from jax.experimental.pallas import tpu as pltpu
from jax.experimental.pallas import tpu_sc as plsc

N_NODES = 100000
N_EDGES = 3200000
NC, NS, LANES = 2, 16, 16
CHUNK = 128
K_IDX = 4
N_ACC = 100096
ROWS_PER_SUB = N_ACC // NS
EDGE_ROWS = 25088
E_PAD = EDGE_ROWS * CHUNK

_MESH = plsc.VectorSubcoreMesh(
    core_axis_name="c", subcore_axis_name="s", num_cores=NC, num_subcores=NS)

_SC_PARAMS = pltpu.CompilerParams(use_tc_tiling_on_sc=False)


def _idx_bufs(n):
    return [pltpu.VMEM((K_IDX, CHUNK), jnp.int32) for _ in range(n)]


def _zero_and_sync(zeros_hbm, acc, sid):
    sl = pl.ds(sid * ROWS_PER_SUB, ROWS_PER_SUB)
    pltpu.sync_copy(zeros_hbm.at[sl], acc.at[sl])
    plsc.subcore_barrier()


def _dump(acc, out_hbm, cid, sid):
    plsc.subcore_barrier()
    sl = pl.ds(sid * ROWS_PER_SUB, ROWS_PER_SUB)
    pltpu.sync_copy(acc.at[sl], out_hbm.at[cid].at[sl])


def _sc_degree(col2d, zeros_acc, width):
    rows_per_worker = EDGE_ROWS // (NC * NS)
    n_macro = rows_per_worker // K_IDX
    n_pairs = (n_macro - 2) // 2

    @functools.partial(
        pl.kernel,
        out_type=jax.ShapeDtypeStruct((NC, N_ACC, width), jnp.float32),
        mesh=_MESH,
        scratch_types=_idx_bufs(2) + [
            pltpu.VMEM((CHUNK, width), jnp.float32),
            pltpu.VMEM_SHARED((N_ACC, width), jnp.float32),
        ] + [pltpu.SemaphoreType.DMA] * (K_IDX + 2),
        compiler_params=_SC_PARAMS,
    )
    def body(col_hbm, ones_hbm, zeros_hbm, out_hbm, idxA, idxB, ones_v, acc,
             *sems):
        ssem = sems[:K_IDX]
        isemA, isemB = sems[K_IDX], sems[K_IDX + 1]
        cid = lax.axis_index("c")
        sid = lax.axis_index("s")
        pltpu.sync_copy(ones_hbm, ones_v)
        _zero_and_sync(zeros_hbm, acc, sid)
        base = (cid * NS + sid) * rows_per_worker

        def idx_slice(m):
            return col_hbm.at[pl.ds(base + m * K_IDX, K_IDX)]

        def wait_idx(buf, sem):
            pltpu.make_async_copy(idx_slice(0), buf, sem).wait()

        def half(ibuf, fire_next):
            for j in range(K_IDX):
                pltpu.async_copy(ones_v, acc.at[ibuf.at[j]], ssem[j],
                                 add=True)
            for j in range(K_IDX):
                pltpu.make_async_copy(
                    ones_v, acc.at[ibuf.at[j]], ssem[j]).wait()
            if fire_next is not None:
                m_next, buf, sem = fire_next
                pltpu.async_copy(idx_slice(m_next), buf, sem)

        pltpu.sync_copy(idx_slice(0), idxA)
        pltpu.async_copy(idx_slice(1), idxB, isemB)

        @pl.loop(0, n_pairs)
        def _(k):
            m = 2 * k
            wait_idx(idxB, isemB)
            half(idxA, (m + 2, idxA, isemA))
            wait_idx(idxA, isemA)
            half(idxB, (m + 3, idxB, isemB))

        wait_idx(idxB, isemB)
        half(idxA, None)
        half(idxB, None)

        _dump(acc, out_hbm, cid, sid)

    return body(col2d, jnp.ones((CHUNK, width), jnp.float32), zeros_acc)


def _sc_aggregate(table, row2d, col2d, zeros_acc, feat_split, width):
    n_workers = NS if feat_split else NC * NS
    rows_per_worker = EDGE_ROWS // n_workers
    n_macro = rows_per_worker // K_IDX
    n_pairs = (n_macro - 2) // 2

    @functools.partial(
        pl.kernel,
        out_type=jax.ShapeDtypeStruct((NC, N_ACC, width), jnp.float32),
        mesh=_MESH,
        scratch_types=_idx_bufs(4)
        + [pltpu.VMEM((CHUNK, width), jnp.float32) for _ in range(2 * K_IDX)]
        + [pltpu.VMEM_SHARED((N_ACC, width), jnp.float32)]
        + [pltpu.SemaphoreType.DMA] * (2 * K_IDX + 2),
        compiler_params=_SC_PARAMS,
    )
    def body(table_hbm, row_hbm, col_hbm, zeros_hbm, out_hbm,
             rowA, colA, rowB, colB, *rest):
        bufsA = rest[:K_IDX]
        bufsB = rest[K_IDX:2 * K_IDX]
        acc = rest[2 * K_IDX]
        sems = rest[2 * K_IDX + 1:]
        gsem = sems[:K_IDX]
        ssem = sems[K_IDX:2 * K_IDX]
        isemA, isemB = sems[2 * K_IDX], sems[2 * K_IDX + 1]
        cid = lax.axis_index("c")
        sid = lax.axis_index("s")
        _zero_and_sync(zeros_hbm, acc, sid)

        tbl = table_hbm.at[cid] if feat_split else table_hbm
        wid = sid if feat_split else cid * NS + sid
        base = wid * rows_per_worker

        def row_slice(m):
            return row_hbm.at[pl.ds(base + m * K_IDX, K_IDX)]

        def col_slice(m):
            return col_hbm.at[pl.ds(base + m * K_IDX, K_IDX)]

        def fire_idx(m, rbuf, cbuf, sem):
            pltpu.async_copy(row_slice(m), rbuf, sem)
            pltpu.async_copy(col_slice(m), cbuf, sem)

        def wait_idx(rbuf, cbuf, sem):
            pltpu.make_async_copy(row_slice(0), rbuf, sem).wait()
            pltpu.make_async_copy(col_slice(0), cbuf, sem).wait()

        def fire_gathers(rbuf, bufs):
            for j in range(K_IDX):
                pltpu.async_copy(tbl.at[rbuf.at[j]], bufs[j], gsem[j])

        def half(rbuf, cbuf, bufs, nxt_rbuf, nxt_bufs, fire_next):
            for j in range(K_IDX):
                pltpu.make_async_copy(
                    tbl.at[rbuf.at[j]], bufs[j], gsem[j]).wait()
                pltpu.async_copy(bufs[j], acc.at[cbuf.at[j]], ssem[j],
                                 add=True)
                if nxt_rbuf is not None:
                    pltpu.async_copy(
                        tbl.at[nxt_rbuf.at[j]], nxt_bufs[j], gsem[j])
            for j in range(K_IDX):
                pltpu.make_async_copy(
                    bufs[j], acc.at[cbuf.at[j]], ssem[j]).wait()
            if fire_next is not None:
                m_next, rb, cb, sem = fire_next
                fire_idx(m_next, rb, cb, sem)

        pltpu.sync_copy(row_slice(0), rowA)
        pltpu.sync_copy(col_slice(0), colA)
        fire_gathers(rowA, bufsA)
        fire_idx(1, rowB, colB, isemB)

        @pl.loop(0, n_pairs)
        def _(k):
            m = 2 * k
            wait_idx(rowB, colB, isemB)
            half(rowA, colA, bufsA, rowB, bufsB, (m + 2, rowA, colA, isemA))
            wait_idx(rowA, colA, isemA)
            half(rowB, colB, bufsB, rowA, bufsA, (m + 3, rowB, colB, isemB))

        wait_idx(rowB, colB, isemB)
        half(rowA, colA, bufsA, rowB, bufsB, None)
        half(rowB, colB, bufsB, None, None, None)

        _dump(acc, out_hbm, cid, sid)

    return body(table, row2d, col2d, zeros_acc)



R = 2000
GRID = N_NODES // R

_seq = pltpu.CompilerParams(dimension_semantics=("arbitrary",))


def _blk_nodes(*trail):
    return pl.BlockSpec((R,) + trail, lambda i: (i,) + (0,) * len(trail))


def _blk_acc(w=LANES):
    return pl.BlockSpec((NC, R, w), lambda i: (0, i, 0))


def _blk_full(shape):
    return pl.BlockSpec(shape, lambda i: (0,) * len(shape))


def _tck1_prep(acc_deg, x):
    def body(deg_ref, x_ref, dinv_ref, u1_ref):
        deg = deg_ref[0, :, 0] + deg_ref[1, :, 0] + 1.0
        dinv = (1.0 / jnp.sqrt(deg))[:, None]
        dinv_ref[...] = dinv
        u1_ref[...] = jnp.concatenate(
            [x_ref[...].astype(jnp.bfloat16).astype(jnp.float32) * dinv,
             jnp.zeros((R, LANES - 3), jnp.float32)], axis=1)

    return pl.pallas_call(
        body,
        grid=(GRID,),
        in_specs=[_blk_acc(), _blk_nodes(3)],
        out_specs=[_blk_nodes(1), _blk_nodes(LANES)],
        out_shape=[jax.ShapeDtypeStruct((N_NODES, 1), jnp.float32),
                   jax.ShapeDtypeStruct((N_NODES, LANES), jnp.float32)],
        compiler_params=_seq,
    )(acc_deg, x)


def _tck2_gcn1(acc1, u1, dinv, W1p, b1):
    def body(acc_ref, u1_ref, dinv_ref, w_ref, b_ref, g1_ref, sum_ref, sq_ref):
        s1 = (acc_ref[0] + acc_ref[1] + u1_ref[...]) * dinv_ref[...]
        g1 = jnp.dot(s1, w_ref[...], preferred_element_type=jnp.float32,
                     precision=lax.Precision.HIGHEST) + b_ref[...]
        g1_ref[...] = g1

        @pl.when(pl.program_id(0) == 0)
        def _():
            sum_ref[...] = jnp.zeros_like(sum_ref)
            sq_ref[...] = jnp.zeros_like(sq_ref)

        sum_ref[...] += jnp.sum(g1, axis=0, keepdims=True)
        sq_ref[...] += jnp.sum(g1 * g1, axis=0, keepdims=True)

    return pl.pallas_call(
        body,
        grid=(GRID,),
        in_specs=[_blk_acc(), _blk_nodes(LANES), _blk_nodes(1),
                  _blk_full((LANES, 64)), _blk_full((1, 64))],
        out_specs=[_blk_nodes(64), _blk_full((1, 64)), _blk_full((1, 64))],
        out_shape=[jax.ShapeDtypeStruct((N_NODES, 64), jnp.float32),
                   jax.ShapeDtypeStruct((1, 64), jnp.float32),
                   jax.ShapeDtypeStruct((1, 64), jnp.float32)],
        compiler_params=_seq,
    )(acc1, u1, dinv, W1p, b1)


def _tck3_bn1(g1, sums, sqs, gamma, beta, x, W_res1, b_res1, W_enc2, dinv):
    def body(g1_ref, sum_ref, sq_ref, ga_ref, be_ref, x_ref, wr_ref, br_ref,
             w2_ref, dinv_ref, h1_ref, u2_ref):
        mu = sum_ref[...] / N_NODES
        var = sq_ref[...] / N_NODES - mu * mu
        xn = (g1_ref[...] - mu) * lax.rsqrt(var + 1e-5) * ga_ref[...] + be_ref[...]
        res = jnp.dot(x_ref[...], wr_ref[...],
                      preferred_element_type=jnp.float32) + br_ref[...]
        h1 = jnp.maximum(xn, 0.0) + res
        h1_ref[...] = h1
        h2p = jnp.dot(h1, w2_ref[...], preferred_element_type=jnp.float32)
        u2 = h2p * dinv_ref[...]
        u2_ref[0] = u2[:, :LANES]
        u2_ref[1] = u2[:, LANES:]

    return pl.pallas_call(
        body,
        grid=(GRID,),
        in_specs=[_blk_nodes(64), _blk_full((1, 64)), _blk_full((1, 64)),
                  _blk_full((1, 64)), _blk_full((1, 64)), _blk_nodes(3),
                  _blk_full((3, 64)), _blk_full((1, 64)), _blk_full((64, 32)),
                  _blk_nodes(1)],
        out_specs=[_blk_nodes(64), _blk_acc()],
        out_shape=[jax.ShapeDtypeStruct((N_NODES, 64), jnp.float32),
                   jax.ShapeDtypeStruct((NC, N_NODES, LANES), jnp.float32)],
        compiler_params=_seq,
    )(g1, sums, sqs, gamma, beta, x, W_res1, b_res1, W_enc2, dinv)


def _tck4_gcn2(acc2, u2, dinv, b2):
    def body(acc_ref, u2_ref, dinv_ref, b_ref, g2_ref, sum_ref, sq_ref):
        lo = acc_ref[0] + u2_ref[0]
        hi = acc_ref[1] + u2_ref[1]
        g2 = jnp.concatenate([lo, hi], axis=1) * dinv_ref[...] + b_ref[...]
        g2_ref[...] = g2

        @pl.when(pl.program_id(0) == 0)
        def _():
            sum_ref[...] = jnp.zeros_like(sum_ref)
            sq_ref[...] = jnp.zeros_like(sq_ref)

        sum_ref[...] += jnp.sum(g2, axis=0, keepdims=True)
        sq_ref[...] += jnp.sum(g2 * g2, axis=0, keepdims=True)

    return pl.pallas_call(
        body,
        grid=(GRID,),
        in_specs=[_blk_acc(), pl.BlockSpec((NC, R, LANES), lambda i: (0, i, 0)),
                  _blk_nodes(1), _blk_full((1, 32))],
        out_specs=[_blk_nodes(32), _blk_full((1, 32)), _blk_full((1, 32))],
        out_shape=[jax.ShapeDtypeStruct((N_NODES, 32), jnp.float32),
                   jax.ShapeDtypeStruct((1, 32), jnp.float32),
                   jax.ShapeDtypeStruct((1, 32), jnp.float32)],
        compiler_params=_seq,
    )(acc2, u2, dinv, b2)


def _tck5_bn2(g2, sums, sqs, gamma, beta, h1, W_res2, b_res2, W_enc3, dinv):
    def body(g2_ref, sum_ref, sq_ref, ga_ref, be_ref, h1_ref, wr_ref, br_ref,
             w3_ref, dinv_ref, u3_ref):
        mu = sum_ref[...] / N_NODES
        var = sq_ref[...] / N_NODES - mu * mu
        xn = (g2_ref[...] - mu) * lax.rsqrt(var + 1e-5) * ga_ref[...] + be_ref[...]
        res = jnp.dot(h1_ref[...], wr_ref[...],
                      preferred_element_type=jnp.float32) + br_ref[...]
        h2 = jnp.maximum(xn, 0.0) + res
        h3p = jnp.dot(h2, w3_ref[...], preferred_element_type=jnp.float32)
        u3_ref[...] = jnp.concatenate(
            [h3p * dinv_ref[...], jnp.zeros((R, LANES - 1), jnp.float32)],
            axis=1)

    return pl.pallas_call(
        body,
        grid=(GRID,),
        in_specs=[_blk_nodes(32), _blk_full((1, 32)), _blk_full((1, 32)),
                  _blk_full((1, 32)), _blk_full((1, 32)), _blk_nodes(64),
                  _blk_full((64, 32)), _blk_full((1, 32)), _blk_full((32, 1)),
                  _blk_nodes(1)],
        out_specs=[_blk_nodes(LANES)],
        out_shape=[jax.ShapeDtypeStruct((N_NODES, LANES), jnp.float32)],
        compiler_params=_seq,
    )(g2, sums, sqs, gamma, beta, h1, W_res2, b_res2, W_enc3, dinv)[0]


def _tck6_heads(acc3, u3, dinv, b_enc3, W_dec1, b_dec1, W_dec2, b_dec2,
                W_dec3, b_dec3, W_t1, b_t1, W_t2, b_t2):
    def body(acc_ref, u3_ref, dinv_ref, be3_ref, wd1_ref, bd1_ref, wd2_ref,
             bd2_ref, wd3_ref, bd3_ref, wt1_ref, bt1_ref, wt2_ref, bt2_ref,
             recon_ref, t_ref, z_ref):
        z = ((acc_ref[0, :, 0:1] + acc_ref[1, :, 0:1] + u3_ref[:, 0:1])
             * dinv_ref[...]) + be3_ref[...]
        z_ref[...] = z
        d = jnp.maximum(jnp.dot(z, wd1_ref[...],
                                preferred_element_type=jnp.float32)
                        + bd1_ref[...], 0.0)
        d = jnp.maximum(jnp.dot(d, wd2_ref[...],
                                preferred_element_type=jnp.float32)
                        + bd2_ref[...], 0.0)
        recon_ref[...] = jnp.dot(d, wd3_ref[...],
                                 preferred_element_type=jnp.float32) + bd3_ref[...]
        t = jnp.maximum(jnp.dot(z, wt1_ref[...],
                                preferred_element_type=jnp.float32)
                        + bt1_ref[...], 0.0)
        t_ref[...] = jnp.dot(t, wt2_ref[...],
                             preferred_element_type=jnp.float32) + bt2_ref[...]

    return pl.pallas_call(
        body,
        grid=(GRID,),
        in_specs=[_blk_acc(), _blk_nodes(LANES), _blk_nodes(1),
                  _blk_full((1, 1)), _blk_full((1, 32)), _blk_full((1, 32)),
                  _blk_full((32, 64)), _blk_full((1, 64)), _blk_full((64, 3)),
                  _blk_full((1, 3)), _blk_full((1, 16)), _blk_full((1, 16)),
                  _blk_full((16, 1)), _blk_full((1, 1))],
        out_specs=[_blk_nodes(3), _blk_nodes(1), _blk_nodes(1)],
        out_shape=[jax.ShapeDtypeStruct((N_NODES, 3), jnp.float32),
                   jax.ShapeDtypeStruct((N_NODES, 1), jnp.float32),
                   jax.ShapeDtypeStruct((N_NODES, 1), jnp.float32)],
        compiler_params=_seq,
    )(acc3, u3, dinv, b_enc3, W_dec1, b_dec1, W_dec2, b_dec2, W_dec3, b_dec3,
      W_t1, b_t1, W_t2, b_t2)


def kernel(x, edge_index, W_enc1, b_enc1, W_res1, b_res1, gamma1, beta1,
           W_enc2, b_enc2, W_res2, b_res2, gamma2, beta2, W_enc3, b_enc3,
           W_dec1, b_dec1, W_dec2, b_dec2, W_dec3, b_dec3, W_t1, b_t1,
           W_t2, b_t2):
    pad = E_PAD - N_EDGES
    row = jnp.concatenate([edge_index[0], jnp.zeros((pad,), jnp.int32)])
    col = jnp.concatenate(
        [edge_index[1],
         N_NODES + (jnp.arange(pad, dtype=jnp.int32) % 64)])
    row2d = row.reshape(EDGE_ROWS, CHUNK)
    col2d = col.reshape(EDGE_ROWS, CHUNK)
    zeros16 = jnp.zeros((N_ACC, LANES), jnp.float32)

    acc_deg = _sc_degree(col2d, zeros16, LANES)
    dinv, u1 = _tck1_prep(acc_deg, x)

    acc1 = _sc_aggregate(u1, row2d, col2d, zeros16, feat_split=False, width=LANES)
    W1b = W_enc1.astype(jnp.bfloat16).astype(jnp.float32)
    W1p = jnp.zeros((LANES, 64), jnp.float32).at[:3].set(W1b)
    g1, s1, q1 = _tck2_gcn1(acc1, u1, dinv, W1p, b_enc1.reshape(1, 64))
    h1, u2 = _tck3_bn1(g1, s1, q1, gamma1.reshape(1, 64), beta1.reshape(1, 64),
                       x, W_res1, b_res1.reshape(1, 64), W_enc2, dinv)

    acc2 = _sc_aggregate(u2, row2d, col2d, zeros16, feat_split=True, width=LANES)
    g2, s2, q2 = _tck4_gcn2(acc2, u2, dinv, b_enc2.reshape(1, 32))
    u3 = _tck5_bn2(g2, s2, q2, gamma2.reshape(1, 32), beta2.reshape(1, 32),
                   h1, W_res2, b_res2.reshape(1, 32), W_enc3, dinv)

    acc3 = _sc_aggregate(u3, row2d, col2d, zeros16, feat_split=False, width=LANES)
    recon, t, z = _tck6_heads(
        acc3, u3, dinv, b_enc3.reshape(1, 1), W_dec1, b_dec1.reshape(1, 32),
        W_dec2, b_dec2.reshape(1, 64), W_dec3, b_dec3.reshape(1, 3),
        W_t1, b_t1.reshape(1, 16), W_t2, b_t2.reshape(1, 1))
    return (recon, t[:, 0], z[:, 0])

# --- scband reference (transcript-rebuilt; emitter-appended) ---
"""Pipeline reference for scband-edge-auto-encoder-multi-task-67130338836695 (READ-ONLY COPY).

The authoritative reference and input builder live on the scoring server;
editing this copy changes nothing except your own understanding.
"""

import jax, jax.numpy as jnp
import numpy as np

N = 100000
E = 3200000


def _gcn(x, W, b, row, col, n):
    h = x @ W
    deg = jax.ops.segment_sum(jnp.ones((col.shape[0],), dtype=h.dtype), col, num_segments=n)
    dinv = jnp.where(deg > 0, 1.0 / jnp.sqrt(deg), 0.0)
    norm = (dinv[row] * dinv[col])[:, None]
    return jax.ops.segment_sum(h[row] * norm, col, num_segments=n) + b


def _bn(x, g, b):
    mu = jnp.mean(x, axis=0)
    var = jnp.var(x, axis=0)
    return (x - mu) * jax.lax.rsqrt(var + 1e-5) * g + b


def setup_inputs(seed: int = 0):
    key = jax.random.key(seed)
    ks = jax.random.split(key, 32)
    def p(i, shape, s=0.1):
        return jax.random.normal(ks[i], shape, dtype=jnp.float32) * s
    inp = {
        "x": jax.random.normal(ks[0], (N, 3), dtype=jnp.float32),
        "edge_index": jax.random.randint(ks[1], (2, E), 0, N, dtype=jnp.int32),
        "W_enc1": p(2, (3, 64)), "b_enc1": p(3, (64,)),
        "W_res1": p(4, (3, 64)), "b_res1": p(5, (64,)),
        "gamma1": jnp.ones((64,), jnp.float32), "beta1": jnp.zeros((64,), jnp.float32),
        "W_enc2": p(6, (64, 32)), "b_enc2": p(7, (32,)),
        "W_res2": p(8, (64, 32)), "b_res2": p(9, (32,)),
        "gamma2": jnp.ones((32,), jnp.float32), "beta2": jnp.zeros((32,), jnp.float32),
        "W_enc3": p(10, (32, 1)), "b_enc3": p(11, (1,)),
        "W_dec1": p(12, (1, 32)), "b_dec1": p(13, (32,)),
        "W_dec2": p(14, (32, 64)), "b_dec2": p(15, (64,)),
        "W_dec3": p(16, (64, 3)), "b_dec3": p(17, (3,)),
        "W_t1": p(18, (1, 16)), "b_t1": p(19, (16,)),
        "W_t2": p(20, (16, 1)), "b_t2": p(21, (1,)),
    }
    return inp


def reference(x, edge_index, W_enc1, b_enc1, W_res1, b_res1, gamma1, beta1, W_enc2, b_enc2, W_res2, b_res2, gamma2, beta2, W_enc3, b_enc3, W_dec1, b_dec1, W_dec2, b_dec2, W_dec3, b_dec3, W_t1, b_t1, W_t2, b_t2):
    n = x.shape[0]
    loop = jnp.arange(n, dtype=edge_index.dtype)
    row = jnp.concatenate([edge_index[0], loop])
    col = jnp.concatenate([edge_index[1], loop])
    res = x @ W_res1 + b_res1
    h = jax.nn.relu(_bn(_gcn(x, W_enc1, b_enc1, row, col, n), gamma1, beta1)) + res
    res = h @ W_res2 + b_res2
    h = jax.nn.relu(_bn(_gcn(h, W_enc2, b_enc2, row, col, n), gamma2, beta2)) + res
    z = _gcn(h, W_enc3, b_enc3, row, col, n)
    d = jax.nn.relu(z @ W_dec1 + b_dec1)
    d = jax.nn.relu(d @ W_dec2 + b_dec2)
    recon = d @ W_dec3 + b_dec3
    t = jax.nn.relu(z @ W_t1 + b_t1) @ W_t2 + b_t2
    return (recon, t[:, 0], z[:, 0])

if __name__ == "__main__":
    import jax
    _d = setup_inputs()
    print(jax.jit(kernel)(*tuple(_d.values())))

</pallas_src>

<mosaic_0001>
#map = affine_map<(d0, d1) -> (0, 0)>
#map1 = affine_map<(d0, d1) -> (0, 0, 0)>
module attributes {stable_mosaic.version = 14 : i64} {
  func.func @body(%arg0: i32, %arg1: i32, %arg2: memref<100000x16xf32, #tpu.memory_space<hbm>>, %arg3: memref<25088x128xi32, #tpu.memory_space<hbm>>, %arg4: memref<25088x128xi32, #tpu.memory_space<hbm>>, %arg5: memref<100096x16xf32, #tpu.memory_space<hbm>>, %arg6: memref<2x100096x16xf32, #tpu.memory_space<hbm>>, %arg7: memref<4x128xi32, #tpu.memory_space<vmem>>, %arg8: memref<4x128xi32, #tpu.memory_space<vmem>>, %arg9: memref<4x128xi32, #tpu.memory_space<vmem>>, %arg10: memref<4x128xi32, #tpu.memory_space<vmem>>, %arg11: memref<128x16xf32, #tpu.memory_space<vmem>>, %arg12: memref<128x16xf32, #tpu.memory_space<vmem>>, %arg13: memref<128x16xf32, #tpu.memory_space<vmem>>, %arg14: memref<128x16xf32, #tpu.memory_space<vmem>>, %arg15: memref<128x16xf32, #tpu.memory_space<vmem>>, %arg16: memref<128x16xf32, #tpu.memory_space<vmem>>, %arg17: memref<128x16xf32, #tpu.memory_space<vmem>>, %arg18: memref<128x16xf32, #tpu.memory_space<vmem>>, %arg19: memref<100096x16xf32, #tpu.memory_space<vmem_shared>>, %arg20: memref<!tpu.dma_semaphore, #tpu.memory_space<semaphore_mem>>, %arg21: memref<!tpu.dma_semaphore, #tpu.memory_space<semaphore_mem>>, %arg22: memref<!tpu.dma_semaphore, #tpu.memory_space<semaphore_mem>>, %arg23: memref<!tpu.dma_semaphore, #tpu.memory_space<semaphore_mem>>, %arg24: memref<!tpu.dma_semaphore, #tpu.memory_space<semaphore_mem>>, %arg25: memref<!tpu.dma_semaphore, #tpu.memory_space<semaphore_mem>>, %arg26: memref<!tpu.dma_semaphore, #tpu.memory_space<semaphore_mem>>, %arg27: memref<!tpu.dma_semaphore, #tpu.memory_space<semaphore_mem>>, %arg28: memref<!tpu.dma_semaphore, #tpu.memory_space<semaphore_mem>>, %arg29: memref<!tpu.dma_semaphore, #tpu.memory_space<semaphore_mem>>) attributes {dimension_semantics = [#tpu.dimension_semantics<core_parallel>, #tpu.dimension_semantics<subcore_parallel>], iteration_bounds = array<i64: 2, 16>, scalar_prefetch = 0 : i64, scratch_operands = 23 : i64, tpu.core_type = #tpu.core_type<sc_vector_subcore>, window_params = [{transform_indices = #map}, {transform_indices = #map}, {transform_indices = #map}, {transform_indices = #map}, {transform_indices = #map1}]} {
    %mul3A = arith.constant 6256 : i32
    %mul3A_0 = arith.muli %arg1, %mul3A : i32
    "tpu.region"() ({
      %run_scoped3A = tpu.sem_alloc : memref<!tpu.dma_semaphore, #tpu.memory_space<semaphore_mem>>
      %dma_start3A_262 = arith.constant 0 : i32
      %dma_start3A_263 = tpu.memref_slice %arg19[%mul3A_0, %dma_start3A_262] : memref<100096x16xf32, #tpu.memory_space<vmem_shared>> -> memref<6256x16xf32, #tpu.memory_space<vmem_shared>>
      %dma_start3A_264 = arith.constant 0 : i32
      %dma_start3A_265 = tpu.memref_slice %arg5[%mul3A_0, %dma_start3A_264] : memref<100096x16xf32, #tpu.memory_space<hbm>> -> memref<6256x16xf32, #tpu.memory_space<hbm>>
      tpu.enqueue_dma source(%dma_start3A_265 : memref<6256x16xf32, #tpu.memory_space<hbm>>) target(%dma_start3A_263 : memref<6256x16xf32, #tpu.memory_space<vmem_shared>>) target_semaphore(%run_scoped3A : memref<!tpu.dma_semaphore, #tpu.memory_space<semaphore_mem>>)
      %dma_wait3A_266 = arith.constant 0 : i32
      %dma_wait3A_267 = tpu.memref_slice %arg19[%mul3A_0, %dma_wait3A_266] : memref<100096x16xf32, #tpu.memory_space<vmem_shared>> -> memref<6256x16xf32, #tpu.memory_space<vmem_shared>>
      %dma_wait3A_268 = arith.constant 0 : i32
      %dma_wait3A_269 = tpu.memref_slice %arg5[%mul3A_0, %dma_wait3A_268] : memref<100096x16xf32, #tpu.memory_space<hbm>> -> memref<6256x16xf32, #tpu.memory_space<hbm>>
      tpu.wait_dma2 semaphore(%run_scoped3A : memref<!tpu.dma_semaphore, #tpu.memory_space<semaphore_mem>>) src(%dma_wait3A_269 : memref<6256x16xf32, #tpu.memory_space<hbm>>) dst(%dma_wait3A_267 : memref<6256x16xf32, #tpu.memory_space<vmem_shared>>)
      tpu.yield
    }) : () -> ()
    %barrier3A = arith.constant 0 : index
    tpu.barrier barrier_id(%barrier3A)
    %mul3A_1 = arith.constant 16 : i32
    %mul3A_2 = arith.muli %arg0, %mul3A_1 : i32
    %add3A = arith.addi %mul3A_2, %arg1 : i32
    %mul3A_3 = arith.constant 784 : i32
    %mul3A_4 = arith.muli %add3A, %mul3A_3 : i32
    %add3A_5 = arith.constant 0 : i32
    %add3A_6 = arith.addi %mul3A_4, %add3A_5 : i32
    "tpu.region"() ({
      %run_scoped3A = tpu.sem_alloc : memref<!tpu.dma_semaphore, #tpu.memory_space<semaphore_mem>>
      %dma_start3A_262 = arith.constant 0 : i32
      %dma_start3A_263 = tpu.memref_slice %arg3[%add3A_6, %dma_start3A_262] : memref<25088x128xi32, #tpu.memory_space<hbm>> -> memref<4x128xi32, #tpu.memory_space<hbm>>
      %dma_start3A_264 = arith.constant 0 : i32
      %dma_start3A_265 = tpu.memref_slice %arg3[%add3A_6, %dma_start3A_264] : memref<25088x128xi32, #tpu.memory_space<hbm>> -> memref<4x128xi32, #tpu.memory_space<hbm>>
      tpu.enqueue_dma source(%dma_start3A_265 : memref<4x128xi32, #tpu.memory_space<hbm>>) target(%arg7 : memref<4x128xi32, #tpu.memory_space<vmem>>) target_semaphore(%run_scoped3A : memref<!tpu.dma_semaphore, #tpu.memory_space<semaphore_mem>>)
      %dma_wait3A_266 = arith.constant 0 : i32
      %dma_wait3A_267 = tpu.memref_slice %arg3[%add3A_6, %dma_wait3A_266] : memref<25088x128xi32, #tpu.memory_space<hbm>> -> memref<4x128xi32, #tpu.memory_space<hbm>>
      %dma_wait3A_268 = arith.constant 0 : i32
      %dma_wait3A_269 = tpu.memref_slice %arg3[%add3A_6, %dma_wait3A_268] : memref<25088x128xi32, #tpu.memory_space<hbm>> -> memref<4x128xi32, #tpu.memory_space<hbm>>
      tpu.wait_dma2 semaphore(%run_scoped3A : memref<!tpu.dma_semaphore, #tpu.memory_space<semaphore_mem>>) src(%dma_wait3A_269 : memref<4x128xi32, #tpu.memory_space<hbm>>) dst(%arg7 : memref<4x128xi32, #tpu.memory_space<vmem>>)
      tpu.yield
    }) : () -> ()
    %add3A_7 = arith.constant 0 : i32
    %add3A_8 = arith.addi %mul3A_4, %add3A_7 : i32
    "tpu.region"() ({
      %run_scoped3A = tpu.sem_alloc : memref<!tpu.dma_semaphore, #tpu.memory_space<semaphore_mem>>
      %dma_start3A_262 = arith.constant 0 : i32
      %dma_start3A_263 = tpu.memref_slice %arg4[%add3A_8, %dma_start3A_262] : memref<25088x128xi32, #tpu.memory_space<hbm>> -> memref<4x128xi32, #tpu.memory_space<hbm>>
      %dma_start3A_264 = arith.constant 0 : i32
      %dma_start3A_265 = tpu.memref_slice %arg4[%add3A_8, %dma_start3A_264] : memref<25088x128xi32, #tpu.memory_space<hbm>> -> memref<4x128xi32, #tpu.memory_space<hbm>>
      tpu.enqueue_dma source(%dma_start3A_265 : memref<4x128xi32, #tpu.memory_space<hbm>>) target(%arg8 : memref<4x128xi32, #tpu.memory_space<vmem>>) target_semaphore(%run_scoped3A : memref<!tpu.dma_semaphore, #tpu.memory_space<semaphore_mem>>)
      %dma_wait3A_266 = arith.constant 0 : i32
      %dma_wait3A_267 = tpu.memref_slice %arg4[%add3A_8, %dma_wait3A_266] : memref<25088x128xi32, #tpu.memory_space<hbm>> -> memref<4x128xi32, #tpu.memory_space<hbm>>
      %dma_wait3A_268 = arith.constant 0 : i32
      %dma_wait3A_269 = tpu.memref_slice %arg4[%add3A_8, %dma_wait3A_268] : memref<25088x128xi32, #tpu.memory_space<hbm>> -> memref<4x128xi32, #tpu.memory_space<hbm>>
      tpu.wait_dma2 semaphore(%run_scoped3A : memref<!tpu.dma_semaphore, #tpu.memory_space<semaphore_mem>>) src(%dma_wait3A_269 : memref<4x128xi32, #tpu.memory_space<hbm>>) dst(%arg8 : memref<4x128xi32, #tpu.memory_space<vmem>>)
      tpu.yield
    }) : () -> ()
    %dma_start3A = arith.constant 0 : i32
    %dma_start3A_9 = arith.constant 0 : i32
    %dma_start3A_10 = tpu.memref_slice %arg7[%dma_start3A, %dma_start3A_9] : memref<4x128xi32, #tpu.memory_space<vmem>> -> memref<1x128xi32, #tpu.memory_space<vmem>>
    %dma_start3A_11 = tpu.memref_squeeze %dma_start3A_10 : memref<1x128xi32, #tpu.memory_space<vmem>> -> memref<128xi32, #tpu.memory_space<vmem>>
    %dma_start3A_12 = arith.constant 0 : i32
    %dma_start3A_13 = arith.constant 0 : i32
    %dma_start3A_14 = tpu.memref_slice %arg2[%dma_start3A_12, %dma_start3A_13] : memref<100000x16xf32, #tpu.memory_space<hbm>> -> memref<100000x16xf32, #tpu.memory_space<hbm>>
    tpu.enqueue_indirect_dma source(%dma_start3A_14 : memref<100000x16xf32, #tpu.memory_space<hbm>>) target(%arg11 : memref<128x16xf32, #tpu.memory_space<vmem>>) offsets(%dma_start3A_11 : memref<128xi32, #tpu.memory_space<vmem>>) semaphore(%arg20 : memref<!tpu.dma_semaphore, #tpu.memory_space<semaphore_mem>>)
    %dma_start3A_15 = arith.constant 1 : i32
    %dma_start3A_16 = arith.constant 0 : i32
    %dma_start3A_17 = tpu.memref_slice %arg7[%dma_start3A_15, %dma_start3A_16] : memref<4x128xi32, #tpu.memory_space<vmem>> -> memref<1x128xi32, #tpu.memory_space<vmem>>
    %dma_start3A_18 = tpu.memref_squeeze %dma_start3A_17 : memref<1x128xi32, #tpu.memory_space<vmem>> -> memref<128xi32, #tpu.memory_space<vmem>>
    %dma_start3A_19 = arith.constant 0 : i32
    %dma_start3A_20 = arith.constant 0 : i32
    %dma_start3A_21 = tpu.memref_slice %arg2[%dma_start3A_19, %dma_start3A_20] : memref<100000x16xf32, #tpu.memory_space<hbm>> -> memref<100000x16xf32, #tpu.memory_space<hbm>>
    tpu.enqueue_indirect_dma source(%dma_start3A_21 : memref<100000x16xf32, #tpu.memory_space<hbm>>) target(%arg12 : memref<128x16xf32, #tpu.memory_space<vmem>>) offsets(%dma_start3A_18 : memref<128xi32, #tpu.memory_space<vmem>>) semaphore(%arg21 : memref<!tpu.dma_semaphore, #tpu.memory_space<semaphore_mem>>)
    %dma_start3A_22 = arith.constant 2 : i32
    %dma_start3A_23 = arith.constant 0 : i32
    %dma_start3A_24 = tpu.memref_slice %arg7[%dma_start3A_22, %dma_start3A_23] : memref<4x128xi32, #tpu.memory_space<vmem>> -> memref<1x128xi32, #tpu.memory_space<vmem>>
    %dma_start3A_25 = tpu.memref_squeeze %dma_start3A_24 : memref<1x128xi32, #tpu.memory_space<vmem>> -> memref<128xi32, #tpu.memory_space<vmem>>
    %dma_start3A_26 = arith.constant 0 : i32
    %dma_start3A_27 = arith.constant 0 : i32
    %dma_start3A_28 = tpu.memref_slice %arg2[%dma_start3A_26, %dma_start3A_27] : memref<100000x16xf32, #tpu.memory_space<hbm>> -> memref<100000x16xf32, #tpu.memory_space<hbm>>
    tpu.enqueue_indirect_dma source(%dma_start3A_28 : memref<100000x16xf32, #tpu.memory_space<hbm>>) target(%arg13 : memref<128x16xf32, #tpu.memory_space<vmem>>) offsets(%dma_start3A_25 : memref<128xi32, #tpu.memory_space<vmem>>) semaphore(%arg22 : memref<!tpu.dma_semaphore, #tpu.memory_space<semaphore_mem>>)
    %dma_start3A_29 = arith.constant 3 : i32
    %dma_start3A_30 = arith.constant 0 : i32
    %dma_start3A_31 = tpu.memref_slice %arg7[%dma_start3A_29, %dma_start3A_30] : memref<4x128xi32, #tpu.memory_space<vmem>> -> memref<1x128xi32, #tpu.memory_space<vmem>>
    %dma_start3A_32 = tpu.memref_squeeze %dma_start3A_31 : memref<1x128xi32, #tpu.memory_space<vmem>> -> memref<128xi32, #tpu.memory_space<vmem>>
    %dma_start3A_33 = arith.constant 0 : i32
    %dma_start3A_34 = arith.constant 0 : i32
    %dma_start3A_35 = tpu.memref_slice %arg2[%dma_start3A_33, %dma_start3A_34] : memref<100000x16xf32, #tpu.memory_space<hbm>> -> memref<100000x16xf32, #tpu.memory_space<hbm>>
    tpu.enqueue_indirect_dma source(%dma_start3A_35 : memref<100000x16xf32, #tpu.memory_space<hbm>>) target(%arg14 : memref<128x16xf32, #tpu.memory_space<vmem>>) offsets(%dma_start3A_32 : memref<128xi32, #tpu.memory_space<vmem>>) semaphore(%arg23 : memref<!tpu.dma_semaphore, #tpu.memory_space<semaphore_mem>>)
    %add3A_36 = arith.constant 4 : i32
    %add3A_37 = arith.addi %mul3A_4, %add3A_36 : i32
    %dma_start3A_38 = arith.constant 0 : i32
    %dma_start3A_39 = tpu.memref_slice %arg3[%add3A_37, %dma_start3A_38] : memref<25088x128xi32, #tpu.memory_space<hbm>> -> memref<4x128xi32, #tpu.memory_space<hbm>>
    %dma_start3A_40 = arith.constant 0 : i32
    %dma_start3A_41 = tpu.memref_slice %arg3[%add3A_37, %dma_start3A_40] : memref<25088x128xi32, #tpu.memory_space<hbm>> -> memref<4x128xi32, #tpu.memory_space<hbm>>
    tpu.enqueue_dma source(%dma_start3A_41 : memref<4x128xi32, #tpu.memory_space<hbm>>) target(%arg9 : memref<4x128xi32, #tpu.memory_space<vmem>>) target_semaphore(%arg29 : memref<!tpu.dma_semaphore, #tpu.memory_space<semaphore_mem>>)
    %add3A_42 = arith.constant 4 : i32
    %add3A_43 = arith.addi %mul3A_4, %add3A_42 : i32
    %dma_start3A_44 = arith.constant 0 : i32
    %dma_start3A_45 = tpu.memref_slice %arg4[%add3A_43, %dma_start3A_44] : memref<25088x128xi32, #tpu.memory_space<hbm>> -> memref<4x128xi32, #tpu.memory_space<hbm>>
    %dma_start3A_46 = arith.constant 0 : i32
    %dma_start3A_47 = tpu.memref_slice %arg4[%add3A_43, %dma_start3A_46] : memref<25088x128xi32, #tpu.memory_space<hbm>> -> memref<4x128xi32, #tpu.memory_space<hbm>>
    tpu.enqueue_dma source(%dma_start3A_47 : memref<4x128xi32, #tpu.memory_space<hbm>>) target(%arg10 : memref<4x128xi32, #tpu.memory_space<vmem>>) target_semaphore(%arg29 : memref<!tpu.dma_semaphore, #tpu.memory_space<semaphore_mem>>)
    %scan3A = arith.constant 0 : i32
    %scan3A_48 = arith.constant 97 : i32
    %scan3A_49 = arith.addi %scan3A, %scan3A_48 : i32
    %scan3A_50 = arith.constant 1 : i32
    scf.for %scan3A_262 = %scan3A to %scan3A_49 step %scan3A_50  : i32 {
      %mul3A_263 = arith.constant 1 : i32
      %mul3A_264 = arith.muli %scan3A_262, %mul3A_263 : i32
      %add3A_265 = arith.constant 0 : i32
      %add3A_266 = arith.addi %add3A_265, %mul3A_264 : i32
      %mul3A_267 = arith.constant 2 : i32
      %mul3A_268 = arith.muli %mul3A_267, %add3A_266 : i32
      %add3A_269 = arith.constant 0 : i32
      %add3A_270 = arith.addi %mul3A_4, %add3A_269 : i32
      %dma_wait3A_271 = arith.constant 0 : i32
      %dma_wait3A_272 = tpu.memref_slice %arg3[%add3A_270, %dma_wait3A_271] : memref<25088x128xi32, #tpu.memory_space<hbm>> -> memref<4x128xi32, #tpu.memory_space<hbm>>
      %dma_wait3A_273 = arith.constant 0 : i32
      %dma_wait3A_274 = tpu.memref_slice %arg3[%add3A_270, %dma_wait3A_273] : memref<25088x128xi32, #tpu.memory_space<hbm>> -> memref<4x128xi32, #tpu.memory_space<hbm>>
      tpu.wait_dma2 semaphore(%arg29 : memref<!tpu.dma_semaphore, #tpu.memory_space<semaphore_mem>>) src(%dma_wait3A_274 : memref<4x128xi32, #tpu.memory_space<hbm>>) dst(%arg9 : memref<4x128xi32, #tpu.memory_space<vmem>>)
      %add3A_275 = arith.constant 0 : i32
      %add3A_276 = arith.addi %mul3A_4, %add3A_275 : i32
      %dma_wait3A_277 = arith.constant 0 : i32
      %dma_wait3A_278 = tpu.memref_slice %arg4[%add3A_276, %dma_wait3A_277] : memref<25088x128xi32, #tpu.memory_space<hbm>> -> memref<4x128xi32, #tpu.memory_space<hbm>>
      %dma_wait3A_279 = arith.constant 0 : i32
      %dma_wait3A_280 = tpu.memref_slice %arg4[%add3A_276, %dma_wait3A_279] : memref<25088x128xi32, #tpu.memory_space<hbm>> -> memref<4x128xi32, #tpu.memory_space<hbm>>
      tpu.wait_dma2 semaphore(%arg29 : memref<!tpu.dma_semaphore, #tpu.memory_space<semaphore_mem>>) src(%dma_wait3A_280 : memref<4x128xi32, #tpu.memory_space<hbm>>) dst(%arg10 : memref<4x128xi32, #tpu.memory_space<vmem>>)
      %add3A_281 = arith.constant 2 : i32
      %add3A_282 = arith.addi %mul3A_268, %add3A_281 : i32
      %dma_wait3A_283 = arith.constant 0 : i32
      %dma_wait3A_284 = arith.constant 0 : i32
      %dma_wait3A_285 = tpu.memref_slice %arg7[%dma_wait3A_283, %dma_wait3A_284] : memref<4x128xi32, #tpu.memory_space<vmem>> -> memref<1x128xi32, #tpu.memory_space<vmem>>
      %dma_wait3A_286 = tpu.memref_squeeze %dma_wait3A_285 : memref<1x128xi32, #tpu.memory_space<vmem>> -> memref<128xi32, #tpu.memory_space<vmem>>
      %dma_wait3A_287 = arith.constant 0 : i32
      %dma_wait3A_288 = arith.constant 0 : i32
      %dma_wait3A_289 = tpu.memref_slice %arg2[%dma_wait3A_287, %dma_wait3A_288] : memref<100000x16xf32, #tpu.memory_space<hbm>> -> memref<100000x16xf32, #tpu.memory_space<hbm>>
      tpu.wait_indirect_dma semaphore(%arg20 : memref<!tpu.dma_semaphore, #tpu.memory_space<semaphore_mem>>) src(%dma_wait3A_289 : memref<100000x16xf32, #tpu.memory_space<hbm>>) dst(%arg11 : memref<128x16xf32, #tpu.memory_space<vmem>>)
      %dma_start3A_290 = arith.constant 0 : i32
      %dma_start3A_291 = arith.constant 0 : i32
      %dma_start3A_292 = tpu.memref_slice %arg8[%dma_start3A_290, %dma_start3A_291] : memref<4x128xi32, #tpu.memory_space<vmem>> -> memref<1x128xi32, #tpu.memory_space<vmem>>
      %dma_start3A_293 = tpu.memref_squeeze %dma_start3A_292 : memref<1x128xi32, #tpu.memory_space<vmem>> -> memref<128xi32, #tpu.memory_space<vmem>>
      %dma_start3A_294 = arith.constant 0 : i32
      %dma_start3A_295 = arith.constant 0 : i32
      %dma_start3A_296 = tpu.memref_slice %arg19[%dma_start3A_294, %dma_start3A_295] : memref<100096x16xf32, #tpu.memory_space<vmem_shared>> -> memref<100096x16xf32, #tpu.memory_space<vmem_shared>>
      tpu.enqueue_indirect_dma source(%arg11 : memref<128x16xf32, #tpu.memory_space<vmem>>) target(%dma_start3A_296 : memref<100096x16xf32, #tpu.memory_space<vmem_shared>>) offsets(%dma_start3A_293 : memref<128xi32, #tpu.memory_space<vmem>>) semaphore(%arg24 : memref<!tpu.dma_semaphore, #tpu.memory_space<semaphore_mem>>) {add = true}
      %dma_start3A_297 = arith.constant 0 : i32
      %dma_start3A_298 = arith.constant 0 : i32
      %dma_start3A_299 = tpu.memref_slice %arg9[%dma_start3A_297, %dma_start3A_298] : memref<4x128xi32, #tpu.memory_space<vmem>> -> memref<1x128xi32, #tpu.memory_space<vmem>>
      %dma_start3A_300 = tpu.memref_squeeze %dma_start3A_299 : memref<1x128xi32, #tpu.memory_space<vmem>> -> memref<128xi32, #tpu.memory_space<vmem>>
      %dma_start3A_301 = arith.constant 0 : i32
      %dma_start3A_302 = arith.constant 0 : i32
      %dma_start3A_303 = tpu.memref_slice %arg2[%dma_start3A_301, %dma_start3A_302] : memref<100000x16xf32, #tpu.memory_space<hbm>> -> memref<100000x16xf32, #tpu.memory_space<hbm>>
      tpu.enqueue_indirect_dma source(%dma_start3A_303 : memref<100000x16xf32, #tpu.memory_space<hbm>>) target(%arg15 : memref<128x16xf32, #tpu.memory_space<vmem>>) offsets(%dma_start3A_300 : memref<128xi32, #tpu.memory_space<vmem>>) semaphore(%arg20 : memref<!tpu.dma_semaphore, #tpu.memory_space<semaphore_mem>>)
      %dma_wait3A_304 = arith.constant 1 : i32
      %dma_wait3A_305 = arith.constant 0 : i32
      %dma_wait3A_306 = tpu.memref_slice %arg7[%dma_wait3A_304, %dma_wait3A_305] : memref<4x128xi32, #tpu.memory_space<vmem>> -> memref<1x128xi32, #tpu.memory_space<vmem>>
      %dma_wait3A_307 = tpu.memref_squeeze %dma_wait3A_306 : memref<1x128xi32, #tpu.memory_space<vmem>> -> memref<128xi32, #tpu.memory_space<vmem>>
      %dma_wait3A_308 = arith.constant 0 : i32
      %dma_wait3A_309 = arith.constant 0 : i32
      %dma_wait3A_310 = tpu.memref_slice %arg2[%dma_wait3A_308, %dma_wait3A_309] : memref<100000x16xf32, #tpu.memory_space<hbm>> -> memref<100000x16xf32, #tpu.memory_space<hbm>>
      tpu.wait_indirect_dma semaphore(%arg21 : memref<!tpu.dma_semaphore, #tpu.memory_space<semaphore_mem>>) src(%dma_wait3A_310 : memref<100000x16xf32, #tpu.memory_space<hbm>>) dst(%arg12 : memref<128x16xf32, #tpu.memory_space<vmem>>)
      %dma_start3A_311 = arith.constant 1 : i32
      %dma_start3A_312 = arith.constant 0 : i32
      %dma_start3A_313 = tpu.memref_slice %arg8[%dma_start3A_311, %dma_start3A_312] : memref<4x128xi32, #tpu.memory_space<vmem>> -> memref<1x128xi32, #tpu.memory_space<vmem>>
      %dma_start3A_314 = tpu.memref_squeeze %dma_start3A_313 : memref<1x128xi32, #tpu.memory_space<vmem>> -> memref<128xi32, #tpu.memory_space<vmem>>
      %dma_start3A_315 = arith.constant 0 : i32
      %dma_start3A_316 = arith.constant 0 : i32
      %dma_start3A_317 = tpu.memref_slice %arg19[%dma_start3A_315, %dma_start3A_316] : memref<100096x16xf32, #tpu.memory_space<vmem_shared>> -> memref<100096x16xf32, #tpu.memory_space<vmem_shared>>
      tpu.enqueue_indirect_dma source(%arg12 : memref<128x16xf32, #tpu.memory_space<vmem>>) target(%dma_start3A_317 : memref<100096x16xf32, #tpu.memory_space<vmem_shared>>) offsets(%dma_start3A_314 : memref<128xi32, #tpu.memory_space<vmem>>) semaphore(%arg25 : memref<!tpu.dma_semaphore, #tpu.memory_space<semaphore_mem>>) {add = true}
      %dma_start3A_318 = arith.constant 1 : i32
      %dma_start3A_319 = arith.constant 0 : i32
      %dma_start3A_320 = tpu.memref_slice %arg9[%dma_start3A_318, %dma_start3A_319] : memref<4x128xi32, #tpu.memory_space<vmem>> -> memref<1x128xi32, #tpu.memory_space<vmem>>
      %dma_start3A_321 = tpu.memref_squeeze %dma_start3A_320 : memref<1x128xi32, #tpu.memory_space<vmem>> -> memref<128xi32, #tpu.memory_space<vmem>>
      %dma_start3A_322 = arith.constant 0 : i32
      %dma_start3A_323 = arith.constant 0 : i32
      %dma_start3A_324 = tpu.memref_slice %arg2[%dma_start3A_322, %dma_start3A_323] : memref<100000x16xf32, #tpu.memory_space<hbm>> -> memref<100000x16xf32, #tpu.memory_space<hbm>>
      tpu.enqueue_indirect_dma source(%dma_start3A_324 : memref<100000x16xf32, #tpu.memory_space<hbm>>) target(%arg16 : memref<128x16xf32, #tpu.memory_space<vmem>>) offsets(%dma_start3A_321 : memref<128xi32, #tpu.memory_space<vmem>>) semaphore(%arg21 : memref<!tpu.dma_semaphore, #tpu.memory_space<semaphore_mem>>)
      %dma_wait3A_325 = arith.constant 2 : i32
      %dma_wait3A_326 = arith.constant 0 : i32
      %dma_wait3A_327 = tpu.memref_slice %arg7[%dma_wait3A_325, %dma_wait3A_326] : memref<4x128xi32, #tpu.memory_space<vmem>> -> memref<1x128xi32, #tpu.memory_space<vmem>>
      %dma_wait3A_328 = tpu.memref_squeeze %dma_wait3A_327 : memref<1x128xi32, #tpu.memory_space<vmem>> -> memref<128xi32, #tpu.memory_space<vmem>>
      %dma_wait3A_329 = arith.constant 0 : i32
      %dma_wait3A_330 = arith.constant 0 : i32
      %dma_wait3A_331 = tpu.memref_slice %arg2[%dma_wait3A_329, %dma_wait3A_330] : memref<100000x16xf32, #tpu.memory_space<hbm>> -> memref<100000x16xf32, #tpu.memory_space<hbm>>
      tpu.wait_indirect_dma semaphore(%arg22 : memref<!tpu.dma_semaphore, #tpu.memory_space<semaphore_mem>>) src(%dma_wait3A_331 : memref<100000x16xf32, #tpu.memory_space<hbm>>) dst(%arg13 : memref<128x16xf32, #tpu.memory_space<vmem>>)
      %dma_start3A_332 = arith.constant 2 : i32
      %dma_start3A_333 = arith.constant 0 : i32
      %dma_start3A_334 = tpu.memref_slice %arg8[%dma_start3A_332, %dma_start3A_333] : memref<4x128xi32, #tpu.memory_space<vmem>> -> memref<1x128xi32, #tpu.memory_space<vmem>>
      %dma_start3A_335 = tpu.memref_squeeze %dma_start3A_334 : memref<1x128xi32, #tpu.memory_space<vmem>> -> memref<128xi32, #tpu.memory_space<vmem>>
      %dma_start3A_336 = arith.constant 0 : i32
      %dma_start3A_337 = arith.constant 0 : i32
      %dma_start3A_338 = tpu.memref_slice %arg19[%dma_start3A_336, %dma_start3A_337] : memref<100096x16xf32, #tpu.memory_space<vmem_shared>> -> memref<100096x16xf32, #tpu.memory_space<vmem_shared>>
      tpu.enqueue_indirect_dma source(%arg13 : memref<128x16xf32, #tpu.memory_space<vmem>>) target(%dma_start3A_338 : memref<100096x16xf32, #tpu.memory_space<vmem_shared>>) offsets(%dma_start3A_335 : memref<128xi32, #tpu.memory_space<vmem>>) semaphore(%arg26 : memref<!tpu.dma_semaphore, #tpu.memory_space<semaphore_mem>>) {add = true}
      %dma_start3A_339 = arith.constant 2 : i32
      %dma_start3A_340 = arith.constant 0 : i32
      %dma_start3A_341 = tpu.memref_slice %arg9[%dma_start3A_339, %dma_start3A_340] : memref<4x128xi32, #tpu.memory_space<vmem>> -> memref<1x128xi32, #tpu.memory_space<vmem>>
      %dma_start3A_342 = tpu.memref_squeeze %dma_start3A_341 : memref<1x128xi32, #tpu.memory_space<vmem>> -> memref<128xi32, #tpu.memory_space<vmem>>
      %dma_start3A_343 = arith.constant 0 : i32
      %dma_start3A_344 = arith.constant 0 : i32
      %dma_start3A_345 = tpu.memref_slice %arg2[%dma_start3A_343, %dma_start3A_344] : memref<100000x16xf32, #tpu.memory_space<hbm>> -> memref<100000x16xf32, #tpu.memory_space<hbm>>
      tpu.enqueue_indirect_dma source(%dma_start3A_345 : memref<100000x16xf32, #tpu.memory_space<hbm>>) target(%arg17 : memref<128x16xf32, #tpu.memory_space<vmem>>) offsets(%dma_start3A_342 : memref<128xi32, #tpu.memory_space<vmem>>) semaphore(%arg22 : memref<!tpu.dma_semaphore, #tpu.memory_space<semaphore_mem>>)
      %dma_wait3A_346 = arith.constant 3 : i32
      %dma_wait3A_347 = arith.constant 0 : i32
      %dma_wait3A_348 = tpu.memref_slice %arg7[%dma_wait3A_346, %dma_wait3A_347] : memref<4x128xi32, #tpu.memory_space<vmem>> -> memref<1x128xi32, #tpu.memory_space<vmem>>
      %dma_wait3A_349 = tpu.memref_squeeze %dma_wait3A_348 : memref<1x128xi32, #tpu.memory_space<vmem>> -> memref<128xi32, #tpu.memory_space<vmem>>
      %dma_wait3A_350 = arith.constant 0 : i32
      %dma_wait3A_351 = arith.constant 0 : i32
      %dma_wait3A_352 = tpu.memref_slice %arg2[%dma_wait3A_350, %dma_wait3A_351] : memref<100000x16xf32, #tpu.memory_space<hbm>> -> memref<100000x16xf32, #tpu.memory_space<hbm>>
      tpu.wait_indirect_dma semaphore(%arg23 : memref<!tpu.dma_semaphore, #tpu.memory_space<semaphore_mem>>) src(%dma_wait3A_352 : memref<100000x16xf32, #tpu.memory_space<hbm>>) dst(%arg14 : memref<128x16xf32, #tpu.memory_space<vmem>>)
      %dma_start3A_353 = arith.constant 3 : i32
      %dma_start3A_354 = arith.constant 0 : i32
      %dma_start3A_355 = tpu.memref_slice %arg8[%dma_start3A_353, %dma_start3A_354] : memref<4x128xi32, #tpu.memory_space<vmem>> -> memref<1x128xi32, #tpu.memory_space<vmem>>
      %dma_start3A_356 = tpu.memref_squeeze %dma_start3A_355 : memref<1x128xi32, #tpu.memory_space<vmem>> -> memref<128xi32, #tpu.memory_space<vmem>>
      %dma_start3A_357 = arith.constant 0 : i32
      %dma_start3A_358 = arith.constant 0 : i32
      %dma_start3A_359 = tpu.memref_slice %arg19[%dma_start3A_357, %dma_start3A_358] : memref<100096x16xf32, #tpu.memory_space<vmem_shared>> -> memref<100096x16xf32, #tpu.memory_space<vmem_shared>>
      tpu.enqueue_indirect_dma source(%arg14 : memref<128x16xf32, #tpu.memory_space<vmem>>) target(%dma_start3A_359 : memref<100096x16xf32, #tpu.memory_space<vmem_shared>>) offsets(%dma_start3A_356 : memref<128xi32, #tpu.memory_space<vmem>>) semaphore(%arg27 : memref<!tpu.dma_semaphore, #tpu.memory_space<semaphore_mem>>) {add = true}
      %dma_start3A_360 = arith.constant 3 : i32
      %dma_start3A_361 = arith.constant 0 : i32
      %dma_start3A_362 = tpu.memref_slice %arg9[%dma_start3A_360, %dma_start3A_361] : memref<4x128xi32, #tpu.memory_space<vmem>> -> memref<1x128xi32, #tpu.memory_space<vmem>>
      %dma_start3A_363 = tpu.memref_squeeze %dma_start3A_362 : memref<1x128xi32, #tpu.memory_space<vmem>> -> memref<128xi32, #tpu.memory_space<vmem>>
      %dma_start3A_364 = arith.constant 0 : i32
      %dma_start3A_365 = arith.constant 0 : i32
      %dma_start3A_366 = tpu.memref_slice %arg2[%dma_start3A_364, %dma_start3A_365] : memref<100000x16xf32, #tpu.memory_space<hbm>> -> memref<100000x16xf32, #tpu.memory_space<hbm>>
      tpu.enqueue_indirect_dma source(%dma_start3A_366 : memref<100000x16xf32, #tpu.memory_space<hbm>>) target(%arg18 : memref<128x16xf32, #tpu.memory_space<vmem>>) offsets(%dma_start3A_363 : memref<128xi32, #tpu.memory_space<vmem>>) semaphore(%arg23 : memref<!tpu.dma_semaphore, #tpu.memory_space<semaphore_mem>>)
      %dma_wait3A_367 = arith.constant 0 : i32
      %dma_wait3A_368 = arith.constant 0 : i32
      %dma_wait3A_369 = tpu.memref_slice %arg8[%dma_wait3A_367, %dma_wait3A_368] : memref<4x128xi32, #tpu.memory_space<vmem>> -> memref<1x128xi32, #tpu.memory_space<vmem>>
      %dma_wait3A_370 = tpu.memref_squeeze %dma_wait3A_369 : memref<1x128xi32, #tpu.memory_space<vmem>> -> memref<128xi32, #tpu.memory_space<vmem>>
      %dma_wait3A_371 = arith.constant 0 : i32
      %dma_wait3A_372 = arith.constant 0 : i32
      %dma_wait3A_373 = tpu.memref_slice %arg19[%dma_wait3A_371, %dma_wait3A_372] : memref<100096x16xf32, #tpu.memory_space<vmem_shared>> -> memref<100096x16xf32, #tpu.memory_space<vmem_shared>>
      tpu.wait_indirect_dma semaphore(%arg24 : memref<!tpu.dma_semaphore, #tpu.memory_space<semaphore_mem>>) src(%arg11 : memref<128x16xf32, #tpu.memory_space<vmem>>) dst(%dma_wait3A_373 : memref<100096x16xf32, #tpu.memory_space<vmem_shared>>)
      %dma_wait3A_374 = arith.constant 1 : i32
      %dma_wait3A_375 = arith.constant 0 : i32
      %dma_wait3A_376 = tpu.memref_slice %arg8[%dma_wait3A_374, %dma_wait3A_375] : memref<4x128xi32, #tpu.memory_space<vmem>> -> memref<1x128xi32, #tpu.memory_space<vmem>>
      %dma_wait3A_377 = tpu.memref_squeeze %dma_wait3A_376 : memref<1x128xi32, #tpu.memory_space<vmem>> -> memref<128xi32, #tpu.memory_space<vmem>>
      %dma_wait3A_378 = arith.constant 0 : i32
      %dma_wait3A_379 = arith.constant 0 : i32
      %dma_wait3A_380 = tpu.memref_slice %arg19[%dma_wait3A_378, %dma_wait3A_379] : memref<100096x16xf32, #tpu.memory_space<vmem_shared>> -> memref<100096x16xf32, #tpu.memory_space<vmem_shared>>
      tpu.wait_indirect_dma semaphore(%arg25 : memref<!tpu.dma_semaphore, #tpu.memory_space<semaphore_mem>>) src(%arg12 : memref<128x16xf32, #tpu.memory_space<vmem>>) dst(%dma_wait3A_380 : memref<100096x16xf32, #tpu.memory_space<vmem_shared>>)
      %dma_wait3A_381 = arith.constant 2 : i32
      %dma_wait3A_382 = arith.constant 0 : i32
      %dma_wait3A_383 = tpu.memref_slice %arg8[%dma_wait3A_381, %dma_wait3A_382] : memref<4x128xi32, #tpu.memory_space<vmem>> -> memref<1x128xi32, #tpu.memory_space<vmem>>
      %dma_wait3A_384 = tpu.memref_squeeze %dma_wait3A_383 : memref<1x128xi32, #tpu.memory_space<vmem>> -> memref<128xi32, #tpu.memory_space<vmem>>
      %dma_wait3A_385 = arith.constant 0 : i32
      %dma_wait3A_386 = arith.constant 0 : i32
      %dma_wait3A_387 = tpu.memref_slice %arg19[%dma_wait3A_385, %dma_wait3A_386] : memref<100096x16xf32, #tpu.memory_space<vmem_shared>> -> memref<100096x16xf32, #tpu.memory_space<vmem_shared>>
      tpu.wait_indirect_dma semaphore(%arg26 : memref<!tpu.dma_semaphore, #tpu.memory_space<semaphore_mem>>) src(%arg13 : memref<128x16xf32, #tpu.memory_space<vmem>>) dst(%dma_wait3A_387 : memref<100096x16xf32, #tpu.memory_space<vmem_shared>>)
      %dma_wait3A_388 = arith.constant 3 : i32
      %dma_wait3A_389 = arith.constant 0 : i32
      %dma_wait3A_390 = tpu.memref_slice %arg8[%dma_wait3A_388, %dma_wait3A_389] : memref<4x128xi32, #tpu.memory_space<vmem>> -> memref<1x128xi32, #tpu.memory_space<vmem>>
      %dma_wait3A_391 = tpu.memref_squeeze %dma_wait3A_390 : memref<1x128xi32, #tpu.memory_space<vmem>> -> memref<128xi32, #tpu.memory_space<vmem>>
      %dma_wait3A_392 = arith.constant 0 : i32
      %dma_wait3A_393 = arith.constant 0 : i32
      %dma_wait3A_394 = tpu.memref_slice %arg19[%dma_wait3A_392, %dma_wait3A_393] : memref<100096x16xf32, #tpu.memory_space<vmem_shared>> -> memref<100096x16xf32, #tpu.memory_space<vmem_shared>>
      tpu.wait_indirect_dma semaphore(%arg27 : memref<!tpu.dma_semaphore, #tpu.memory_space<semaphore_mem>>) src(%arg14 : memref<128x16xf32, #tpu.memory_space<vmem>>) dst(%dma_wait3A_394 : memref<100096x16xf32, #tpu.memory_space<vmem_shared>>)
      %mul3A_395 = arith.constant 4 : i32
      %mul3A_396 = arith.muli %add3A_282, %mul3A_395 : i32
      %add3A_397 = arith.addi %mul3A_4, %mul3A_396 : i32
      %dma_start3A_398 = arith.constant 0 : i32
      %dma_start3A_399 = tpu.memref_slice %arg3[%add3A_397, %dma_start3A_398] : memref<25088x128xi32, #tpu.memory_space<hbm>> -> memref<4x128xi32, #tpu.memory_space<hbm>>
      %dma_start3A_400 = arith.constant 0 : i32
      %dma_start3A_401 = tpu.memref_slice %arg3[%add3A_397, %dma_start3A_400] : memref<25088x128xi32, #tpu.memory_space<hbm>> -> memref<4x128xi32, #tpu.memory_space<hbm>>
      tpu.enqueue_dma source(%dma_start3A_401 : memref<4x128xi32, #tpu.memory_space<hbm>>) target(%arg7 : memref<4x128xi32, #tpu.memory_space<vmem>>) target_semaphore(%arg28 : memref<!tpu.dma_semaphore, #tpu.memory_space<semaphore_mem>>)
      %mul3A_402 = arith.constant 4 : i32
      %mul3A_403 = arith.muli %add3A_282, %mul3A_402 : i32
      %add3A_404 = arith.addi %mul3A_4, %mul3A_403 : i32
      %dma_start3A_405 = arith.constant 0 : i32
      %dma_start3A_406 = tpu.memref_slice %arg4[%add3A_404, %dma_start3A_405] : memref<25088x128xi32, #tpu.memory_space<hbm>> -> memref<4x128xi32, #tpu.memory_space<hbm>>
      %dma_start3A_407 = arith.constant 0 : i32
      %dma_start3A_408 = tpu.memref_slice %arg4[%add3A_404, %dma_start3A_407] : memref<25088x128xi32, #tpu.memory_space<hbm>> -> memref<4x128xi32, #tpu.memory_space<hbm>>
      tpu.enqueue_dma source(%dma_start3A_408 : memref<4x128xi32, #tpu.memory_space<hbm>>) target(%arg8 : memref<4x128xi32, #tpu.memory_space<vmem>>) target_semaphore(%arg28 : memref<!tpu.dma_semaphore, #tpu.memory_space<semaphore_mem>>)
      %add3A_409 = arith.constant 0 : i32
      %add3A_410 = arith.addi %mul3A_4, %add3A_409 : i32
      %dma_wait3A_411 = arith.constant 0 : i32
      %dma_wait3A_412 = tpu.memref_slice %arg3[%add3A_410, %dma_wait3A_411] : memref<25088x128xi32, #tpu.memory_space<hbm>> -> memref<4x128xi32, #tpu.memory_space<hbm>>
      %dma_wait3A_413 = arith.constant 0 : i32
      %dma_wait3A_414 = tpu.memref_slice %arg3[%add3A_410, %dma_wait3A_413] : memref<25088x128xi32, #tpu.memory_space<hbm>> -> memref<4x128xi32, #tpu.memory_space<hbm>>
      tpu.wait_dma2 semaphore(%arg28 : memref<!tpu.dma_semaphore, #tpu.memory_space<semaphore_mem>>) src(%dma_wait3A_414 : memref<4x128xi32, #tpu.memory_space<hbm>>) dst(%arg7 : memref<4x128xi32, #tpu.memory_space<vmem>>)
      %add3A_415 = arith.constant 0 : i32
      %add3A_416 = arith.addi %mul3A_4, %add3A_415 : i32
      %dma_wait3A_417 = arith.constant 0 : i32
      %dma_wait3A_418 = tpu.memref_slice %arg4[%add3A_416, %dma_wait3A_417] : memref<25088x128xi32, #tpu.memory_space<hbm>> -> memref<4x128xi32, #tpu.memory_space<hbm>>
      %dma_wait3A_419 = arith.constant 0 : i32
      %dma_wait3A_420 = tpu.memref_slice %arg4[%add3A_416, %dma_wait3A_419] : memref<25088x128xi32, #tpu.memory_space<hbm>> -> memref<4x128xi32, #tpu.memory_space<hbm>>
      tpu.wait_dma2 semaphore(%arg28 : memref<!tpu.dma_semaphore, #tpu.memory_space<semaphore_mem>>) src(%dma_wait3A_420 : memref<4x128xi32, #tpu.memory_space<hbm>>) dst(%arg8 : memref<4x128xi32, #tpu.memory_space<vmem>>)
      %add3A_421 = arith.constant 3 : i32
      %add3A_422 = arith.addi %mul3A_268, %add3A_421 : i32
      %dma_wait3A_423 = arith.constant 0 : i32
      %dma_wait3A_424 = arith.constant 0 : i32
      %dma_wait3A_425 = tpu.memref_slice %arg9[%dma_wait3A_423, %dma_wait3A_424] : memref<4x128xi32, #tpu.memory_space<vmem>> -> memref<1x128xi32, #tpu.memory_space<vmem>>
      %dma_wait3A_426 = tpu.memref_squeeze %dma_wait3A_425 : memref<1x128xi32, #tpu.memory_space<vmem>> -> memref<128xi32, #tpu.memory_space<vmem>>
      %dma_wait3A_427 = arith.constant 0 : i32
      %dma_wait3A_428 = arith.constant 0 : i32
      %dma_wait3A_429 = tpu.memref_slice %arg2[%dma_wait3A_427, %dma_wait3A_428] : memref<100000x16xf32, #tpu.memory_space<hbm>> -> memref<100000x16xf32, #tpu.memory_space<hbm>>
      tpu.wait_indirect_dma semaphore(%arg20 : memref<!tpu.dma_semaphore, #tpu.memory_space<semaphore_mem>>) src(%dma_wait3A_429 : memref<100000x16xf32, #tpu.memory_space<hbm>>) dst(%arg15 : memref<128x16xf32, #tpu.memory_space<vmem>>)
      %dma_start3A_430 = arith.constant 0 : i32
      %dma_start3A_431 = arith.constant 0 : i32
      %dma_start3A_432 = tpu.memref_slice %arg10[%dma_start3A_430, %dma_start3A_431] : memref<4x128xi32, #tpu.memory_space<vmem>> -> memref<1x128xi32, #tpu.memory_space<vmem>>
      %dma_start3A_433 = tpu.memref_squeeze %dma_start3A_432 : memref<1x128xi32, #tpu.memory_space<vmem>> -> memref<128xi32, #tpu.memory_space<vmem>>
      %dma_start3A_434 = arith.constant 0 : i32
      %dma_start3A_435 = arith.constant 0 : i32
      %dma_start3A_436 = tpu.memref_slice %arg19[%dma_start3A_434, %dma_start3A_435] : memref<100096x16xf32, #tpu.memory_space<vmem_shared>> -> memref<100096x16xf32, #tpu.memory_space<vmem_shared>>
      tpu.enqueue_indirect_dma source(%arg15 : memref<128x16xf32, #tpu.memory_space<vmem>>) target(%dma_start3A_436 : memref<100096x16xf32, #tpu.memory_space<vmem_shared>>) offsets(%dma_start3A_433 : memref<128xi32, #tpu.memory_space<vmem>>) semaphore(%arg24 : memref<!tpu.dma_semaphore, #tpu.memory_space<semaphore_mem>>) {add = true}
      %dma_start3A_437 = arith.constant 0 : i32
      %dma_start3A_438 = arith.constant 0 : i32
      %dma_start3A_439 = tpu.memref_slice %arg7[%dma_start3A_437, %dma_start3A_438] : memref<4x128xi32, #tpu.memory_space<vmem>> -> memref<1x128xi32, #tpu.memory_space<vmem>>
      %dma_start3A_440 = tpu.memref_squeeze %dma_start3A_439 : memref<1x128xi32, #tpu.memory_space<vmem>> -> memref<128xi32, #tpu.memory_space<vmem>>
      %dma_start3A_441 = arith.constant 0 : i32
      %dma_start3A_442 = arith.constant 0 : i32
      %dma_start3A_443 = tpu.memref_slice %arg2[%dma_start3A_441, %dma_start3A_442] : memref<100000x16xf32, #tpu.memory_space<hbm>> -> memref<100000x16xf32, #tpu.memory_space<hbm>>
      tpu.enqueue_indirect_dma source(%dma_start3A_443 : memref<100000x16xf32, #tpu.memory_space<hbm>>) target(%arg11 : memref<128x16xf32, #tpu.memory_space<vmem>>) offsets(%dma_start3A_440 : memref<128xi32, #tpu.memory_space<vmem>>) semaphore(%arg20 : memref<!tpu.dma_semaphore, #tpu.memory_space<semaphore_mem>>)
      %dma_wait3A_444 = arith.constant 1 : i32
      %dma_wait3A_445 = arith.constant 0 : i32
      %dma_wait3A_446 = tpu.memref_slice %arg9[%dma_wait3A_444, %dma_wait3A_445] : memref<4x128xi32, #tpu.memory_space<vmem>> -> memref<1x128xi32, #tpu.memory_space<vmem>>
      %dma_wait3A_447 = tpu.memref_squeeze %dma_wait3A_446 : memref<1x128xi32, #tpu.memory_space<vmem>> -> memref<128xi32, #tpu.memory_space<vmem>>
      %dma_wait3A_448 = arith.constant 0 : i32
      %dma_wait3A_449 = arith.constant 0 : i32
      %dma_wait3A_450 = tpu.memref_slice %arg2[%dma_wait3A_448, %dma_wait3A_449] : memref<100000x16xf32, #tpu.memory_space<hbm>> -> memref<100000x16xf32, #tpu.memory_space<hbm>>
      tpu.wait_indirect_dma semaphore(%arg21 : memref<!tpu.dma_semaphore, #tpu.memory_space<semaphore_mem>>) src(%dma_wait3A_450 : memref<100000x16xf32, #tpu.memory_space<hbm>>) dst(%arg16 : memref<128x16xf32, #tpu.memory_space<vmem>>)
      %dma_start3A_451 = arith.constant 1 : i32
      %dma_start3A_452 = arith.constant 0 : i32
      %dma_start3A_453 = tpu.memref_slice %arg10[%dma_start3A_451, %dma_start3A_452] : memref<4x128xi32, #tpu.memory_space<vmem>> -> memref<1x128xi32, #tpu.memory_space<vmem>>
      %dma_start3A_454 = tpu.memref_squeeze %dma_start3A_453 : memref<1x128xi32, #tpu.memory_space<vmem>> -> memref<128xi32, #tpu.memory_space<vmem>>
      %dma_start3A_455 = arith.constant 0 : i32
      %dma_start3A_456 = arith.constant 0 : i32
      %dma_start3A_457 = tpu.memref_slice %arg19[%dma_start3A_455, %dma_start3A_456] : memref<100096x16xf32, #tpu.memory_space<vmem_shared>> -> memref<100096x16xf32, #tpu.memory_space<vmem_shared>>
      tpu.enqueue_indirect_dma source(%arg16 : memref<128x16xf32, #tpu.memory_space<vmem>>) target(%dma_start3A_457 : memref<100096x16xf32, #tpu.memory_space<vmem_shared>>) offsets(%dma_start3A_454 : memref<128xi32, #tpu.memory_space<vmem>>) semaphore(%arg25 : memref<!tpu.dma_semaphore, #tpu.memory_space<semaphore_mem>>) {add = true}
      %dma_start3A_458 = arith.constant 1 : i32
      %dma_start3A_459 = arith.constant 0 : i32
      %dma_start3A_460 = tpu.memref_slice %arg7[%dma_start3A_458, %dma_start3A_459] : memref<4x128xi32, #tpu.memory_space<vmem>> -> memref<1x128xi32, #tpu.memory_space<vmem>>
      %dma_start3A_461 = tpu.memref_squeeze %dma_start3A_460 : memref<1x128xi32, #tpu.memory_space<vmem>> -> memref<128xi32, #tpu.memory_space<vmem>>
      %dma_start3A_462 = arith.constant 0 : i32
      %dma_start3A_463 = arith.constant 0 : i32
      %dma_start3A_464 = tpu.memref_slice %arg2[%dma_start3A_462, %dma_start3A_463] : memref<100000x16xf32, #tpu.memory_space<hbm>> -> memref<100000x16xf32, #tpu.memory_space<hbm>>
      tpu.enqueue_indirect_dma source(%dma_start3A_464 : memref<100000x16xf32, #tpu.memory_space<hbm>>) target(%arg12 : memref<128x16xf32, #tpu.memory_space<vmem>>) offsets(%dma_start3A_461 : memref<128xi32, #tpu.memory_space<vmem>>) semaphore(%arg21 : memref<!tpu.dma_semaphore, #tpu.memory_space<semaphore_mem>>)
      %dma_wait3A_465 = arith.constant 2 : i32
      %dma_wait3A_466 = arith.constant 0 : i32
      %dma_wait3A_467 = tpu.memref_slice %arg9[%dma_wait3A_465, %dma_wait3A_466] : memref<4x128xi32, #tpu.memory_space<vmem>> -> memref<1x128xi32, #tpu.memory_space<vmem>>
      %dma_wait3A_468 = tpu.memref_squeeze %dma_wait3A_467 : memref<1x128xi32, #tpu.memory_space<vmem>> -> memref<128xi32, #tpu.memory_space<vmem>>
      %dma_wait3A_469 = arith.constant 0 : i32
      %dma_wait3A_470 = arith.constant 0 : i32
      %dma_wait3A_471 = tpu.memref_slice %arg2[%dma_wait3A_469, %dma_wait3A_470] : memref<100000x16xf32, #tpu.memory_space<hbm>> -> memref<100000x16xf32, #tpu.memory_space<hbm>>
      tpu.wait_indirect_dma semaphore(%arg22 : memref<!tpu.dma_semaphore, #tpu.memory_space<semaphore_mem>>) src(%dma_wait3A_471 : memref<100000x16xf32, #tpu.memory_space<hbm>>) dst(%arg17 : memref<128x16xf32, #tpu.memory_space<vmem>>)
      %dma_start3A_472 = arith.constant 2 : i32
      %dma_start3A_473 = arith.constant 0 : i32
      %dma_start3A_474 = tpu.memref_slice %arg10[%dma_start3A_472, %dma_start3A_473] : memref<4x128xi32, #tpu.memory_space<vmem>> -> memref<1x128xi32, #tpu.memory_space<vmem>>
      %dma_start3A_475 = tpu.memref_squeeze %dma_start3A_474 : memref<1x128xi32, #tpu.memory_space<vmem>> -> memref<128xi32, #tpu.memory_space<vmem>>
      %dma_start3A_476 = arith.constant 0 : i32
      %dma_start3A_477 = arith.constant 0 : i32
      %dma_start3A_478 = tpu.memref_slice %arg19[%dma_start3A_476, %dma_start3A_477] : memref<100096x16xf32, #tpu.memory_space<vmem_shared>> -> memref<100096x16xf32, #tpu.memory_space<vmem_shared>>
      tpu.enqueue_indirect_dma source(%arg17 : memref<128x16xf32, #tpu.memory_space<vmem>>) target(%dma_start3A_478 : memref<100096x16xf32, #tpu.memory_space<vmem_shared>>) offsets(%dma_start3A_475 : memref<128xi32, #tpu.memory_space<vmem>>) semaphore(%arg26 : memref<!tpu.dma_semaphore, #tpu.memory_space<semaphore_mem>>) {add = true}
      %dma_start3A_479 = arith.constant 2 : i32
      %dma_start3A_480 = arith.constant 0 : i32
      %dma_start3A_481 = tpu.memref_slice %arg7[%dma_start3A_479, %dma_start3A_480] : memref<4x128xi32, #tpu.memory_space<vmem>> -> memref<1x128xi32, #tpu.memory_space<vmem>>
      %dma_start3A_482 = tpu.memref_squeeze %dma_start3A_481 : memref<1x128xi32, #tpu.memory_space<vmem>> -> memref<128xi32, #tpu.memory_space<vmem>>
      %dma_start3A_483 = arith.constant 0 : i32
      %dma_start3A_484 = arith.constant 0 : i32
      %dma_start3A_485 = tpu.memref_slice %arg2[%dma_start3A_483, %dma_start3A_484] : memref<100000x16xf32, #tpu.memory_space<hbm>> -> memref<100000x16xf32, #tpu.memory_space<hbm>>
      tpu.enqueue_indirect_dma source(%dma_start3A_485 : memref<100000x16xf32, #tpu.memory_space<hbm>>) target(%arg13 : memref<128x16xf32, #tpu.memory_space<vmem>>) offsets(%dma_start3A_482 : memref<128xi32, #tpu.memory_space<vmem>>) semaphore(%arg22 : memref<!tpu.dma_semaphore, #tpu.memory_space<semaphore_mem>>)
      %dma_wait3A_486 = arith.constant 3 : i32
      %dma_wait3A_487 = arith.constant 0 : i32
      %dma_wait3A_488 = tpu.memref_slice %arg9[%dma_wait3A_486, %dma_wait3A_487] : memref<4x128xi32, #tpu.memory_space<vmem>> -> memref<1x128xi32, #tpu.memory_space<vmem>>
      %dma_wait3A_489 = tpu.memref_squeeze %dma_wait3A_488 : memref<1x128xi32, #tpu.memory_space<vmem>> -> memref<128xi32, #tpu.memory_space<vmem>>
      %dma_wait3A_490 = arith.constant 0 : i32
      %dma_wait3A_491 = arith.constant 0 : i32
      %dma_wait3A_492 = tpu.memref_slice %arg2[%dma_wait3A_490, %dma_wait3A_491] : memref<100000x16xf32, #tpu.memory_space<hbm>> -> memref<100000x16xf32, #tpu.memory_space<hbm>>
      tpu.wait_indirect_dma semaphore(%arg23 : memref<!tpu.dma_semaphore, #tpu.memory_space<semaphore_mem>>) src(%dma_wait3A_492 : memref<100000x16xf32, #tpu.memory_space<hbm>>) dst(%arg18 : memref<128x16xf32, #tpu.memory_space<vmem>>)
      %dma_start3A_493 = arith.constant 3 : i32
      %dma_start3A_494 = arith.constant 0 : i32
      %dma_start3A_495 = tpu.memref_slice %arg10[%dma_start3A_493, %dma_start3A_494] : memref<4x128xi32, #tpu.memory_space<vmem>> -> memref<1x128xi32, #tpu.memory_space<vmem>>
      %dma_start3A_496 = tpu.memref_squeeze %dma_start3A_495 : memref<1x128xi32, #tpu.memory_space<vmem>> -> memref<128xi32, #tpu.memory_space<vmem>>
      %dma_start3A_497 = arith.constant 0 : i32
      %dma_start3A_498 = arith.constant 0 : i32
      %dma_start3A_499 = tpu.memref_slice %arg19[%dma_start3A_497, %dma_start3A_498] : memref<100096x16xf32, #tpu.memory_space<vmem_shared>> -> memref<100096x16xf32, #tpu.memory_space<vmem_shared>>
      tpu.enqueue_indirect_dma source(%arg18 : memref<128x16xf32, #tpu.memory_space<vmem>>) target(%dma_start3A_499 : memref<100096x16xf32, #tpu.memory_space<vmem_shared>>) offsets(%dma_start3A_496 : memref<128xi32, #tpu.memory_space<vmem>>) semaphore(%arg27 : memref<!tpu.dma_semaphore, #tpu.memory_space<semaphore_mem>>) {add = true}
      %dma_start3A_500 = arith.constant 3 : i32
      %dma_start3A_501 = arith.constant 0 : i32
      %dma_start3A_502 = tpu.memref_slice %arg7[%dma_start3A_500, %dma_start3A_501] : memref<4x128xi32, #tpu.memory_space<vmem>> -> memref<1x128xi32, #tpu.memory_space<vmem>>
      %dma_start3A_503 = tpu.memref_squeeze %dma_start3A_502 : memref<1x128xi32, #tpu.memory_space<vmem>> -> memref<128xi32, #tpu.memory_space<vmem>>
      %dma_start3A_504 = arith.constant 0 : i32
      %dma_start3A_505 = arith.constant 0 : i32
      %dma_start3A_506 = tpu.memref_slice %arg2[%dma_start3A_504, %dma_start3A_505] : memref<100000x16xf32, #tpu.memory_space<hbm>> -> memref<100000x16xf32, #tpu.memory_space<hbm>>
      tpu.enqueue_indirect_dma source(%dma_start3A_506 : memref<100000x16xf32, #tpu.memory_space<hbm>>) target(%arg14 : memref<128x16xf32, #tpu.memory_space<vmem>>) offsets(%dma_start3A_503 : memref<128xi32, #tpu.memory_space<vmem>>) semaphore(%arg23 : memref<!tpu.dma_semaphore, #tpu.memory_space<semaphore_mem>>)
      %dma_wait3A_507 = arith.constant 0 : i32
      %dma_wait3A_508 = arith.constant 0 : i32
      %dma_wait3A_509 = tpu.memref_slice %arg10[%dma_wait3A_507, %dma_wait3A_508] : memref<4x128xi32, #tpu.memory_space<vmem>> -> memref<1x128xi32, #tpu.memory_space<vmem>>
      %dma_wait3A_510 = tpu.memref_squeeze %dma_wait3A_509 : memref<1x128xi32, #tpu.memory_space<vmem>> -> memref<128xi32, #tpu.memory_space<vmem>>
      %dma_wait3A_511 = arith.constant 0 : i32
      %dma_wait3A_512 = arith.constant 0 : i32
      %dma_wait3A_513 = tpu.memref_slice %arg19[%dma_wait3A_511, %dma_wait3A_512] : memref<100096x16xf32, #tpu.memory_space<vmem_shared>> -> memref<100096x16xf32, #tpu.memory_space<vmem_shared>>
      tpu.wait_indirect_dma semaphore(%arg24 : memref<!tpu.dma_semaphore, #tpu.memory_space<semaphore_mem>>) src(%arg15 : memref<128x16xf32, #tpu.memory_space<vmem>>) dst(%dma_wait3A_513 : memref<100096x16xf32, #tpu.memory_space<vmem_shared>>)
      %dma_wait3A_514 = arith.constant 1 : i32
      %dma_wait3A_515 = arith.constant 0 : i32
      %dma_wait3A_516 = tpu.memref_slice %arg10[%dma_wait3A_514, %dma_wait3A_515] : memref<4x128xi32, #tpu.memory_space<vmem>> -> memref<1x128xi32, #tpu.memory_space<vmem>>
      %dma_wait3A_517 = tpu.memref_squeeze %dma_wait3A_516 : memref<1x128xi32, #tpu.memory_space<vmem>> -> memref<128xi32, #tpu.memory_space<vmem>>
      %dma_wait3A_518 = arith.constant 0 : i32
      %dma_wait3A_519 = arith.constant 0 : i32
      %dma_wait3A_520 = tpu.memref_slice %arg19[%dma_wait3A_518, %dma_wait3A_519] : memref<100096x16xf32, #tpu.memory_space<vmem_shared>> -> memref<100096x16xf32, #tpu.memory_space<vmem_shared>>
      tpu.wait_indirect_dma semaphore(%arg25 : memref<!tpu.dma_semaphore, #tpu.memory_space<semaphore_mem>>) src(%arg16 : memref<128x16xf32, #tpu.memory_space<vmem>>) dst(%dma_wait3A_520 : memref<100096x16xf32, #tpu.memory_space<vmem_shared>>)
      %dma_wait3A_521 = arith.constant 2 : i32
      %dma_wait3A_522 = arith.constant 0 : i32
      %dma_wait3A_523 = tpu.memref_slice %arg10[%dma_wait3A_521, %dma_wait3A_522] : memref<4x128xi32, #tpu.memory_space<vmem>> -> memref<1x128xi32, #tpu.memory_space<vmem>>
      %dma_wait3A_524 = tpu.memref_squeeze %dma_wait3A_523 : memref<1x128xi32, #tpu.memory_space<vmem>> -> memref<128xi32, #tpu.memory_space<vmem>>
      %dma_wait3A_525 = arith.constant 0 : i32
      %dma_wait3A_526 = arith.constant 0 : i32
      %dma_wait3A_527 = tpu.memref_slice %arg19[%dma_wait3A_525, %dma_wait3A_526] : memref<100096x16xf32, #tpu.memory_space<vmem_shared>> -> memref<100096x16xf32, #tpu.memory_space<vmem_shared>>
      tpu.wait_indirect_dma semaphore(%arg26 : memref<!tpu.dma_semaphore, #tpu.memory_space<semaphore_mem>>) src(%arg17 : memref<128x16xf32, #tpu.memory_space<vmem>>) dst(%dma_wait3A_527 : memref<100096x16xf32, #tpu.memory_space<vmem_shared>>)
      %dma_wait3A_528 = arith.constant 3 : i32
      %dma_wait3A_529 = arith.constant 0 : i32
      %dma_wait3A_530 = tpu.memref_slice %arg10[%dma_wait3A_528, %dma_wait3A_529] : memref<4x128xi32, #tpu.memory_space<vmem>> -> memref<1x128xi32, #tpu.memory_space<vmem>>
      %dma_wait3A_531 = tpu.memref_squeeze %dma_wait3A_530 : memref<1x128xi32, #tpu.memory_space<vmem>> -> memref<128xi32, #tpu.memory_space<vmem>>
      %dma_wait3A_532 = arith.constant 0 : i32
      %dma_wait3A_533 = arith.constant 0 : i32
      %dma_wait3A_534 = tpu.memref_slice %arg19[%dma_wait3A_532, %dma_wait3A_533] : memref<100096x16xf32, #tpu.memory_space<vmem_shared>> -> memref<100096x16xf32, #tpu.memory_space<vmem_shared>>
      tpu.wait_indirect_dma semaphore(%arg27 : memref<!tpu.dma_semaphore, #tpu.memory_space<semaphore_mem>>) src(%arg18 : memref<128x16xf32, #tpu.memory_space<vmem>>) dst(%dma_wait3A_534 : memref<100096x16xf32, #tpu.memory_space<vmem_shared>>)
      %mul3A_535 = arith.constant 4 : i32
      %mul3A_536 = arith.muli %add3A_422, %mul3A_535 : i32
      %add3A_537 = arith.addi %mul3A_4, %mul3A_536 : i32
      %dma_start3A_538 = arith.constant 0 : i32
      %dma_start3A_539 = tpu.memref_slice %arg3[%add3A_537, %dma_start3A_538] : memref<25088x128xi32, #tpu.memory_space<hbm>> -> memref<4x128xi32, #tpu.memory_space<hbm>>
      %dma_start3A_540 = arith.constant 0 : i32
      %dma_start3A_541 = tpu.memref_slice %arg3[%add3A_537, %dma_start3A_540] : memref<25088x128xi32, #tpu.memory_space<hbm>> -> memref<4x128xi32, #tpu.memory_space<hbm>>
      tpu.enqueue_dma source(%dma_start3A_541 : memref<4x128xi32, #tpu.memory_space<hbm>>) target(%arg9 : memref<4x128xi32, #tpu.memory_space<vmem>>) target_semaphore(%arg29 : memref<!tpu.dma_semaphore, #tpu.memory_space<semaphore_mem>>)
      %mul3A_542 = arith.constant 4 : i32
      %mul3A_543 = arith.muli %add3A_422, %mul3A_542 : i32
      %add3A_544 = arith.addi %mul3A_4, %mul3A_543 : i32
      %dma_start3A_545 = arith.constant 0 : i32
      %dma_start3A_546 = tpu.memref_slice %arg4[%add3A_544, %dma_start3A_545] : memref<25088x128xi32, #tpu.memory_space<hbm>> -> memref<4x128xi32, #tpu.memory_space<hbm>>
      %dma_start3A_547 = arith.constant 0 : i32
      %dma_start3A_548 = tpu.memref_slice %arg4[%add3A_544, %dma_start3A_547] : memref<25088x128xi32, #tpu.memory_space<hbm>> -> memref<4x128xi32, #tpu.memory_space<hbm>>
      tpu.enqueue_dma source(%dma_start3A_548 : memref<4x128xi32, #tpu.memory_space<hbm>>) target(%arg10 : memref<4x128xi32, #tpu.memory_space<vmem>>) target_semaphore(%arg29 : memref<!tpu.dma_semaphore, #tpu.memory_space<semaphore_mem>>)
    }
    %scan3A_51 = arith.constant 97 : i32
    %add3A_52 = arith.constant 0 : i32
    %add3A_53 = arith.addi %mul3A_4, %add3A_52 : i32
    %dma_wait3A = arith.constant 0 : i32
    %dma_wait3A_54 = tpu.memref_slice %arg3[%add3A_53, %dma_wait3A] : memref<25088x128xi32, #tpu.memory_space<hbm>> -> memref<4x128xi32, #tpu.memory_space<hbm>>
    %dma_wait3A_55 = arith.constant 0 : i32
    %dma_wait3A_56 = tpu.memref_slice %arg3[%add3A_53, %dma_wait3A_55] : memref<25088x128xi32, #tpu.memory_space<hbm>> -> memref<4x128xi32, #tpu.memory_space<hbm>>
    tpu.wait_dma2 semaphore(%arg29 : memref<!tpu.dma_semaphore, #tpu.memory_space<semaphore_mem>>) src(%dma_wait3A_56 : memref<4x128xi32, #tpu.memory_space<hbm>>) dst(%arg9 : memref<4x128xi32, #tpu.memory_space<vmem>>)
    %add3A_57 = arith.constant 0 : i32
    %add3A_58 = arith.addi %mul3A_4, %add3A_57 : i32
    %dma_wait3A_59 = arith.constant 0 : i32
    %dma_wait3A_60 = tpu.memref_slice %arg4[%add3A_58, %dma_wait3A_59] : memref<25088x128xi32, #tpu.memory_space<hbm>> -> memref<4x128xi32, #tpu.memory_space<hbm>>
    %dma_wait3A_61 = arith.constant 0 : i32
    %dma_wait3A_62 = tpu.memref_slice %arg4[%add3A_58, %dma_wait3A_61] : memref<25088x128xi32, #tpu.memory_space<hbm>> -> memref<4x128xi32, #tpu.memory_space<hbm>>
    tpu.wait_dma2 semaphore(%arg29 : memref<!tpu.dma_semaphore, #tpu.memory_space<semaphore_mem>>) src(%dma_wait3A_62 : memref<4x128xi32, #tpu.memory_space<hbm>>) dst(%arg10 : memref<4x128xi32, #tpu.memory_space<vmem>>)
    %dma_wait3A_63 = arith.constant 0 : i32
    %dma_wait3A_64 = arith.constant 0 : i32
    %dma_wait3A_65 = tpu.memref_slice %arg7[%dma_wait3A_63, %dma_wait3A_64] : memref<4x128xi32, #tpu.memory_space<vmem>> -> memref<1x128xi32, #tpu.memory_space<vmem>>
    %dma_wait3A_66 = tpu.memref_squeeze %dma_wait3A_65 : memref<1x128xi32, #tpu.memory_space<vmem>> -> memref<128xi32, #tpu.memory_space<vmem>>
    %dma_wait3A_67 = arith.constant 0 : i32
    %dma_wait3A_68 = arith.constant 0 : i32
    %dma_wait3A_69 = tpu.memref_slice %arg2[%dma_wait3A_67, %dma_wait3A_68] : memref<100000x16xf32, #tpu.memory_space<hbm>> -> memref<100000x16xf32, #tpu.memory_space<hbm>>
    tpu.wait_indirect_dma semaphore(%arg20 : memref<!tpu.dma_semaphore, #tpu.memory_space<semaphore_mem>>) src(%dma_wait3A_69 : memref<100000x16xf32, #tpu.memory_space<hbm>>) dst(%arg11 : memref<128x16xf32, #tpu.memory_space<vmem>>)
    %dma_start3A_70 = arith.constant 0 : i32
    %dma_start3A_71 = arith.constant 0 : i32
    %dma_start3A_72 = tpu.memref_slice %arg8[%dma_start3A_70, %dma_start3A_71] : memref<4x128xi32, #tpu.memory_space<vmem>> -> memref<1x128xi32, #tpu.memory_space<vmem>>
    %dma_start3A_73 = tpu.memref_squeeze %dma_start3A_72 : memref<1x128xi32, #tpu.memory_space<vmem>> -> memref<128xi32, #tpu.memory_space<vmem>>
    %dma_start3A_74 = arith.constant 0 : i32
    %dma_start3A_75 = arith.constant 0 : i32
    %dma_start3A_76 = tpu.memref_slice %arg19[%dma_start3A_74, %dma_start3A_75] : memref<100096x16xf32, #tpu.memory_space<vmem_shared>> -> memref<100096x16xf32, #tpu.memory_space<vmem_shared>>
    tpu.enqueue_indirect_dma source(%arg11 : memref<128x16xf32, #tpu.memory_space<vmem>>) target(%dma_start3A_76 : memref<100096x16xf32, #tpu.memory_space<vmem_shared>>) offsets(%dma_start3A_73 : memref<128xi32, #tpu.memory_space<vmem>>) semaphore(%arg24 : memref<!tpu.dma_semaphore, #tpu.memory_space<semaphore_mem>>) {add = true}
    %dma_start3A_77 = arith.constant 0 : i32
    %dma_start3A_78 = arith.constant 0 : i32
    %dma_start3A_79 = tpu.memref_slice %arg9[%dma_start3A_77, %dma_start3A_78] : memref<4x128xi32, #tpu.memory_space<vmem>> -> memref<1x128xi32, #tpu.memory_space<vmem>>
    %dma_start3A_80 = tpu.memref_squeeze %dma_start3A_79 : memref<1x128xi32, #tpu.memory_space<vmem>> -> memref<128xi32, #tpu.memory_space<vmem>>
    %dma_start3A_81 = arith.constant 0 : i32
    %dma_start3A_82 = arith.constant 0 : i32
    %dma_start3A_83 = tpu.memref_slice %arg2[%dma_start3A_81, %dma_start3A_82] : memref<100000x16xf32, #tpu.memory_space<hbm>> -> memref<100000x16xf32, #tpu.memory_space<hbm>>
    tpu.enqueue_indirect_dma source(%dma_start3A_83 : memref<100000x16xf32, #tpu.memory_space<hbm>>) target(%arg15 : memref<128x16xf32, #tpu.memory_space<vmem>>) offsets(%dma_start3A_80 : memref<128xi32, #tpu.memory_space<vmem>>) semaphore(%arg20 : memref<!tpu.dma_semaphore, #tpu.memory_space<semaphore_mem>>)
    %dma_wait3A_84 = arith.constant 1 : i32
    %dma_wait3A_85 = arith.constant 0 : i32
    %dma_wait3A_86 = tpu.memref_slice %arg7[%dma_wait3A_84, %dma_wait3A_85] : memref<4x128xi32, #tpu.memory_space<vmem>> -> memref<1x128xi32, #tpu.memory_space<vmem>>
    %dma_wait3A_87 = tpu.memref_squeeze %dma_wait3A_86 : memref<1x128xi32, #tpu.memory_space<vmem>> -> memref<128xi32, #tpu.memory_space<vmem>>
    %dma_wait3A_88 = arith.constant 0 : i32
    %dma_wait3A_89 = arith.constant 0 : i32
    %dma_wait3A_90 = tpu.memref_slice %arg2[%dma_wait3A_88, %dma_wait3A_89] : memref<100000x16xf32, #tpu.memory_space<hbm>> -> memref<100000x16xf32, #tpu.memory_space<hbm>>
    tpu.wait_indirect_dma semaphore(%arg21 : memref<!tpu.dma_semaphore, #tpu.memory_space<semaphore_mem>>) src(%dma_wait3A_90 : memref<100000x16xf32, #tpu.memory_space<hbm>>) dst(%arg12 : memref<128x16xf32, #tpu.memory_space<vmem>>)
    %dma_start3A_91 = arith.constant 1 : i32
    %dma_start3A_92 = arith.constant 0 : i32
    %dma_start3A_93 = tpu.memref_slice %arg8[%dma_start3A_91, %dma_start3A_92] : memref<4x128xi32, #tpu.memory_space<vmem>> -> memref<1x128xi32, #tpu.memory_space<vmem>>
    %dma_start3A_94 = tpu.memref_squeeze %dma_start3A_93 : memref<1x128xi32, #tpu.memory_space<vmem>> -> memref<128xi32, #tpu.memory_space<vmem>>
    %dma_start3A_95 = arith.constant 0 : i32
    %dma_start3A_96 = arith.constant 0 : i32
    %dma_start3A_97 = tpu.memref_slice %arg19[%dma_start3A_95, %dma_start3A_96] : memref<100096x16xf32, #tpu.memory_space<vmem_shared>> -> memref<100096x16xf32, #tpu.memory_space<vmem_shared>>
    tpu.enqueue_indirect_dma source(%arg12 : memref<128x16xf32, #tpu.memory_space<vmem>>) target(%dma_start3A_97 : memref<100096x16xf32, #tpu.memory_space<vmem_shared>>) offsets(%dma_start3A_94 : memref<128xi32, #tpu.memory_space<vmem>>) semaphore(%arg25 : memref<!tpu.dma_semaphore, #tpu.memory_space<semaphore_mem>>) {add = true}
    %dma_start3A_98 = arith.constant 1 : i32
    %dma_start3A_99 = arith.constant 0 : i32
    %dma_start3A_100 = tpu.memref_slice %arg9[%dma_start3A_98, %dma_start3A_99] : memref<4x128xi32, #tpu.memory_space<vmem>> -> memref<1x128xi32, #tpu.memory_space<vmem>>
    %dma_start3A_101 = tpu.memref_squeeze %dma_start3A_100 : memref<1x128xi32, #tpu.memory_space<vmem>> -> memref<128xi32, #tpu.memory_space<vmem>>
    %dma_start3A_102 = arith.constant 0 : i32
    %dma_start3A_103 = arith.constant 0 : i32
    %dma_start3A_104 = tpu.memref_slice %arg2[%dma_start3A_102, %dma_start3A_103] : memref<100000x16xf32, #tpu.memory_space<hbm>> -> memref<100000x16xf32, #tpu.memory_space<hbm>>
    tpu.enqueue_indirect_dma source(%dma_start3A_104 : memref<100000x16xf32, #tpu.memory_space<hbm>>) target(%arg16 : memref<128x16xf32, #tpu.memory_space<vmem>>) offsets(%dma_start3A_101 : memref<128xi32, #tpu.memory_space<vmem>>) semaphore(%arg21 : memref<!tpu.dma_semaphore, #tpu.memory_space<semaphore_mem>>)
    %dma_wait3A_105 = arith.constant 2 : i32
    %dma_wait3A_106 = arith.constant 0 : i32
    %dma_wait3A_107 = tpu.memref_slice %arg7[%dma_wait3A_105, %dma_wait3A_106] : memref<4x128xi32, #tpu.memory_space<vmem>> -> memref<1x128xi32, #tpu.memory_space<vmem>>
    %dma_wait3A_108 = tpu.memref_squeeze %dma_wait3A_107 : memref<1x128xi32, #tpu.memory_space<vmem>> -> memref<128xi32, #tpu.memory_space<vmem>>
    %dma_wait3A_109 = arith.constant 0 : i32
    %dma_wait3A_110 = arith.constant 0 : i32
    %dma_wait3A_111 = tpu.memref_slice %arg2[%dma_wait3A_109, %dma_wait3A_110] : memref<100000x16xf32, #tpu.memory_space<hbm>> -> memref<100000x16xf32, #tpu.memory_space<hbm>>
    tpu.wait_indirect_dma semaphore(%arg22 : memref<!tpu.dma_semaphore, #tpu.memory_space<semaphore_mem>>) src(%dma_wait3A_111 : memref<100000x16xf32, #tpu.memory_space<hbm>>) dst(%arg13 : memref<128x16xf32, #tpu.memory_space<vmem>>)
    %dma_start3A_112 = arith.constant 2 : i32
    %dma_start3A_113 = arith.constant 0 : i32
    %dma_start3A_114 = tpu.memref_slice %arg8[%dma_start3A_112, %dma_start3A_113] : memref<4x128xi32, #tpu.memory_space<vmem>> -> memref<1x128xi32, #tpu.memory_space<vmem>>
    %dma_start3A_115 = tpu.memref_squeeze %dma_start3A_114 : memref<1x128xi32, #tpu.memory_space<vmem>> -> memref<128xi32, #tpu.memory_space<vmem>>
    %dma_start3A_116 = arith.constant 0 : i32
    %dma_start3A_117 = arith.constant 0 : i32
    %dma_start3A_118 = tpu.memref_slice %arg19[%dma_start3A_116, %dma_start3A_117] : memref<100096x16xf32, #tpu.memory_space<vmem_shared>> -> memref<100096x16xf32, #tpu.memory_space<vmem_shared>>
    tpu.enqueue_indirect_dma source(%arg13 : memref<128x16xf32, #tpu.memory_space<vmem>>) target(%dma_start3A_118 : memref<100096x16xf32, #tpu.memory_space<vmem_shared>>) offsets(%dma_start3A_115 : memref<128xi32, #tpu.memory_space<vmem>>) semaphore(%arg26 : memref<!tpu.dma_semaphore, #tpu.memory_space<semaphore_mem>>) {add = true}
    %dma_start3A_119 = arith.constant 2 : i32
    %dma_start3A_120 = arith.constant 0 : i32
    %dma_start3A_121 = tpu.memref_slice %arg9[%dma_start3A_119, %dma_start3A_120] : memref<4x128xi32, #tpu.memory_space<vmem>> -> memref<1x128xi32, #tpu.memory_space<vmem>>
    %dma_start3A_122 = tpu.memref_squeeze %dma_start3A_121 : memref<1x128xi32, #tpu.memory_space<vmem>> -> memref<128xi32, #tpu.memory_space<vmem>>
    %dma_start3A_123 = arith.constant 0 : i32
    %dma_start3A_124 = arith.constant 0 : i32
    %dma_start3A_125 = tpu.memref_slice %arg2[%dma_start3A_123, %dma_start3A_124] : memref<100000x16xf32, #tpu.memory_space<hbm>> -> memref<100000x16xf32, #tpu.memory_space<hbm>>
    tpu.enqueue_indirect_dma source(%dma_start3A_125 : memref<100000x16xf32, #tpu.memory_space<hbm>>) target(%arg17 : memref<128x16xf32, #tpu.memory_space<vmem>>) offsets(%dma_start3A_122 : memref<128xi32, #tpu.memory_space<vmem>>) semaphore(%arg22 : memref<!tpu.dma_semaphore, #tpu.memory_space<semaphore_mem>>)
    %dma_wait3A_126 = arith.constant 3 : i32
    %dma_wait3A_127 = arith.constant 0 : i32
    %dma_wait3A_128 = tpu.memref_slice %arg7[%dma_wait3A_126, %dma_wait3A_127] : memref<4x128xi32, #tpu.memory_space<vmem>> -> memref<1x128xi32, #tpu.memory_space<vmem>>
    %dma_wait3A_129 = tpu.memref_squeeze %dma_wait3A_128 : memref<1x128xi32, #tpu.memory_space<vmem>> -> memref<128xi32, #tpu.memory_space<vmem>>
    %dma_wait3A_130 = arith.constant 0 : i32
    %dma_wait3A_131 = arith.constant 0 : i32
    %dma_wait3A_132 = tpu.memref_slice %arg2[%dma_wait3A_130, %dma_wait3A_131] : memref<100000x16xf32, #tpu.memory_space<hbm>> -> memref<100000x16xf32, #tpu.memory_space<hbm>>
    tpu.wait_indirect_dma semaphore(%arg23 : memref<!tpu.dma_semaphore, #tpu.memory_space<semaphore_mem>>) src(%dma_wait3A_132 : memref<100000x16xf32, #tpu.memory_space<hbm>>) dst(%arg14 : memref<128x16xf32, #tpu.memory_space<vmem>>)
    %dma_start3A_133 = arith.constant 3 : i32
    %dma_start3A_134 = arith.constant 0 : i32
    %dma_start3A_135 = tpu.memref_slice %arg8[%dma_start3A_133, %dma_start3A_134] : memref<4x128xi32, #tpu.memory_space<vmem>> -> memref<1x128xi32, #tpu.memory_space<vmem>>
    %dma_start3A_136 = tpu.memref_squeeze %dma_start3A_135 : memref<1x128xi32, #tpu.memory_space<vmem>> -> memref<128xi32, #tpu.memory_space<vmem>>
    %dma_start3A_137 = arith.constant 0 : i32
    %dma_start3A_138 = arith.constant 0 : i32
    %dma_start3A_139 = tpu.memref_slice %arg19[%dma_start3A_137, %dma_start3A_138] : memref<100096x16xf32, #tpu.memory_space<vmem_shared>> -> memref<100096x16xf32, #tpu.memory_space<vmem_shared>>
    tpu.enqueue_indirect_dma source(%arg14 : memref<128x16xf32, #tpu.memory_space<vmem>>) target(%dma_start3A_139 : memref<100096x16xf32, #tpu.memory_space<vmem_shared>>) offsets(%dma_start3A_136 : memref<128xi32, #tpu.memory_space<vmem>>) semaphore(%arg27 : memref<!tpu.dma_semaphore, #tpu.memory_space<semaphore_mem>>) {add = true}
    %dma_start3A_140 = arith.constant 3 : i32
    %dma_start3A_141 = arith.constant 0 : i32
    %dma_start3A_142 = tpu.memref_slice %arg9[%dma_start3A_140, %dma_start3A_141] : memref<4x128xi32, #tpu.memory_space<vmem>> -> memref<1x128xi32, #tpu.memory_space<vmem>>
    %dma_start3A_143 = tpu.memref_squeeze %dma_start3A_142 : memref<1x128xi32, #tpu.memory_space<vmem>> -> memref<128xi32, #tpu.memory_space<vmem>>
    %dma_start3A_144 = arith.constant 0 : i32
    %dma_start3A_145 = arith.constant 0 : i32
    %dma_start3A_146 = tpu.memref_slice %arg2[%dma_start3A_144, %dma_start3A_145] : memref<100000x16xf32, #tpu.memory_space<hbm>> -> memref<100000x16xf32, #tpu.memory_space<hbm>>
    tpu.enqueue_indirect_dma source(%dma_start3A_146 : memref<100000x16xf32, #tpu.memory_space<hbm>>) target(%arg18 : memref<128x16xf32, #tpu.memory_space<vmem>>) offsets(%dma_start3A_143 : memref<128xi32, #tpu.memory_space<vmem>>) semaphore(%arg23 : memref<!tpu.dma_semaphore, #tpu.memory_space<semaphore_mem>>)
    %dma_wait3A_147 = arith.constant 0 : i32
    %dma_wait3A_148 = arith.constant 0 : i32
    %dma_wait3A_149 = tpu.memref_slice %arg8[%dma_wait3A_147, %dma_wait3A_148] : memref<4x128xi32, #tpu.memory_space<vmem>> -> memref<1x128xi32, #tpu.memory_space<vmem>>
    %dma_wait3A_150 = tpu.memref_squeeze %dma_wait3A_149 : memref<1x128xi32, #tpu.memory_space<vmem>> -> memref<128xi32, #tpu.memory_space<vmem>>
    %dma_wait3A_151 = arith.constant 0 : i32
    %dma_wait3A_152 = arith.constant 0 : i32
    %dma_wait3A_153 = tpu.memref_slice %arg19[%dma_wait3A_151, %dma_wait3A_152] : memref<100096x16xf32, #tpu.memory_space<vmem_shared>> -> memref<100096x16xf32, #tpu.memory_space<vmem_shared>>
    tpu.wait_indirect_dma semaphore(%arg24 : memref<!tpu.dma_semaphore, #tpu.memory_space<semaphore_mem>>) src(%arg11 : memref<128x16xf32, #tpu.memory_space<vmem>>) dst(%dma_wait3A_153 : memref<100096x16xf32, #tpu.memory_space<vmem_shared>>)
    %dma_wait3A_154 = arith.constant 1 : i32
    %dma_wait3A_155 = arith.constant 0 : i32
    %dma_wait3A_156 = tpu.memref_slice %arg8[%dma_wait3A_154, %dma_wait3A_155] : memref<4x128xi32, #tpu.memory_space<vmem>> -> memref<1x128xi32, #tpu.memory_space<vmem>>
    %dma_wait3A_157 = tpu.memref_squeeze %dma_wait3A_156 : memref<1x128xi32, #tpu.memory_space<vmem>> -> memref<128xi32, #tpu.memory_space<vmem>>
    %dma_wait3A_158 = arith.constant 0 : i32
    %dma_wait3A_159 = arith.constant 0 : i32
    %dma_wait3A_160 = tpu.memref_slice %arg19[%dma_wait3A_158, %dma_wait3A_159] : memref<100096x16xf32, #tpu.memory_space<vmem_shared>> -> memref<100096x16xf32, #tpu.memory_space<vmem_shared>>
    tpu.wait_indirect_dma semaphore(%arg25 : memref<!tpu.dma_semaphore, #tpu.memory_space<semaphore_mem>>) src(%arg12 : memref<128x16xf32, #tpu.memory_space<vmem>>) dst(%dma_wait3A_160 : memref<100096x16xf32, #tpu.memory_space<vmem_shared>>)
    %dma_wait3A_161 = arith.constant 2 : i32
    %dma_wait3A_162 = arith.constant 0 : i32
    %dma_wait3A_163 = tpu.memref_slice %arg8[%dma_wait3A_161, %dma_wait3A_162] : memref<4x128xi32, #tpu.memory_space<vmem>> -> memref<1x128xi32, #tpu.memory_space<vmem>>
    %dma_wait3A_164 = tpu.memref_squeeze %dma_wait3A_163 : memref<1x128xi32, #tpu.memory_space<vmem>> -> memref<128xi32, #tpu.memory_space<vmem>>
    %dma_wait3A_165 = arith.constant 0 : i32
    %dma_wait3A_166 = arith.constant 0 : i32
    %dma_wait3A_167 = tpu.memref_slice %arg19[%dma_wait3A_165, %dma_wait3A_166] : memref<100096x16xf32, #tpu.memory_space<vmem_shared>> -> memref<100096x16xf32, #tpu.memory_space<vmem_shared>>
    tpu.wait_indirect_dma semaphore(%arg26 : memref<!tpu.dma_semaphore, #tpu.memory_space<semaphore_mem>>) src(%arg13 : memref<128x16xf32, #tpu.memory_space<vmem>>) dst(%dma_wait3A_167 : memref<100096x16xf32, #tpu.memory_space<vmem_shared>>)
    %dma_wait3A_168 = arith.constant 3 : i32
    %dma_wait3A_169 = arith.constant 0 : i32
    %dma_wait3A_170 = tpu.memref_slice %arg8[%dma_wait3A_168, %dma_wait3A_169] : memref<4x128xi32, #tpu.memory_space<vmem>> -> memref<1x128xi32, #tpu.memory_space<vmem>>
    %dma_wait3A_171 = tpu.memref_squeeze %dma_wait3A_170 : memref<1x128xi32, #tpu.memory_space<vmem>> -> memref<128xi32, #tpu.memory_space<vmem>>
    %dma_wait3A_172 = arith.constant 0 : i32
    %dma_wait3A_173 = arith.constant 0 : i32
    %dma_wait3A_174 = tpu.memref_slice %arg19[%dma_wait3A_172, %dma_wait3A_173] : memref<100096x16xf32, #tpu.memory_space<vmem_shared>> -> memref<100096x16xf32, #tpu.memory_space<vmem_shared>>
    tpu.wait_indirect_dma semaphore(%arg27 : memref<!tpu.dma_semaphore, #tpu.memory_space<semaphore_mem>>) src(%arg14 : memref<128x16xf32, #tpu.memory_space<vmem>>) dst(%dma_wait3A_174 : memref<100096x16xf32, #tpu.memory_space<vmem_shared>>)
    %dma_wait3A_175 = arith.constant 0 : i32
    %dma_wait3A_176 = arith.constant 0 : i32
    %dma_wait3A_177 = tpu.memref_slice %arg9[%dma_wait3A_175, %dma_wait3A_176] : memref<4x128xi32, #tpu.memory_space<vmem>> -> memref<1x128xi32, #tpu.memory_space<vmem>>
    %dma_wait3A_178 = tpu.memref_squeeze %dma_wait3A_177 : memref<1x128xi32, #tpu.memory_space<vmem>> -> memref<128xi32, #tpu.memory_space<vmem>>
    %dma_wait3A_179 = arith.constant 0 : i32
    %dma_wait3A_180 = arith.constant 0 : i32
    %dma_wait3A_181 = tpu.memref_slice %arg2[%dma_wait3A_179, %dma_wait3A_180] : memref<100000x16xf32, #tpu.memory_space<hbm>> -> memref<100000x16xf32, #tpu.memory_space<hbm>>
    tpu.wait_indirect_dma semaphore(%arg20 : memref<!tpu.dma_semaphore, #tpu.memory_space<semaphore_mem>>) src(%dma_wait3A_181 : memref<100000x16xf32, #tpu.memory_space<hbm>>) dst(%arg15 : memref<128x16xf32, #tpu.memory_space<vmem>>)
    %dma_start3A_182 = arith.constant 0 : i32
    %dma_start3A_183 = arith.constant 0 : i32
    %dma_start3A_184 = tpu.memref_slice %arg10[%dma_start3A_182, %dma_start3A_183] : memref<4x128xi32, #tpu.memory_space<vmem>> -> memref<1x128xi32, #tpu.memory_space<vmem>>
    %dma_start3A_185 = tpu.memref_squeeze %dma_start3A_184 : memref<1x128xi32, #tpu.memory_space<vmem>> -> memref<128xi32, #tpu.memory_space<vmem>>
    %dma_start3A_186 = arith.constant 0 : i32
    %dma_start3A_187 = arith.constant 0 : i32
    %dma_start3A_188 = tpu.memref_slice %arg19[%dma_start3A_186, %dma_start3A_187] : memref<100096x16xf32, #tpu.memory_space<vmem_shared>> -> memref<100096x16xf32, #tpu.memory_space<vmem_shared>>
    tpu.enqueue_indirect_dma source(%arg15 : memref<128x16xf32, #tpu.memory_space<vmem>>) target(%dma_start3A_188 : memref<100096x16xf32, #tpu.memory_space<vmem_shared>>) offsets(%dma_start3A_185 : memref<128xi32, #tpu.memory_space<vmem>>) semaphore(%arg24 : memref<!tpu.dma_semaphore, #tpu.memory_space<semaphore_mem>>) {add = true}
    %dma_wait3A_189 = arith.constant 1 : i32
    %dma_wait3A_190 = arith.constant 0 : i32
    %dma_wait3A_191 = tpu.memref_slice %arg9[%dma_wait3A_189, %dma_wait3A_190] : memref<4x128xi32, #tpu.memory_space<vmem>> -> memref<1x128xi32, #tpu.memory_space<vmem>>
    %dma_wait3A_192 = tpu.memref_squeeze %dma_wait3A_191 : memref<1x128xi32, #tpu.memory_space<vmem>> -> memref<128xi32, #tpu.memory_space<vmem>>
    %dma_wait3A_193 = arith.constant 0 : i32
    %dma_wait3A_194 = arith.constant 0 : i32
    %dma_wait3A_195 = tpu.memref_slice %arg2[%dma_wait3A_193, %dma_wait3A_194] : memref<100000x16xf32, #tpu.memory_space<hbm>> -> memref<100000x16xf32, #tpu.memory_space<hbm>>
    tpu.wait_indirect_dma semaphore(%arg21 : memref<!tpu.dma_semaphore, #tpu.memory_space<semaphore_mem>>) src(%dma_wait3A_195 : memref<100000x16xf32, #tpu.memory_space<hbm>>) dst(%arg16 : memref<128x16xf32, #tpu.memory_space<vmem>>)
    %dma_start3A_196 = arith.constant 1 : i32
    %dma_start3A_197 = arith.constant 0 : i32
    %dma_start3A_198 = tpu.memref_slice %arg10[%dma_start3A_196, %dma_start3A_197] : memref<4x128xi32, #tpu.memory_space<vmem>> -> memref<1x128xi32, #tpu.memory_space<vmem>>
    %dma_start3A_199 = tpu.memref_squeeze %dma_start3A_198 : memref<1x128xi32, #tpu.memory_space<vmem>> -> memref<128xi32, #tpu.memory_space<vmem>>
    %dma_start3A_200 = arith.constant 0 : i32
    %dma_start3A_201 = arith.constant 0 : i32
    %dma_start3A_202 = tpu.memref_slice %arg19[%dma_start3A_200, %dma_start3A_201] : memref<100096x16xf32, #tpu.memory_space<vmem_shared>> -> memref<100096x16xf32, #tpu.memory_space<vmem_shared>>
    tpu.enqueue_indirect_dma source(%arg16 : memref<128x16xf32, #tpu.memory_space<vmem>>) target(%dma_start3A_202 : memref<100096x16xf32, #tpu.memory_space<vmem_shared>>) offsets(%dma_start3A_199 : memref<128xi32, #tpu.memory_space<vmem>>) semaphore(%arg25 : memref<!tpu.dma_semaphore, #tpu.memory_space<semaphore_mem>>) {add = true}
    %dma_wait3A_203 = arith.constant 2 : i32
    %dma_wait3A_204 = arith.constant 0 : i32
    %dma_wait3A_205 = tpu.memref_slice %arg9[%dma_wait3A_203, %dma_wait3A_204] : memref<4x128xi32, #tpu.memory_space<vmem>> -> memref<1x128xi32, #tpu.memory_space<vmem>>
    %dma_wait3A_206 = tpu.memref_squeeze %dma_wait3A_205 : memref<1x128xi32, #tpu.memory_space<vmem>> -> memref<128xi32, #tpu.memory_space<vmem>>
    %dma_wait3A_207 = arith.constant 0 : i32
    %dma_wait3A_208 = arith.constant 0 : i32
    %dma_wait3A_209 = tpu.memref_slice %arg2[%dma_wait3A_207, %dma_wait3A_208] : memref<100000x16xf32, #tpu.memory_space<hbm>> -> memref<100000x16xf32, #tpu.memory_space<hbm>>
    tpu.wait_indirect_dma semaphore(%arg22 : memref<!tpu.dma_semaphore, #tpu.memory_space<semaphore_mem>>) src(%dma_wait3A_209 : memref<100000x16xf32, #tpu.memory_space<hbm>>) dst(%arg17 : memref<128x16xf32, #tpu.memory_space<vmem>>)
    %dma_start3A_210 = arith.constant 2 : i32
    %dma_start3A_211 = arith.constant 0 : i32
    %dma_start3A_212 = tpu.memref_slice %arg10[%dma_start3A_210, %dma_start3A_211] : memref<4x128xi32, #tpu.memory_space<vmem>> -> memref<1x128xi32, #tpu.memory_space<vmem>>
    %dma_start3A_213 = tpu.memref_squeeze %dma_start3A_212 : memref<1x128xi32, #tpu.memory_space<vmem>> -> memref<128xi32, #tpu.memory_space<vmem>>
    %dma_start3A_214 = arith.constant 0 : i32
    %dma_start3A_215 = arith.constant 0 : i32
    %dma_start3A_216 = tpu.memref_slice %arg19[%dma_start3A_214, %dma_start3A_215] : memref<100096x16xf32, #tpu.memory_space<vmem_shared>> -> memref<100096x16xf32, #tpu.memory_space<vmem_shared>>
    tpu.enqueue_indirect_dma source(%arg17 : memref<128x16xf32, #tpu.memory_space<vmem>>) target(%dma_start3A_216 : memref<100096x16xf32, #tpu.memory_space<vmem_shared>>) offsets(%dma_start3A_213 : memref<128xi32, #tpu.memory_space<vmem>>) semaphore(%arg26 : memref<!tpu.dma_semaphore, #tpu.memory_space<semaphore_mem>>) {add = true}
    %dma_wait3A_217 = arith.constant 3 : i32
    %dma_wait3A_218 = arith.constant 0 : i32
    %dma_wait3A_219 = tpu.memref_slice %arg9[%dma_wait3A_217, %dma_wait3A_218] : memref<4x128xi32, #tpu.memory_space<vmem>> -> memref<1x128xi32, #tpu.memory_space<vmem>>
    %dma_wait3A_220 = tpu.memref_squeeze %dma_wait3A_219 : memref<1x128xi32, #tpu.memory_space<vmem>> -> memref<128xi32, #tpu.memory_space<vmem>>
    %dma_wait3A_221 = arith.constant 0 : i32
    %dma_wait3A_222 = arith.constant 0 : i32
    %dma_wait3A_223 = tpu.memref_slice %arg2[%dma_wait3A_221, %dma_wait3A_222] : memref<100000x16xf32, #tpu.memory_space<hbm>> -> memref<100000x16xf32, #tpu.memory_space<hbm>>
    tpu.wait_indirect_dma semaphore(%arg23 : memref<!tpu.dma_semaphore, #tpu.memory_space<semaphore_mem>>) src(%dma_wait3A_223 : memref<100000x16xf32, #tpu.memory_space<hbm>>) dst(%arg18 : memref<128x16xf32, #tpu.memory_space<vmem>>)
    %dma_start3A_224 = arith.constant 3 : i32
    %dma_start3A_225 = arith.constant 0 : i32
    %dma_start3A_226 = tpu.memref_slice %arg10[%dma_start3A_224, %dma_start3A_225] : memref<4x128xi32, #tpu.memory_space<vmem>> -> memref<1x128xi32, #tpu.memory_space<vmem>>
    %dma_start3A_227 = tpu.memref_squeeze %dma_start3A_226 : memref<1x128xi32, #tpu.memory_space<vmem>> -> memref<128xi32, #tpu.memory_space<vmem>>
    %dma_start3A_228 = arith.constant 0 : i32
    %dma_start3A_229 = arith.constant 0 : i32
    %dma_start3A_230 = tpu.memref_slice %arg19[%dma_start3A_228, %dma_start3A_229] : memref<100096x16xf32, #tpu.memory_space<vmem_shared>> -> memref<100096x16xf32, #tpu.memory_space<vmem_shared>>
    tpu.enqueue_indirect_dma source(%arg18 : memref<128x16xf32, #tpu.memory_space<vmem>>) target(%dma_start3A_230 : memref<100096x16xf32, #tpu.memory_space<vmem_shared>>) offsets(%dma_start3A_227 : memref<128xi32, #tpu.memory_space<vmem>>) semaphore(%arg27 : memref<!tpu.dma_semaphore, #tpu.memory_space<semaphore_mem>>) {add = true}
    %dma_wait3A_231 = arith.constant 0 : i32
    %dma_wait3A_232 = arith.constant 0 : i32
    %dma_wait3A_233 = tpu.memref_slice %arg10[%dma_wait3A_231, %dma_wait3A_232] : memref<4x128xi32, #tpu.memory_space<vmem>> -> memref<1x128xi32, #tpu.memory_space<vmem>>
    %dma_wait3A_234 = tpu.memref_squeeze %dma_wait3A_233 : memref<1x128xi32, #tpu.memory_space<vmem>> -> memref<128xi32, #tpu.memory_space<vmem>>
    %dma_wait3A_235 = arith.constant 0 : i32
    %dma_wait3A_236 = arith.constant 0 : i32
    %dma_wait3A_237 = tpu.memref_slice %arg19[%dma_wait3A_235, %dma_wait3A_236] : memref<100096x16xf32, #tpu.memory_space<vmem_shared>> -> memref<100096x16xf32, #tpu.memory_space<vmem_shared>>
    tpu.wait_indirect_dma semaphore(%arg24 : memref<!tpu.dma_semaphore, #tpu.memory_space<semaphore_mem>>) src(%arg15 : memref<128x16xf32, #tpu.memory_space<vmem>>) dst(%dma_wait3A_237 : memref<100096x16xf32, #tpu.memory_space<vmem_shared>>)
    %dma_wait3A_238 = arith.constant 1 : i32
    %dma_wait3A_239 = arith.constant 0 : i32
    %dma_wait3A_240 = tpu.memref_slice %arg10[%dma_wait3A_238, %dma_wait3A_239] : memref<4x128xi32, #tpu.memory_space<vmem>> -> memref<1x128xi32, #tpu.memory_space<vmem>>
    %dma_wait3A_241 = tpu.memref_squeeze %dma_wait3A_240 : memref<1x128xi32, #tpu.memory_space<vmem>> -> memref<128xi32, #tpu.memory_space<vmem>>
    %dma_wait3A_242 = arith.constant 0 : i32
    %dma_wait3A_243 = arith.constant 0 : i32
    %dma_wait3A_244 = tpu.memref_slice %arg19[%dma_wait3A_242, %dma_wait3A_243] : memref<100096x16xf32, #tpu.memory_space<vmem_shared>> -> memref<100096x16xf32, #tpu.memory_space<vmem_shared>>
    tpu.wait_indirect_dma semaphore(%arg25 : memref<!tpu.dma_semaphore, #tpu.memory_space<semaphore_mem>>) src(%arg16 : memref<128x16xf32, #tpu.memory_space<vmem>>) dst(%dma_wait3A_244 : memref<100096x16xf32, #tpu.memory_space<vmem_shared>>)
    %dma_wait3A_245 = arith.constant 2 : i32
    %dma_wait3A_246 = arith.constant 0 : i32
    %dma_wait3A_247 = tpu.memref_slice %arg10[%dma_wait3A_245, %dma_wait3A_246] : memref<4x128xi32, #tpu.memory_space<vmem>> -> memref<1x128xi32, #tpu.memory_space<vmem>>
    %dma_wait3A_248 = tpu.memref_squeeze %dma_wait3A_247 : memref<1x128xi32, #tpu.memory_space<vmem>> -> memref<128xi32, #tpu.memory_space<vmem>>
    %dma_wait3A_249 = arith.constant 0 : i32
    %dma_wait3A_250 = arith.constant 0 : i32
    %dma_wait3A_251 = tpu.memref_slice %arg19[%dma_wait3A_249, %dma_wait3A_250] : memref<100096x16xf32, #tpu.memory_space<vmem_shared>> -> memref<100096x16xf32, #tpu.memory_space<vmem_shared>>
    tpu.wait_indirect_dma semaphore(%arg26 : memref<!tpu.dma_semaphore, #tpu.memory_space<semaphore_mem>>) src(%arg17 : memref<128x16xf32, #tpu.memory_space<vmem>>) dst(%dma_wait3A_251 : memref<100096x16xf32, #tpu.memory_space<vmem_shared>>)
    %dma_wait3A_252 = arith.constant 3 : i32
    %dma_wait3A_253 = arith.constant 0 : i32
    %dma_wait3A_254 = tpu.memref_slice %arg10[%dma_wait3A_252, %dma_wait3A_253] : memref<4x128xi32, #tpu.memory_space<vmem>> -> memref<1x128xi32, #tpu.memory_space<vmem>>
    %dma_wait3A_255 = tpu.memref_squeeze %dma_wait3A_254 : memref<1x128xi32, #tpu.memory_space<vmem>> -> memref<128xi32, #tpu.memory_space<vmem>>
    %dma_wait3A_256 = arith.constant 0 : i32
    %dma_wait3A_257 = arith.constant 0 : i32
    %dma_wait3A_258 = tpu.memref_slice %arg19[%dma_wait3A_256, %dma_wait3A_257] : memref<100096x16xf32, #tpu.memory_space<vmem_shared>> -> memref<100096x16xf32, #tpu.memory_space<vmem_shared>>
    tpu.wait_indirect_dma semaphore(%arg27 : memref<!tpu.dma_semaphore, #tpu.memory_space<semaphore_mem>>) src(%arg18 : memref<128x16xf32, #tpu.memory_space<vmem>>) dst(%dma_wait3A_258 : memref<100096x16xf32, #tpu.memory_space<vmem_shared>>)
    %barrier3A_259 = arith.constant 0 : index
    tpu.barrier barrier_id(%barrier3A_259)
    %mul3A_260 = arith.constant 6256 : i32
    %mul3A_261 = arith.muli %arg1, %mul3A_260 : i32
    "tpu.region"() ({
      %run_scoped3A = tpu.sem_alloc : memref<!tpu.dma_semaphore, #tpu.memory_space<semaphore_mem>>
      %dma_start3A_262 = arith.constant 0 : i32
      %dma_start3A_263 = arith.constant 0 : i32
      %dma_start3A_264 = tpu.memref_slice %arg6[%arg0, %dma_start3A_262, %dma_start3A_263] : memref<2x100096x16xf32, #tpu.memory_space<hbm>> -> memref<1x100096x16xf32, #tpu.memory_space<hbm>>
      %dma_start3A_265 = tpu.memref_squeeze %dma_start3A_264 : memref<1x100096x16xf32, #tpu.memory_space<hbm>> -> memref<100096x16xf32, #tpu.memory_space<hbm>>
      %dma_start3A_266 = arith.constant 0 : i32
      %dma_start3A_267 = tpu.memref_slice %dma_start3A_265[%mul3A_261, %dma_start3A_266] : memref<100096x16xf32, #tpu.memory_space<hbm>> -> memref<6256x16xf32, #tpu.memory_space<hbm>>
      %dma_start3A_268 = arith.constant 0 : i32
      %dma_start3A_269 = tpu.memref_slice %arg19[%mul3A_261, %dma_start3A_268] : memref<100096x16xf32, #tpu.memory_space<vmem_shared>> -> memref<6256x16xf32, #tpu.memory_space<vmem_shared>>
      tpu.enqueue_dma source(%dma_start3A_269 : memref<6256x16xf32, #tpu.memory_space<vmem_shared>>) target(%dma_start3A_267 : memref<6256x16xf32, #tpu.memory_space<hbm>>) target_semaphore(%run_scoped3A : memref<!tpu.dma_semaphore, #tpu.memory_space<semaphore_mem>>)
      %dma_wait3A_270 = arith.constant 0 : i32
      %dma_wait3A_271 = arith.constant 0 : i32
      %dma_wait3A_272 = tpu.memref_slice %arg6[%arg0, %dma_wait3A_270, %dma_wait3A_271] : memref<2x100096x16xf32, #tpu.memory_space<hbm>> -> memref<1x100096x16xf32, #tpu.memory_space<hbm>>
      %dma_wait3A_273 = tpu.memref_squeeze %dma_wait3A_272 : memref<1x100096x16xf32, #tpu.memory_space<hbm>> -> memref<100096x16xf32, #tpu.memory_space<hbm>>
      %dma_wait3A_274 = arith.constant 0 : i32
      %dma_wait3A_275 = tpu.memref_slice %dma_wait3A_273[%mul3A_261, %dma_wait3A_274] : memref<100096x16xf32, #tpu.memory_space<hbm>> -> memref<6256x16xf32, #tpu.memory_space<hbm>>
      %dma_wait3A_276 = arith.constant 0 : i32
      %dma_wait3A_277 = tpu.memref_slice %arg19[%mul3A_261, %dma_wait3A_276] : memref<100096x16xf32, #tpu.memory_space<vmem_shared>> -> memref<6256x16xf32, #tpu.memory_space<vmem_shared>>
      tpu.wait_dma2 semaphore(%run_scoped3A : memref<!tpu.dma_semaphore, #tpu.memory_space<semaphore_mem>>) src(%dma_wait3A_277 : memref<6256x16xf32, #tpu.memory_space<vmem_shared>>) dst(%dma_wait3A_275 : memref<6256x16xf32, #tpu.memory_space<hbm>>)
      tpu.yield
    }) : () -> ()
    return
  }
}

#map = affine_map<(d0, d1) -> (0, 0, 0)>
#map1 = affine_map<(d0, d1) -> (0, 0)>
module attributes {stable_mosaic.version = 14 : i64} {
  func.func @body(%arg0: i32, %arg1: i32, %arg2: memref<2x100000x16xf32, #tpu.memory_space<hbm>>, %arg3: memref<25088x128xi32, #tpu.memory_space<hbm>>, %arg4: memref<25088x128xi32, #tpu.memory_space<hbm>>, %arg5: memref<100096x16xf32, #tpu.memory_space<hbm>>, %arg6: memref<2x100096x16xf32, #tpu.memory_space<hbm>>, %arg7: memref<4x128xi32, #tpu.memory_space<vmem>>, %arg8: memref<4x128xi32, #tpu.memory_space<vmem>>, %arg9: memref<4x128xi32, #tpu.memory_space<vmem>>, %arg10: memref<4x128xi32, #tpu.memory_space<vmem>>, %arg11: memref<128x16xf32, #tpu.memory_space<vmem>>, %arg12: memref<128x16xf32, #tpu.memory_space<vmem>>, %arg13: memref<128x16xf32, #tpu.memory_space<vmem>>, %arg14: memref<128x16xf32, #tpu.memory_space<vmem>>, %arg15: memref<128x16xf32, #tpu.memory_space<vmem>>, %arg16: memref<128x16xf32, #tpu.memory_space<vmem>>, %arg17: memref<128x16xf32, #tpu.memory_space<vmem>>, %arg18: memref<128x16xf32, #tpu.memory_space<vmem>>, %arg19: memref<100096x16xf32, #tpu.memory_space<vmem_shared>>, %arg20: memref<!tpu.dma_semaphore, #tpu.memory_space<semaphore_mem>>, %arg21: memref<!tpu.dma_semaphore, #tpu.memory_space<semaphore_mem>>, %arg22: memref<!tpu.dma_semaphore, #tpu.memory_space<semaphore_mem>>, %arg23: memref<!tpu.dma_semaphore, #tpu.memory_space<semaphore_mem>>, %arg24: memref<!tpu.dma_semaphore, #tpu.memory_space<semaphore_mem>>, %arg25: memref<!tpu.dma_semaphore, #tpu.memory_space<semaphore_mem>>, %arg26: memref<!tpu.dma_semaphore, #tpu.memory_space<semaphore_mem>>, %arg27: memref<!tpu.dma_semaphore, #tpu.memory_space<semaphore_mem>>, %arg28: memref<!tpu.dma_semaphore, #tpu.memory_space<semaphore_mem>>, %arg29: memref<!tpu.dma_semaphore, #tpu.memory_space<semaphore_mem>>) attributes {dimension_semantics = [#tpu.dimension_semantics<core_parallel>, #tpu.dimension_semantics<subcore_parallel>], iteration_bounds = array<i64: 2, 16>, scalar_prefetch = 0 : i64, scratch_operands = 23 : i64, tpu.core_type = #tpu.core_type<sc_vector_subcore>, window_params = [{transform_indices = #map}, {transform_indices = #map1}, {transform_indices = #map1}, {transform_indices = #map1}, {transform_indices = #map}]} {
    %mul3A = arith.constant 6256 : i32
    %mul3A_0 = arith.muli %arg1, %mul3A : i32
    "tpu.region"() ({
      %run_scoped3A = tpu.sem_alloc : memref<!tpu.dma_semaphore, #tpu.memory_space<semaphore_mem>>
      %dma_start3A_323 = arith.constant 0 : i32
      %dma_start3A_324 = tpu.memref_slice %arg19[%mul3A_0, %dma_start3A_323] : memref<100096x16xf32, #tpu.memory_space<vmem_shared>> -> memref<6256x16xf32, #tpu.memory_space<vmem_shared>>
      %dma_start3A_325 = arith.constant 0 : i32
      %dma_start3A_326 = tpu.memref_slice %arg5[%mul3A_0, %dma_start3A_325] : memref<100096x16xf32, #tpu.memory_space<hbm>> -> memref<6256x16xf32, #tpu.memory_space<hbm>>
      tpu.enqueue_dma source(%dma_start3A_326 : memref<6256x16xf32, #tpu.memory_space<hbm>>) target(%dma_start3A_324 : memref<6256x16xf32, #tpu.memory_space<vmem_shared>>) target_semaphore(%run_scoped3A : memref<!tpu.dma_semaphore, #tpu.memory_space<semaphore_mem>>)
      %dma_wait3A_327 = arith.constant 0 : i32
      %dma_wait3A_328 = tpu.memref_slice %arg19[%mul3A_0, %dma_wait3A_327] : memref<100096x16xf32, #tpu.memory_space<vmem_shared>> -> memref<6256x16xf32, #tpu.memory_space<vmem_shared>>
      %dma_wait3A_329 = arith.constant 0 : i32
      %dma_wait3A_330 = tpu.memref_slice %arg5[%mul3A_0, %dma_wait3A_329] : memref<100096x16xf32, #tpu.memory_space<hbm>> -> memref<6256x16xf32, #tpu.memory_space<hbm>>
      tpu.wait_dma2 semaphore(%run_scoped3A : memref<!tpu.dma_semaphore, #tpu.memory_space<semaphore_mem>>) src(%dma_wait3A_330 : memref<6256x16xf32, #tpu.memory_space<hbm>>) dst(%dma_wait3A_328 : memref<6256x16xf32, #tpu.memory_space<vmem_shared>>)
      tpu.yield
    }) : () -> ()
    %barrier3A = arith.constant 0 : index
    tpu.barrier barrier_id(%barrier3A)
    %mul3A_1 = arith.constant 1568 : i32
    %mul3A_2 = arith.muli %arg1, %mul3A_1 : i32
    %add3A = arith.constant 0 : i32
    %add3A_3 = arith.addi %mul3A_2, %add3A : i32
    "tpu.region"() ({
      %run_scoped3A = tpu.sem_alloc : memref<!tpu.dma_semaphore, #tpu.memory_space<semaphore_mem>>
      %dma_start3A_323 = arith.constant 0 : i32
      %dma_start3A_324 = tpu.memref_slice %arg3[%add3A_3, %dma_start3A_323] : memref<25088x128xi32, #tpu.memory_space<hbm>> -> memref<4x128xi32, #tpu.memory_space<hbm>>
      %dma_start3A_325 = arith.constant 0 : i32
      %dma_start3A_326 = tpu.memref_slice %arg3[%add3A_3, %dma_start3A_325] : memref<25088x128xi32, #tpu.memory_space<hbm>> -> memref<4x128xi32, #tpu.memory_space<hbm>>
      tpu.enqueue_dma source(%dma_start3A_326 : memref<4x128xi32, #tpu.memory_space<hbm>>) target(%arg7 : memref<4x128xi32, #tpu.memory_space<vmem>>) target_semaphore(%run_scoped3A : memref<!tpu.dma_semaphore, #tpu.memory_space<semaphore_mem>>)
      %dma_wait3A_327 = arith.constant 0 : i32
      %dma_wait3A_328 = tpu.memref_slice %arg3[%add3A_3, %dma_wait3A_327] : memref<25088x128xi32, #tpu.memory_space<hbm>> -> memref<4x128xi32, #tpu.memory_space<hbm>>
      %dma_wait3A_329 = arith.constant 0 : i32
      %dma_wait3A_330 = tpu.memref_slice %arg3[%add3A_3, %dma_wait3A_329] : memref<25088x128xi32, #tpu.memory_space<hbm>> -> memref<4x128xi32, #tpu.memory_space<hbm>>
      tpu.wait_dma2 semaphore(%run_scoped3A : memref<!tpu.dma_semaphore, #tpu.memory_space<semaphore_mem>>) src(%dma_wait3A_330 : memref<4x128xi32, #tpu.memory_space<hbm>>) dst(%arg7 : memref<4x128xi32, #tpu.memory_space<vmem>>)
      tpu.yield
    }) : () -> ()
    %add3A_4 = arith.constant 0 : i32
    %add3A_5 = arith.addi %mul3A_2, %add3A_4 : i32
    "tpu.region"() ({
      %run_scoped3A = tpu.sem_alloc : memref<!tpu.dma_semaphore, #tpu.memory_space<semaphore_mem>>
      %dma_start3A_323 = arith.constant 0 : i32
      %dma_start3A_324 = tpu.memref_slice %arg4[%add3A_5, %dma_start3A_323] : memref<25088x128xi32, #tpu.memory_space<hbm>> -> memref<4x128xi32, #tpu.memory_space<hbm>>
      %dma_start3A_325 = arith.constant 0 : i32
      %dma_start3A_326 = tpu.memref_slice %arg4[%add3A_5, %dma_start3A_325] : memref<25088x128xi32, #tpu.memory_space<hbm>> -> memref<4x128xi32, #tpu.memory_space<hbm>>
      tpu.enqueue_dma source(%dma_start3A_326 : memref<4x128xi32, #tpu.memory_space<hbm>>) target(%arg8 : memref<4x128xi32, #tpu.memory_space<vmem>>) target_semaphore(%run_scoped3A : memref<!tpu.dma_semaphore, #tpu.memory_space<semaphore_mem>>)
      %dma_wait3A_327 = arith.constant 0 : i32
      %dma_wait3A_328 = tpu.memref_slice %arg4[%add3A_5, %dma_wait3A_327] : memref<25088x128xi32, #tpu.memory_space<hbm>> -> memref<4x128xi32, #tpu.memory_space<hbm>>
      %dma_wait3A_329 = arith.constant 0 : i32
      %dma_wait3A_330 = tpu.memref_slice %arg4[%add3A_5, %dma_wait3A_329] : memref<25088x128xi32, #tpu.memory_space<hbm>> -> memref<4x128xi32, #tpu.memory_space<hbm>>
      tpu.wait_dma2 semaphore(%run_scoped3A : memref<!tpu.dma_semaphore, #tpu.memory_space<semaphore_mem>>) src(%dma_wait3A_330 : memref<4x128xi32, #tpu.memory_space<hbm>>) dst(%arg8 : memref<4x128xi32, #tpu.memory_space<vmem>>)
      tpu.yield
    }) : () -> ()
    %dma_start3A = arith.constant 0 : i32
    %dma_start3A_6 = arith.constant 0 : i32
    %dma_start3A_7 = tpu.memref_slice %arg7[%dma_start3A, %dma_start3A_6] : memref<4x128xi32, #tpu.memory_space<vmem>> -> memref<1x128xi32, #tpu.memory_space<vmem>>
    %dma_start3A_8 = tpu.memref_squeeze %dma_start3A_7 : memref<1x128xi32, #tpu.memory_space<vmem>> -> memref<128xi32, #tpu.memory_space<vmem>>
    %dma_start3A_9 = arith.constant 0 : i32
    %dma_start3A_10 = arith.constant 0 : i32
    %dma_start3A_11 = tpu.memref_slice %arg2[%arg0, %dma_start3A_9, %dma_start3A_10] : memref<2x100000x16xf32, #tpu.memory_space<hbm>> -> memref<1x100000x16xf32, #tpu.memory_space<hbm>>
    %dma_start3A_12 = tpu.memref_squeeze %dma_start3A_11 : memref<1x100000x16xf32, #tpu.memory_space<hbm>> -> memref<100000x16xf32, #tpu.memory_space<hbm>>
    %dma_start3A_13 = arith.constant 0 : i32
    %dma_start3A_14 = arith.constant 0 : i32
    %dma_start3A_15 = tpu.memref_slice %dma_start3A_12[%dma_start3A_13, %dma_start3A_14] : memref<100000x16xf32, #tpu.memory_space<hbm>> -> memref<100000x16xf32, #tpu.memory_space<hbm>>
    tpu.enqueue_indirect_dma source(%dma_start3A_15 : memref<100000x16xf32, #tpu.memory_space<hbm>>) target(%arg11 : memref<128x16xf32, #tpu.memory_space<vmem>>) offsets(%dma_start3A_8 : memref<128xi32, #tpu.memory_space<vmem>>) semaphore(%arg20 : memref<!tpu.dma_semaphore, #tpu.memory_space<semaphore_mem>>)
    %dma_start3A_16 = arith.constant 1 : i32
    %dma_start3A_17 = arith.constant 0 : i32
    %dma_start3A_18 = tpu.memref_slice %arg7[%dma_start3A_16, %dma_start3A_17] : memref<4x128xi32, #tpu.memory_space<vmem>> -> memref<1x128xi32, #tpu.memory_space<vmem>>
    %dma_start3A_19 = tpu.memref_squeeze %dma_start3A_18 : memref<1x128xi32, #tpu.memory_space<vmem>> -> memref<128xi32, #tpu.memory_space<vmem>>
    %dma_start3A_20 = arith.constant 0 : i32
    %dma_start3A_21 = arith.constant 0 : i32
    %dma_start3A_22 = tpu.memref_slice %arg2[%arg0, %dma_start3A_20, %dma_start3A_21] : memref<2x100000x16xf32, #tpu.memory_space<hbm>> -> memref<1x100000x16xf32, #tpu.memory_space<hbm>>
    %dma_start3A_23 = tpu.memref_squeeze %dma_start3A_22 : memref<1x100000x16xf32, #tpu.memory_space<hbm>> -> memref<100000x16xf32, #tpu.memory_space<hbm>>
    %dma_start3A_24 = arith.constant 0 : i32
    %dma_start3A_25 = arith.constant 0 : i32
    %dma_start3A_26 = tpu.memref_slice %dma_start3A_23[%dma_start3A_24, %dma_start3A_25] : memref<100000x16xf32, #tpu.memory_space<hbm>> -> memref<100000x16xf32, #tpu.memory_space<hbm>>
    tpu.enqueue_indirect_dma source(%dma_start3A_26 : memref<100000x16xf32, #tpu.memory_space<hbm>>) target(%arg12 : memref<128x16xf32, #tpu.memory_space<vmem>>) offsets(%dma_start3A_19 : memref<128xi32, #tpu.memory_space<vmem>>) semaphore(%arg21 : memref<!tpu.dma_semaphore, #tpu.memory_space<semaphore_mem>>)
    %dma_start3A_27 = arith.constant 2 : i32
    %dma_start3A_28 = arith.constant 0 : i32
    %dma_start3A_29 = tpu.memref_slice %arg7[%dma_start3A_27, %dma_start3A_28] : memref<4x128xi32, #tpu.memory_space<vmem>> -> memref<1x128xi32, #tpu.memory_space<vmem>>
    %dma_start3A_30 = tpu.memref_squeeze %dma_start3A_29 : memref<1x128xi32, #tpu.memory_space<vmem>> -> memref<128xi32, #tpu.memory_space<vmem>>
    %dma_start3A_31 = arith.constant 0 : i32
    %dma_start3A_32 = arith.constant 0 : i32
    %dma_start3A_33 = tpu.memref_slice %arg2[%arg0, %dma_start3A_31, %dma_start3A_32] : memref<2x100000x16xf32, #tpu.memory_space<hbm>> -> memref<1x100000x16xf32, #tpu.memory_space<hbm>>
    %dma_start3A_34 = tpu.memref_squeeze %dma_start3A_33 : memref<1x100000x16xf32, #tpu.memory_space<hbm>> -> memref<100000x16xf32, #tpu.memory_space<hbm>>
    %dma_start3A_35 = arith.constant 0 : i32
    %dma_start3A_36 = arith.constant 0 : i32
    %dma_start3A_37 = tpu.memref_slice %dma_start3A_34[%dma_start3A_35, %dma_start3A_36] : memref<100000x16xf32, #tpu.memory_space<hbm>> -> memref<100000x16xf32, #tpu.memory_space<hbm>>
    tpu.enqueue_indirect_dma source(%dma_start3A_37 : memref<100000x16xf32, #tpu.memory_space<hbm>>) target(%arg13 : memref<128x16xf32, #tpu.memory_space<vmem>>) offsets(%dma_start3A_30 : memref<128xi32, #tpu.memory_space<vmem>>) semaphore(%arg22 : memref<!tpu.dma_semaphore, #tpu.memory_space<semaphore_mem>>)
    %dma_start3A_38 = arith.constant 3 : i32
    %dma_start3A_39 = arith.constant 0 : i32
    %dma_start3A_40 = tpu.memref_slice %arg7[%dma_start3A_38, %dma_start3A_39] : memref<4x128xi32, #tpu.memory_space<vmem>> -> memref<1x128xi32, #tpu.memory_space<vmem>>
    %dma_start3A_41 = tpu.memref_squeeze %dma_start3A_40 : memref<1x128xi32, #tpu.memory_space<vmem>> -> memref<128xi32, #tpu.memory_space<vmem>>
    %dma_start3A_42 = arith.constant 0 : i32
    %dma_start3A_43 = arith.constant 0 : i32
    %dma_start3A_44 = tpu.memref_slice %arg2[%arg0, %dma_start3A_42, %dma_start3A_43] : memref<2x100000x16xf32, #tpu.memory_space<hbm>> -> memref<1x100000x16xf32, #tpu.memory_space<hbm>>
    %dma_start3A_45 = tpu.memref_squeeze %dma_start3A_44 : memref<1x100000x16xf32, #tpu.memory_space<hbm>> -> memref<100000x16xf32, #tpu.memory_space<hbm>>
    %dma_start3A_46 = arith.constant 0 : i32
    %dma_start3A_47 = arith.constant 0 : i32
    %dma_start3A_48 = tpu.memref_slice %dma_start3A_45[%dma_start3A_46, %dma_start3A_47] : memref<100000x16xf32, #tpu.memory_space<hbm>> -> memref<100000x16xf32, #tpu.memory_space<hbm>>
    tpu.enqueue_indirect_dma source(%dma_start3A_48 : memref<100000x16xf32, #tpu.memory_space<hbm>>) target(%arg14 : memref<128x16xf32, #tpu.memory_space<vmem>>) offsets(%dma_start3A_41 : memref<128xi32, #tpu.memory_space<vmem>>) semaphore(%arg23 : memref<!tpu.dma_semaphore, #tpu.memory_space<semaphore_mem>>)
    %add3A_49 = arith.constant 4 : i32
    %add3A_50 = arith.addi %mul3A_2, %add3A_49 : i32
    %dma_start3A_51 = arith.constant 0 : i32
    %dma_start3A_52 = tpu.memref_slice %arg3[%add3A_50, %dma_start3A_51] : memref<25088x128xi32, #tpu.memory_space<hbm>> -> memref<4x128xi32, #tpu.memory_space<hbm>>
    %dma_start3A_53 = arith.constant 0 : i32
    %dma_start3A_54 = tpu.memref_slice %arg3[%add3A_50, %dma_start3A_53] : memref<25088x128xi32, #tpu.memory_space<hbm>> -> memref<4x128xi32, #tpu.memory_space<hbm>>
    tpu.enqueue_dma source(%dma_start3A_54 : memref<4x128xi32, #tpu.memory_space<hbm>>) target(%arg9 : memref<4x128xi32, #tpu.memory_space<vmem>>) target_semaphore(%arg29 : memref<!tpu.dma_semaphore, #tpu.memory_space<semaphore_mem>>)
    %add3A_55 = arith.constant 4 : i32
    %add3A_56 = arith.addi %mul3A_2, %add3A_55 : i32
    %dma_start3A_57 = arith.constant 0 : i32
    %dma_start3A_58 = tpu.memref_slice %arg4[%add3A_56, %dma_start3A_57] : memref<25088x128xi32, #tpu.memory_space<hbm>> -> memref<4x128xi32, #tpu.memory_space<hbm>>
    %dma_start3A_59 = arith.constant 0 : i32
    %dma_start3A_60 = tpu.memref_slice %arg4[%add3A_56, %dma_start3A_59] : memref<25088x128xi32, #tpu.memory_space<hbm>> -> memref<4x128xi32, #tpu.memory_space<hbm>>
    tpu.enqueue_dma source(%dma_start3A_60 : memref<4x128xi32, #tpu.memory_space<hbm>>) target(%arg10 : memref<4x128xi32, #tpu.memory_space<vmem>>) target_semaphore(%arg29 : memref<!tpu.dma_semaphore, #tpu.memory_space<semaphore_mem>>)
    %scan3A = arith.constant 0 : i32
    %scan3A_61 = arith.constant 195 : i32
    %scan3A_62 = arith.addi %scan3A, %scan3A_61 : i32
    %scan3A_63 = arith.constant 1 : i32
    scf.for %scan3A_323 = %scan3A to %scan3A_62 step %scan3A_63  : i32 {
      %mul3A_324 = arith.constant 1 : i32
      %mul3A_325 = arith.muli %scan3A_323, %mul3A_324 : i32
      %add3A_326 = arith.constant 0 : i32
      %add3A_327 = arith.addi %add3A_326, %mul3A_325 : i32
      %mul3A_328 = arith.constant 2 : i32
      %mul3A_329 = arith.muli %mul3A_328, %add3A_327 : i32
      %add3A_330 = arith.constant 0 : i32
      %add3A_331 = arith.addi %mul3A_2, %add3A_330 : i32
      %dma_wait3A_332 = arith.constant 0 : i32
      %dma_wait3A_333 = tpu.memref_slice %arg3[%add3A_331, %dma_wait3A_332] : memref<25088x128xi32, #tpu.memory_space<hbm>> -> memref<4x128xi32, #tpu.memory_space<hbm>>
      %dma_wait3A_334 = arith.constant 0 : i32
      %dma_wait3A_335 = tpu.memref_slice %arg3[%add3A_331, %dma_wait3A_334] : memref<25088x128xi32, #tpu.memory_space<hbm>> -> memref<4x128xi32, #tpu.memory_space<hbm>>
      tpu.wait_dma2 semaphore(%arg29 : memref<!tpu.dma_semaphore, #tpu.memory_space<semaphore_mem>>) src(%dma_wait3A_335 : memref<4x128xi32, #tpu.memory_space<hbm>>) dst(%arg9 : memref<4x128xi32, #tpu.memory_space<vmem>>)
      %add3A_336 = arith.constant 0 : i32
      %add3A_337 = arith.addi %mul3A_2, %add3A_336 : i32
      %dma_wait3A_338 = arith.constant 0 : i32
      %dma_wait3A_339 = tpu.memref_slice %arg4[%add3A_337, %dma_wait3A_338] : memref<25088x128xi32, #tpu.memory_space<hbm>> -> memref<4x128xi32, #tpu.memory_space<hbm>>
      %dma_wait3A_340 = arith.constant 0 : i32
      %dma_wait3A_341 = tpu.memref_slice %arg4[%add3A_337, %dma_wait3A_340] : memref<25088x128xi32, #tpu.memory_space<hbm>> -> memref<4x128xi32, #tpu.memory_space<hbm>>
      tpu.wait_dma2 semaphore(%arg29 : memref<!tpu.dma_semaphore, #tpu.memory_space<semaphore_mem>>) src(%dma_wait3A_341 : memref<4x128xi32, #tpu.memory_space<hbm>>) dst(%arg10 : memref<4x128xi32, #tpu.memory_space<vmem>>)
      %add3A_342 = arith.constant 2 : i32
      %add3A_343 = arith.addi %mul3A_329, %add3A_342 : i32
      %dma_wait3A_344 = arith.constant 0 : i32
      %dma_wait3A_345 = arith.constant 0 : i32
      %dma_wait3A_346 = tpu.memref_slice %arg7[%dma_wait3A_344, %dma_wait3A_345] : memref<4x128xi32, #tpu.memory_space<vmem>> -> memref<1x128xi32, #tpu.memory_space<vmem>>
      %dma_wait3A_347 = tpu.memref_squeeze %dma_wait3A_346 : memref<1x128xi32, #tpu.memory_space<vmem>> -> memref<128xi32, #tpu.memory_space<vmem>>
      %dma_wait3A_348 = arith.constant 0 : i32
      %dma_wait3A_349 = arith.constant 0 : i32
      %dma_wait3A_350 = tpu.memref_slice %arg2[%arg0, %dma_wait3A_348, %dma_wait3A_349] : memref<2x100000x16xf32, #tpu.memory_space<hbm>> -> memref<1x100000x16xf32, #tpu.memory_space<hbm>>
      %dma_wait3A_351 = tpu.memref_squeeze %dma_wait3A_350 : memref<1x100000x16xf32, #tpu.memory_space<hbm>> -> memref<100000x16xf32, #tpu.memory_space<hbm>>
      %dma_wait3A_352 = arith.constant 0 : i32
      %dma_wait3A_353 = arith.constant 0 : i32
      %dma_wait3A_354 = tpu.memref_slice %dma_wait3A_351[%dma_wait3A_352, %dma_wait3A_353] : memref<100000x16xf32, #tpu.memory_space<hbm>> -> memref<100000x16xf32, #tpu.memory_space<hbm>>
      tpu.wait_indirect_dma semaphore(%arg20 : memref<!tpu.dma_semaphore, #tpu.memory_space<semaphore_mem>>) src(%dma_wait3A_354 : memref<100000x16xf32, #tpu.memory_space<hbm>>) dst(%arg11 : memref<128x16xf32, #tpu.memory_space<vmem>>)
      %dma_start3A_355 = arith.constant 0 : i32
      %dma_start3A_356 = arith.constant 0 : i32
      %dma_start3A_357 = tpu.memref_slice %arg8[%dma_start3A_355, %dma_start3A_356] : memref<4x128xi32, #tpu.memory_space<vmem>> -> memref<1x128xi32, #tpu.memory_space<vmem>>
      %dma_start3A_358 = tpu.memref_squeeze %dma_start3A_357 : memref<1x128xi32, #tpu.memory_space<vmem>> -> memref<128xi32, #tpu.memory_space<vmem>>
      %dma_start3A_359 = arith.constant 0 : i32
      %dma_start3A_360 = arith.constant 0 : i32
      %dma_start3A_361 = tpu.memref_slice %arg19[%dma_start3A_359, %dma_start3A_360] : memref<100096x16xf32, #tpu.memory_space<vmem_shared>> -> memref<100096x16xf32, #tpu.memory_space<vmem_shared>>
      tpu.enqueue_indirect_dma source(%arg11 : memref<128x16xf32, #tpu.memory_space<vmem>>) target(%dma_start3A_361 : memref<100096x16xf32, #tpu.memory_space<vmem_shared>>) offsets(%dma_start3A_358 : memref<128xi32, #tpu.memory_space<vmem>>) semaphore(%arg24 : memref<!tpu.dma_semaphore, #tpu.memory_space<semaphore_mem>>) {add = true}
      %dma_start3A_362 = arith.constant 0 : i32
      %dma_start3A_363 = arith.constant 0 : i32
      %dma_start3A_364 = tpu.memref_slice %arg9[%dma_start3A_362, %dma_start3A_363] : memref<4x128xi32, #tpu.memory_space<vmem>> -> memref<1x128xi32, #tpu.memory_space<vmem>>
      %dma_start3A_365 = tpu.memref_squeeze %dma_start3A_364 : memref<1x128xi32, #tpu.memory_space<vmem>> -> memref<128xi32, #tpu.memory_space<vmem>>
      %dma_start3A_366 = arith.constant 0 : i32
      %dma_start3A_367 = arith.constant 0 : i32
      %dma_start3A_368 = tpu.memref_slice %arg2[%arg0, %dma_start3A_366, %dma_start3A_367] : memref<2x100000x16xf32, #tpu.memory_space<hbm>> -> memref<1x100000x16xf32, #tpu.memory_space<hbm>>
      %dma_start3A_369 = tpu.memref_squeeze %dma_start3A_368 : memref<1x100000x16xf32, #tpu.memory_space<hbm>> -> memref<100000x16xf32, #tpu.memory_space<hbm>>
      %dma_start3A_370 = arith.constant 0 : i32
      %dma_start3A_371 = arith.constant 0 : i32
      %dma_start3A_372 = tpu.memref_slice %dma_start3A_369[%dma_start3A_370, %dma_start3A_371] : memref<100000x16xf32, #tpu.memory_space<hbm>> -> memref<100000x16xf32, #tpu.memory_space<hbm>>
      tpu.enqueue_indirect_dma source(%dma_start3A_372 : memref<100000x16xf32, #tpu.memory_space<hbm>>) target(%arg15 : memref<128x16xf32, #tpu.memory_space<vmem>>) offsets(%dma_start3A_365 : memref<128xi32, #tpu.memory_space<vmem>>) semaphore(%arg20 : memref<!tpu.dma_semaphore, #tpu.memory_space<semaphore_mem>>)
      %dma_wait3A_373 = arith.constant 1 : i32
      %dma_wait3A_374 = arith.constant 0 : i32
      %dma_wait3A_375 = tpu.memref_slice %arg7[%dma_wait3A_373, %dma_wait3A_374] : memref<4x128xi32, #tpu.memory_space<vmem>> -> memref<1x128xi32, #tpu.memory_space<vmem>>
      %dma_wait3A_376 = tpu.memref_squeeze %dma_wait3A_375 : memref<1x128xi32, #tpu.memory_space<vmem>> -> memref<128xi32, #tpu.memory_space<vmem>>
      %dma_wait3A_377 = arith.constant 0 : i32
      %dma_wait3A_378 = arith.constant 0 : i32
      %dma_wait3A_379 = tpu.memref_slice %arg2[%arg0, %dma_wait3A_377, %dma_wait3A_378] : memref<2x100000x16xf32, #tpu.memory_space<hbm>> -> memref<1x100000x16xf32, #tpu.memory_space<hbm>>
      %dma_wait3A_380 = tpu.memref_squeeze %dma_wait3A_379 : memref<1x100000x16xf32, #tpu.memory_space<hbm>> -> memref<100000x16xf32, #tpu.memory_space<hbm>>
      %dma_wait3A_381 = arith.constant 0 : i32
      %dma_wait3A_382 = arith.constant 0 : i32
      %dma_wait3A_383 = tpu.memref_slice %dma_wait3A_380[%dma_wait3A_381, %dma_wait3A_382] : memref<100000x16xf32, #tpu.memory_space<hbm>> -> memref<100000x16xf32, #tpu.memory_space<hbm>>
      tpu.wait_indirect_dma semaphore(%arg21 : memref<!tpu.dma_semaphore, #tpu.memory_space<semaphore_mem>>) src(%dma_wait3A_383 : memref<100000x16xf32, #tpu.memory_space<hbm>>) dst(%arg12 : memref<128x16xf32, #tpu.memory_space<vmem>>)
      %dma_start3A_384 = arith.constant 1 : i32
      %dma_start3A_385 = arith.constant 0 : i32
      %dma_start3A_386 = tpu.memref_slice %arg8[%dma_start3A_384, %dma_start3A_385] : memref<4x128xi32, #tpu.memory_space<vmem>> -> memref<1x128xi32, #tpu.memory_space<vmem>>
      %dma_start3A_387 = tpu.memref_squeeze %dma_start3A_386 : memref<1x128xi32, #tpu.memory_space<vmem>> -> memref<128xi32, #tpu.memory_space<vmem>>
      %dma_start3A_388 = arith.constant 0 : i32
      %dma_start3A_389 = arith.constant 0 : i32
      %dma_start3A_390 = tpu.memref_slice %arg19[%dma_start3A_388, %dma_start3A_389] : memref<100096x16xf32, #tpu.memory_space<vmem_shared>> -> memref<100096x16xf32, #tpu.memory_space<vmem_shared>>
      tpu.enqueue_indirect_dma source(%arg12 : memref<128x16xf32, #tpu.memory_space<vmem>>) target(%dma_start3A_390 : memref<100096x16xf32, #tpu.memory_space<vmem_shared>>) offsets(%dma_start3A_387 : memref<128xi32, #tpu.memory_space<vmem>>) semaphore(%arg25 : memref<!tpu.dma_semaphore, #tpu.memory_space<semaphore_mem>>) {add = true}
      %dma_start3A_391 = arith.constant 1 : i32
      %dma_start3A_392 = arith.constant 0 : i32
      %dma_start3A_393 = tpu.memref_slice %arg9[%dma_start3A_391, %dma_start3A_392] : memref<4x128xi32, #tpu.memory_space<vmem>> -> memref<1x128xi32, #tpu.memory_space<vmem>>
      %dma_start3A_394 = tpu.memref_squeeze %dma_start3A_393 : memref<1x128xi32, #tpu.memory_space<vmem>> -> memref<128xi32, #tpu.memory_space<vmem>>
      %dma_start3A_395 = arith.constant 0 : i32
      %dma_start3A_396 = arith.constant 0 : i32
      %dma_start3A_397 = tpu.memref_slice %arg2[%arg0, %dma_start3A_395, %dma_start3A_396] : memref<2x100000x16xf32, #tpu.memory_space<hbm>> -> memref<1x100000x16xf32, #tpu.memory_space<hbm>>
      %dma_start3A_398 = tpu.memref_squeeze %dma_start3A_397 : memref<1x100000x16xf32, #tpu.memory_space<hbm>> -> memref<100000x16xf32, #tpu.memory_space<hbm>>
      %dma_start3A_399 = arith.constant 0 : i32
      %dma_start3A_400 = arith.constant 0 : i32
      %dma_start3A_401 = tpu.memref_slice %dma_start3A_398[%dma_start3A_399, %dma_start3A_400] : memref<100000x16xf32, #tpu.memory_space<hbm>> -> memref<100000x16xf32, #tpu.memory_space<hbm>>
      tpu.enqueue_indirect_dma source(%dma_start3A_401 : memref<100000x16xf32, #tpu.memory_space<hbm>>) target(%arg16 : memref<128x16xf32, #tpu.memory_space<vmem>>) offsets(%dma_start3A_394 : memref<128xi32, #tpu.memory_space<vmem>>) semaphore(%arg21 : memref<!tpu.dma_semaphore, #tpu.memory_space<semaphore_mem>>)
      %dma_wait3A_402 = arith.constant 2 : i32
      %dma_wait3A_403 = arith.constant 0 : i32
      %dma_wait3A_404 = tpu.memref_slice %arg7[%dma_wait3A_402, %dma_wait3A_403] : memref<4x128xi32, #tpu.memory_space<vmem>> -> memref<1x128xi32, #tpu.memory_space<vmem>>
      %dma_wait3A_405 = tpu.memref_squeeze %dma_wait3A_404 : memref<1x128xi32, #tpu.memory_space<vmem>> -> memref<128xi32, #tpu.memory_space<vmem>>
      %dma_wait3A_406 = arith.constant 0 : i32
      %dma_wait3A_407 = arith.constant 0 : i32
      %dma_wait3A_408 = tpu.memref_slice %arg2[%arg0, %dma_wait3A_406, %dma_wait3A_407] : memref<2x100000x16xf32, #tpu.memory_space<hbm>> -> memref<1x100000x16xf32, #tpu.memory_space<hbm>>
      %dma_wait3A_409 = tpu.memref_squeeze %dma_wait3A_408 : memref<1x100000x16xf32, #tpu.memory_space<hbm>> -> memref<100000x16xf32, #tpu.memory_space<hbm>>
      %dma_wait3A_410 = arith.constant 0 : i32
      %dma_wait3A_411 = arith.constant 0 : i32
      %dma_wait3A_412 = tpu.memref_slice %dma_wait3A_409[%dma_wait3A_410, %dma_wait3A_411] : memref<100000x16xf32, #tpu.memory_space<hbm>> -> memref<100000x16xf32, #tpu.memory_space<hbm>>
      tpu.wait_indirect_dma semaphore(%arg22 : memref<!tpu.dma_semaphore, #tpu.memory_space<semaphore_mem>>) src(%dma_wait3A_412 : memref<100000x16xf32, #tpu.memory_space<hbm>>) dst(%arg13 : memref<128x16xf32, #tpu.memory_space<vmem>>)
      %dma_start3A_413 = arith.constant 2 : i32
      %dma_start3A_414 = arith.constant 0 : i32
      %dma_start3A_415 = tpu.memref_slice %arg8[%dma_start3A_413, %dma_start3A_414] : memref<4x128xi32, #tpu.memory_space<vmem>> -> memref<1x128xi32, #tpu.memory_space<vmem>>
      %dma_start3A_416 = tpu.memref_squeeze %dma_start3A_415 : memref<1x128xi32, #tpu.memory_space<vmem>> -> memref<128xi32, #tpu.memory_space<vmem>>
      %dma_start3A_417 = arith.constant 0 : i32
      %dma_start3A_418 = arith.constant 0 : i32
      %dma_start3A_419 = tpu.memref_slice %arg19[%dma_start3A_417, %dma_start3A_418] : memref<100096x16xf32, #tpu.memory_space<vmem_shared>> -> memref<100096x16xf32, #tpu.memory_space<vmem_shared>>
      tpu.enqueue_indirect_dma source(%arg13 : memref<128x16xf32, #tpu.memory_space<vmem>>) target(%dma_start3A_419 : memref<100096x16xf32, #tpu.memory_space<vmem_shared>>) offsets(%dma_start3A_416 : memref<128xi32, #tpu.memory_space<vmem>>) semaphore(%arg26 : memref<!tpu.dma_semaphore, #tpu.memory_space<semaphore_mem>>) {add = true}
      %dma_start3A_420 = arith.constant 2 : i32
      %dma_start3A_421 = arith.constant 0 : i32
      %dma_start3A_422 = tpu.memref_slice %arg9[%dma_start3A_420, %dma_start3A_421] : memref<4x128xi32, #tpu.memory_space<vmem>> -> memref<1x128xi32, #tpu.memory_space<vmem>>
      %dma_start3A_423 = tpu.memref_squeeze %dma_start3A_422 : memref<1x128xi32, #tpu.memory_space<vmem>> -> memref<128xi32, #tpu.memory_space<vmem>>
      %dma_start3A_424 = arith.constant 0 : i32
      %dma_start3A_425 = arith.constant 0 : i32
      %dma_start3A_426 = tpu.memref_slice %arg2[%arg0, %dma_start3A_424, %dma_start3A_425] : memref<2x100000x16xf32, #tpu.memory_space<hbm>> -> memref<1x100000x16xf32, #tpu.memory_space<hbm>>
      %dma_start3A_427 = tpu.memref_squeeze %dma_start3A_426 : memref<1x100000x16xf32, #tpu.memory_space<hbm>> -> memref<100000x16xf32, #tpu.memory_space<hbm>>
      %dma_start3A_428 = arith.constant 0 : i32
      %dma_start3A_429 = arith.constant 0 : i32
      %dma_start3A_430 = tpu.memref_slice %dma_start3A_427[%dma_start3A_428, %dma_start3A_429] : memref<100000x16xf32, #tpu.memory_space<hbm>> -> memref<100000x16xf32, #tpu.memory_space<hbm>>
      tpu.enqueue_indirect_dma source(%dma_start3A_430 : memref<100000x16xf32, #tpu.memory_space<hbm>>) target(%arg17 : memref<128x16xf32, #tpu.memory_space<vmem>>) offsets(%dma_start3A_423 : memref<128xi32, #tpu.memory_space<vmem>>) semaphore(%arg22 : memref<!tpu.dma_semaphore, #tpu.memory_space<semaphore_mem>>)
      %dma_wait3A_431 = arith.constant 3 : i32
      %dma_wait3A_432 = arith.constant 0 : i32
      %dma_wait3A_433 = tpu.memref_slice %arg7[%dma_wait3A_431, %dma_wait3A_432] : memref<4x128xi32, #tpu.memory_space<vmem>> -> memref<1x128xi32, #tpu.memory_space<vmem>>
      %dma_wait3A_434 = tpu.memref_squeeze %dma_wait3A_433 : memref<1x128xi32, #tpu.memory_space<vmem>> -> memref<128xi32, #tpu.memory_space<vmem>>
      %dma_wait3A_435 = arith.constant 0 : i32
      %dma_wait3A_436 = arith.constant 0 : i32
      %dma_wait3A_437 = tpu.memref_slice %arg2[%arg0, %dma_wait3A_435, %dma_wait3A_436] : memref<2x100000x16xf32, #tpu.memory_space<hbm>> -> memref<1x100000x16xf32, #tpu.memory_space<hbm>>
      %dma_wait3A_438 = tpu.memref_squeeze %dma_wait3A_437 : memref<1x100000x16xf32, #tpu.memory_space<hbm>> -> memref<100000x16xf32, #tpu.memory_space<hbm>>
      %dma_wait3A_439 = arith.constant 0 : i32
      %dma_wait3A_440 = arith.constant 0 : i32
      %dma_wait3A_441 = tpu.memref_slice %dma_wait3A_438[%dma_wait3A_439, %dma_wait3A_440] : memref<100000x16xf32, #tpu.memory_space<hbm>> -> memref<100000x16xf32, #tpu.memory_space<hbm>>
      tpu.wait_indirect_dma semaphore(%arg23 : memref<!tpu.dma_semaphore, #tpu.memory_space<semaphore_mem>>) src(%dma_wait3A_441 : memref<100000x16xf32, #tpu.memory_space<hbm>>) dst(%arg14 : memref<128x16xf32, #tpu.memory_space<vmem>>)
      %dma_start3A_442 = arith.constant 3 : i32
      %dma_start3A_443 = arith.constant 0 : i32
      %dma_start3A_444 = tpu.memref_slice %arg8[%dma_start3A_442, %dma_start3A_443] : memref<4x128xi32, #tpu.memory_space<vmem>> -> memref<1x128xi32, #tpu.memory_space<vmem>>
      %dma_start3A_445 = tpu.memref_squeeze %dma_start3A_444 : memref<1x128xi32, #tpu.memory_space<vmem>> -> memref<128xi32, #tpu.memory_space<vmem>>
      %dma_start3A_446 = arith.constant 0 : i32
      %dma_start3A_447 = arith.constant 0 : i32
      %dma_start3A_448 = tpu.memref_slice %arg19[%dma_start3A_446, %dma_start3A_447] : memref<100096x16xf32, #tpu.memory_space<vmem_shared>> -> memref<100096x16xf32, #tpu.memory_space<vmem_shared>>
      tpu.enqueue_indirect_dma source(%arg14 : memref<128x16xf32, #tpu.memory_space<vmem>>) target(%dma_start3A_448 : memref<100096x16xf32, #tpu.memory_space<vmem_shared>>) offsets(%dma_start3A_445 : memref<128xi32, #tpu.memory_space<vmem>>) semaphore(%arg27 : memref<!tpu.dma_semaphore, #tpu.memory_space<semaphore_mem>>) {add = true}
      %dma_start3A_449 = arith.constant 3 : i32
      %dma_start3A_450 = arith.constant 0 : i32
      %dma_start3A_451 = tpu.memref_slice %arg9[%dma_start3A_449, %dma_start3A_450] : memref<4x128xi32, #tpu.memory_space<vmem>> -> memref<1x128xi32, #tpu.memory_space<vmem>>
      %dma_start3A_452 = tpu.memref_squeeze %dma_start3A_451 : memref<1x128xi32, #tpu.memory_space<vmem>> -> memref<128xi32, #tpu.memory_space<vmem>>
      %dma_start3A_453 = arith.constant 0 : i32
      %dma_start3A_454 = arith.constant 0 : i32
      %dma_start3A_455 = tpu.memref_slice %arg2[%arg0, %dma_start3A_453, %dma_start3A_454] : memref<2x100000x16xf32, #tpu.memory_space<hbm>> -> memref<1x100000x16xf32, #tpu.memory_space<hbm>>
      %dma_start3A_456 = tpu.memref_squeeze %dma_start3A_455 : memref<1x100000x16xf32, #tpu.memory_space<hbm>> -> memref<100000x16xf32, #tpu.memory_space<hbm>>
      %dma_start3A_457 = arith.constant 0 : i32
      %dma_start3A_458 = arith.constant 0 : i32
      %dma_start3A_459 = tpu.memref_slice %dma_start3A_456[%dma_start3A_457, %dma_start3A_458] : memref<100000x16xf32, #tpu.memory_space<hbm>> -> memref<100000x16xf32, #tpu.memory_space<hbm>>
      tpu.enqueue_indirect_dma source(%dma_start3A_459 : memref<100000x16xf32, #tpu.memory_space<hbm>>) target(%arg18 : memref<128x16xf32, #tpu.memory_space<vmem>>) offsets(%dma_start3A_452 : memref<128xi32, #tpu.memory_space<vmem>>) semaphore(%arg23 : memref<!tpu.dma_semaphore, #tpu.memory_space<semaphore_mem>>)
      %dma_wait3A_460 = arith.constant 0 : i32
      %dma_wait3A_461 = arith.constant 0 : i32
      %dma_wait3A_462 = tpu.memref_slice %arg8[%dma_wait3A_460, %dma_wait3A_461] : memref<4x128xi32, #tpu.memory_space<vmem>> -> memref<1x128xi32, #tpu.memory_space<vmem>>
      %dma_wait3A_463 = tpu.memref_squeeze %dma_wait3A_462 : memref<1x128xi32, #tpu.memory_space<vmem>> -> memref<128xi32, #tpu.memory_space<vmem>>
      %dma_wait3A_464 = arith.constant 0 : i32
      %dma_wait3A_465 = arith.constant 0 : i32
      %dma_wait3A_466 = tpu.memref_slice %arg19[%dma_wait3A_464, %dma_wait3A_465] : memref<100096x16xf32, #tpu.memory_space<vmem_shared>> -> memref<100096x16xf32, #tpu.memory_space<vmem_shared>>
      tpu.wait_indirect_dma semaphore(%arg24 : memref<!tpu.dma_semaphore, #tpu.memory_space<semaphore_mem>>) src(%arg11 : memref<128x16xf32, #tpu.memory_space<vmem>>) dst(%dma_wait3A_466 : memref<100096x16xf32, #tpu.memory_space<vmem_shared>>)
      %dma_wait3A_467 = arith.constant 1 : i32
      %dma_wait3A_468 = arith.constant 0 : i32
      %dma_wait3A_469 = tpu.memref_slice %arg8[%dma_wait3A_467, %dma_wait3A_468] : memref<4x128xi32, #tpu.memory_space<vmem>> -> memref<1x128xi32, #tpu.memory_space<vmem>>
      %dma_wait3A_470 = tpu.memref_squeeze %dma_wait3A_469 : memref<1x128xi32, #tpu.memory_space<vmem>> -> memref<128xi32, #tpu.memory_space<vmem>>
      %dma_wait3A_471 = arith.constant 0 : i32
      %dma_wait3A_472 = arith.constant 0 : i32
      %dma_wait3A_473 = tpu.memref_slice %arg19[%dma_wait3A_471, %dma_wait3A_472] : memref<100096x16xf32, #tpu.memory_space<vmem_shared>> -> memref<100096x16xf32, #tpu.memory_space<vmem_shared>>
      tpu.wait_indirect_dma semaphore(%arg25 : memref<!tpu.dma_semaphore, #tpu.memory_space<semaphore_mem>>) src(%arg12 : memref<128x16xf32, #tpu.memory_space<vmem>>) dst(%dma_wait3A_473 : memref<100096x16xf32, #tpu.memory_space<vmem_shared>>)
      %dma_wait3A_474 = arith.constant 2 : i32
      %dma_wait3A_475 = arith.constant 0 : i32
      %dma_wait3A_476 = tpu.memref_slice %arg8[%dma_wait3A_474, %dma_wait3A_475] : memref<4x128xi32, #tpu.memory_space<vmem>> -> memref<1x128xi32, #tpu.memory_space<vmem>>
      %dma_wait3A_477 = tpu.memref_squeeze %dma_wait3A_476 : memref<1x128xi32, #tpu.memory_space<vmem>> -> memref<128xi32, #tpu.memory_space<vmem>>
      %dma_wait3A_478 = arith.constant 0 : i32
      %dma_wait3A_479 = arith.constant 0 : i32
      %dma_wait3A_480 = tpu.memref_slice %arg19[%dma_wait3A_478, %dma_wait3A_479] : memref<100096x16xf32, #tpu.memory_space<vmem_shared>> -> memref<100096x16xf32, #tpu.memory_space<vmem_shared>>
      tpu.wait_indirect_dma semaphore(%arg26 : memref<!tpu.dma_semaphore, #tpu.memory_space<semaphore_mem>>) src(%arg13 : memref<128x16xf32, #tpu.memory_space<vmem>>) dst(%dma_wait3A_480 : memref<100096x16xf32, #tpu.memory_space<vmem_shared>>)
      %dma_wait3A_481 = arith.constant 3 : i32
      %dma_wait3A_482 = arith.constant 0 : i32
      %dma_wait3A_483 = tpu.memref_slice %arg8[%dma_wait3A_481, %dma_wait3A_482] : memref<4x128xi32, #tpu.memory_space<vmem>> -> memref<1x128xi32, #tpu.memory_space<vmem>>
      %dma_wait3A_484 = tpu.memref_squeeze %dma_wait3A_483 : memref<1x128xi32, #tpu.memory_space<vmem>> -> memref<128xi32, #tpu.memory_space<vmem>>
      %dma_wait3A_485 = arith.constant 0 : i32
      %dma_wait3A_486 = arith.constant 0 : i32
      %dma_wait3A_487 = tpu.memref_slice %arg19[%dma_wait3A_485, %dma_wait3A_486] : memref<100096x16xf32, #tpu.memory_space<vmem_shared>> -> memref<100096x16xf32, #tpu.memory_space<vmem_shared>>
      tpu.wait_indirect_dma semaphore(%arg27 : memref<!tpu.dma_semaphore, #tpu.memory_space<semaphore_mem>>) src(%arg14 : memref<128x16xf32, #tpu.memory_space<vmem>>) dst(%dma_wait3A_487 : memref<100096x16xf32, #tpu.memory_space<vmem_shared>>)
      %mul3A_488 = arith.constant 4 : i32
      %mul3A_489 = arith.muli %add3A_343, %mul3A_488 : i32
      %add3A_490 = arith.addi %mul3A_2, %mul3A_489 : i32
      %dma_start3A_491 = arith.constant 0 : i32
      %dma_start3A_492 = tpu.memref_slice %arg3[%add3A_490, %dma_start3A_491] : memref<25088x128xi32, #tpu.memory_space<hbm>> -> memref<4x128xi32, #tpu.memory_space<hbm>>
      %dma_start3A_493 = arith.constant 0 : i32
      %dma_start3A_494 = tpu.memref_slice %arg3[%add3A_490, %dma_start3A_493] : memref<25088x128xi32, #tpu.memory_space<hbm>> -> memref<4x128xi32, #tpu.memory_space<hbm>>
      tpu.enqueue_dma source(%dma_start3A_494 : memref<4x128xi32, #tpu.memory_space<hbm>>) target(%arg7 : memref<4x128xi32, #tpu.memory_space<vmem>>) target_semaphore(%arg28 : memref<!tpu.dma_semaphore, #tpu.memory_space<semaphore_mem>>)
      %mul3A_495 = arith.constant 4 : i32
      %mul3A_496 = arith.muli %add3A_343, %mul3A_495 : i32
      %add3A_497 = arith.addi %mul3A_2, %mul3A_496 : i32
      %dma_start3A_498 = arith.constant 0 : i32
      %dma_start3A_499 = tpu.memref_slice %arg4[%add3A_497, %dma_start3A_498] : memref<25088x128xi32, #tpu.memory_space<hbm>> -> memref<4x128xi32, #tpu.memory_space<hbm>>
      %dma_start3A_500 = arith.constant 0 : i32
      %dma_start3A_501 = tpu.memref_slice %arg4[%add3A_497, %dma_start3A_500] : memref<25088x128xi32, #tpu.memory_space<hbm>> -> memref<4x128xi32, #tpu.memory_space<hbm>>
      tpu.enqueue_dma source(%dma_start3A_501 : memref<4x128xi32, #tpu.memory_space<hbm>>) target(%arg8 : memref<4x128xi32, #tpu.memory_space<vmem>>) target_semaphore(%arg28 : memref<!tpu.dma_semaphore, #tpu.memory_space<semaphore_mem>>)
      %add3A_502 = arith.constant 0 : i32
      %add3A_503 = arith.addi %mul3A_2, %add3A_502 : i32
      %dma_wait3A_504 = arith.constant 0 : i32
      %dma_wait3A_505 = tpu.memref_slice %arg3[%add3A_503, %dma_wait3A_504] : memref<25088x128xi32, #tpu.memory_space<hbm>> -> memref<4x128xi32, #tpu.memory_space<hbm>>
      %dma_wait3A_506 = arith.constant 0 : i32
      %dma_wait3A_507 = tpu.memref_slice %arg3[%add3A_503, %dma_wait3A_506] : memref<25088x128xi32, #tpu.memory_space<hbm>> -> memref<4x128xi32, #tpu.memory_space<hbm>>
      tpu.wait_dma2 semaphore(%arg28 : memref<!tpu.dma_semaphore, #tpu.memory_space<semaphore_mem>>) src(%dma_wait3A_507 : memref<4x128xi32, #tpu.memory_space<hbm>>) dst(%arg7 : memref<4x128xi32, #tpu.memory_space<vmem>>)
      %add3A_508 = arith.constant 0 : i32
      %add3A_509 = arith.addi %mul3A_2, %add3A_508 : i32
      %dma_wait3A_510 = arith.constant 0 : i32
      %dma_wait3A_511 = tpu.memref_slice %arg4[%add3A_509, %dma_wait3A_510] : memref<25088x128xi32, #tpu.memory_space<hbm>> -> memref<4x128xi32, #tpu.memory_space<hbm>>
      %dma_wait3A_512 = arith.constant 0 : i32
      %dma_wait3A_513 = tpu.memref_slice %arg4[%add3A_509, %dma_wait3A_512] : memref<25088x128xi32, #tpu.memory_space<hbm>> -> memref<4x128xi32, #tpu.memory_space<hbm>>
      tpu.wait_dma2 semaphore(%arg28 : memref<!tpu.dma_semaphore, #tpu.memory_space<semaphore_mem>>) src(%dma_wait3A_513 : memref<4x128xi32, #tpu.memory_space<hbm>>) dst(%arg8 : memref<4x128xi32, #tpu.memory_space<vmem>>)
      %add3A_514 = arith.constant 3 : i32
      %add3A_515 = arith.addi %mul3A_329, %add3A_514 : i32
      %dma_wait3A_516 = arith.constant 0 : i32
      %dma_wait3A_517 = arith.constant 0 : i32
      %dma_wait3A_518 = tpu.memref_slice %arg9[%dma_wait3A_516, %dma_wait3A_517] : memref<4x128xi32, #tpu.memory_space<vmem>> -> memref<1x128xi32, #tpu.memory_space<vmem>>
      %dma_wait3A_519 = tpu.memref_squeeze %dma_wait3A_518 : memref<1x128xi32, #tpu.memory_space<vmem>> -> memref<128xi32, #tpu.memory_space<vmem>>
      %dma_wait3A_520 = arith.constant 0 : i32
      %dma_wait3A_521 = arith.constant 0 : i32
      %dma_wait3A_522 = tpu.memref_slice %arg2[%arg0, %dma_wait3A_520, %dma_wait3A_521] : memref<2x100000x16xf32, #tpu.memory_space<hbm>> -> memref<1x100000x16xf32, #tpu.memory_space<hbm>>
      %dma_wait3A_523 = tpu.memref_squeeze %dma_wait3A_522 : memref<1x100000x16xf32, #tpu.memory_space<hbm>> -> memref<100000x16xf32, #tpu.memory_space<hbm>>
      %dma_wait3A_524 = arith.constant 0 : i32
      %dma_wait3A_525 = arith.constant 0 : i32
      %dma_wait3A_526 = tpu.memref_slice %dma_wait3A_523[%dma_wait3A_524, %dma_wait3A_525] : memref<100000x16xf32, #tpu.memory_space<hbm>> -> memref<100000x16xf32, #tpu.memory_space<hbm>>
      tpu.wait_indirect_dma semaphore(%arg20 : memref<!tpu.dma_semaphore, #tpu.memory_space<semaphore_mem>>) src(%dma_wait3A_526 : memref<100000x16xf32, #tpu.memory_space<hbm>>) dst(%arg15 : memref<128x16xf32, #tpu.memory_space<vmem>>)
      %dma_start3A_527 = arith.constant 0 : i32
      %dma_start3A_528 = arith.constant 0 : i32
      %dma_start3A_529 = tpu.memref_slice %arg10[%dma_start3A_527, %dma_start3A_528] : memref<4x128xi32, #tpu.memory_space<vmem>> -> memref<1x128xi32, #tpu.memory_space<vmem>>
      %dma_start3A_530 = tpu.memref_squeeze %dma_start3A_529 : memref<1x128xi32, #tpu.memory_space<vmem>> -> memref<128xi32, #tpu.memory_space<vmem>>
      %dma_start3A_531 = arith.constant 0 : i32
      %dma_start3A_532 = arith.constant 0 : i32
      %dma_start3A_533 = tpu.memref_slice %arg19[%dma_start3A_531, %dma_start3A_532] : memref<100096x16xf32, #tpu.memory_space<vmem_shared>> -> memref<100096x16xf32, #tpu.memory_space<vmem_shared>>
      tpu.enqueue_indirect_dma source(%arg15 : memref<128x16xf32, #tpu.memory_space<vmem>>) target(%dma_start3A_533 : memref<100096x16xf32, #tpu.memory_space<vmem_shared>>) offsets(%dma_start3A_530 : memref<128xi32, #tpu.memory_space<vmem>>) semaphore(%arg24 : memref<!tpu.dma_semaphore, #tpu.memory_space<semaphore_mem>>) {add = true}
      %dma_start3A_534 = arith.constant 0 : i32
      %dma_start3A_535 = arith.constant 0 : i32
      %dma_start3A_536 = tpu.memref_slice %arg7[%dma_start3A_534, %dma_start3A_535] : memref<4x128xi32, #tpu.memory_space<vmem>> -> memref<1x128xi32, #tpu.memory_space<vmem>>
      %dma_start3A_537 = tpu.memref_squeeze %dma_start3A_536 : memref<1x128xi32, #tpu.memory_space<vmem>> -> memref<128xi32, #tpu.memory_space<vmem>>
      %dma_start3A_538 = arith.constant 0 : i32
      %dma_start3A_539 = arith.constant 0 : i32
      %dma_start3A_540 = tpu.memref_slice %arg2[%arg0, %dma_start3A_538, %dma_start3A_539] : memref<2x100000x16xf32, #tpu.memory_space<hbm>> -> memref<1x100000x16xf32, #tpu.memory_space<hbm>>
      %dma_start3A_541 = tpu.memref_squeeze %dma_start3A_540 : memref<1x100000x16xf32, #tpu.memory_space<hbm>> -> memref<100000x16xf32, #tpu.memory_space<hbm>>
      %dma_start3A_542 = arith.constant 0 : i32
      %dma_start3A_543 = arith.constant 0 : i32
      %dma_start3A_544 = tpu.memref_slice %dma_start3A_541[%dma_start3A_542, %dma_start3A_543] : memref<100000x16xf32, #tpu.memory_space<hbm>> -> memref<100000x16xf32, #tpu.memory_space<hbm>>
      tpu.enqueue_indirect_dma source(%dma_start3A_544 : memref<100000x16xf32, #tpu.memory_space<hbm>>) target(%arg11 : memref<128x16xf32, #tpu.memory_space<vmem>>) offsets(%dma_start3A_537 : memref<128xi32, #tpu.memory_space<vmem>>) semaphore(%arg20 : memref<!tpu.dma_semaphore, #tpu.memory_space<semaphore_mem>>)
      %dma_wait3A_545 = arith.constant 1 : i32
      %dma_wait3A_546 = arith.constant 0 : i32
      %dma_wait3A_547 = tpu.memref_slice %arg9[%dma_wait3A_545, %dma_wait3A_546] : memref<4x128xi32, #tpu.memory_space<vmem>> -> memref<1x128xi32, #tpu.memory_space<vmem>>
      %dma_wait3A_548 = tpu.memref_squeeze %dma_wait3A_547 : memref<1x128xi32, #tpu.memory_space<vmem>> -> memref<128xi32, #tpu.memory_space<vmem>>
      %dma_wait3A_549 = arith.constant 0 : i32
      %dma_wait3A_550 = arith.constant 0 : i32
      %dma_wait3A_551 = tpu.memref_slice %arg2[%arg0, %dma_wait3A_549, %dma_wait3A_550] : memref<2x100000x16xf32, #tpu.memory_space<hbm>> -> memref<1x100000x16xf32, #tpu.memory_space<hbm>>
      %dma_wait3A_552 = tpu.memref_squeeze %dma_wait3A_551 : memref<1x100000x16xf32, #tpu.memory_space<hbm>> -> memref<100000x16xf32, #tpu.memory_space<hbm>>
      %dma_wait3A_553 = arith.constant 0 : i32
      %dma_wait3A_554 = arith.constant 0 : i32
      %dma_wait3A_555 = tpu.memref_slice %dma_wait3A_552[%dma_wait3A_553, %dma_wait3A_554] : memref<100000x16xf32, #tpu.memory_space<hbm>> -> memref<100000x16xf32, #tpu.memory_space<hbm>>
      tpu.wait_indirect_dma semaphore(%arg21 : memref<!tpu.dma_semaphore, #tpu.memory_space<semaphore_mem>>) src(%dma_wait3A_555 : memref<100000x16xf32, #tpu.memory_space<hbm>>) dst(%arg16 : memref<128x16xf32, #tpu.memory_space<vmem>>)
      %dma_start3A_556 = arith.constant 1 : i32
      %dma_start3A_557 = arith.constant 0 : i32
      %dma_start3A_558 = tpu.memref_slice %arg10[%dma_start3A_556, %dma_start3A_557] : memref<4x128xi32, #tpu.memory_space<vmem>> -> memref<1x128xi32, #tpu.memory_space<vmem>>
      %dma_start3A_559 = tpu.memref_squeeze %dma_start3A_558 : memref<1x128xi32, #tpu.memory_space<vmem>> -> memref<128xi32, #tpu.memory_space<vmem>>
      %dma_start3A_560 = arith.constant 0 : i32
      %dma_start3A_561 = arith.constant 0 : i32
      %dma_start3A_562 = tpu.memref_slice %arg19[%dma_start3A_560, %dma_start3A_561] : memref<100096x16xf32, #tpu.memory_space<vmem_shared>> -> memref<100096x16xf32, #tpu.memory_space<vmem_shared>>
      tpu.enqueue_indirect_dma source(%arg16 : memref<128x16xf32, #tpu.memory_space<vmem>>) target(%dma_start3A_562 : memref<100096x16xf32, #tpu.memory_space<vmem_shared>>) offsets(%dma_start3A_559 : memref<128xi32, #tpu.memory_space<vmem>>) semaphore(%arg25 : memref<!tpu.dma_semaphore, #tpu.memory_space<semaphore_mem>>) {add = true}
      %dma_start3A_563 = arith.constant 1 : i32
      %dma_start3A_564 = arith.constant 0 : i32
      %dma_start3A_565 = tpu.memref_slice %arg7[%dma_start3A_563, %dma_start3A_564] : memref<4x128xi32, #tpu.memory_space<vmem>> -> memref<1x128xi32, #tpu.memory_space<vmem>>
      %dma_start3A_566 = tpu.memref_squeeze %dma_start3A_565 : memref<1x128xi32, #tpu.memory_space<vmem>> -> memref<128xi32, #tpu.memory_space<vmem>>
      %dma_start3A_567 = arith.constant 0 : i32
      %dma_start3A_568 = arith.constant 0 : i32
      %dma_start3A_569 = tpu.memref_slice %arg2[%arg0, %dma_start3A_567, %dma_start3A_568] : memref<2x100000x16xf32, #tpu.memory_space<hbm>> -> memref<1x100000x16xf32, #tpu.memory_space<hbm>>
      %dma_start3A_570 = tpu.memref_squeeze %dma_start3A_569 : memref<1x100000x16xf32, #tpu.memory_space<hbm>> -> memref<100000x16xf32, #tpu.memory_space<hbm>>
      %dma_start3A_571 = arith.constant 0 : i32
      %dma_start3A_572 = arith.constant 0 : i32
      %dma_start3A_573 = tpu.memref_slice %dma_start3A_570[%dma_start3A_571, %dma_start3A_572] : memref<100000x16xf32, #tpu.memory_space<hbm>> -> memref<100000x16xf32, #tpu.memory_space<hbm>>
      tpu.enqueue_indirect_dma source(%dma_start3A_573 : memref<100000x16xf32, #tpu.memory_space<hbm>>) target(%arg12 : memref<128x16xf32, #tpu.memory_space<vmem>>) offsets(%dma_start3A_566 : memref<128xi32, #tpu.memory_space<vmem>>) semaphore(%arg21 : memref<!tpu.dma_semaphore, #tpu.memory_space<semaphore_mem>>)
      %dma_wait3A_574 = arith.constant 2 : i32
      %dma_wait3A_575 = arith.constant 0 : i32
      %dma_wait3A_576 = tpu.memref_slice %arg9[%dma_wait3A_574, %dma_wait3A_575] : memref<4x128xi32, #tpu.memory_space<vmem>> -> memref<1x128xi32, #tpu.memory_space<vmem>>
      %dma_wait3A_577 = tpu.memref_squeeze %dma_wait3A_576 : memref<1x128xi32, #tpu.memory_space<vmem>> -> memref<128xi32, #tpu.memory_space<vmem>>
      %dma_wait3A_578 = arith.constant 0 : i32
      %dma_wait3A_579 = arith.constant 0 : i32
      %dma_wait3A_580 = tpu.memref_slice %arg2[%arg0, %dma_wait3A_578, %dma_wait3A_579] : memref<2x100000x16xf32, #tpu.memory_space<hbm>> -> memref<1x100000x16xf32, #tpu.memory_space<hbm>>
      %dma_wait3A_581 = tpu.memref_squeeze %dma_wait3A_580 : memref<1x100000x16xf32, #tpu.memory_space<hbm>> -> memref<100000x16xf32, #tpu.memory_space<hbm>>
      %dma_wait3A_582 = arith.constant 0 : i32
      %dma_wait3A_583 = arith.constant 0 : i32
      %dma_wait3A_584 = tpu.memref_slice %dma_wait3A_581[%dma_wait3A_582, %dma_wait3A_583] : memref<100000x16xf32, #tpu.memory_space<hbm>> -> memref<100000x16xf32, #tpu.memory_space<hbm>>
      tpu.wait_indirect_dma semaphore(%arg22 : memref<!tpu.dma_semaphore, #tpu.memory_space<semaphore_mem>>) src(%dma_wait3A_584 : memref<100000x16xf32, #tpu.memory_space<hbm>>) dst(%arg17 : memref<128x16xf32, #tpu.memory_space<vmem>>)
      %dma_start3A_585 = arith.constant 2 : i32
      %dma_start3A_586 = arith.constant 0 : i32
      %dma_start3A_587 = tpu.memref_slice %arg10[%dma_start3A_585, %dma_start3A_586] : memref<4x128xi32, #tpu.memory_space<vmem>> -> memref<1x128xi32, #tpu.memory_space<vmem>>
      %dma_start3A_588 = tpu.memref_squeeze %dma_start3A_587 : memref<1x128xi32, #tpu.memory_space<vmem>> -> memref<128xi32, #tpu.memory_space<vmem>>
      %dma_start3A_589 = arith.constant 0 : i32
      %dma_start3A_590 = arith.constant 0 : i32
      %dma_start3A_591 = tpu.memref_slice %arg19[%dma_start3A_589, %dma_start3A_590] : memref<100096x16xf32, #tpu.memory_space<vmem_shared>> -> memref<100096x16xf32, #tpu.memory_space<vmem_shared>>
      tpu.enqueue_indirect_dma source(%arg17 : memref<128x16xf32, #tpu.memory_space<vmem>>) target(%dma_start3A_591 : memref<100096x16xf32, #tpu.memory_space<vmem_shared>>) offsets(%dma_start3A_588 : memref<128xi32, #tpu.memory_space<vmem>>) semaphore(%arg26 : memref<!tpu.dma_semaphore, #tpu.memory_space<semaphore_mem>>) {add = true}
      %dma_start3A_592 = arith.constant 2 : i32
      %dma_start3A_593 = arith.constant 0 : i32
      %dma_start3A_594 = tpu.memref_slice %arg7[%dma_start3A_592, %dma_start3A_593] : memref<4x128xi32, #tpu.memory_space<vmem>> -> memref<1x128xi32, #tpu.memory_space<vmem>>
      %dma_start3A_595 = tpu.memref_squeeze %dma_start3A_594 : memref<1x128xi32, #tpu.memory_space<vmem>> -> memref<128xi32, #tpu.memory_space<vmem>>
      %dma_start3A_596 = arith.constant 0 : i32
      %dma_start3A_597 = arith.constant 0 : i32
      %dma_start3A_598 = tpu.memref_slice %arg2[%arg0, %dma_start3A_596, %dma_start3A_597] : memref<2x100000x16xf32, #tpu.memory_space<hbm>> -> memref<1x100000x16xf32, #tpu.memory_space<hbm>>
      %dma_start3A_599 = tpu.memref_squeeze %dma_start3A_598 : memref<1x100000x16xf32, #tpu.memory_space<hbm>> -> memref<100000x16xf32, #tpu.memory_space<hbm>>
      %dma_start3A_600 = arith.constant 0 : i32
      %dma_start3A_601 = arith.constant 0 : i32
      %dma_start3A_602 = tpu.memref_slice %dma_start3A_599[%dma_start3A_600, %dma_start3A_601] : memref<100000x16xf32, #tpu.memory_space<hbm>> -> memref<100000x16xf32, #tpu.memory_space<hbm>>
      tpu.enqueue_indirect_dma source(%dma_start3A_602 : memref<100000x16xf32, #tpu.memory_space<hbm>>) target(%arg13 : memref<128x16xf32, #tpu.memory_space<vmem>>) offsets(%dma_start3A_595 : memref<128xi32, #tpu.memory_space<vmem>>) semaphore(%arg22 : memref<!tpu.dma_semaphore, #tpu.memory_space<semaphore_mem>>)
      %dma_wait3A_603 = arith.constant 3 : i32
      %dma_wait3A_604 = arith.constant 0 : i32
      %dma_wait3A_605 = tpu.memref_slice %arg9[%dma_wait3A_603, %dma_wait3A_604] : memref<4x128xi32, #tpu.memory_space<vmem>> -> memref<1x128xi32, #tpu.memory_space<vmem>>
      %dma_wait3A_606 = tpu.memref_squeeze %dma_wait3A_605 : memref<1x128xi32, #tpu.memory_space<vmem>> -> memref<128xi32, #tpu.memory_space<vmem>>
      %dma_wait3A_607 = arith.constant 0 : i32
      %dma_wait3A_608 = arith.constant 0 : i32
      %dma_wait3A_609 = tpu.memref_slice %arg2[%arg0, %dma_wait3A_607, %dma_wait3A_608] : memref<2x100000x16xf32, #tpu.memory_space<hbm>> -> memref<1x100000x16xf32, #tpu.memory_space<hbm>>
      %dma_wait3A_610 = tpu.memref_squeeze %dma_wait3A_609 : memref<1x100000x16xf32, #tpu.memory_space<hbm>> -> memref<100000x16xf32, #tpu.memory_space<hbm>>
      %dma_wait3A_611 = arith.constant 0 : i32
      %dma_wait3A_612 = arith.constant 0 : i32
      %dma_wait3A_613 = tpu.memref_slice %dma_wait3A_610[%dma_wait3A_611, %dma_wait3A_612] : memref<100000x16xf32, #tpu.memory_space<hbm>> -> memref<100000x16xf32, #tpu.memory_space<hbm>>
      tpu.wait_indirect_dma semaphore(%arg23 : memref<!tpu.dma_semaphore, #tpu.memory_space<semaphore_mem>>) src(%dma_wait3A_613 : memref<100000x16xf32, #tpu.memory_space<hbm>>) dst(%arg18 : memref<128x16xf32, #tpu.memory_space<vmem>>)
      %dma_start3A_614 = arith.constant 3 : i32
      %dma_start3A_615 = arith.constant 0 : i32
      %dma_start3A_616 = tpu.memref_slice %arg10[%dma_start3A_614, %dma_start3A_615] : memref<4x128xi32, #tpu.memory_space<vmem>> -> memref<1x128xi32, #tpu.memory_space<vmem>>
      %dma_start3A_617 = tpu.memref_squeeze %dma_start3A_616 : memref<1x128xi32, #tpu.memory_space<vmem>> -> memref<128xi32, #tpu.memory_space<vmem>>
      %dma_start3A_618 = arith.constant 0 : i32
      %dma_start3A_619 = arith.constant 0 : i32
      %dma_start3A_620 = tpu.memref_slice %arg19[%dma_start3A_618, %dma_start3A_619] : memref<100096x16xf32, #tpu.memory_space<vmem_shared>> -> memref<100096x16xf32, #tpu.memory_space<vmem_shared>>
      tpu.enqueue_indirect_dma source(%arg18 : memref<128x16xf32, #tpu.memory_space<vmem>>) target(%dma_start3A_620 : memref<100096x16xf32, #tpu.memory_space<vmem_shared>>) offsets(%dma_start3A_617 : memref<128xi32, #tpu.memory_space<vmem>>) semaphore(%arg27 : memref<!tpu.dma_semaphore, #tpu.memory_space<semaphore_mem>>) {add = true}
      %dma_start3A_621 = arith.constant 3 : i32
      %dma_start3A_622 = arith.constant 0 : i32
      %dma_start3A_623 = tpu.memref_slice %arg7[%dma_start3A_621, %dma_start3A_622] : memref<4x128xi32, #tpu.memory_space<vmem>> -> memref<1x128xi32, #tpu.memory_space<vmem>>
      %dma_start3A_624 = tpu.memref_squeeze %dma_start3A_623 : memref<1x128xi32, #tpu.memory_space<vmem>> -> memref<128xi32, #tpu.memory_space<vmem>>
      %dma_start3A_625 = arith.constant 0 : i32
      %dma_start3A_626 = arith.constant 0 : i32
      %dma_start3A_627 = tpu.memref_slice %arg2[%arg0, %dma_start3A_625, %dma_start3A_626] : memref<2x100000x16xf32, #tpu.memory_space<hbm>> -> memref<1x100000x16xf32, #tpu.memory_space<hbm>>
      %dma_start3A_628 = tpu.memref_squeeze %dma_start3A_627 : memref<1x100000x16xf32, #tpu.memory_space<hbm>> -> memref<100000x16xf32, #tpu.memory_space<hbm>>
      %dma_start3A_629 = arith.constant 0 : i32
      %dma_start3A_630 = arith.constant 0 : i32
      %dma_start3A_631 = tpu.memref_slice %dma_start3A_628[%dma_start3A_629, %dma_start3A_630] : memref<100000x16xf32, #tpu.memory_space<hbm>> -> memref<100000x16xf32, #tpu.memory_space<hbm>>
      tpu.enqueue_indirect_dma source(%dma_start3A_631 : memref<100000x16xf32, #tpu.memory_space<hbm>>) target(%arg14 : memref<128x16xf32, #tpu.memory_space<vmem>>) offsets(%dma_start3A_624 : memref<128xi32, #tpu.memory_space<vmem>>) semaphore(%arg23 : memref<!tpu.dma_semaphore, #tpu.memory_space<semaphore_mem>>)
      %dma_wait3A_632 = arith.constant 0 : i32
      %dma_wait3A_633 = arith.constant 0 : i32
      %dma_wait3A_634 = tpu.memref_slice %arg10[%dma_wait3A_632, %dma_wait3A_633] : memref<4x128xi32, #tpu.memory_space<vmem>> -> memref<1x128xi32, #tpu.memory_space<vmem>>
      %dma_wait3A_635 = tpu.memref_squeeze %dma_wait3A_634 : memref<1x128xi32, #tpu.memory_space<vmem>> -> memref<128xi32, #tpu.memory_space<vmem>>
      %dma_wait3A_636 = arith.constant 0 : i32
      %dma_wait3A_637 = arith.constant 0 : i32
      %dma_wait3A_638 = tpu.memref_slice %arg19[%dma_wait3A_636, %dma_wait3A_637] : memref<100096x16xf32, #tpu.memory_space<vmem_shared>> -> memref<100096x16xf32, #tpu.memory_space<vmem_shared>>
      tpu.wait_indirect_dma semaphore(%arg24 : memref<!tpu.dma_semaphore, #tpu.memory_space<semaphore_mem>>) src(%arg15 : memref<128x16xf32, #tpu.memory_space<vmem>>) dst(%dma_wait3A_638 : memref<100096x16xf32, #tpu.memory_space<vmem_shared>>)
      %dma_wait3A_639 = arith.constant 1 : i32
      %dma_wait3A_640 = arith.constant 0 : i32
      %dma_wait3A_641 = tpu.memref_slice %arg10[%dma_wait3A_639, %dma_wait3A_640] : memref<4x128xi32, #tpu.memory_space<vmem>> -> memref<1x128xi32, #tpu.memory_space<vmem>>
      %dma_wait3A_642 = tpu.memref_squeeze %dma_wait3A_641 : memref<1x128xi32, #tpu.memory_space<vmem>> -> memref<128xi32, #tpu.memory_space<vmem>>
      %dma_wait3A_643 = arith.constant 0 : i32
      %dma_wait3A_644 = arith.constant 0 : i32
      %dma_wait3A_645 = tpu.memref_slice %arg19[%dma_wait3A_643, %dma_wait3A_644] : memref<100096x16xf32, #tpu.memory_space<vmem_shared>> -> memref<100096x16xf32, #tpu.memory_space<vmem_shared>>
      tpu.wait_indirect_dma semaphore(%arg25 : memref<!tpu.dma_semaphore, #tpu.memory_space<semaphore_mem>>) src(%arg16 : memref<128x16xf32, #tpu.memory_space<vmem>>) dst(%dma_wait3A_645 : memref<100096x16xf32, #tpu.memory_space<vmem_shared>>)
      %dma_wait3A_646 = arith.constant 2 : i32
      %dma_wait3A_647 = arith.constant 0 : i32
      %dma_wait3A_648 = tpu.memref_slice %arg10[%dma_wait3A_646, %dma_wait3A_647] : memref<4x128xi32, #tpu.memory_space<vmem>> -> memref<1x128xi32, #tpu.memory_space<vmem>>
      %dma_wait3A_649 = tpu.memref_squeeze %dma_wait3A_648 : memref<1x128xi32, #tpu.memory_space<vmem>> -> memref<128xi32, #tpu.memory_space<vmem>>
      %dma_wait3A_650 = arith.constant 0 : i32
      %dma_wait3A_651 = arith.constant 0 : i32
      %dma_wait3A_652 = tpu.memref_slice %arg19[%dma_wait3A_650, %dma_wait3A_651] : memref<100096x16xf32, #tpu.memory_space<vmem_shared>> -> memref<100096x16xf32, #tpu.memory_space<vmem_shared>>
      tpu.wait_indirect_dma semaphore(%arg26 : memref<!tpu.dma_semaphore, #tpu.memory_space<semaphore_mem>>) src(%arg17 : memref<128x16xf32, #tpu.memory_space<vmem>>) dst(%dma_wait3A_652 : memref<100096x16xf32, #tpu.memory_space<vmem_shared>>)
      %dma_wait3A_653 = arith.constant 3 : i32
      %dma_wait3A_654 = arith.constant 0 : i32
      %dma_wait3A_655 = tpu.memref_slice %arg10[%dma_wait3A_653, %dma_wait3A_654] : memref<4x128xi32, #tpu.memory_space<vmem>> -> memref<1x128xi32, #tpu.memory_space<vmem>>
      %dma_wait3A_656 = tpu.memref_squeeze %dma_wait3A_655 : memref<1x128xi32, #tpu.memory_space<vmem>> -> memref<128xi32, #tpu.memory_space<vmem>>
      %dma_wait3A_657 = arith.constant 0 : i32
      %dma_wait3A_658 = arith.constant 0 : i32
      %dma_wait3A_659 = tpu.memref_slice %arg19[%dma_wait3A_657, %dma_wait3A_658] : memref<100096x16xf32, #tpu.memory_space<vmem_shared>> -> memref<100096x16xf32, #tpu.memory_space<vmem_shared>>
      tpu.wait_indirect_dma semaphore(%arg27 : memref<!tpu.dma_semaphore, #tpu.memory_space<semaphore_mem>>) src(%arg18 : memref<128x16xf32, #tpu.memory_space<vmem>>) dst(%dma_wait3A_659 : memref<100096x16xf32, #tpu.memory_space<vmem_shared>>)
      %mul3A_660 = arith.constant 4 : i32
      %mul3A_661 = arith.muli %add3A_515, %mul3A_660 : i32
      %add3A_662 = arith.addi %mul3A_2, %mul3A_661 : i32
      %dma_start3A_663 = arith.constant 0 : i32
      %dma_start3A_664 = tpu.memref_slice %arg3[%add3A_662, %dma_start3A_663] : memref<25088x128xi32, #tpu.memory_space<hbm>> -> memref<4x128xi32, #tpu.memory_space<hbm>>
      %dma_start3A_665 = arith.constant 0 : i32
      %dma_start3A_666 = tpu.memref_slice %arg3[%add3A_662, %dma_start3A_665] : memref<25088x128xi32, #tpu.memory_space<hbm>> -> memref<4x128xi32, #tpu.memory_space<hbm>>
      tpu.enqueue_dma source(%dma_start3A_666 : memref<4x128xi32, #tpu.memory_space<hbm>>) target(%arg9 : memref<4x128xi32, #tpu.memory_space<vmem>>) target_semaphore(%arg29 : memref<!tpu.dma_semaphore, #tpu.memory_space<semaphore_mem>>)
      %mul3A_667 = arith.constant 4 : i32
      %mul3A_668 = arith.muli %add3A_515, %mul3A_667 : i32
      %add3A_669 = arith.addi %mul3A_2, %mul3A_668 : i32
      %dma_start3A_670 = arith.constant 0 : i32
      %dma_start3A_671 = tpu.memref_slice %arg4[%add3A_669, %dma_start3A_670] : memref<25088x128xi32, #tpu.memory_space<hbm>> -> memref<4x128xi32, #tpu.memory_space<hbm>>
      %dma_start3A_672 = arith.constant 0 : i32
      %dma_start3A_673 = tpu.memref_slice %arg4[%add3A_669, %dma_start3A_672] : memref<25088x128xi32, #tpu.memory_space<hbm>> -> memref<4x128xi32, #tpu.memory_space<hbm>>
      tpu.enqueue_dma source(%dma_start3A_673 : memref<4x128xi32, #tpu.memory_space<hbm>>) target(%arg10 : memref<4x128xi32, #tpu.memory_space<vmem>>) target_semaphore(%arg29 : memref<!tpu.dma_semaphore, #tpu.memory_space<semaphore_mem>>)
    }
    %scan3A_64 = arith.constant 195 : i32
    %add3A_65 = arith.constant 0 : i32
    %add3A_66 = arith.addi %mul3A_2, %add3A_65 : i32
    %dma_wait3A = arith.constant 0 : i32
    %dma_wait3A_67 = tpu.memref_slice %arg3[%add3A_66, %dma_wait3A] : memref<25088x128xi32, #tpu.memory_space<hbm>> -> memref<4x128xi32, #tpu.memory_space<hbm>>
    %dma_wait3A_68 = arith.constant 0 : i32
    %dma_wait3A_69 = tpu.memref_slice %arg3[%add3A_66, %dma_wait3A_68] : memref<25088x128xi32, #tpu.memory_space<hbm>> -> memref<4x128xi32, #tpu.memory_space<hbm>>
    tpu.wait_dma2 semaphore(%arg29 : memref<!tpu.dma_semaphore, #tpu.memory_space<semaphore_mem>>) src(%dma_wait3A_69 : memref<4x128xi32, #tpu.memory_space<hbm>>) dst(%arg9 : memref<4x128xi32, #tpu.memory_space<vmem>>)
    %add3A_70 = arith.constant 0 : i32
    %add3A_71 = arith.addi %mul3A_2, %add3A_70 : i32
    %dma_wait3A_72 = arith.constant 0 : i32
    %dma_wait3A_73 = tpu.memref_slice %arg4[%add3A_71, %dma_wait3A_72] : memref<25088x128xi32, #tpu.memory_space<hbm>> -> memref<4x128xi32, #tpu.memory_space<hbm>>
    %dma_wait3A_74 = arith.constant 0 : i32
    %dma_wait3A_75 = tpu.memref_slice %arg4[%add3A_71, %dma_wait3A_74] : memref<25088x128xi32, #tpu.memory_space<hbm>> -> memref<4x128xi32, #tpu.memory_space<hbm>>
    tpu.wait_dma2 semaphore(%arg29 : memref<!tpu.dma_semaphore, #tpu.memory_space<semaphore_mem>>) src(%dma_wait3A_75 : memref<4x128xi32, #tpu.memory_space<hbm>>) dst(%arg10 : memref<4x128xi32, #tpu.memory_space<vmem>>)
    %dma_wait3A_76 = arith.constant 0 : i32
    %dma_wait3A_77 = arith.constant 0 : i32
    %dma_wait3A_78 = tpu.memref_slice %arg7[%dma_wait3A_76, %dma_wait3A_77] : memref<4x128xi32, #tpu.memory_space<vmem>> -> memref<1x128xi32, #tpu.memory_space<vmem>>
    %dma_wait3A_79 = tpu.memref_squeeze %dma_wait3A_78 : memref<1x128xi32, #tpu.memory_space<vmem>> -> memref<128xi32, #tpu.memory_space<vmem>>
    %dma_wait3A_80 = arith.constant 0 : i32
    %dma_wait3A_81 = arith.constant 0 : i32
    %dma_wait3A_82 = tpu.memref_slice %arg2[%arg0, %dma_wait3A_80, %dma_wait3A_81] : memref<2x100000x16xf32, #tpu.memory_space<hbm>> -> memref<1x100000x16xf32, #tpu.memory_space<hbm>>
    %dma_wait3A_83 = tpu.memref_squeeze %dma_wait3A_82 : memref<1x100000x16xf32, #tpu.memory_space<hbm>> -> memref<100000x16xf32, #tpu.memory_space<hbm>>
    %dma_wait3A_84 = arith.constant 0 : i32
    %dma_wait3A_85 = arith.constant 0 : i32
    %dma_wait3A_86 = tpu.memref_slice %dma_wait3A_83[%dma_wait3A_84, %dma_wait3A_85] : memref<100000x16xf32, #tpu.memory_space<hbm>> -> memref<100000x16xf32, #tpu.memory_space<hbm>>
    tpu.wait_indirect_dma semaphore(%arg20 : memref<!tpu.dma_semaphore, #tpu.memory_space<semaphore_mem>>) src(%dma_wait3A_86 : memref<100000x16xf32, #tpu.memory_space<hbm>>) dst(%arg11 : memref<128x16xf32, #tpu.memory_space<vmem>>)
    %dma_start3A_87 = arith.constant 0 : i32
    %dma_start3A_88 = arith.constant 0 : i32
    %dma_start3A_89 = tpu.memref_slice %arg8[%dma_start3A_87, %dma_start3A_88] : memref<4x128xi32, #tpu.memory_space<vmem>> -> memref<1x128xi32, #tpu.memory_space<vmem>>
    %dma_start3A_90 = tpu.memref_squeeze %dma_start3A_89 : memref<1x128xi32, #tpu.memory_space<vmem>> -> memref<128xi32, #tpu.memory_space<vmem>>
    %dma_start3A_91 = arith.constant 0 : i32
    %dma_start3A_92 = arith.constant 0 : i32
    %dma_start3A_93 = tpu.memref_slice %arg19[%dma_start3A_91, %dma_start3A_92] : memref<100096x16xf32, #tpu.memory_space<vmem_shared>> -> memref<100096x16xf32, #tpu.memory_space<vmem_shared>>
    tpu.enqueue_indirect_dma source(%arg11 : memref<128x16xf32, #tpu.memory_space<vmem>>) target(%dma_start3A_93 : memref<100096x16xf32, #tpu.memory_space<vmem_shared>>) offsets(%dma_start3A_90 : memref<128xi32, #tpu.memory_space<vmem>>) semaphore(%arg24 : memref<!tpu.dma_semaphore, #tpu.memory_space<semaphore_mem>>) {add = true}
    %dma_start3A_94 = arith.constant 0 : i32
    %dma_start3A_95 = arith.constant 0 : i32
    %dma_start3A_96 = tpu.memref_slice %arg9[%dma_start3A_94, %dma_start3A_95] : memref<4x128xi32, #tpu.memory_space<vmem>> -> memref<1x128xi32, #tpu.memory_space<vmem>>
    %dma_start3A_97 = tpu.memref_squeeze %dma_start3A_96 : memref<1x128xi32, #tpu.memory_space<vmem>> -> memref<128xi32, #tpu.memory_space<vmem>>
    %dma_start3A_98 = arith.constant 0 : i32
    %dma_start3A_99 = arith.constant 0 : i32
    %dma_start3A_100 = tpu.memref_slice %arg2[%arg0, %dma_start3A_98, %dma_start3A_99] : memref<2x100000x16xf32, #tpu.memory_space<hbm>> -> memref<1x100000x16xf32, #tpu.memory_space<hbm>>
    %dma_start3A_101 = tpu.memref_squeeze %dma_start3A_100 : memref<1x100000x16xf32, #tpu.memory_space<hbm>> -> memref<100000x16xf32, #tpu.memory_space<hbm>>
    %dma_start3A_102 = arith.constant 0 : i32
    %dma_start3A_103 = arith.constant 0 : i32
    %dma_start3A_104 = tpu.memref_slice %dma_start3A_101[%dma_start3A_102, %dma_start3A_103] : memref<100000x16xf32, #tpu.memory_space<hbm>> -> memref<100000x16xf32, #tpu.memory_space<hbm>>
    tpu.enqueue_indirect_dma source(%dma_start3A_104 : memref<100000x16xf32, #tpu.memory_space<hbm>>) target(%arg15 : memref<128x16xf32, #tpu.memory_space<vmem>>) offsets(%dma_start3A_97 : memref<128xi32, #tpu.memory_space<vmem>>) semaphore(%arg20 : memref<!tpu.dma_semaphore, #tpu.memory_space<semaphore_mem>>)
    %dma_wait3A_105 = arith.constant 1 : i32
    %dma_wait3A_106 = arith.constant 0 : i32
    %dma_wait3A_107 = tpu.memref_slice %arg7[%dma_wait3A_105, %dma_wait3A_106] : memref<4x128xi32, #tpu.memory_space<vmem>> -> memref<1x128xi32, #tpu.memory_space<vmem>>
    %dma_wait3A_108 = tpu.memref_squeeze %dma_wait3A_107 : memref<1x128xi32, #tpu.memory_space<vmem>> -> memref<128xi32, #tpu.memory_space<vmem>>
    %dma_wait3A_109 = arith.constant 0 : i32
    %dma_wait3A_110 = arith.constant 0 : i32
    %dma_wait3A_111 = tpu.memref_slice %arg2[%arg0, %dma_wait3A_109, %dma_wait3A_110] : memref<2x100000x16xf32, #tpu.memory_space<hbm>> -> memref<1x100000x16xf32, #tpu.memory_space<hbm>>
    %dma_wait3A_112 = tpu.memref_squeeze %dma_wait3A_111 : memref<1x100000x16xf32, #tpu.memory_space<hbm>> -> memref<100000x16xf32, #tpu.memory_space<hbm>>
    %dma_wait3A_113 = arith.constant 0 : i32
    %dma_wait3A_114 = arith.constant 0 : i32
    %dma_wait3A_115 = tpu.memref_slice %dma_wait3A_112[%dma_wait3A_113, %dma_wait3A_114] : memref<100000x16xf32, #tpu.memory_space<hbm>> -> memref<100000x16xf32, #tpu.memory_space<hbm>>
    tpu.wait_indirect_dma semaphore(%arg21 : memref<!tpu.dma_semaphore, #tpu.memory_space<semaphore_mem>>) src(%dma_wait3A_115 : memref<100000x16xf32, #tpu.memory_space<hbm>>) dst(%arg12 : memref<128x16xf32, #tpu.memory_space<vmem>>)
    %dma_start3A_116 = arith.constant 1 : i32
    %dma_start3A_117 = arith.constant 0 : i32
    %dma_start3A_118 = tpu.memref_slice %arg8[%dma_start3A_116, %dma_start3A_117] : memref<4x128xi32, #tpu.memory_space<vmem>> -> memref<1x128xi32, #tpu.memory_space<vmem>>
    %dma_start3A_119 = tpu.memref_squeeze %dma_start3A_118 : memref<1x128xi32, #tpu.memory_space<vmem>> -> memref<128xi32, #tpu.memory_space<vmem>>
    %dma_start3A_120 = arith.constant 0 : i32
    %dma_start3A_121 = arith.constant 0 : i32
    %dma_start3A_122 = tpu.memref_slice %arg19[%dma_start3A_120, %dma_start3A_121] : memref<100096x16xf32, #tpu.memory_space<vmem_shared>> -> memref<100096x16xf32, #tpu.memory_space<vmem_shared>>
    tpu.enqueue_indirect_dma source(%arg12 : memref<128x16xf32, #tpu.memory_space<vmem>>) target(%dma_start3A_122 : memref<100096x16xf32, #tpu.memory_space<vmem_shared>>) offsets(%dma_start3A_119 : memref<128xi32, #tpu.memory_space<vmem>>) semaphore(%arg25 : memref<!tpu.dma_semaphore, #tpu.memory_space<semaphore_mem>>) {add = true}
    %dma_start3A_123 = arith.constant 1 : i32
    %dma_start3A_124 = arith.constant 0 : i32
    %dma_start3A_125 = tpu.memref_slice %arg9[%dma_start3A_123, %dma_start3A_124] : memref<4x128xi32, #tpu.memory_space<vmem>> -> memref<1x128xi32, #tpu.memory_space<vmem>>
    %dma_start3A_126 = tpu.memref_squeeze %dma_start3A_125 : memref<1x128xi32, #tpu.memory_space<vmem>> -> memref<128xi32, #tpu.memory_space<vmem>>
    %dma_start3A_127 = arith.constant 0 : i32
    %dma_start3A_128 = arith.constant 0 : i32
    %dma_start3A_129 = tpu.memref_slice %arg2[%arg0, %dma_start3A_127, %dma_start3A_128] : memref<2x100000x16xf32, #tpu.memory_space<hbm>> -> memref<1x100000x16xf32, #tpu.memory_space<hbm>>
    %dma_start3A_130 = tpu.memref_squeeze %dma_start3A_129 : memref<1x100000x16xf32, #tpu.memory_space<hbm>> -> memref<100000x16xf32, #tpu.memory_space<hbm>>
    %dma_start3A_131 = arith.constant 0 : i32
    %dma_start3A_132 = arith.constant 0 : i32
    %dma_start3A_133 = tpu.memref_slice %dma_start3A_130[%dma_start3A_131, %dma_start3A_132] : memref<100000x16xf32, #tpu.memory_space<hbm>> -> memref<100000x16xf32, #tpu.memory_space<hbm>>
    tpu.enqueue_indirect_dma source(%dma_start3A_133 : memref<100000x16xf32, #tpu.memory_space<hbm>>) target(%arg16 : memref<128x16xf32, #tpu.memory_space<vmem>>) offsets(%dma_start3A_126 : memref<128xi32, #tpu.memory_space<vmem>>) semaphore(%arg21 : memref<!tpu.dma_semaphore, #tpu.memory_space<semaphore_mem>>)
    %dma_wait3A_134 = arith.constant 2 : i32
    %dma_wait3A_135 = arith.constant 0 : i32
    %dma_wait3A_136 = tpu.memref_slice %arg7[%dma_wait3A_134, %dma_wait3A_135] : memref<4x128xi32, #tpu.memory_space<vmem>> -> memref<1x128xi32, #tpu.memory_space<vmem>>
    %dma_wait3A_137 = tpu.memref_squeeze %dma_wait3A_136 : memref<1x128xi32, #tpu.memory_space<vmem>> -> memref<128xi32, #tpu.memory_space<vmem>>
    %dma_wait3A_138 = arith.constant 0 : i32
    %dma_wait3A_139 = arith.constant 0 : i32
    %dma_wait3A_140 = tpu.memref_slice %arg2[%arg0, %dma_wait3A_138, %dma_wait3A_139] : memref<2x100000x16xf32, #tpu.memory_space<hbm>> -> memref<1x100000x16xf32, #tpu.memory_space<hbm>>
    %dma_wait3A_141 = tpu.memref_squeeze %dma_wait3A_140 : memref<1x100000x16xf32, #tpu.memory_space<hbm>> -> memref<100000x16xf32, #tpu.memory_space<hbm>>
    %dma_wait3A_142 = arith.constant 0 : i32
    %dma_wait3A_143 = arith.constant 0 : i32
    %dma_wait3A_144 = tpu.memref_slice %dma_wait3A_141[%dma_wait3A_142, %dma_wait3A_143] : memref<100000x16xf32, #tpu.memory_space<hbm>> -> memref<100000x16xf32, #tpu.memory_space<hbm>>
    tpu.wait_indirect_dma semaphore(%arg22 : memref<!tpu.dma_semaphore, #tpu.memory_space<semaphore_mem>>) src(%dma_wait3A_144 : memref<100000x16xf32, #tpu.memory_space<hbm>>) dst(%arg13 : memref<128x16xf32, #tpu.memory_space<vmem>>)
    %dma_start3A_145 = arith.constant 2 : i32
    %dma_start3A_146 = arith.constant 0 : i32
    %dma_start3A_147 = tpu.memref_slice %arg8[%dma_start3A_145, %dma_start3A_146] : memref<4x128xi32, #tpu.memory_space<vmem>> -> memref<1x128xi32, #tpu.memory_space<vmem>>
    %dma_start3A_148 = tpu.memref_squeeze %dma_start3A_147 : memref<1x128xi32, #tpu.memory_space<vmem>> -> memref<128xi32, #tpu.memory_space<vmem>>
    %dma_start3A_149 = arith.constant 0 : i32
    %dma_start3A_150 = arith.constant 0 : i32
    %dma_start3A_151 = tpu.memref_slice %arg19[%dma_start3A_149, %dma_start3A_150] : memref<100096x16xf32, #tpu.memory_space<vmem_shared>> -> memref<100096x16xf32, #tpu.memory_space<vmem_shared>>
    tpu.enqueue_indirect_dma source(%arg13 : memref<128x16xf32, #tpu.memory_space<vmem>>) target(%dma_start3A_151 : memref<100096x16xf32, #tpu.memory_space<vmem_shared>>) offsets(%dma_start3A_148 : memref<128xi32, #tpu.memory_space<vmem>>) semaphore(%arg26 : memref<!tpu.dma_semaphore, #tpu.memory_space<semaphore_mem>>) {add = true}
    %dma_start3A_152 = arith.constant 2 : i32
    %dma_start3A_153 = arith.constant 0 : i32
    %dma_start3A_154 = tpu.memref_slice %arg9[%dma_start3A_152, %dma_start3A_153] : memref<4x128xi32, #tpu.memory_space<vmem>> -> memref<1x128xi32, #tpu.memory_space<vmem>>
    %dma_start3A_155 = tpu.memref_squeeze %dma_start3A_154 : memref<1x128xi32, #tpu.memory_space<vmem>> -> memref<128xi32, #tpu.memory_space<vmem>>
    %dma_start3A_156 = arith.constant 0 : i32
    %dma_start3A_157 = arith.constant 0 : i32
    %dma_start3A_158 = tpu.memref_slice %arg2[%arg0, %dma_start3A_156, %dma_start3A_157] : memref<2x100000x16xf32, #tpu.memory_space<hbm>> -> memref<1x100000x16xf32, #tpu.memory_space<hbm>>
    %dma_start3A_159 = tpu.memref_squeeze %dma_start3A_158 : memref<1x100000x16xf32, #tpu.memory_space<hbm>> -> memref<100000x16xf32, #tpu.memory_space<hbm>>
    %dma_start3A_160 = arith.constant 0 : i32
    %dma_start3A_161 = arith.constant 0 : i32
    %dma_start3A_162 = tpu.memref_slice %dma_start3A_159[%dma_start3A_160, %dma_start3A_161] : memref<100000x16xf32, #tpu.memory_space<hbm>> -> memref<100000x16xf32, #tpu.memory_space<hbm>>
    tpu.enqueue_indirect_dma source(%dma_start3A_162 : memref<100000x16xf32, #tpu.memory_space<hbm>>) target(%arg17 : memref<128x16xf32, #tpu.memory_space<vmem>>) offsets(%dma_start3A_155 : memref<128xi32, #tpu.memory_space<vmem>>) semaphore(%arg22 : memref<!tpu.dma_semaphore, #tpu.memory_space<semaphore_mem>>)
    %dma_wait3A_163 = arith.constant 3 : i32
    %dma_wait3A_164 = arith.constant 0 : i32
    %dma_wait3A_165 = tpu.memref_slice %arg7[%dma_wait3A_163, %dma_wait3A_164] : memref<4x128xi32, #tpu.memory_space<vmem>> -> memref<1x128xi32, #tpu.memory_space<vmem>>
    %dma_wait3A_166 = tpu.memref_squeeze %dma_wait3A_165 : memref<1x128xi32, #tpu.memory_space<vmem>> -> memref<128xi32, #tpu.memory_space<vmem>>
    %dma_wait3A_167 = arith.constant 0 : i32
    %dma_wait3A_168 = arith.constant 0 : i32
    %dma_wait3A_169 = tpu.memref_slice %arg2[%arg0, %dma_wait3A_167, %dma_wait3A_168] : memref<2x100000x16xf32, #tpu.memory_space<hbm>> -> memref<1x100000x16xf32, #tpu.memory_space<hbm>>
    %dma_wait3A_170 = tpu.memref_squeeze %dma_wait3A_169 : memref<1x100000x16xf32, #tpu.memory_space<hbm>> -> memref<100000x16xf32, #tpu.memory_space<hbm>>
    %dma_wait3A_171 = arith.constant 0 : i32
    %dma_wait3A_172 = arith.constant 0 : i32
    %dma_wait3A_173 = tpu.memref_slice %dma_wait3A_170[%dma_wait3A_171, %dma_wait3A_172] : memref<100000x16xf32, #tpu.memory_space<hbm>> -> memref<100000x16xf32, #tpu.memory_space<hbm>>
    tpu.wait_indirect_dma semaphore(%arg23 : memref<!tpu.dma_semaphore, #tpu.memory_space<semaphore_mem>>) src(%dma_wait3A_173 : memref<100000x16xf32, #tpu.memory_space<hbm>>) dst(%arg14 : memref<128x16xf32, #tpu.memory_space<vmem>>)
    %dma_start3A_174 = arith.constant 3 : i32
    %dma_start3A_175 = arith.constant 0 : i32
    %dma_start3A_176 = tpu.memref_slice %arg8[%dma_start3A_174, %dma_start3A_175] : memref<4x128xi32, #tpu.memory_space<vmem>> -> memref<1x128xi32, #tpu.memory_space<vmem>>
    %dma_start3A_177 = tpu.memref_squeeze %dma_start3A_176 : memref<1x128xi32, #tpu.memory_space<vmem>> -> memref<128xi32, #tpu.memory_space<vmem>>
    %dma_start3A_178 = arith.constant 0 : i32
    %dma_start3A_179 = arith.constant 0 : i32
    %dma_start3A_180 = tpu.memref_slice %arg19[%dma_start3A_178, %dma_start3A_179] : memref<100096x16xf32, #tpu.memory_space<vmem_shared>> -> memref<100096x16xf32, #tpu.memory_space<vmem_shared>>
    tpu.enqueue_indirect_dma source(%arg14 : memref<128x16xf32, #tpu.memory_space<vmem>>) target(%dma_start3A_180 : memref<100096x16xf32, #tpu.memory_space<vmem_shared>>) offsets(%dma_start3A_177 : memref<128xi32, #tpu.memory_space<vmem>>) semaphore(%arg27 : memref<!tpu.dma_semaphore, #tpu.memory_space<semaphore_mem>>) {add = true}
    %dma_start3A_181 = arith.constant 3 : i32
    %dma_start3A_182 = arith.constant 0 : i32
    %dma_start3A_183 = tpu.memref_slice %arg9[%dma_start3A_181, %dma_start3A_182] : memref<4x128xi32, #tpu.memory_space<vmem>> -> memref<1x128xi32, #tpu.memory_space<vmem>>
    %dma_start3A_184 = tpu.memref_squeeze %dma_start3A_183 : memref<1x128xi32, #tpu.memory_space<vmem>> -> memref<128xi32, #tpu.memory_space<vmem>>
    %dma_start3A_185 = arith.constant 0 : i32
    %dma_start3A_186 = arith.constant 0 : i32
    %dma_start3A_187 = tpu.memref_slice %arg2[%arg0, %dma_start3A_185, %dma_start3A_186] : memref<2x100000x16xf32, #tpu.memory_space<hbm>> -> memref<1x100000x16xf32, #tpu.memory_space<hbm>>
    %dma_start3A_188 = tpu.memref_squeeze %dma_start3A_187 : memref<1x100000x16xf32, #tpu.memory_space<hbm>> -> memref<100000x16xf32, #tpu.memory_space<hbm>>
    %dma_start3A_189 = arith.constant 0 : i32
    %dma_start3A_190 = arith.constant 0 : i32
    %dma_start3A_191 = tpu.memref_slice %dma_start3A_188[%dma_start3A_189, %dma_start3A_190] : memref<100000x16xf32, #tpu.memory_space<hbm>> -> memref<100000x16xf32, #tpu.memory_space<hbm>>
    tpu.enqueue_indirect_dma source(%dma_start3A_191 : memref<100000x16xf32, #tpu.memory_space<hbm>>) target(%arg18 : memref<128x16xf32, #tpu.memory_space<vmem>>) offsets(%dma_start3A_184 : memref<128xi32, #tpu.memory_space<vmem>>) semaphore(%arg23 : memref<!tpu.dma_semaphore, #tpu.memory_space<semaphore_mem>>)
    %dma_wait3A_192 = arith.constant 0 : i32
    %dma_wait3A_193 = arith.constant 0 : i32
    %dma_wait3A_194 = tpu.memref_slice %arg8[%dma_wait3A_192, %dma_wait3A_193] : memref<4x128xi32, #tpu.memory_space<vmem>> -> memref<1x128xi32, #tpu.memory_space<vmem>>
    %dma_wait3A_195 = tpu.memref_squeeze %dma_wait3A_194 : memref<1x128xi32, #tpu.memory_space<vmem>> -> memref<128xi32, #tpu.memory_space<vmem>>
    %dma_wait3A_196 = arith.constant 0 : i32
    %dma_wait3A_197 = arith.constant 0 : i32
    %dma_wait3A_198 = tpu.memref_slice %arg19[%dma_wait3A_196, %dma_wait3A_197] : memref<100096x16xf32, #tpu.memory_space<vmem_shared>> -> memref<100096x16xf32, #tpu.memory_space<vmem_shared>>
    tpu.wait_indirect_dma semaphore(%arg24 : memref<!tpu.dma_semaphore, #tpu.memory_space<semaphore_mem>>) src(%arg11 : memref<128x16xf32, #tpu.memory_space<vmem>>) dst(%dma_wait3A_198 : memref<100096x16xf32, #tpu.memory_space<vmem_shared>>)
    %dma_wait3A_199 = arith.constant 1 : i32
    %dma_wait3A_200 = arith.constant 0 : i32
    %dma_wait3A_201 = tpu.memref_slice %arg8[%dma_wait3A_199, %dma_wait3A_200] : memref<4x128xi32, #tpu.memory_space<vmem>> -> memref<1x128xi32, #tpu.memory_space<vmem>>
    %dma_wait3A_202 = tpu.memref_squeeze %dma_wait3A_201 : memref<1x128xi32, #tpu.memory_space<vmem>> -> memref<128xi32, #tpu.memory_space<vmem>>
    %dma_wait3A_203 = arith.constant 0 : i32
    %dma_wait3A_204 = arith.constant 0 : i32
    %dma_wait3A_205 = tpu.memref_slice %arg19[%dma_wait3A_203, %dma_wait3A_204] : memref<100096x16xf32, #tpu.memory_space<vmem_shared>> -> memref<100096x16xf32, #tpu.memory_space<vmem_shared>>
    tpu.wait_indirect_dma semaphore(%arg25 : memref<!tpu.dma_semaphore, #tpu.memory_space<semaphore_mem>>) src(%arg12 : memref<128x16xf32, #tpu.memory_space<vmem>>) dst(%dma_wait3A_205 : memref<100096x16xf32, #tpu.memory_space<vmem_shared>>)
    %dma_wait3A_206 = arith.constant 2 : i32
    %dma_wait3A_207 = arith.constant 0 : i32
    %dma_wait3A_208 = tpu.memref_slice %arg8[%dma_wait3A_206, %dma_wait3A_207] : memref<4x128xi32, #tpu.memory_space<vmem>> -> memref<1x128xi32, #tpu.memory_space<vmem>>
    %dma_wait3A_209 = tpu.memref_squeeze %dma_wait3A_208 : memref<1x128xi32, #tpu.memory_space<vmem>> -> memref<128xi32, #tpu.memory_space<vmem>>
    %dma_wait3A_210 = arith.constant 0 : i32
    %dma_wait3A_211 = arith.constant 0 : i32
    %dma_wait3A_212 = tpu.memref_slice %arg19[%dma_wait3A_210, %dma_wait3A_211] : memref<100096x16xf32, #tpu.memory_space<vmem_shared>> -> memref<100096x16xf32, #tpu.memory_space<vmem_shared>>
    tpu.wait_indirect_dma semaphore(%arg26 : memref<!tpu.dma_semaphore, #tpu.memory_space<semaphore_mem>>) src(%arg13 : memref<128x16xf32, #tpu.memory_space<vmem>>) dst(%dma_wait3A_212 : memref<100096x16xf32, #tpu.memory_space<vmem_shared>>)
    %dma_wait3A_213 = arith.constant 3 : i32
    %dma_wait3A_214 = arith.constant 0 : i32
    %dma_wait3A_215 = tpu.memref_slice %arg8[%dma_wait3A_213, %dma_wait3A_214] : memref<4x128xi32, #tpu.memory_space<vmem>> -> memref<1x128xi32, #tpu.memory_space<vmem>>
    %dma_wait3A_216 = tpu.memref_squeeze %dma_wait3A_215 : memref<1x128xi32, #tpu.memory_space<vmem>> -> memref<128xi32, #tpu.memory_space<vmem>>
    %dma_wait3A_217 = arith.constant 0 : i32
    %dma_wait3A_218 = arith.constant 0 : i32
    %dma_wait3A_219 = tpu.memref_slice %arg19[%dma_wait3A_217, %dma_wait3A_218] : memref<100096x16xf32, #tpu.memory_space<vmem_shared>> -> memref<100096x16xf32, #tpu.memory_space<vmem_shared>>
    tpu.wait_indirect_dma semaphore(%arg27 : memref<!tpu.dma_semaphore, #tpu.memory_space<semaphore_mem>>) src(%arg14 : memref<128x16xf32, #tpu.memory_space<vmem>>) dst(%dma_wait3A_219 : memref<100096x16xf32, #tpu.memory_space<vmem_shared>>)
    %dma_wait3A_220 = arith.constant 0 : i32
    %dma_wait3A_221 = arith.constant 0 : i32
    %dma_wait3A_222 = tpu.memref_slice %arg9[%dma_wait3A_220, %dma_wait3A_221] : memref<4x128xi32, #tpu.memory_space<vmem>> -> memref<1x128xi32, #tpu.memory_space<vmem>>
    %dma_wait3A_223 = tpu.memref_squeeze %dma_wait3A_222 : memref<1x128xi32, #tpu.memory_space<vmem>> -> memref<128xi32, #tpu.memory_space<vmem>>
    %dma_wait3A_224 = arith.constant 0 : i32
    %dma_wait3A_225 = arith.constant 0 : i32
    %dma_wait3A_226 = tpu.memref_slice %arg2[%arg0, %dma_wait3A_224, %dma_wait3A_225] : memref<2x100000x16xf32, #tpu.memory_space<hbm>> -> memref<1x100000x16xf32, #tpu.memory_space<hbm>>
    %dma_wait3A_227 = tpu.memref_squeeze %dma_wait3A_226 : memref<1x100000x16xf32, #tpu.memory_space<hbm>> -> memref<100000x16xf32, #tpu.memory_space<hbm>>
    %dma_wait3A_228 = arith.constant 0 : i32
    %dma_wait3A_229 = arith.constant 0 : i32
    %dma_wait3A_230 = tpu.memref_slice %dma_wait3A_227[%dma_wait3A_228, %dma_wait3A_229] : memref<100000x16xf32, #tpu.memory_space<hbm>> -> memref<100000x16xf32, #tpu.memory_space<hbm>>
    tpu.wait_indirect_dma semaphore(%arg20 : memref<!tpu.dma_semaphore, #tpu.memory_space<semaphore_mem>>) src(%dma_wait3A_230 : memref<100000x16xf32, #tpu.memory_space<hbm>>) dst(%arg15 : memref<128x16xf32, #tpu.memory_space<vmem>>)
    %dma_start3A_231 = arith.constant 0 : i32
    %dma_start3A_232 = arith.constant 0 : i32
    %dma_start3A_233 = tpu.memref_slice %arg10[%dma_start3A_231, %dma_start3A_232] : memref<4x128xi32, #tpu.memory_space<vmem>> -> memref<1x128xi32, #tpu.memory_space<vmem>>
    %dma_start3A_234 = tpu.memref_squeeze %dma_start3A_233 : memref<1x128xi32, #tpu.memory_space<vmem>> -> memref<128xi32, #tpu.memory_space<vmem>>
    %dma_start3A_235 = arith.constant 0 : i32
    %dma_start3A_236 = arith.constant 0 : i32
    %dma_start3A_237 = tpu.memref_slice %arg19[%dma_start3A_235, %dma_start3A_236] : memref<100096x16xf32, #tpu.memory_space<vmem_shared>> -> memref<100096x16xf32, #tpu.memory_space<vmem_shared>>
    tpu.enqueue_indirect_dma source(%arg15 : memref<128x16xf32, #tpu.memory_space<vmem>>) target(%dma_start3A_237 : memref<100096x16xf32, #tpu.memory_space<vmem_shared>>) offsets(%dma_start3A_234 : memref<128xi32, #tpu.memory_space<vmem>>) semaphore(%arg24 : memref<!tpu.dma_semaphore, #tpu.memory_space<semaphore_mem>>) {add = true}
    %dma_wait3A_238 = arith.constant 1 : i32
    %dma_wait3A_239 = arith.constant 0 : i32
    %dma_wait3A_240 = tpu.memref_slice %arg9[%dma_wait3A_238, %dma_wait3A_239] : memref<4x128xi32, #tpu.memory_space<vmem>> -> memref<1x128xi32, #tpu.memory_space<vmem>>
    %dma_wait3A_241 = tpu.memref_squeeze %dma_wait3A_240 : memref<1x128xi32, #tpu.memory_space<vmem>> -> memref<128xi32, #tpu.memory_space<vmem>>
    %dma_wait3A_242 = arith.constant 0 : i32
    %dma_wait3A_243 = arith.constant 0 : i32
    %dma_wait3A_244 = tpu.memref_slice %arg2[%arg0, %dma_wait3A_242, %dma_wait3A_243] : memref<2x100000x16xf32, #tpu.memory_space<hbm>> -> memref<1x100000x16xf32, #tpu.memory_space<hbm>>
    %dma_wait3A_245 = tpu.memref_squeeze %dma_wait3A_244 : memref<1x100000x16xf32, #tpu.memory_space<hbm>> -> memref<100000x16xf32, #tpu.memory_space<hbm>>
    %dma_wait3A_246 = arith.constant 0 : i32
    %dma_wait3A_247 = arith.constant 0 : i32
    %dma_wait3A_248 = tpu.memref_slice %dma_wait3A_245[%dma_wait3A_246, %dma_wait3A_247] : memref<100000x16xf32, #tpu.memory_space<hbm>> -> memref<100000x16xf32, #tpu.memory_space<hbm>>
    tpu.wait_indirect_dma semaphore(%arg21 : memref<!tpu.dma_semaphore, #tpu.memory_space<semaphore_mem>>) src(%dma_wait3A_248 : memref<100000x16xf32, #tpu.memory_space<hbm>>) dst(%arg16 : memref<128x16xf32, #tpu.memory_space<vmem>>)
    %dma_start3A_249 = arith.constant 1 : i32
    %dma_start3A_250 = arith.constant 0 : i32
    %dma_start3A_251 = tpu.memref_slice %arg10[%dma_start3A_249, %dma_start3A_250] : memref<4x128xi32, #tpu.memory_space<vmem>> -> memref<1x128xi32, #tpu.memory_space<vmem>>
    %dma_start3A_252 = tpu.memref_squeeze %dma_start3A_251 : memref<1x128xi32, #tpu.memory_space<vmem>> -> memref<128xi32, #tpu.memory_space<vmem>>
    %dma_start3A_253 = arith.constant 0 : i32
    %dma_start3A_254 = arith.constant 0 : i32
    %dma_start3A_255 = tpu.memref_slice %arg19[%dma_start3A_253, %dma_start3A_254] : memref<100096x16xf32, #tpu.memory_space<vmem_shared>> -> memref<100096x16xf32, #tpu.memory_space<vmem_shared>>
    tpu.enqueue_indirect_dma source(%arg16 : memref<128x16xf32, #tpu.memory_space<vmem>>) target(%dma_start3A_255 : memref<100096x16xf32, #tpu.memory_space<vmem_shared>>) offsets(%dma_start3A_252 : memref<128xi32, #tpu.memory_space<vmem>>) semaphore(%arg25 : memref<!tpu.dma_semaphore, #tpu.memory_space<semaphore_mem>>) {add = true}
    %dma_wait3A_256 = arith.constant 2 : i32
    %dma_wait3A_257 = arith.constant 0 : i32
    %dma_wait3A_258 = tpu.memref_slice %arg9[%dma_wait3A_256, %dma_wait3A_257] : memref<4x128xi32, #tpu.memory_space<vmem>> -> memref<1x128xi32, #tpu.memory_space<vmem>>
    %dma_wait3A_259 = tpu.memref_squeeze %dma_wait3A_258 : memref<1x128xi32, #tpu.memory_space<vmem>> -> memref<128xi32, #tpu.memory_space<vmem>>
    %dma_wait3A_260 = arith.constant 0 : i32
    %dma_wait3A_261 = arith.constant 0 : i32
    %dma_wait3A_262 = tpu.memref_slice %arg2[%arg0, %dma_wait3A_260, %dma_wait3A_261] : memref<2x100000x16xf32, #tpu.memory_space<hbm>> -> memref<1x100000x16xf32, #tpu.memory_space<hbm>>
    %dma_wait3A_263 = tpu.memref_squeeze %dma_wait3A_262 : memref<1x100000x16xf32, #tpu.memory_space<hbm>> -> memref<100000x16xf32, #tpu.memory_space<hbm>>
    %dma_wait3A_264 = arith.constant 0 : i32
    %dma_wait3A_265 = arith.constant 0 : i32
    %dma_wait3A_266 = tpu.memref_slice %dma_wait3A_263[%dma_wait3A_264, %dma_wait3A_265] : memref<100000x16xf32, #tpu.memory_space<hbm>> -> memref<100000x16xf32, #tpu.memory_space<hbm>>
    tpu.wait_indirect_dma semaphore(%arg22 : memref<!tpu.dma_semaphore, #tpu.memory_space<semaphore_mem>>) src(%dma_wait3A_266 : memref<100000x16xf32, #tpu.memory_space<hbm>>) dst(%arg17 : memref<128x16xf32, #tpu.memory_space<vmem>>)
    %dma_start3A_267 = arith.constant 2 : i32
    %dma_start3A_268 = arith.constant 0 : i32
    %dma_start3A_269 = tpu.memref_slice %arg10[%dma_start3A_267, %dma_start3A_268] : memref<4x128xi32, #tpu.memory_space<vmem>> -> memref<1x128xi32, #tpu.memory_space<vmem>>
    %dma_start3A_270 = tpu.memref_squeeze %dma_start3A_269 : memref<1x128xi32, #tpu.memory_space<vmem>> -> memref<128xi32, #tpu.memory_space<vmem>>
    %dma_start3A_271 = arith.constant 0 : i32
    %dma_start3A_272 = arith.constant 0 : i32
    %dma_start3A_273 = tpu.memref_slice %arg19[%dma_start3A_271, %dma_start3A_272] : memref<100096x16xf32, #tpu.memory_space<vmem_shared>> -> memref<100096x16xf32, #tpu.memory_space<vmem_shared>>
    tpu.enqueue_indirect_dma source(%arg17 : memref<128x16xf32, #tpu.memory_space<vmem>>) target(%dma_start3A_273 : memref<100096x16xf32, #tpu.memory_space<vmem_shared>>) offsets(%dma_start3A_270 : memref<128xi32, #tpu.memory_space<vmem>>) semaphore(%arg26 : memref<!tpu.dma_semaphore, #tpu.memory_space<semaphore_mem>>) {add = true}
    %dma_wait3A_274 = arith.constant 3 : i32
    %dma_wait3A_275 = arith.constant 0 : i32
    %dma_wait3A_276 = tpu.memref_slice %arg9[%dma_wait3A_274, %dma_wait3A_275] : memref<4x128xi32, #tpu.memory_space<vmem>> -> memref<1x128xi32, #tpu.memory_space<vmem>>
    %dma_wait3A_277 = tpu.memref_squeeze %dma_wait3A_276 : memref<1x128xi32, #tpu.memory_space<vmem>> -> memref<128xi32, #tpu.memory_space<vmem>>
    %dma_wait3A_278 = arith.constant 0 : i32
    %dma_wait3A_279 = arith.constant 0 : i32
    %dma_wait3A_280 = tpu.memref_slice %arg2[%arg0, %dma_wait3A_278, %dma_wait3A_279] : memref<2x100000x16xf32, #tpu.memory_space<hbm>> -> memref<1x100000x16xf32, #tpu.memory_space<hbm>>
    %dma_wait3A_281 = tpu.memref_squeeze %dma_wait3A_280 : memref<1x100000x16xf32, #tpu.memory_space<hbm>> -> memref<100000x16xf32, #tpu.memory_space<hbm>>
    %dma_wait3A_282 = arith.constant 0 : i32
    %dma_wait3A_283 = arith.constant 0 : i32
    %dma_wait3A_284 = tpu.memref_slice %dma_wait3A_281[%dma_wait3A_282, %dma_wait3A_283] : memref<100000x16xf32, #tpu.memory_space<hbm>> -> memref<100000x16xf32, #tpu.memory_space<hbm>>
    tpu.wait_indirect_dma semaphore(%arg23 : memref<!tpu.dma_semaphore, #tpu.memory_space<semaphore_mem>>) src(%dma_wait3A_284 : memref<100000x16xf32, #tpu.memory_space<hbm>>) dst(%arg18 : memref<128x16xf32, #tpu.memory_space<vmem>>)
    %dma_start3A_285 = arith.constant 3 : i32
    %dma_start3A_286 = arith.constant 0 : i32
    %dma_start3A_287 = tpu.memref_slice %arg10[%dma_start3A_285, %dma_start3A_286] : memref<4x128xi32, #tpu.memory_space<vmem>> -> memref<1x128xi32, #tpu.memory_space<vmem>>
    %dma_start3A_288 = tpu.memref_squeeze %dma_start3A_287 : memref<1x128xi32, #tpu.memory_space<vmem>> -> memref<128xi32, #tpu.memory_space<vmem>>
    %dma_start3A_289 = arith.constant 0 : i32
    %dma_start3A_290 = arith.constant 0 : i32
    %dma_start3A_291 = tpu.memref_slice %arg19[%dma_start3A_289, %dma_start3A_290] : memref<100096x16xf32, #tpu.memory_space<vmem_shared>> -> memref<100096x16xf32, #tpu.memory_space<vmem_shared>>
    tpu.enqueue_indirect_dma source(%arg18 : memref<128x16xf32, #tpu.memory_space<vmem>>) target(%dma_start3A_291 : memref<100096x16xf32, #tpu.memory_space<vmem_shared>>) offsets(%dma_start3A_288 : memref<128xi32, #tpu.memory_space<vmem>>) semaphore(%arg27 : memref<!tpu.dma_semaphore, #tpu.memory_space<semaphore_mem>>) {add = true}
    %dma_wait3A_292 = arith.constant 0 : i32
    %dma_wait3A_293 = arith.constant 0 : i32
    %dma_wait3A_294 = tpu.memref_slice %arg10[%dma_wait3A_292, %dma_wait3A_293] : memref<4x128xi32, #tpu.memory_space<vmem>> -> memref<1x128xi32, #tpu.memory_space<vmem>>
    %dma_wait3A_295 = tpu.memref_squeeze %dma_wait3A_294 : memref<1x128xi32, #tpu.memory_space<vmem>> -> memref<128xi32, #tpu.memory_space<vmem>>
    %dma_wait3A_296 = arith.constant 0 : i32
    %dma_wait3A_297 = arith.constant 0 : i32
    %dma_wait3A_298 = tpu.memref_slice %arg19[%dma_wait3A_296, %dma_wait3A_297] : memref<100096x16xf32, #tpu.memory_space<vmem_shared>> -> memref<100096x16xf32, #tpu.memory_space<vmem_shared>>
    tpu.wait_indirect_dma semaphore(%arg24 : memref<!tpu.dma_semaphore, #tpu.memory_space<semaphore_mem>>) src(%arg15 : memref<128x16xf32, #tpu.memory_space<vmem>>) dst(%dma_wait3A_298 : memref<100096x16xf32, #tpu.memory_space<vmem_shared>>)
    %dma_wait3A_299 = arith.constant 1 : i32
    %dma_wait3A_300 = arith.constant 0 : i32
    %dma_wait3A_301 = tpu.memref_slice %arg10[%dma_wait3A_299, %dma_wait3A_300] : memref<4x128xi32, #tpu.memory_space<vmem>> -> memref<1x128xi32, #tpu.memory_space<vmem>>
    %dma_wait3A_302 = tpu.memref_squeeze %dma_wait3A_301 : memref<1x128xi32, #tpu.memory_space<vmem>> -> memref<128xi32, #tpu.memory_space<vmem>>
    %dma_wait3A_303 = arith.constant 0 : i32
    %dma_wait3A_304 = arith.constant 0 : i32
    %dma_wait3A_305 = tpu.memref_slice %arg19[%dma_wait3A_303, %dma_wait3A_304] : memref<100096x16xf32, #tpu.memory_space<vmem_shared>> -> memref<100096x16xf32, #tpu.memory_space<vmem_shared>>
    tpu.wait_indirect_dma semaphore(%arg25 : memref<!tpu.dma_semaphore, #tpu.memory_space<semaphore_mem>>) src(%arg16 : memref<128x16xf32, #tpu.memory_space<vmem>>) dst(%dma_wait3A_305 : memref<100096x16xf32, #tpu.memory_space<vmem_shared>>)
    %dma_wait3A_306 = arith.constant 2 : i32
    %dma_wait3A_307 = arith.constant 0 : i32
    %dma_wait3A_308 = tpu.memref_slice %arg10[%dma_wait3A_306, %dma_wait3A_307] : memref<4x128xi32, #tpu.memory_space<vmem>> -> memref<1x128xi32, #tpu.memory_space<vmem>>
    %dma_wait3A_309 = tpu.memref_squeeze %dma_wait3A_308 : memref<1x128xi32, #tpu.memory_space<vmem>> -> memref<128xi32, #tpu.memory_space<vmem>>
    %dma_wait3A_310 = arith.constant 0 : i32
    %dma_wait3A_311 = arith.constant 0 : i32
    %dma_wait3A_312 = tpu.memref_slice %arg19[%dma_wait3A_310, %dma_wait3A_311] : memref<100096x16xf32, #tpu.memory_space<vmem_shared>> -> memref<100096x16xf32, #tpu.memory_space<vmem_shared>>
    tpu.wait_indirect_dma semaphore(%arg26 : memref<!tpu.dma_semaphore, #tpu.memory_space<semaphore_mem>>) src(%arg17 : memref<128x16xf32, #tpu.memory_space<vmem>>) dst(%dma_wait3A_312 : memref<100096x16xf32, #tpu.memory_space<vmem_shared>>)
    %dma_wait3A_313 = arith.constant 3 : i32
    %dma_wait3A_314 = arith.constant 0 : i32
    %dma_wait3A_315 = tpu.memref_slice %arg10[%dma_wait3A_313, %dma_wait3A_314] : memref<4x128xi32, #tpu.memory_space<vmem>> -> memref<1x128xi32, #tpu.memory_space<vmem>>
    %dma_wait3A_316 = tpu.memref_squeeze %dma_wait3A_315 : memref<1x128xi32, #tpu.memory_space<vmem>> -> memref<128xi32, #tpu.memory_space<vmem>>
    %dma_wait3A_317 = arith.constant 0 : i32
    %dma_wait3A_318 = arith.constant 0 : i32
    %dma_wait3A_319 = tpu.memref_slice %arg19[%dma_wait3A_317, %dma_wait3A_318] : memref<100096x16xf32, #tpu.memory_space<vmem_shared>> -> memref<100096x16xf32, #tpu.memory_space<vmem_shared>>
    tpu.wait_indirect_dma semaphore(%arg27 : memref<!tpu.dma_semaphore, #tpu.memory_space<semaphore_mem>>) src(%arg18 : memref<128x16xf32, #tpu.memory_space<vmem>>) dst(%dma_wait3A_319 : memref<100096x16xf32, #tpu.memory_space<vmem_shared>>)
    %barrier3A_320 = arith.constant 0 : index
    tpu.barrier barrier_id(%barrier3A_320)
    %mul3A_321 = arith.constant 6256 : i32
    %mul3A_322 = arith.muli %arg1, %mul3A_321 : i32
    "tpu.region"() ({
      %run_scoped3A = tpu.sem_alloc : memref<!tpu.dma_semaphore, #tpu.memory_space<semaphore_mem>>
      %dma_start3A_323 = arith.constant 0 : i32
      %dma_start3A_324 = arith.constant 0 : i32
      %dma_start3A_325 = tpu.memref_slice %arg6[%arg0, %dma_start3A_323, %dma_start3A_324] : memref<2x100096x16xf32, #tpu.memory_space<hbm>> -> memref<1x100096x16xf32, #tpu.memory_space<hbm>>
      %dma_start3A_326 = tpu.memref_squeeze %dma_start3A_325 : memref<1x100096x16xf32, #tpu.memory_space<hbm>> -> memref<100096x16xf32, #tpu.memory_space<hbm>>
      %dma_start3A_327 = arith.constant 0 : i32
      %dma_start3A_328 = tpu.memref_slice %dma_start3A_326[%mul3A_322, %dma_start3A_327] : memref<100096x16xf32, #tpu.memory_space<hbm>> -> memref<6256x16xf32, #tpu.memory_space<hbm>>
      %dma_start3A_329 = arith.constant 0 : i32
      %dma_start3A_330 = tpu.memref_slice %arg19[%mul3A_322, %dma_start3A_329] : memref<100096x16xf32, #tpu.memory_space<vmem_shared>> -> memref<6256x16xf32, #tpu.memory_space<vmem_shared>>
      tpu.enqueue_dma source(%dma_start3A_330 : memref<6256x16xf32, #tpu.memory_space<vmem_shared>>) target(%dma_start3A_328 : memref<6256x16xf32, #tpu.memory_space<hbm>>) target_semaphore(%run_scoped3A : memref<!tpu.dma_semaphore, #tpu.memory_space<semaphore_mem>>)
      %dma_wait3A_331 = arith.constant 0 : i32
      %dma_wait3A_332 = arith.constant 0 : i32
      %dma_wait3A_333 = tpu.memref_slice %arg6[%arg0, %dma_wait3A_331, %dma_wait3A_332] : memref<2x100096x16xf32, #tpu.memory_space<hbm>> -> memref<1x100096x16xf32, #tpu.memory_space<hbm>>
      %dma_wait3A_334 = tpu.memref_squeeze %dma_wait3A_333 : memref<1x100096x16xf32, #tpu.memory_space<hbm>> -> memref<100096x16xf32, #tpu.memory_space<hbm>>
      %dma_wait3A_335 = arith.constant 0 : i32
      %dma_wait3A_336 = tpu.memref_slice %dma_wait3A_334[%mul3A_322, %dma_wait3A_335] : memref<100096x16xf32, #tpu.memory_space<hbm>> -> memref<6256x16xf32, #tpu.memory_space<hbm>>
      %dma_wait3A_337 = arith.constant 0 : i32
      %dma_wait3A_338 = tpu.memref_slice %arg19[%mul3A_322, %dma_wait3A_337] : memref<100096x16xf32, #tpu.memory_space<vmem_shared>> -> memref<6256x16xf32, #tpu.memory_space<vmem_shared>>
      tpu.wait_dma2 semaphore(%run_scoped3A : memref<!tpu.dma_semaphore, #tpu.memory_space<semaphore_mem>>) src(%dma_wait3A_338 : memref<6256x16xf32, #tpu.memory_space<vmem_shared>>) dst(%dma_wait3A_336 : memref<6256x16xf32, #tpu.memory_space<hbm>>)
      tpu.yield
    }) : () -> ()
    return
  }
}

#map = affine_map<(d0, d1) -> (0, 0)>
#map1 = affine_map<(d0, d1) -> (0, 0, 0)>
module attributes {stable_mosaic.version = 14 : i64} {
  func.func @body(%arg0: i32, %arg1: i32, %arg2: memref<25088x128xi32, #tpu.memory_space<hbm>>, %arg3: memref<128x16xf32, #tpu.memory_space<hbm>>, %arg4: memref<100096x16xf32, #tpu.memory_space<hbm>>, %arg5: memref<2x100096x16xf32, #tpu.memory_space<hbm>>, %arg6: memref<4x128xi32, #tpu.memory_space<vmem>>, %arg7: memref<4x128xi32, #tpu.memory_space<vmem>>, %arg8: memref<128x16xf32, #tpu.memory_space<vmem>>, %arg9: memref<100096x16xf32, #tpu.memory_space<vmem_shared>>, %arg10: memref<!tpu.dma_semaphore, #tpu.memory_space<semaphore_mem>>, %arg11: memref<!tpu.dma_semaphore, #tpu.memory_space<semaphore_mem>>, %arg12: memref<!tpu.dma_semaphore, #tpu.memory_space<semaphore_mem>>, %arg13: memref<!tpu.dma_semaphore, #tpu.memory_space<semaphore_mem>>, %arg14: memref<!tpu.dma_semaphore, #tpu.memory_space<semaphore_mem>>, %arg15: memref<!tpu.dma_semaphore, #tpu.memory_space<semaphore_mem>>) attributes {dimension_semantics = [#tpu.dimension_semantics<core_parallel>, #tpu.dimension_semantics<subcore_parallel>], iteration_bounds = array<i64: 2, 16>, scalar_prefetch = 0 : i64, scratch_operands = 10 : i64, tpu.core_type = #tpu.core_type<sc_vector_subcore>, window_params = [{transform_indices = #map}, {transform_indices = #map}, {transform_indices = #map}, {transform_indices = #map1}]} {
    "tpu.region"() ({
      %run_scoped3A = tpu.sem_alloc : memref<!tpu.dma_semaphore, #tpu.memory_space<semaphore_mem>>
      tpu.enqueue_dma source(%arg3 : memref<128x16xf32, #tpu.memory_space<hbm>>) target(%arg8 : memref<128x16xf32, #tpu.memory_space<vmem>>) target_semaphore(%run_scoped3A : memref<!tpu.dma_semaphore, #tpu.memory_space<semaphore_mem>>)
      tpu.wait_dma2 semaphore(%run_scoped3A : memref<!tpu.dma_semaphore, #tpu.memory_space<semaphore_mem>>) src(%arg3 : memref<128x16xf32, #tpu.memory_space<hbm>>) dst(%arg8 : memref<128x16xf32, #tpu.memory_space<vmem>>)
      tpu.yield
    }) : () -> ()
    %mul3A = arith.constant 6256 : i32
    %mul3A_0 = arith.muli %arg1, %mul3A : i32
    "tpu.region"() ({
      %run_scoped3A = tpu.sem_alloc : memref<!tpu.dma_semaphore, #tpu.memory_space<semaphore_mem>>
      %dma_start3A_136 = arith.constant 0 : i32
      %dma_start3A_137 = tpu.memref_slice %arg9[%mul3A_0, %dma_start3A_136] : memref<100096x16xf32, #tpu.memory_space<vmem_shared>> -> memref<6256x16xf32, #tpu.memory_space<vmem_shared>>
      %dma_start3A_138 = arith.constant 0 : i32
      %dma_start3A_139 = tpu.memref_slice %arg4[%mul3A_0, %dma_start3A_138] : memref<100096x16xf32, #tpu.memory_space<hbm>> -> memref<6256x16xf32, #tpu.memory_space<hbm>>
      tpu.enqueue_dma source(%dma_start3A_139 : memref<6256x16xf32, #tpu.memory_space<hbm>>) target(%dma_start3A_137 : memref<6256x16xf32, #tpu.memory_space<vmem_shared>>) target_semaphore(%run_scoped3A : memref<!tpu.dma_semaphore, #tpu.memory_space<semaphore_mem>>)
      %dma_wait3A_140 = arith.constant 0 : i32
      %dma_wait3A_141 = tpu.memref_slice %arg9[%mul3A_0, %dma_wait3A_140] : memref<100096x16xf32, #tpu.memory_space<vmem_shared>> -> memref<6256x16xf32, #tpu.memory_space<vmem_shared>>
      %dma_wait3A_142 = arith.constant 0 : i32
      %dma_wait3A_143 = tpu.memref_slice %arg4[%mul3A_0, %dma_wait3A_142] : memref<100096x16xf32, #tpu.memory_space<hbm>> -> memref<6256x16xf32, #tpu.memory_space<hbm>>
      tpu.wait_dma2 semaphore(%run_scoped3A : memref<!tpu.dma_semaphore, #tpu.memory_space<semaphore_mem>>) src(%dma_wait3A_143 : memref<6256x16xf32, #tpu.memory_space<hbm>>) dst(%dma_wait3A_141 : memref<6256x16xf32, #tpu.memory_space<vmem_shared>>)
      tpu.yield
    }) : () -> ()
    %barrier3A = arith.constant 0 : index
    tpu.barrier barrier_id(%barrier3A)
    %mul3A_1 = arith.constant 16 : i32
    %mul3A_2 = arith.muli %arg0, %mul3A_1 : i32
    %add3A = arith.addi %mul3A_2, %arg1 : i32
    %mul3A_3 = arith.constant 784 : i32
    %mul3A_4 = arith.muli %add3A, %mul3A_3 : i32
    %add3A_5 = arith.constant 0 : i32
    %add3A_6 = arith.addi %mul3A_4, %add3A_5 : i32
    "tpu.region"() ({
      %run_scoped3A = tpu.sem_alloc : memref<!tpu.dma_semaphore, #tpu.memory_space<semaphore_mem>>
      %dma_start3A_136 = arith.constant 0 : i32
      %dma_start3A_137 = tpu.memref_slice %arg2[%add3A_6, %dma_start3A_136] : memref<25088x128xi32, #tpu.memory_space<hbm>> -> memref<4x128xi32, #tpu.memory_space<hbm>>
      %dma_start3A_138 = arith.constant 0 : i32
      %dma_start3A_139 = tpu.memref_slice %arg2[%add3A_6, %dma_start3A_138] : memref<25088x128xi32, #tpu.memory_space<hbm>> -> memref<4x128xi32, #tpu.memory_space<hbm>>
      tpu.enqueue_dma source(%dma_start3A_139 : memref<4x128xi32, #tpu.memory_space<hbm>>) target(%arg6 : memref<4x128xi32, #tpu.memory_space<vmem>>) target_semaphore(%run_scoped3A : memref<!tpu.dma_semaphore, #tpu.memory_space<semaphore_mem>>)
      %dma_wait3A_140 = arith.constant 0 : i32
      %dma_wait3A_141 = tpu.memref_slice %arg2[%add3A_6, %dma_wait3A_140] : memref<25088x128xi32, #tpu.memory_space<hbm>> -> memref<4x128xi32, #tpu.memory_space<hbm>>
      %dma_wait3A_142 = arith.constant 0 : i32
      %dma_wait3A_143 = tpu.memref_slice %arg2[%add3A_6, %dma_wait3A_142] : memref<25088x128xi32, #tpu.memory_space<hbm>> -> memref<4x128xi32, #tpu.memory_space<hbm>>
      tpu.wait_dma2 semaphore(%run_scoped3A : memref<!tpu.dma_semaphore, #tpu.memory_space<semaphore_mem>>) src(%dma_wait3A_143 : memref<4x128xi32, #tpu.memory_space<hbm>>) dst(%arg6 : memref<4x128xi32, #tpu.memory_space<vmem>>)
      tpu.yield
    }) : () -> ()
    %add3A_7 = arith.constant 4 : i32
    %add3A_8 = arith.addi %mul3A_4, %add3A_7 : i32
    %dma_start3A = arith.constant 0 : i32
    %dma_start3A_9 = tpu.memref_slice %arg2[%add3A_8, %dma_start3A] : memref<25088x128xi32, #tpu.memory_space<hbm>> -> memref<4x128xi32, #tpu.memory_space<hbm>>
    %dma_start3A_10 = arith.constant 0 : i32
    %dma_start3A_11 = tpu.memref_slice %arg2[%add3A_8, %dma_start3A_10] : memref<25088x128xi32, #tpu.memory_space<hbm>> -> memref<4x128xi32, #tpu.memory_space<hbm>>
    tpu.enqueue_dma source(%dma_start3A_11 : memref<4x128xi32, #tpu.memory_space<hbm>>) target(%arg7 : memref<4x128xi32, #tpu.memory_space<vmem>>) target_semaphore(%arg15 : memref<!tpu.dma_semaphore, #tpu.memory_space<semaphore_mem>>)
    %scan3A = arith.constant 0 : i32
    %scan3A_12 = arith.constant 97 : i32
    %scan3A_13 = arith.addi %scan3A, %scan3A_12 : i32
    %scan3A_14 = arith.constant 1 : i32
    scf.for %scan3A_136 = %scan3A to %scan3A_13 step %scan3A_14  : i32 {
      %mul3A_137 = arith.constant 1 : i32
      %mul3A_138 = arith.muli %scan3A_136, %mul3A_137 : i32
      %add3A_139 = arith.constant 0 : i32
      %add3A_140 = arith.addi %add3A_139, %mul3A_138 : i32
      %mul3A_141 = arith.constant 2 : i32
      %mul3A_142 = arith.muli %mul3A_141, %add3A_140 : i32
      %add3A_143 = arith.constant 0 : i32
      %add3A_144 = arith.addi %mul3A_4, %add3A_143 : i32
      %dma_wait3A_145 = arith.constant 0 : i32
      %dma_wait3A_146 = tpu.memref_slice %arg2[%add3A_144, %dma_wait3A_145] : memref<25088x128xi32, #tpu.memory_space<hbm>> -> memref<4x128xi32, #tpu.memory_space<hbm>>
      %dma_wait3A_147 = arith.constant 0 : i32
      %dma_wait3A_148 = tpu.memref_slice %arg2[%add3A_144, %dma_wait3A_147] : memref<25088x128xi32, #tpu.memory_space<hbm>> -> memref<4x128xi32, #tpu.memory_space<hbm>>
      tpu.wait_dma2 semaphore(%arg15 : memref<!tpu.dma_semaphore, #tpu.memory_space<semaphore_mem>>) src(%dma_wait3A_148 : memref<4x128xi32, #tpu.memory_space<hbm>>) dst(%arg7 : memref<4x128xi32, #tpu.memory_space<vmem>>)
      %add3A_149 = arith.constant 2 : i32
      %add3A_150 = arith.addi %mul3A_142, %add3A_149 : i32
      %dma_start3A_151 = arith.constant 0 : i32
      %dma_start3A_152 = arith.constant 0 : i32
      %dma_start3A_153 = tpu.memref_slice %arg6[%dma_start3A_151, %dma_start3A_152] : memref<4x128xi32, #tpu.memory_space<vmem>> -> memref<1x128xi32, #tpu.memory_space<vmem>>
      %dma_start3A_154 = tpu.memref_squeeze %dma_start3A_153 : memref<1x128xi32, #tpu.memory_space<vmem>> -> memref<128xi32, #tpu.memory_space<vmem>>
      %dma_start3A_155 = arith.constant 0 : i32
      %dma_start3A_156 = arith.constant 0 : i32
      %dma_start3A_157 = tpu.memref_slice %arg9[%dma_start3A_155, %dma_start3A_156] : memref<100096x16xf32, #tpu.memory_space<vmem_shared>> -> memref<100096x16xf32, #tpu.memory_space<vmem_shared>>
      tpu.enqueue_indirect_dma source(%arg8 : memref<128x16xf32, #tpu.memory_space<vmem>>) target(%dma_start3A_157 : memref<100096x16xf32, #tpu.memory_space<vmem_shared>>) offsets(%dma_start3A_154 : memref<128xi32, #tpu.memory_space<vmem>>) semaphore(%arg10 : memref<!tpu.dma_semaphore, #tpu.memory_space<semaphore_mem>>) {add = true}
      %dma_start3A_158 = arith.constant 1 : i32
      %dma_start3A_159 = arith.constant 0 : i32
      %dma_start3A_160 = tpu.memref_slice %arg6[%dma_start3A_158, %dma_start3A_159] : memref<4x128xi32, #tpu.memory_space<vmem>> -> memref<1x128xi32, #tpu.memory_space<vmem>>
      %dma_start3A_161 = tpu.memref_squeeze %dma_start3A_160 : memref<1x128xi32, #tpu.memory_space<vmem>> -> memref<128xi32, #tpu.memory_space<vmem>>
      %dma_start3A_162 = arith.constant 0 : i32
      %dma_start3A_163 = arith.constant 0 : i32
      %dma_start3A_164 = tpu.memref_slice %arg9[%dma_start3A_162, %dma_start3A_163] : memref<100096x16xf32, #tpu.memory_space<vmem_shared>> -> memref<100096x16xf32, #tpu.memory_space<vmem_shared>>
      tpu.enqueue_indirect_dma source(%arg8 : memref<128x16xf32, #tpu.memory_space<vmem>>) target(%dma_start3A_164 : memref<100096x16xf32, #tpu.memory_space<vmem_shared>>) offsets(%dma_start3A_161 : memref<128xi32, #tpu.memory_space<vmem>>) semaphore(%arg11 : memref<!tpu.dma_semaphore, #tpu.memory_space<semaphore_mem>>) {add = true}
      %dma_start3A_165 = arith.constant 2 : i32
      %dma_start3A_166 = arith.constant 0 : i32
      %dma_start3A_167 = tpu.memref_slice %arg6[%dma_start3A_165, %dma_start3A_166] : memref<4x128xi32, #tpu.memory_space<vmem>> -> memref<1x128xi32, #tpu.memory_space<vmem>>
      %dma_start3A_168 = tpu.memref_squeeze %dma_start3A_167 : memref<1x128xi32, #tpu.memory_space<vmem>> -> memref<128xi32, #tpu.memory_space<vmem>>
      %dma_start3A_169 = arith.constant 0 : i32
      %dma_start3A_170 = arith.constant 0 : i32
      %dma_start3A_171 = tpu.memref_slice %arg9[%dma_start3A_169, %dma_start3A_170] : memref<100096x16xf32, #tpu.memory_space<vmem_shared>> -> memref<100096x16xf32, #tpu.memory_space<vmem_shared>>
      tpu.enqueue_indirect_dma source(%arg8 : memref<128x16xf32, #tpu.memory_space<vmem>>) target(%dma_start3A_171 : memref<100096x16xf32, #tpu.memory_space<vmem_shared>>) offsets(%dma_start3A_168 : memref<128xi32, #tpu.memory_space<vmem>>) semaphore(%arg12 : memref<!tpu.dma_semaphore, #tpu.memory_space<semaphore_mem>>) {add = true}
      %dma_start3A_172 = arith.constant 3 : i32
      %dma_start3A_173 = arith.constant 0 : i32
      %dma_start3A_174 = tpu.memref_slice %arg6[%dma_start3A_172, %dma_start3A_173] : memref<4x128xi32, #tpu.memory_space<vmem>> -> memref<1x128xi32, #tpu.memory_space<vmem>>
      %dma_start3A_175 = tpu.memref_squeeze %dma_start3A_174 : memref<1x128xi32, #tpu.memory_space<vmem>> -> memref<128xi32, #tpu.memory_space<vmem>>
      %dma_start3A_176 = arith.constant 0 : i32
      %dma_start3A_177 = arith.constant 0 : i32
      %dma_start3A_178 = tpu.memref_slice %arg9[%dma_start3A_176, %dma_start3A_177] : memref<100096x16xf32, #tpu.memory_space<vmem_shared>> -> memref<100096x16xf32, #tpu.memory_space<vmem_shared>>
      tpu.enqueue_indirect_dma source(%arg8 : memref<128x16xf32, #tpu.memory_space<vmem>>) target(%dma_start3A_178 : memref<100096x16xf32, #tpu.memory_space<vmem_shared>>) offsets(%dma_start3A_175 : memref<128xi32, #tpu.memory_space<vmem>>) semaphore(%arg13 : memref<!tpu.dma_semaphore, #tpu.memory_space<semaphore_mem>>) {add = true}
      %dma_wait3A_179 = arith.constant 0 : i32
      %dma_wait3A_180 = arith.constant 0 : i32
      %dma_wait3A_181 = tpu.memref_slice %arg6[%dma_wait3A_179, %dma_wait3A_180] : memref<4x128xi32, #tpu.memory_space<vmem>> -> memref<1x128xi32, #tpu.memory_space<vmem>>
      %dma_wait3A_182 = tpu.memref_squeeze %dma_wait3A_181 : memref<1x128xi32, #tpu.memory_space<vmem>> -> memref<128xi32, #tpu.memory_space<vmem>>
      %dma_wait3A_183 = arith.constant 0 : i32
      %dma_wait3A_184 = arith.constant 0 : i32
      %dma_wait3A_185 = tpu.memref_slice %arg9[%dma_wait3A_183, %dma_wait3A_184] : memref<100096x16xf32, #tpu.memory_space<vmem_shared>> -> memref<100096x16xf32, #tpu.memory_space<vmem_shared>>
      tpu.wait_indirect_dma semaphore(%arg10 : memref<!tpu.dma_semaphore, #tpu.memory_space<semaphore_mem>>) src(%arg8 : memref<128x16xf32, #tpu.memory_space<vmem>>) dst(%dma_wait3A_185 : memref<100096x16xf32, #tpu.memory_space<vmem_shared>>)
      %dma_wait3A_186 = arith.constant 1 : i32
      %dma_wait3A_187 = arith.constant 0 : i32
      %dma_wait3A_188 = tpu.memref_slice %arg6[%dma_wait3A_186, %dma_wait3A_187] : memref<4x128xi32, #tpu.memory_space<vmem>> -> memref<1x128xi32, #tpu.memory_space<vmem>>
      %dma_wait3A_189 = tpu.memref_squeeze %dma_wait3A_188 : memref<1x128xi32, #tpu.memory_space<vmem>> -> memref<128xi32, #tpu.memory_space<vmem>>
      %dma_wait3A_190 = arith.constant 0 : i32
      %dma_wait3A_191 = arith.constant 0 : i32
      %dma_wait3A_192 = tpu.memref_slice %arg9[%dma_wait3A_190, %dma_wait3A_191] : memref<100096x16xf32, #tpu.memory_space<vmem_shared>> -> memref<100096x16xf32, #tpu.memory_space<vmem_shared>>
      tpu.wait_indirect_dma semaphore(%arg11 : memref<!tpu.dma_semaphore, #tpu.memory_space<semaphore_mem>>) src(%arg8 : memref<128x16xf32, #tpu.memory_space<vmem>>) dst(%dma_wait3A_192 : memref<100096x16xf32, #tpu.memory_space<vmem_shared>>)
      %dma_wait3A_193 = arith.constant 2 : i32
      %dma_wait3A_194 = arith.constant 0 : i32
      %dma_wait3A_195 = tpu.memref_slice %arg6[%dma_wait3A_193, %dma_wait3A_194] : memref<4x128xi32, #tpu.memory_space<vmem>> -> memref<1x128xi32, #tpu.memory_space<vmem>>
      %dma_wait3A_196 = tpu.memref_squeeze %dma_wait3A_195 : memref<1x128xi32, #tpu.memory_space<vmem>> -> memref<128xi32, #tpu.memory_space<vmem>>
      %dma_wait3A_197 = arith.constant 0 : i32
      %dma_wait3A_198 = arith.constant 0 : i32
      %dma_wait3A_199 = tpu.memref_slice %arg9[%dma_wait3A_197, %dma_wait3A_198] : memref<100096x16xf32, #tpu.memory_space<vmem_shared>> -> memref<100096x16xf32, #tpu.memory_space<vmem_shared>>
      tpu.wait_indirect_dma semaphore(%arg12 : memref<!tpu.dma_semaphore, #tpu.memory_space<semaphore_mem>>) src(%arg8 : memref<128x16xf32, #tpu.memory_space<vmem>>) dst(%dma_wait3A_199 : memref<100096x16xf32, #tpu.memory_space<vmem_shared>>)
      %dma_wait3A_200 = arith.constant 3 : i32
      %dma_wait3A_201 = arith.constant 0 : i32
      %dma_wait3A_202 = tpu.memref_slice %arg6[%dma_wait3A_200, %dma_wait3A_201] : memref<4x128xi32, #tpu.memory_space<vmem>> -> memref<1x128xi32, #tpu.memory_space<vmem>>
      %dma_wait3A_203 = tpu.memref_squeeze %dma_wait3A_202 : memref<1x128xi32, #tpu.memory_space<vmem>> -> memref<128xi32, #tpu.memory_space<vmem>>
      %dma_wait3A_204 = arith.constant 0 : i32
      %dma_wait3A_205 = arith.constant 0 : i32
      %dma_wait3A_206 = tpu.memref_slice %arg9[%dma_wait3A_204, %dma_wait3A_205] : memref<100096x16xf32, #tpu.memory_space<vmem_shared>> -> memref<100096x16xf32, #tpu.memory_space<vmem_shared>>
      tpu.wait_indirect_dma semaphore(%arg13 : memref<!tpu.dma_semaphore, #tpu.memory_space<semaphore_mem>>) src(%arg8 : memref<128x16xf32, #tpu.memory_space<vmem>>) dst(%dma_wait3A_206 : memref<100096x16xf32, #tpu.memory_space<vmem_shared>>)
      %mul3A_207 = arith.constant 4 : i32
      %mul3A_208 = arith.muli %add3A_150, %mul3A_207 : i32
      %add3A_209 = arith.addi %mul3A_4, %mul3A_208 : i32
      %dma_start3A_210 = arith.constant 0 : i32
      %dma_start3A_211 = tpu.memref_slice %arg2[%add3A_209, %dma_start3A_210] : memref<25088x128xi32, #tpu.memory_space<hbm>> -> memref<4x128xi32, #tpu.memory_space<hbm>>
      %dma_start3A_212 = arith.constant 0 : i32
      %dma_start3A_213 = tpu.memref_slice %arg2[%add3A_209, %dma_start3A_212] : memref<25088x128xi32, #tpu.memory_space<hbm>> -> memref<4x128xi32, #tpu.memory_space<hbm>>
      tpu.enqueue_dma source(%dma_start3A_213 : memref<4x128xi32, #tpu.memory_space<hbm>>) target(%arg6 : memref<4x128xi32, #tpu.memory_space<vmem>>) target_semaphore(%arg14 : memref<!tpu.dma_semaphore, #tpu.memory_space<semaphore_mem>>)
      %add3A_214 = arith.constant 0 : i32
      %add3A_215 = arith.addi %mul3A_4, %add3A_214 : i32
      %dma_wait3A_216 = arith.constant 0 : i32
      %dma_wait3A_217 = tpu.memref_slice %arg2[%add3A_215, %dma_wait3A_216] : memref<25088x128xi32, #tpu.memory_space<hbm>> -> memref<4x128xi32, #tpu.memory_space<hbm>>
      %dma_wait3A_218 = arith.constant 0 : i32
      %dma_wait3A_219 = tpu.memref_slice %arg2[%add3A_215, %dma_wait3A_218] : memref<25088x128xi32, #tpu.memory_space<hbm>> -> memref<4x128xi32, #tpu.memory_space<hbm>>
      tpu.wait_dma2 semaphore(%arg14 : memref<!tpu.dma_semaphore, #tpu.memory_space<semaphore_mem>>) src(%dma_wait3A_219 : memref<4x128xi32, #tpu.memory_space<hbm>>) dst(%arg6 : memref<4x128xi32, #tpu.memory_space<vmem>>)
      %add3A_220 = arith.constant 3 : i32
      %add3A_221 = arith.addi %mul3A_142, %add3A_220 : i32
      %dma_start3A_222 = arith.constant 0 : i32
      %dma_start3A_223 = arith.constant 0 : i32
      %dma_start3A_224 = tpu.memref_slice %arg7[%dma_start3A_222, %dma_start3A_223] : memref<4x128xi32, #tpu.memory_space<vmem>> -> memref<1x128xi32, #tpu.memory_space<vmem>>
      %dma_start3A_225 = tpu.memref_squeeze %dma_start3A_224 : memref<1x128xi32, #tpu.memory_space<vmem>> -> memref<128xi32, #tpu.memory_space<vmem>>
      %dma_start3A_226 = arith.constant 0 : i32
      %dma_start3A_227 = arith.constant 0 : i32
      %dma_start3A_228 = tpu.memref_slice %arg9[%dma_start3A_226, %dma_start3A_227] : memref<100096x16xf32, #tpu.memory_space<vmem_shared>> -> memref<100096x16xf32, #tpu.memory_space<vmem_shared>>
      tpu.enqueue_indirect_dma source(%arg8 : memref<128x16xf32, #tpu.memory_space<vmem>>) target(%dma_start3A_228 : memref<100096x16xf32, #tpu.memory_space<vmem_shared>>) offsets(%dma_start3A_225 : memref<128xi32, #tpu.memory_space<vmem>>) semaphore(%arg10 : memref<!tpu.dma_semaphore, #tpu.memory_space<semaphore_mem>>) {add = true}
      %dma_start3A_229 = arith.constant 1 : i32
      %dma_start3A_230 = arith.constant 0 : i32
      %dma_start3A_231 = tpu.memref_slice %arg7[%dma_start3A_229, %dma_start3A_230] : memref<4x128xi32, #tpu.memory_space<vmem>> -> memref<1x128xi32, #tpu.memory_space<vmem>>
      %dma_start3A_232 = tpu.memref_squeeze %dma_start3A_231 : memref<1x128xi32, #tpu.memory_space<vmem>> -> memref<128xi32, #tpu.memory_space<vmem>>
      %dma_start3A_233 = arith.constant 0 : i32
      %dma_start3A_234 = arith.constant 0 : i32
      %dma_start3A_235 = tpu.memref_slice %arg9[%dma_start3A_233, %dma_start3A_234] : memref<100096x16xf32, #tpu.memory_space<vmem_shared>> -> memref<100096x16xf32, #tpu.memory_space<vmem_shared>>
      tpu.enqueue_indirect_dma source(%arg8 : memref<128x16xf32, #tpu.memory_space<vmem>>) target(%dma_start3A_235 : memref<100096x16xf32, #tpu.memory_space<vmem_shared>>) offsets(%dma_start3A_232 : memref<128xi32, #tpu.memory_space<vmem>>) semaphore(%arg11 : memref<!tpu.dma_semaphore, #tpu.memory_space<semaphore_mem>>) {add = true}
      %dma_start3A_236 = arith.constant 2 : i32
      %dma_start3A_237 = arith.constant 0 : i32
      %dma_start3A_238 = tpu.memref_slice %arg7[%dma_start3A_236, %dma_start3A_237] : memref<4x128xi32, #tpu.memory_space<vmem>> -> memref<1x128xi32, #tpu.memory_space<vmem>>
      %dma_start3A_239 = tpu.memref_squeeze %dma_start3A_238 : memref<1x128xi32, #tpu.memory_space<vmem>> -> memref<128xi32, #tpu.memory_space<vmem>>
      %dma_start3A_240 = arith.constant 0 : i32
      %dma_start3A_241 = arith.constant 0 : i32
      %dma_start3A_242 = tpu.memref_slice %arg9[%dma_start3A_240, %dma_start3A_241] : memref<100096x16xf32, #tpu.memory_space<vmem_shared>> -> memref<100096x16xf32, #tpu.memory_space<vmem_shared>>
      tpu.enqueue_indirect_dma source(%arg8 : memref<128x16xf32, #tpu.memory_space<vmem>>) target(%dma_start3A_242 : memref<100096x16xf32, #tpu.memory_space<vmem_shared>>) offsets(%dma_start3A_239 : memref<128xi32, #tpu.memory_space<vmem>>) semaphore(%arg12 : memref<!tpu.dma_semaphore, #tpu.memory_space<semaphore_mem>>) {add = true}
      %dma_start3A_243 = arith.constant 3 : i32
      %dma_start3A_244 = arith.constant 0 : i32
      %dma_start3A_245 = tpu.memref_slice %arg7[%dma_start3A_243, %dma_start3A_244] : memref<4x128xi32, #tpu.memory_space<vmem>> -> memref<1x128xi32, #tpu.memory_space<vmem>>
      %dma_start3A_246 = tpu.memref_squeeze %dma_start3A_245 : memref<1x128xi32, #tpu.memory_space<vmem>> -> memref<128xi32, #tpu.memory_space<vmem>>
      %dma_start3A_247 = arith.constant 0 : i32
      %dma_start3A_248 = arith.constant 0 : i32
      %dma_start3A_249 = tpu.memref_slice %arg9[%dma_start3A_247, %dma_start3A_248] : memref<100096x16xf32, #tpu.memory_space<vmem_shared>> -> memref<100096x16xf32, #tpu.memory_space<vmem_shared>>
      tpu.enqueue_indirect_dma source(%arg8 : memref<128x16xf32, #tpu.memory_space<vmem>>) target(%dma_start3A_249 : memref<100096x16xf32, #tpu.memory_space<vmem_shared>>) offsets(%dma_start3A_246 : memref<128xi32, #tpu.memory_space<vmem>>) semaphore(%arg13 : memref<!tpu.dma_semaphore, #tpu.memory_space<semaphore_mem>>) {add = true}
      %dma_wait3A_250 = arith.constant 0 : i32
      %dma_wait3A_251 = arith.constant 0 : i32
      %dma_wait3A_252 = tpu.memref_slice %arg7[%dma_wait3A_250, %dma_wait3A_251] : memref<4x128xi32, #tpu.memory_space<vmem>> -> memref<1x128xi32, #tpu.memory_space<vmem>>
      %dma_wait3A_253 = tpu.memref_squeeze %dma_wait3A_252 : memref<1x128xi32, #tpu.memory_space<vmem>> -> memref<128xi32, #tpu.memory_space<vmem>>
      %dma_wait3A_254 = arith.constant 0 : i32
      %dma_wait3A_255 = arith.constant 0 : i32
      %dma_wait3A_256 = tpu.memref_slice %arg9[%dma_wait3A_254, %dma_wait3A_255] : memref<100096x16xf32, #tpu.memory_space<vmem_shared>> -> memref<100096x16xf32, #tpu.memory_space<vmem_shared>>
      tpu.wait_indirect_dma semaphore(%arg10 : memref<!tpu.dma_semaphore, #tpu.memory_space<semaphore_mem>>) src(%arg8 : memref<128x16xf32, #tpu.memory_space<vmem>>) dst(%dma_wait3A_256 : memref<100096x16xf32, #tpu.memory_space<vmem_shared>>)
      %dma_wait3A_257 = arith.constant 1 : i32
      %dma_wait3A_258 = arith.constant 0 : i32
      %dma_wait3A_259 = tpu.memref_slice %arg7[%dma_wait3A_257, %dma_wait3A_258] : memref<4x128xi32, #tpu.memory_space<vmem>> -> memref<1x128xi32, #tpu.memory_space<vmem>>
      %dma_wait3A_260 = tpu.memref_squeeze %dma_wait3A_259 : memref<1x128xi32, #tpu.memory_space<vmem>> -> memref<128xi32, #tpu.memory_space<vmem>>
      %dma_wait3A_261 = arith.constant 0 : i32
      %dma_wait3A_262 = arith.constant 0 : i32
      %dma_wait3A_263 = tpu.memref_slice %arg9[%dma_wait3A_261, %dma_wait3A_262] : memref<100096x16xf32, #tpu.memory_space<vmem_shared>> -> memref<100096x16xf32, #tpu.memory_space<vmem_shared>>
      tpu.wait_indirect_dma semaphore(%arg11 : memref<!tpu.dma_semaphore, #tpu.memory_space<semaphore_mem>>) src(%arg8 : memref<128x16xf32, #tpu.memory_space<vmem>>) dst(%dma_wait3A_263 : memref<100096x16xf32, #tpu.memory_space<vmem_shared>>)
      %dma_wait3A_264 = arith.constant 2 : i32
      %dma_wait3A_265 = arith.constant 0 : i32
      %dma_wait3A_266 = tpu.memref_slice %arg7[%dma_wait3A_264, %dma_wait3A_265] : memref<4x128xi32, #tpu.memory_space<vmem>> -> memref<1x128xi32, #tpu.memory_space<vmem>>
      %dma_wait3A_267 = tpu.memref_squeeze %dma_wait3A_266 : memref<1x128xi32, #tpu.memory_space<vmem>> -> memref<128xi32, #tpu.memory_space<vmem>>
      %dma_wait3A_268 = arith.constant 0 : i32
      %dma_wait3A_269 = arith.constant 0 : i32
      %dma_wait3A_270 = tpu.memref_slice %arg9[%dma_wait3A_268, %dma_wait3A_269] : memref<100096x16xf32, #tpu.memory_space<vmem_shared>> -> memref<100096x16xf32, #tpu.memory_space<vmem_shared>>
      tpu.wait_indirect_dma semaphore(%arg12 : memref<!tpu.dma_semaphore, #tpu.memory_space<semaphore_mem>>) src(%arg8 : memref<128x16xf32, #tpu.memory_space<vmem>>) dst(%dma_wait3A_270 : memref<100096x16xf32, #tpu.memory_space<vmem_shared>>)
      %dma_wait3A_271 = arith.constant 3 : i32
      %dma_wait3A_272 = arith.constant 0 : i32
      %dma_wait3A_273 = tpu.memref_slice %arg7[%dma_wait3A_271, %dma_wait3A_272] : memref<4x128xi32, #tpu.memory_space<vmem>> -> memref<1x128xi32, #tpu.memory_space<vmem>>
      %dma_wait3A_274 = tpu.memref_squeeze %dma_wait3A_273 : memref<1x128xi32, #tpu.memory_space<vmem>> -> memref<128xi32, #tpu.memory_space<vmem>>
      %dma_wait3A_275 = arith.constant 0 : i32
      %dma_wait3A_276 = arith.constant 0 : i32
      %dma_wait3A_277 = tpu.memref_slice %arg9[%dma_wait3A_275, %dma_wait3A_276] : memref<100096x16xf32, #tpu.memory_space<vmem_shared>> -> memref<100096x16xf32, #tpu.memory_space<vmem_shared>>
      tpu.wait_indirect_dma semaphore(%arg13 : memref<!tpu.dma_semaphore, #tpu.memory_space<semaphore_mem>>) src(%arg8 : memref<128x16xf32, #tpu.memory_space<vmem>>) dst(%dma_wait3A_277 : memref<100096x16xf32, #tpu.memory_space<vmem_shared>>)
      %mul3A_278 = arith.constant 4 : i32
      %mul3A_279 = arith.muli %add3A_221, %mul3A_278 : i32
      %add3A_280 = arith.addi %mul3A_4, %mul3A_279 : i32
      %dma_start3A_281 = arith.constant 0 : i32
      %dma_start3A_282 = tpu.memref_slice %arg2[%add3A_280, %dma_start3A_281] : memref<25088x128xi32, #tpu.memory_space<hbm>> -> memref<4x128xi32, #tpu.memory_space<hbm>>
      %dma_start3A_283 = arith.constant 0 : i32
      %dma_start3A_284 = tpu.memref_slice %arg2[%add3A_280, %dma_start3A_283] : memref<25088x128xi32, #tpu.memory_space<hbm>> -> memref<4x128xi32, #tpu.memory_space<hbm>>
      tpu.enqueue_dma source(%dma_start3A_284 : memref<4x128xi32, #tpu.memory_space<hbm>>) target(%arg7 : memref<4x128xi32, #tpu.memory_space<vmem>>) target_semaphore(%arg15 : memref<!tpu.dma_semaphore, #tpu.memory_space<semaphore_mem>>)
    }
    %scan3A_15 = arith.constant 97 : i32
    %add3A_16 = arith.constant 0 : i32
    %add3A_17 = arith.addi %mul3A_4, %add3A_16 : i32
    %dma_wait3A = arith.constant 0 : i32
    %dma_wait3A_18 = tpu.memref_slice %arg2[%add3A_17, %dma_wait3A] : memref<25088x128xi32, #tpu.memory_space<hbm>> -> memref<4x128xi32, #tpu.memory_space<hbm>>
    %dma_wait3A_19 = arith.constant 0 : i32
    %dma_wait3A_20 = tpu.memref_slice %arg2[%add3A_17, %dma_wait3A_19] : memref<25088x128xi32, #tpu.memory_space<hbm>> -> memref<4x128xi32, #tpu.memory_space<hbm>>
    tpu.wait_dma2 semaphore(%arg15 : memref<!tpu.dma_semaphore, #tpu.memory_space<semaphore_mem>>) src(%dma_wait3A_20 : memref<4x128xi32, #tpu.memory_space<hbm>>) dst(%arg7 : memref<4x128xi32, #tpu.memory_space<vmem>>)
    %dma_start3A_21 = arith.constant 0 : i32
    %dma_start3A_22 = arith.constant 0 : i32
    %dma_start3A_23 = tpu.memref_slice %arg6[%dma_start3A_21, %dma_start3A_22] : memref<4x128xi32, #tpu.memory_space<vmem>> -> memref<1x128xi32, #tpu.memory_space<vmem>>
    %dma_start3A_24 = tpu.memref_squeeze %dma_start3A_23 : memref<1x128xi32, #tpu.memory_space<vmem>> -> memref<128xi32, #tpu.memory_space<vmem>>
    %dma_start3A_25 = arith.constant 0 : i32
    %dma_start3A_26 = arith.constant 0 : i32
    %dma_start3A_27 = tpu.memref_slice %arg9[%dma_start3A_25, %dma_start3A_26] : memref<100096x16xf32, #tpu.memory_space<vmem_shared>> -> memref<100096x16xf32, #tpu.memory_space<vmem_shared>>
    tpu.enqueue_indirect_dma source(%arg8 : memref<128x16xf32, #tpu.memory_space<vmem>>) target(%dma_start3A_27 : memref<100096x16xf32, #tpu.memory_space<vmem_shared>>) offsets(%dma_start3A_24 : memref<128xi32, #tpu.memory_space<vmem>>) semaphore(%arg10 : memref<!tpu.dma_semaphore, #tpu.memory_space<semaphore_mem>>) {add = true}
    %dma_start3A_28 = arith.constant 1 : i32
    %dma_start3A_29 = arith.constant 0 : i32
    %dma_start3A_30 = tpu.memref_slice %arg6[%dma_start3A_28, %dma_start3A_29] : memref<4x128xi32, #tpu.memory_space<vmem>> -> memref<1x128xi32, #tpu.memory_space<vmem>>
    %dma_start3A_31 = tpu.memref_squeeze %dma_start3A_30 : memref<1x128xi32, #tpu.memory_space<vmem>> -> memref<128xi32, #tpu.memory_space<vmem>>
    %dma_start3A_32 = arith.constant 0 : i32
    %dma_start3A_33 = arith.constant 0 : i32
    %dma_start3A_34 = tpu.memref_slice %arg9[%dma_start3A_32, %dma_start3A_33] : memref<100096x16xf32, #tpu.memory_space<vmem_shared>> -> memref<100096x16xf32, #tpu.memory_space<vmem_shared>>
    tpu.enqueue_indirect_dma source(%arg8 : memref<128x16xf32, #tpu.memory_space<vmem>>) target(%dma_start3A_34 : memref<100096x16xf32, #tpu.memory_space<vmem_shared>>) offsets(%dma_start3A_31 : memref<128xi32, #tpu.memory_space<vmem>>) semaphore(%arg11 : memref<!tpu.dma_semaphore, #tpu.memory_space<semaphore_mem>>) {add = true}
    %dma_start3A_35 = arith.constant 2 : i32
    %dma_start3A_36 = arith.constant 0 : i32
    %dma_start3A_37 = tpu.memref_slice %arg6[%dma_start3A_35, %dma_start3A_36] : memref<4x128xi32, #tpu.memory_space<vmem>> -> memref<1x128xi32, #tpu.memory_space<vmem>>
    %dma_start3A_38 = tpu.memref_squeeze %dma_start3A_37 : memref<1x128xi32, #tpu.memory_space<vmem>> -> memref<128xi32, #tpu.memory_space<vmem>>
    %dma_start3A_39 = arith.constant 0 : i32
    %dma_start3A_40 = arith.constant 0 : i32
    %dma_start3A_41 = tpu.memref_slice %arg9[%dma_start3A_39, %dma_start3A_40] : memref<100096x16xf32, #tpu.memory_space<vmem_shared>> -> memref<100096x16xf32, #tpu.memory_space<vmem_shared>>
    tpu.enqueue_indirect_dma source(%arg8 : memref<128x16xf32, #tpu.memory_space<vmem>>) target(%dma_start3A_41 : memref<100096x16xf32, #tpu.memory_space<vmem_shared>>) offsets(%dma_start3A_38 : memref<128xi32, #tpu.memory_space<vmem>>) semaphore(%arg12 : memref<!tpu.dma_semaphore, #tpu.memory_space<semaphore_mem>>) {add = true}
    %dma_start3A_42 = arith.constant 3 : i32
    %dma_start3A_43 = arith.constant 0 : i32
    %dma_start3A_44 = tpu.memref_slice %arg6[%dma_start3A_42, %dma_start3A_43] : memref<4x128xi32, #tpu.memory_space<vmem>> -> memref<1x128xi32, #tpu.memory_space<vmem>>
    %dma_start3A_45 = tpu.memref_squeeze %dma_start3A_44 : memref<1x128xi32, #tpu.memory_space<vmem>> -> memref<128xi32, #tpu.memory_space<vmem>>
    %dma_start3A_46 = arith.constant 0 : i32
    %dma_start3A_47 = arith.constant 0 : i32
    %dma_start3A_48 = tpu.memref_slice %arg9[%dma_start3A_46, %dma_start3A_47] : memref<100096x16xf32, #tpu.memory_space<vmem_shared>> -> memref<100096x16xf32, #tpu.memory_space<vmem_shared>>
    tpu.enqueue_indirect_dma source(%arg8 : memref<128x16xf32, #tpu.memory_space<vmem>>) target(%dma_start3A_48 : memref<100096x16xf32, #tpu.memory_space<vmem_shared>>) offsets(%dma_start3A_45 : memref<128xi32, #tpu.memory_space<vmem>>) semaphore(%arg13 : memref<!tpu.dma_semaphore, #tpu.memory_space<semaphore_mem>>) {add = true}
    %dma_wait3A_49 = arith.constant 0 : i32
    %dma_wait3A_50 = arith.constant 0 : i32
    %dma_wait3A_51 = tpu.memref_slice %arg6[%dma_wait3A_49, %dma_wait3A_50] : memref<4x128xi32, #tpu.memory_space<vmem>> -> memref<1x128xi32, #tpu.memory_space<vmem>>
    %dma_wait3A_52 = tpu.memref_squeeze %dma_wait3A_51 : memref<1x128xi32, #tpu.memory_space<vmem>> -> memref<128xi32, #tpu.memory_space<vmem>>
    %dma_wait3A_53 = arith.constant 0 : i32
    %dma_wait3A_54 = arith.constant 0 : i32
    %dma_wait3A_55 = tpu.memref_slice %arg9[%dma_wait3A_53, %dma_wait3A_54] : memref<100096x16xf32, #tpu.memory_space<vmem_shared>> -> memref<100096x16xf32, #tpu.memory_space<vmem_shared>>
    tpu.wait_indirect_dma semaphore(%arg10 : memref<!tpu.dma_semaphore, #tpu.memory_space<semaphore_mem>>) src(%arg8 : memref<128x16xf32, #tpu.memory_space<vmem>>) dst(%dma_wait3A_55 : memref<100096x16xf32, #tpu.memory_space<vmem_shared>>)
    %dma_wait3A_56 = arith.constant 1 : i32
    %dma_wait3A_57 = arith.constant 0 : i32
    %dma_wait3A_58 = tpu.memref_slice %arg6[%dma_wait3A_56, %dma_wait3A_57] : memref<4x128xi32, #tpu.memory_space<vmem>> -> memref<1x128xi32, #tpu.memory_space<vmem>>
    %dma_wait3A_59 = tpu.memref_squeeze %dma_wait3A_58 : memref<1x128xi32, #tpu.memory_space<vmem>> -> memref<128xi32, #tpu.memory_space<vmem>>
    %dma_wait3A_60 = arith.constant 0 : i32
    %dma_wait3A_61 = arith.constant 0 : i32
    %dma_wait3A_62 = tpu.memref_slice %arg9[%dma_wait3A_60, %dma_wait3A_61] : memref<100096x16xf32, #tpu.memory_space<vmem_shared>> -> memref<100096x16xf32, #tpu.memory_space<vmem_shared>>
    tpu.wait_indirect_dma semaphore(%arg11 : memref<!tpu.dma_semaphore, #tpu.memory_space<semaphore_mem>>) src(%arg8 : memref<128x16xf32, #tpu.memory_space<vmem>>) dst(%dma_wait3A_62 : memref<100096x16xf32, #tpu.memory_space<vmem_shared>>)
    %dma_wait3A_63 = arith.constant 2 : i32
    %dma_wait3A_64 = arith.constant 0 : i32
    %dma_wait3A_65 = tpu.memref_slice %arg6[%dma_wait3A_63, %dma_wait3A_64] : memref<4x128xi32, #tpu.memory_space<vmem>> -> memref<1x128xi32, #tpu.memory_space<vmem>>
    %dma_wait3A_66 = tpu.memref_squeeze %dma_wait3A_65 : memref<1x128xi32, #tpu.memory_space<vmem>> -> memref<128xi32, #tpu.memory_space<vmem>>
    %dma_wait3A_67 = arith.constant 0 : i32
    %dma_wait3A_68 = arith.constant 0 : i32
    %dma_wait3A_69 = tpu.memref_slice %arg9[%dma_wait3A_67, %dma_wait3A_68] : memref<100096x16xf32, #tpu.memory_space<vmem_shared>> -> memref<100096x16xf32, #tpu.memory_space<vmem_shared>>
    tpu.wait_indirect_dma semaphore(%arg12 : memref<!tpu.dma_semaphore, #tpu.memory_space<semaphore_mem>>) src(%arg8 : memref<128x16xf32, #tpu.memory_space<vmem>>) dst(%dma_wait3A_69 : memref<100096x16xf32, #tpu.memory_space<vmem_shared>>)
    %dma_wait3A_70 = arith.constant 3 : i32
    %dma_wait3A_71 = arith.constant 0 : i32
    %dma_wait3A_72 = tpu.memref_slice %arg6[%dma_wait3A_70, %dma_wait3A_71] : memref<4x128xi32, #tpu.memory_space<vmem>> -> memref<1x128xi32, #tpu.memory_space<vmem>>
    %dma_wait3A_73 = tpu.memref_squeeze %dma_wait3A_72 : memref<1x128xi32, #tpu.memory_space<vmem>> -> memref<128xi32, #tpu.memory_space<vmem>>
    %dma_wait3A_74 = arith.constant 0 : i32
    %dma_wait3A_75 = arith.constant 0 : i32
    %dma_wait3A_76 = tpu.memref_slice %arg9[%dma_wait3A_74, %dma_wait3A_75] : memref<100096x16xf32, #tpu.memory_space<vmem_shared>> -> memref<100096x16xf32, #tpu.memory_space<vmem_shared>>
    tpu.wait_indirect_dma semaphore(%arg13 : memref<!tpu.dma_semaphore, #tpu.memory_space<semaphore_mem>>) src(%arg8 : memref<128x16xf32, #tpu.memory_space<vmem>>) dst(%dma_wait3A_76 : memref<100096x16xf32, #tpu.memory_space<vmem_shared>>)
    %dma_start3A_77 = arith.constant 0 : i32
    %dma_start3A_78 = arith.constant 0 : i32
    %dma_start3A_79 = tpu.memref_slice %arg7[%dma_start3A_77, %dma_start3A_78] : memref<4x128xi32, #tpu.memory_space<vmem>> -> memref<1x128xi32, #tpu.memory_space<vmem>>
    %dma_start3A_80 = tpu.memref_squeeze %dma_start3A_79 : memref<1x128xi32, #tpu.memory_space<vmem>> -> memref<128xi32, #tpu.memory_space<vmem>>
    %dma_start3A_81 = arith.constant 0 : i32
    %dma_start3A_82 = arith.constant 0 : i32
    %dma_start3A_83 = tpu.memref_slice %arg9[%dma_start3A_81, %dma_start3A_82] : memref<100096x16xf32, #tpu.memory_space<vmem_shared>> -> memref<100096x16xf32, #tpu.memory_space<vmem_shared>>
    tpu.enqueue_indirect_dma source(%arg8 : memref<128x16xf32, #tpu.memory_space<vmem>>) target(%dma_start3A_83 : memref<100096x16xf32, #tpu.memory_space<vmem_shared>>) offsets(%dma_start3A_80 : memref<128xi32, #tpu.memory_space<vmem>>) semaphore(%arg10 : memref<!tpu.dma_semaphore, #tpu.memory_space<semaphore_mem>>) {add = true}
    %dma_start3A_84 = arith.constant 1 : i32
    %dma_start3A_85 = arith.constant 0 : i32
    %dma_start3A_86 = tpu.memref_slice %arg7[%dma_start3A_84, %dma_start3A_85] : memref<4x128xi32, #tpu.memory_space<vmem>> -> memref<1x128xi32, #tpu.memory_space<vmem>>
    %dma_start3A_87 = tpu.memref_squeeze %dma_start3A_86 : memref<1x128xi32, #tpu.memory_space<vmem>> -> memref<128xi32, #tpu.memory_space<vmem>>
    %dma_start3A_88 = arith.constant 0 : i32
    %dma_start3A_89 = arith.constant 0 : i32
    %dma_start3A_90 = tpu.memref_slice %arg9[%dma_start3A_88, %dma_start3A_89] : memref<100096x16xf32, #tpu.memory_space<vmem_shared>> -> memref<100096x16xf32, #tpu.memory_space<vmem_shared>>
    tpu.enqueue_indirect_dma source(%arg8 : memref<128x16xf32, #tpu.memory_space<vmem>>) target(%dma_start3A_90 : memref<100096x16xf32, #tpu.memory_space<vmem_shared>>) offsets(%dma_start3A_87 : memref<128xi32, #tpu.memory_space<vmem>>) semaphore(%arg11 : memref<!tpu.dma_semaphore, #tpu.memory_space<semaphore_mem>>) {add = true}
    %dma_start3A_91 = arith.constant 2 : i32
    %dma_start3A_92 = arith.constant 0 : i32
    %dma_start3A_93 = tpu.memref_slice %arg7[%dma_start3A_91, %dma_start3A_92] : memref<4x128xi32, #tpu.memory_space<vmem>> -> memref<1x128xi32, #tpu.memory_space<vmem>>
    %dma_start3A_94 = tpu.memref_squeeze %dma_start3A_93 : memref<1x128xi32, #tpu.memory_space<vmem>> -> memref<128xi32, #tpu.memory_space<vmem>>
    %dma_start3A_95 = arith.constant 0 : i32
    %dma_start3A_96 = arith.constant 0 : i32
    %dma_start3A_97 = tpu.memref_slice %arg9[%dma_start3A_95, %dma_start3A_96] : memref<100096x16xf32, #tpu.memory_space<vmem_shared>> -> memref<100096x16xf32, #tpu.memory_space<vmem_shared>>
    tpu.enqueue_indirect_dma source(%arg8 : memref<128x16xf32, #tpu.memory_space<vmem>>) target(%dma_start3A_97 : memref<100096x16xf32, #tpu.memory_space<vmem_shared>>) offsets(%dma_start3A_94 : memref<128xi32, #tpu.memory_space<vmem>>) semaphore(%arg12 : memref<!tpu.dma_semaphore, #tpu.memory_space<semaphore_mem>>) {add = true}
    %dma_start3A_98 = arith.constant 3 : i32
    %dma_start3A_99 = arith.constant 0 : i32
    %dma_start3A_100 = tpu.memref_slice %arg7[%dma_start3A_98, %dma_start3A_99] : memref<4x128xi32, #tpu.memory_space<vmem>> -> memref<1x128xi32, #tpu.memory_space<vmem>>
    %dma_start3A_101 = tpu.memref_squeeze %dma_start3A_100 : memref<1x128xi32, #tpu.memory_space<vmem>> -> memref<128xi32, #tpu.memory_space<vmem>>
    %dma_start3A_102 = arith.constant 0 : i32
    %dma_start3A_103 = arith.constant 0 : i32
    %dma_start3A_104 = tpu.memref_slice %arg9[%dma_start3A_102, %dma_start3A_103] : memref<100096x16xf32, #tpu.memory_space<vmem_shared>> -> memref<100096x16xf32, #tpu.memory_space<vmem_shared>>
    tpu.enqueue_indirect_dma source(%arg8 : memref<128x16xf32, #tpu.memory_space<vmem>>) target(%dma_start3A_104 : memref<100096x16xf32, #tpu.memory_space<vmem_shared>>) offsets(%dma_start3A_101 : memref<128xi32, #tpu.memory_space<vmem>>) semaphore(%arg13 : memref<!tpu.dma_semaphore, #tpu.memory_space<semaphore_mem>>) {add = true}
    %dma_wait3A_105 = arith.constant 0 : i32
    %dma_wait3A_106 = arith.constant 0 : i32
    %dma_wait3A_107 = tpu.memref_slice %arg7[%dma_wait3A_105, %dma_wait3A_106] : memref<4x128xi32, #tpu.memory_space<vmem>> -> memref<1x128xi32, #tpu.memory_space<vmem>>
    %dma_wait3A_108 = tpu.memref_squeeze %dma_wait3A_107 : memref<1x128xi32, #tpu.memory_space<vmem>> -> memref<128xi32, #tpu.memory_space<vmem>>
    %dma_wait3A_109 = arith.constant 0 : i32
    %dma_wait3A_110 = arith.constant 0 : i32
    %dma_wait3A_111 = tpu.memref_slice %arg9[%dma_wait3A_109, %dma_wait3A_110] : memref<100096x16xf32, #tpu.memory_space<vmem_shared>> -> memref<100096x16xf32, #tpu.memory_space<vmem_shared>>
    tpu.wait_indirect_dma semaphore(%arg10 : memref<!tpu.dma_semaphore, #tpu.memory_space<semaphore_mem>>) src(%arg8 : memref<128x16xf32, #tpu.memory_space<vmem>>) dst(%dma_wait3A_111 : memref<100096x16xf32, #tpu.memory_space<vmem_shared>>)
    %dma_wait3A_112 = arith.constant 1 : i32
    %dma_wait3A_113 = arith.constant 0 : i32
    %dma_wait3A_114 = tpu.memref_slice %arg7[%dma_wait3A_112, %dma_wait3A_113] : memref<4x128xi32, #tpu.memory_space<vmem>> -> memref<1x128xi32, #tpu.memory_space<vmem>>
    %dma_wait3A_115 = tpu.memref_squeeze %dma_wait3A_114 : memref<1x128xi32, #tpu.memory_space<vmem>> -> memref<128xi32, #tpu.memory_space<vmem>>
    %dma_wait3A_116 = arith.constant 0 : i32
    %dma_wait3A_117 = arith.constant 0 : i32
    %dma_wait3A_118 = tpu.memref_slice %arg9[%dma_wait3A_116, %dma_wait3A_117] : memref<100096x16xf32, #tpu.memory_space<vmem_shared>> -> memref<100096x16xf32, #tpu.memory_space<vmem_shared>>
    tpu.wait_indirect_dma semaphore(%arg11 : memref<!tpu.dma_semaphore, #tpu.memory_space<semaphore_mem>>) src(%arg8 : memref<128x16xf32, #tpu.memory_space<vmem>>) dst(%dma_wait3A_118 : memref<100096x16xf32, #tpu.memory_space<vmem_shared>>)
    %dma_wait3A_119 = arith.constant 2 : i32
    %dma_wait3A_120 = arith.constant 0 : i32
    %dma_wait3A_121 = tpu.memref_slice %arg7[%dma_wait3A_119, %dma_wait3A_120] : memref<4x128xi32, #tpu.memory_space<vmem>> -> memref<1x128xi32, #tpu.memory_space<vmem>>
    %dma_wait3A_122 = tpu.memref_squeeze %dma_wait3A_121 : memref<1x128xi32, #tpu.memory_space<vmem>> -> memref<128xi32, #tpu.memory_space<vmem>>
    %dma_wait3A_123 = arith.constant 0 : i32
    %dma_wait3A_124 = arith.constant 0 : i32
    %dma_wait3A_125 = tpu.memref_slice %arg9[%dma_wait3A_123, %dma_wait3A_124] : memref<100096x16xf32, #tpu.memory_space<vmem_shared>> -> memref<100096x16xf32, #tpu.memory_space<vmem_shared>>
    tpu.wait_indirect_dma semaphore(%arg12 : memref<!tpu.dma_semaphore, #tpu.memory_space<semaphore_mem>>) src(%arg8 : memref<128x16xf32, #tpu.memory_space<vmem>>) dst(%dma_wait3A_125 : memref<100096x16xf32, #tpu.memory_space<vmem_shared>>)
    %dma_wait3A_126 = arith.constant 3 : i32
    %dma_wait3A_127 = arith.constant 0 : i32
    %dma_wait3A_128 = tpu.memref_slice %arg7[%dma_wait3A_126, %dma_wait3A_127] : memref<4x128xi32, #tpu.memory_space<vmem>> -> memref<1x128xi32, #tpu.memory_space<vmem>>
    %dma_wait3A_129 = tpu.memref_squeeze %dma_wait3A_128 : memref<1x128xi32, #tpu.memory_space<vmem>> -> memref<128xi32, #tpu.memory_space<vmem>>
    %dma_wait3A_130 = arith.constant 0 : i32
    %dma_wait3A_131 = arith.constant 0 : i32
    %dma_wait3A_132 = tpu.memref_slice %arg9[%dma_wait3A_130, %dma_wait3A_131] : memref<100096x16xf32, #tpu.memory_space<vmem_shared>> -> memref<100096x16xf32, #tpu.memory_space<vmem_shared>>
    tpu.wait_indirect_dma semaphore(%arg13 : memref<!tpu.dma_semaphore, #tpu.memory_space<semaphore_mem>>) src(%arg8 : memref<128x16xf32, #tpu.memory_space<vmem>>) dst(%dma_wait3A_132 : memref<100096x16xf32, #tpu.memory_space<vmem_shared>>)
    %barrier3A_133 = arith.constant 0 : index
    tpu.barrier barrier_id(%barrier3A_133)
    %mul3A_134 = arith.constant 6256 : i32
    %mul3A_135 = arith.muli %arg1, %mul3A_134 : i32
    "tpu.region"() ({
      %run_scoped3A = tpu.sem_alloc : memref<!tpu.dma_semaphore, #tpu.memory_space<semaphore_mem>>
      %dma_start3A_136 = arith.constant 0 : i32
      %dma_start3A_137 = arith.constant 0 : i32
      %dma_start3A_138 = tpu.memref_slice %arg5[%arg0, %dma_start3A_136, %dma_start3A_137] : memref<2x100096x16xf32, #tpu.memory_space<hbm>> -> memref<1x100096x16xf32, #tpu.memory_space<hbm>>
      %dma_start3A_139 = tpu.memref_squeeze %dma_start3A_138 : memref<1x100096x16xf32, #tpu.memory_space<hbm>> -> memref<100096x16xf32, #tpu.memory_space<hbm>>
      %dma_start3A_140 = arith.constant 0 : i32
      %dma_start3A_141 = tpu.memref_slice %dma_start3A_139[%mul3A_135, %dma_start3A_140] : memref<100096x16xf32, #tpu.memory_space<hbm>> -> memref<6256x16xf32, #tpu.memory_space<hbm>>
      %dma_start3A_142 = arith.constant 0 : i32
      %dma_start3A_143 = tpu.memref_slice %arg9[%mul3A_135, %dma_start3A_142] : memref<100096x16xf32, #tpu.memory_space<vmem_shared>> -> memref<6256x16xf32, #tpu.memory_space<vmem_shared>>
      tpu.enqueue_dma source(%dma_start3A_143 : memref<6256x16xf32, #tpu.memory_space<vmem_shared>>) target(%dma_start3A_141 : memref<6256x16xf32, #tpu.memory_space<hbm>>) target_semaphore(%run_scoped3A : memref<!tpu.dma_semaphore, #tpu.memory_space<semaphore_mem>>)
      %dma_wait3A_144 = arith.constant 0 : i32
      %dma_wait3A_145 = arith.constant 0 : i32
      %dma_wait3A_146 = tpu.memref_slice %arg5[%arg0, %dma_wait3A_144, %dma_wait3A_145] : memref<2x100096x16xf32, #tpu.memory_space<hbm>> -> memref<1x100096x16xf32, #tpu.memory_space<hbm>>
      %dma_wait3A_147 = tpu.memref_squeeze %dma_wait3A_146 : memref<1x100096x16xf32, #tpu.memory_space<hbm>> -> memref<100096x16xf32, #tpu.memory_space<hbm>>
      %dma_wait3A_148 = arith.constant 0 : i32
      %dma_wait3A_149 = tpu.memref_slice %dma_wait3A_147[%mul3A_135, %dma_wait3A_148] : memref<100096x16xf32, #tpu.memory_space<hbm>> -> memref<6256x16xf32, #tpu.memory_space<hbm>>
      %dma_wait3A_150 = arith.constant 0 : i32
      %dma_wait3A_151 = tpu.memref_slice %arg9[%mul3A_135, %dma_wait3A_150] : memref<100096x16xf32, #tpu.memory_space<vmem_shared>> -> memref<6256x16xf32, #tpu.memory_space<vmem_shared>>
      tpu.wait_dma2 semaphore(%run_scoped3A : memref<!tpu.dma_semaphore, #tpu.memory_space<semaphore_mem>>) src(%dma_wait3A_151 : memref<6256x16xf32, #tpu.memory_space<vmem_shared>>) dst(%dma_wait3A_149 : memref<6256x16xf32, #tpu.memory_space<hbm>>)
      tpu.yield
    }) : () -> ()
    return
  }
}

#map = affine_map<(d0, d1) -> (0, 0)>
#map1 = affine_map<(d0, d1) -> (0, 0, 0)>
module attributes {stable_mosaic.version = 14 : i64} {
  func.func @body(%arg0: i32, %arg1: i32, %arg2: memref<100000x16xf32, #tpu.memory_space<hbm>>, %arg3: memref<25088x128xi32, #tpu.memory_space<hbm>>, %arg4: memref<25088x128xi32, #tpu.memory_space<hbm>>, %arg5: memref<100096x16xf32, #tpu.memory_space<hbm>>, %arg6: memref<2x100096x16xf32, #tpu.memory_space<hbm>>, %arg7: memref<4x128xi32, #tpu.memory_space<vmem>>, %arg8: memref<4x128xi32, #tpu.memory_space<vmem>>, %arg9: memref<4x128xi32, #tpu.memory_space<vmem>>, %arg10: memref<4x128xi32, #tpu.memory_space<vmem>>, %arg11: memref<128x16xf32, #tpu.memory_space<vmem>>, %arg12: memref<128x16xf32, #tpu.memory_space<vmem>>, %arg13: memref<128x16xf32, #tpu.memory_space<vmem>>, %arg14: memref<128x16xf32, #tpu.memory_space<vmem>>, %arg15: memref<128x16xf32, #tpu.memory_space<vmem>>, %arg16: memref<128x16xf32, #tpu.memory_space<vmem>>, %arg17: memref<128x16xf32, #tpu.memory_space<vmem>>, %arg18: memref<128x16xf32, #tpu.memory_space<vmem>>, %arg19: memref<100096x16xf32, #tpu.memory_space<vmem_shared>>, %arg20: memref<!tpu.dma_semaphore, #tpu.memory_space<semaphore_mem>>, %arg21: memref<!tpu.dma_semaphore, #tpu.memory_space<semaphore_mem>>, %arg22: memref<!tpu.dma_semaphore, #tpu.memory_space<semaphore_mem>>, %arg23: memref<!tpu.dma_semaphore, #tpu.memory_space<semaphore_mem>>, %arg24: memref<!tpu.dma_semaphore, #tpu.memory_space<semaphore_mem>>, %arg25: memref<!tpu.dma_semaphore, #tpu.memory_space<semaphore_mem>>, %arg26: memref<!tpu.dma_semaphore, #tpu.memory_space<semaphore_mem>>, %arg27: memref<!tpu.dma_semaphore, #tpu.memory_space<semaphore_mem>>, %arg28: memref<!tpu.dma_semaphore, #tpu.memory_space<semaphore_mem>>, %arg29: memref<!tpu.dma_semaphore, #tpu.memory_space<semaphore_mem>>) attributes {dimension_semantics = [#tpu.dimension_semantics<core_parallel>, #tpu.dimension_semantics<subcore_parallel>], iteration_bounds = array<i64: 2, 16>, scalar_prefetch = 0 : i64, scratch_operands = 23 : i64, tpu.core_type = #tpu.core_type<sc_vector_subcore>, window_params = [{transform_indices = #map}, {transform_indices = #map}, {transform_indices = #map}, {transform_indices = #map}, {transform_indices = #map1}]} {
    %mul3A = arith.constant 6256 : i32
    %mul3A_0 = arith.muli %arg1, %mul3A : i32
    "tpu.region"() ({
      %run_scoped3A = tpu.sem_alloc : memref<!tpu.dma_semaphore, #tpu.memory_space<semaphore_mem>>
      %dma_start3A_262 = arith.constant 0 : i32
      %dma_start3A_263 = tpu.memref_slice %arg19[%mul3A_0, %dma_start3A_262] : memref<100096x16xf32, #tpu.memory_space<vmem_shared>> -> memref<6256x16xf32, #tpu.memory_space<vmem_shared>>
      %dma_start3A_264 = arith.constant 0 : i32
      %dma_start3A_265 = tpu.memref_slice %arg5[%mul3A_0, %dma_start3A_264] : memref<100096x16xf32, #tpu.memory_space<hbm>> -> memref<6256x16xf32, #tpu.memory_space<hbm>>
      tpu.enqueue_dma source(%dma_start3A_265 : memref<6256x16xf32, #tpu.memory_space<hbm>>) target(%dma_start3A_263 : memref<6256x16xf32, #tpu.memory_space<vmem_shared>>) target_semaphore(%run_scoped3A : memref<!tpu.dma_semaphore, #tpu.memory_space<semaphore_mem>>)
      %dma_wait3A_266 = arith.constant 0 : i32
      %dma_wait3A_267 = tpu.memref_slice %arg19[%mul3A_0, %dma_wait3A_266] : memref<100096x16xf32, #tpu.memory_space<vmem_shared>> -> memref<6256x16xf32, #tpu.memory_space<vmem_shared>>
      %dma_wait3A_268 = arith.constant 0 : i32
      %dma_wait3A_269 = tpu.memref_slice %arg5[%mul3A_0, %dma_wait3A_268] : memref<100096x16xf32, #tpu.memory_space<hbm>> -> memref<6256x16xf32, #tpu.memory_space<hbm>>
      tpu.wait_dma2 semaphore(%run_scoped3A : memref<!tpu.dma_semaphore, #tpu.memory_space<semaphore_mem>>) src(%dma_wait3A_269 : memref<6256x16xf32, #tpu.memory_space<hbm>>) dst(%dma_wait3A_267 : memref<6256x16xf32, #tpu.memory_space<vmem_shared>>)
      tpu.yield
    }) : () -> ()
    %barrier3A = arith.constant 0 : index
    tpu.barrier barrier_id(%barrier3A)
    %mul3A_1 = arith.constant 16 : i32
    %mul3A_2 = arith.muli %arg0, %mul3A_1 : i32
    %add3A = arith.addi %mul3A_2, %arg1 : i32
    %mul3A_3 = arith.constant 784 : i32
    %mul3A_4 = arith.muli %add3A, %mul3A_3 : i32
    %add3A_5 = arith.constant 0 : i32
    %add3A_6 = arith.addi %mul3A_4, %add3A_5 : i32
    "tpu.region"() ({
      %run_scoped3A = tpu.sem_alloc : memref<!tpu.dma_semaphore, #tpu.memory_space<semaphore_mem>>
      %dma_start3A_262 = arith.constant 0 : i32
      %dma_start3A_263 = tpu.memref_slice %arg3[%add3A_6, %dma_start3A_262] : memref<25088x128xi32, #tpu.memory_space<hbm>> -> memref<4x128xi32, #tpu.memory_space<hbm>>
      %dma_start3A_264 = arith.constant 0 : i32
      %dma_start3A_265 = tpu.memref_slice %arg3[%add3A_6, %dma_start3A_264] : memref<25088x128xi32, #tpu.memory_space<hbm>> -> memref<4x128xi32, #tpu.memory_space<hbm>>
      tpu.enqueue_dma source(%dma_start3A_265 : memref<4x128xi32, #tpu.memory_space<hbm>>) target(%arg7 : memref<4x128xi32, #tpu.memory_space<vmem>>) target_semaphore(%run_scoped3A : memref<!tpu.dma_semaphore, #tpu.memory_space<semaphore_mem>>)
      %dma_wait3A_266 = arith.constant 0 : i32
      %dma_wait3A_267 = tpu.memref_slice %arg3[%add3A_6, %dma_wait3A_266] : memref<25088x128xi32, #tpu.memory_space<hbm>> -> memref<4x128xi32, #tpu.memory_space<hbm>>
      %dma_wait3A_268 = arith.constant 0 : i32
      %dma_wait3A_269 = tpu.memref_slice %arg3[%add3A_6, %dma_wait3A_268] : memref<25088x128xi32, #tpu.memory_space<hbm>> -> memref<4x128xi32, #tpu.memory_space<hbm>>
      tpu.wait_dma2 semaphore(%run_scoped3A : memref<!tpu.dma_semaphore, #tpu.memory_space<semaphore_mem>>) src(%dma_wait3A_269 : memref<4x128xi32, #tpu.memory_space<hbm>>) dst(%arg7 : memref<4x128xi32, #tpu.memory_space<vmem>>)
      tpu.yield
    }) : () -> ()
    %add3A_7 = arith.constant 0 : i32
    %add3A_8 = arith.addi %mul3A_4, %add3A_7 : i32
    "tpu.region"() ({
      %run_scoped3A = tpu.sem_alloc : memref<!tpu.dma_semaphore, #tpu.memory_space<semaphore_mem>>
      %dma_start3A_262 = arith.constant 0 : i32
      %dma_start3A_263 = tpu.memref_slice %arg4[%add3A_8, %dma_start3A_262] : memref<25088x128xi32, #tpu.memory_space<hbm>> -> memref<4x128xi32, #tpu.memory_space<hbm>>
      %dma_start3A_264 = arith.constant 0 : i32
      %dma_start3A_265 = tpu.memref_slice %arg4[%add3A_8, %dma_start3A_264] : memref<25088x128xi32, #tpu.memory_space<hbm>> -> memref<4x128xi32, #tpu.memory_space<hbm>>
      tpu.enqueue_dma source(%dma_start3A_265 : memref<4x128xi32, #tpu.memory_space<hbm>>) target(%arg8 : memref<4x128xi32, #tpu.memory_space<vmem>>) target_semaphore(%run_scoped3A : memref<!tpu.dma_semaphore, #tpu.memory_space<semaphore_mem>>)
      %dma_wait3A_266 = arith.constant 0 : i32
      %dma_wait3A_267 = tpu.memref_slice %arg4[%add3A_8, %dma_wait3A_266] : memref<25088x128xi32, #tpu.memory_space<hbm>> -> memref<4x128xi32, #tpu.memory_space<hbm>>
      %dma_wait3A_268 = arith.constant 0 : i32
      %dma_wait3A_269 = tpu.memref_slice %arg4[%add3A_8, %dma_wait3A_268] : memref<25088x128xi32, #tpu.memory_space<hbm>> -> memref<4x128xi32, #tpu.memory_space<hbm>>
      tpu.wait_dma2 semaphore(%run_scoped3A : memref<!tpu.dma_semaphore, #tpu.memory_space<semaphore_mem>>) src(%dma_wait3A_269 : memref<4x128xi32, #tpu.memory_space<hbm>>) dst(%arg8 : memref<4x128xi32, #tpu.memory_space<vmem>>)
      tpu.yield
    }) : () -> ()
    %dma_start3A = arith.constant 0 : i32
    %dma_start3A_9 = arith.constant 0 : i32
    %dma_start3A_10 = tpu.memref_slice %arg7[%dma_start3A, %dma_start3A_9] : memref<4x128xi32, #tpu.memory_space<vmem>> -> memref<1x128xi32, #tpu.memory_space<vmem>>
    %dma_start3A_11 = tpu.memref_squeeze %dma_start3A_10 : memref<1x128xi32, #tpu.memory_space<vmem>> -> memref<128xi32, #tpu.memory_space<vmem>>
    %dma_start3A_12 = arith.constant 0 : i32
    %dma_start3A_13 = arith.constant 0 : i32
    %dma_start3A_14 = tpu.memref_slice %arg2[%dma_start3A_12, %dma_start3A_13] : memref<100000x16xf32, #tpu.memory_space<hbm>> -> memref<100000x16xf32, #tpu.memory_space<hbm>>
    tpu.enqueue_indirect_dma source(%dma_start3A_14 : memref<100000x16xf32, #tpu.memory_space<hbm>>) target(%arg11 : memref<128x16xf32, #tpu.memory_space<vmem>>) offsets(%dma_start3A_11 : memref<128xi32, #tpu.memory_space<vmem>>) semaphore(%arg20 : memref<!tpu.dma_semaphore, #tpu.memory_space<semaphore_mem>>)
    %dma_start3A_15 = arith.constant 1 : i32
    %dma_start3A_16 = arith.constant 0 : i32
    %dma_start3A_17 = tpu.memref_slice %arg7[%dma_start3A_15, %dma_start3A_16] : memref<4x128xi32, #tpu.memory_space<vmem>> -> memref<1x128xi32, #tpu.memory_space<vmem>>
    %dma_start3A_18 = tpu.memref_squeeze %dma_start3A_17 : memref<1x128xi32, #tpu.memory_space<vmem>> -> memref<128xi32, #tpu.memory_space<vmem>>
    %dma_start3A_19 = arith.constant 0 : i32
    %dma_start3A_20 = arith.constant 0 : i32
    %dma_start3A_21 = tpu.memref_slice %arg2[%dma_start3A_19, %dma_start3A_20] : memref<100000x16xf32, #tpu.memory_space<hbm>> -> memref<100000x16xf32, #tpu.memory_space<hbm>>
    tpu.enqueue_indirect_dma source(%dma_start3A_21 : memref<100000x16xf32, #tpu.memory_space<hbm>>) target(%arg12 : memref<128x16xf32, #tpu.memory_space<vmem>>) offsets(%dma_start3A_18 : memref<128xi32, #tpu.memory_space<vmem>>) semaphore(%arg21 : memref<!tpu.dma_semaphore, #tpu.memory_space<semaphore_mem>>)
    %dma_start3A_22 = arith.constant 2 : i32
    %dma_start3A_23 = arith.constant 0 : i32
    %dma_start3A_24 = tpu.memref_slice %arg7[%dma_start3A_22, %dma_start3A_23] : memref<4x128xi32, #tpu.memory_space<vmem>> -> memref<1x128xi32, #tpu.memory_space<vmem>>
    %dma_start3A_25 = tpu.memref_squeeze %dma_start3A_24 : memref<1x128xi32, #tpu.memory_space<vmem>> -> memref<128xi32, #tpu.memory_space<vmem>>
    %dma_start3A_26 = arith.constant 0 : i32
    %dma_start3A_27 = arith.constant 0 : i32
    %dma_start3A_28 = tpu.memref_slice %arg2[%dma_start3A_26, %dma_start3A_27] : memref<100000x16xf32, #tpu.memory_space<hbm>> -> memref<100000x16xf32, #tpu.memory_space<hbm>>
    tpu.enqueue_indirect_dma source(%dma_start3A_28 : memref<100000x16xf32, #tpu.memory_space<hbm>>) target(%arg13 : memref<128x16xf32, #tpu.memory_space<vmem>>) offsets(%dma_start3A_25 : memref<128xi32, #tpu.memory_space<vmem>>) semaphore(%arg22 : memref<!tpu.dma_semaphore, #tpu.memory_space<semaphore_mem>>)
    %dma_start3A_29 = arith.constant 3 : i32
    %dma_start3A_30 = arith.constant 0 : i32
    %dma_start3A_31 = tpu.memref_slice %arg7[%dma_start3A_29, %dma_start3A_30] : memref<4x128xi32, #tpu.memory_space<vmem>> -> memref<1x128xi32, #tpu.memory_space<vmem>>
    %dma_start3A_32 = tpu.memref_squeeze %dma_start3A_31 : memref<1x128xi32, #tpu.memory_space<vmem>> -> memref<128xi32, #tpu.memory_space<vmem>>
    %dma_start3A_33 = arith.constant 0 : i32
    %dma_start3A_34 = arith.constant 0 : i32
    %dma_start3A_35 = tpu.memref_slice %arg2[%dma_start3A_33, %dma_start3A_34] : memref<100000x16xf32, #tpu.memory_space<hbm>> -> memref<100000x16xf32, #tpu.memory_space<hbm>>
    tpu.enqueue_indirect_dma source(%dma_start3A_35 : memref<100000x16xf32, #tpu.memory_space<hbm>>) target(%arg14 : memref<128x16xf32, #tpu.memory_space<vmem>>) offsets(%dma_start3A_32 : memref<128xi32, #tpu.memory_space<vmem>>) semaphore(%arg23 : memref<!tpu.dma_semaphore, #tpu.memory_space<semaphore_mem>>)
    %add3A_36 = arith.constant 4 : i32
    %add3A_37 = arith.addi %mul3A_4, %add3A_36 : i32
    %dma_start3A_38 = arith.constant 0 : i32
    %dma_start3A_39 = tpu.memref_slice %arg3[%add3A_37, %dma_start3A_38] : memref<25088x128xi32, #tpu.memory_space<hbm>> -> memref<4x128xi32, #tpu.memory_space<hbm>>
    %dma_start3A_40 = arith.constant 0 : i32
    %dma_start3A_41 = tpu.memref_slice %arg3[%add3A_37, %dma_start3A_40] : memref<25088x128xi32, #tpu.memory_space<hbm>> -> memref<4x128xi32, #tpu.memory_space<hbm>>
    tpu.enqueue_dma source(%dma_start3A_41 : memref<4x128xi32, #tpu.memory_space<hbm>>) target(%arg9 : memref<4x128xi32, #tpu.memory_space<vmem>>) target_semaphore(%arg29 : memref<!tpu.dma_semaphore, #tpu.memory_space<semaphore_mem>>)
    %add3A_42 = arith.constant 4 : i32
    %add3A_43 = arith.addi %mul3A_4, %add3A_42 : i32
    %dma_start3A_44 = arith.constant 0 : i32
    %dma_start3A_45 = tpu.memref_slice %arg4[%add3A_43, %dma_start3A_44] : memref<25088x128xi32, #tpu.memory_space<hbm>> -> memref<4x128xi32, #tpu.memory_space<hbm>>
    %dma_start3A_46 = arith.constant 0 : i32
    %dma_start3A_47 = tpu.memref_slice %arg4[%add3A_43, %dma_start3A_46] : memref<25088x128xi32, #tpu.memory_space<hbm>> -> memref<4x128xi32, #tpu.memory_space<hbm>>
    tpu.enqueue_dma source(%dma_start3A_47 : memref<4x128xi32, #tpu.memory_space<hbm>>) target(%arg10 : memref<4x128xi32, #tpu.memory_space<vmem>>) target_semaphore(%arg29 : memref<!tpu.dma_semaphore, #tpu.memory_space<semaphore_mem>>)
    %scan3A = arith.constant 0 : i32
    %scan3A_48 = arith.constant 97 : i32
    %scan3A_49 = arith.addi %scan3A, %scan3A_48 : i32
    %scan3A_50 = arith.constant 1 : i32
    scf.for %scan3A_262 = %scan3A to %scan3A_49 step %scan3A_50  : i32 {
      %mul3A_263 = arith.constant 1 : i32
      %mul3A_264 = arith.muli %scan3A_262, %mul3A_263 : i32
      %add3A_265 = arith.constant 0 : i32
      %add3A_266 = arith.addi %add3A_265, %mul3A_264 : i32
      %mul3A_267 = arith.constant 2 : i32
      %mul3A_268 = arith.muli %mul3A_267, %add3A_266 : i32
      %add3A_269 = arith.constant 0 : i32
      %add3A_270 = arith.addi %mul3A_4, %add3A_269 : i32
      %dma_wait3A_271 = arith.constant 0 : i32
      %dma_wait3A_272 = tpu.memref_slice %arg3[%add3A_270, %dma_wait3A_271] : memref<25088x128xi32, #tpu.memory_space<hbm>> -> memref<4x128xi32, #tpu.memory_space<hbm>>
      %dma_wait3A_273 = arith.constant 0 : i32
      %dma_wait3A_274 = tpu.memref_slice %arg3[%add3A_270, %dma_wait3A_273] : memref<25088x128xi32, #tpu.memory_space<hbm>> -> memref<4x128xi32, #tpu.memory_space<hbm>>
      tpu.wait_dma2 semaphore(%arg29 : memref<!tpu.dma_semaphore, #tpu.memory_space<semaphore_mem>>) src(%dma_wait3A_274 : memref<4x128xi32, #tpu.memory_space<hbm>>) dst(%arg9 : memref<4x128xi32, #tpu.memory_space<vmem>>)
      %add3A_275 = arith.constant 0 : i32
      %add3A_276 = arith.addi %mul3A_4, %add3A_275 : i32
      %dma_wait3A_277 = arith.constant 0 : i32
      %dma_wait3A_278 = tpu.memref_slice %arg4[%add3A_276, %dma_wait3A_277] : memref<25088x128xi32, #tpu.memory_space<hbm>> -> memref<4x128xi32, #tpu.memory_space<hbm>>
      %dma_wait3A_279 = arith.constant 0 : i32
      %dma_wait3A_280 = tpu.memref_slice %arg4[%add3A_276, %dma_wait3A_279] : memref<25088x128xi32, #tpu.memory_space<hbm>> -> memref<4x128xi32, #tpu.memory_space<hbm>>
      tpu.wait_dma2 semaphore(%arg29 : memref<!tpu.dma_semaphore, #tpu.memory_space<semaphore_mem>>) src(%dma_wait3A_280 : memref<4x128xi32, #tpu.memory_space<hbm>>) dst(%arg10 : memref<4x128xi32, #tpu.memory_space<vmem>>)
      %add3A_281 = arith.constant 2 : i32
      %add3A_282 = arith.addi %mul3A_268, %add3A_281 : i32
      %dma_wait3A_283 = arith.constant 0 : i32
      %dma_wait3A_284 = arith.constant 0 : i32
      %dma_wait3A_285 = tpu.memref_slice %arg7[%dma_wait3A_283, %dma_wait3A_284] : memref<4x128xi32, #tpu.memory_space<vmem>> -> memref<1x128xi32, #tpu.memory_space<vmem>>
      %dma_wait3A_286 = tpu.memref_squeeze %dma_wait3A_285 : memref<1x128xi32, #tpu.memory_space<vmem>> -> memref<128xi32, #tpu.memory_space<vmem>>
      %dma_wait3A_287 = arith.constant 0 : i32
      %dma_wait3A_288 = arith.constant 0 : i32
      %dma_wait3A_289 = tpu.memref_slice %arg2[%dma_wait3A_287, %dma_wait3A_288] : memref<100000x16xf32, #tpu.memory_space<hbm>> -> memref<100000x16xf32, #tpu.memory_space<hbm>>
      tpu.wait_indirect_dma semaphore(%arg20 : memref<!tpu.dma_semaphore, #tpu.memory_space<semaphore_mem>>) src(%dma_wait3A_289 : memref<100000x16xf32, #tpu.memory_space<hbm>>) dst(%arg11 : memref<128x16xf32, #tpu.memory_space<vmem>>)
      %dma_start3A_290 = arith.constant 0 : i32
      %dma_start3A_291 = arith.constant 0 : i32
      %dma_start3A_292 = tpu.memref_slice %arg8[%dma_start3A_290, %dma_start3A_291] : memref<4x128xi32, #tpu.memory_space<vmem>> -> memref<1x128xi32, #tpu.memory_space<vmem>>
      %dma_start3A_293 = tpu.memref_squeeze %dma_start3A_292 : memref<1x128xi32, #tpu.memory_space<vmem>> -> memref<128xi32, #tpu.memory_space<vmem>>
      %dma_start3A_294 = arith.constant 0 : i32
      %dma_start3A_295 = arith.constant 0 : i32
      %dma_start3A_296 = tpu.memref_slice %arg19[%dma_start3A_294, %dma_start3A_295] : memref<100096x16xf32, #tpu.memory_space<vmem_shared>> -> memref<100096x16xf32, #tpu.memory_space<vmem_shared>>
      tpu.enqueue_indirect_dma source(%arg11 : memref<128x16xf32, #tpu.memory_space<vmem>>) target(%dma_start3A_296 : memref<100096x16xf32, #tpu.memory_space<vmem_shared>>) offsets(%dma_start3A_293 : memref<128xi32, #tpu.memory_space<vmem>>) semaphore(%arg24 : memref<!tpu.dma_semaphore, #tpu.memory_space<semaphore_mem>>) {add = true}
      %dma_start3A_297 = arith.constant 0 : i32
      %dma_start3A_298 = arith.constant 0 : i32
      %dma_start3A_299 = tpu.memref_slice %arg9[%dma_start3A_297, %dma_start3A_298] : memref<4x128xi32, #tpu.memory_space<vmem>> -> memref<1x128xi32, #tpu.memory_space<vmem>>
      %dma_start3A_300 = tpu.memref_squeeze %dma_start3A_299 : memref<1x128xi32, #tpu.memory_space<vmem>> -> memref<128xi32, #tpu.memory_space<vmem>>
      %dma_start3A_301 = arith.constant 0 : i32
      %dma_start3A_302 = arith.constant 0 : i32
      %dma_start3A_303 = tpu.memref_slice %arg2[%dma_start3A_301, %dma_start3A_302] : memref<100000x16xf32, #tpu.memory_space<hbm>> -> memref<100000x16xf32, #tpu.memory_space<hbm>>
      tpu.enqueue_indirect_dma source(%dma_start3A_303 : memref<100000x16xf32, #tpu.memory_space<hbm>>) target(%arg15 : memref<128x16xf32, #tpu.memory_space<vmem>>) offsets(%dma_start3A_300 : memref<128xi32, #tpu.memory_space<vmem>>) semaphore(%arg20 : memref<!tpu.dma_semaphore, #tpu.memory_space<semaphore_mem>>)
      %dma_wait3A_304 = arith.constant 1 : i32
      %dma_wait3A_305 = arith.constant 0 : i32
      %dma_wait3A_306 = tpu.memref_slice %arg7[%dma_wait3A_304, %dma_wait3A_305] : memref<4x128xi32, #tpu.memory_space<vmem>> -> memref<1x128xi32, #tpu.memory_space<vmem>>
      %dma_wait3A_307 = tpu.memref_squeeze %dma_wait3A_306 : memref<1x128xi32, #tpu.memory_space<vmem>> -> memref<128xi32, #tpu.memory_space<vmem>>
      %dma_wait3A_308 = arith.constant 0 : i32
      %dma_wait3A_309 = arith.constant 0 : i32
      %dma_wait3A_310 = tpu.memref_slice %arg2[%dma_wait3A_308, %dma_wait3A_309] : memref<100000x16xf32, #tpu.memory_space<hbm>> -> memref<100000x16xf32, #tpu.memory_space<hbm>>
      tpu.wait_indirect_dma semaphore(%arg21 : memref<!tpu.dma_semaphore, #tpu.memory_space<semaphore_mem>>) src(%dma_wait3A_310 : memref<100000x16xf32, #tpu.memory_space<hbm>>) dst(%arg12 : memref<128x16xf32, #tpu.memory_space<vmem>>)
      %dma_start3A_311 = arith.constant 1 : i32
      %dma_start3A_312 = arith.constant 0 : i32
      %dma_start3A_313 = tpu.memref_slice %arg8[%dma_start3A_311, %dma_start3A_312] : memref<4x128xi32, #tpu.memory_space<vmem>> -> memref<1x128xi32, #tpu.memory_space<vmem>>
      %dma_start3A_314 = tpu.memref_squeeze %dma_start3A_313 : memref<1x128xi32, #tpu.memory_space<vmem>> -> memref<128xi32, #tpu.memory_space<vmem>>
      %dma_start3A_315 = arith.constant 0 : i32
      %dma_start3A_316 = arith.constant 0 : i32
      %dma_start3A_317 = tpu.memref_slice %arg19[%dma_start3A_315, %dma_start3A_316] : memref<100096x16xf32, #tpu.memory_space<vmem_shared>> -> memref<100096x16xf32, #tpu.memory_space<vmem_shared>>
      tpu.enqueue_indirect_dma source(%arg12 : memref<128x16xf32, #tpu.memory_space<vmem>>) target(%dma_start3A_317 : memref<100096x16xf32, #tpu.memory_space<vmem_shared>>) offsets(%dma_start3A_314 : memref<128xi32, #tpu.memory_space<vmem>>) semaphore(%arg25 : memref<!tpu.dma_semaphore, #tpu.memory_space<semaphore_mem>>) {add = true}
      %dma_start3A_318 = arith.constant 1 : i32
      %dma_start3A_319 = arith.constant 0 : i32
      %dma_start3A_320 = tpu.memref_slice %arg9[%dma_start3A_318, %dma_start3A_319] : memref<4x128xi32, #tpu.memory_space<vmem>> -> memref<1x128xi32, #tpu.memory_space<vmem>>
      %dma_start3A_321 = tpu.memref_squeeze %dma_start3A_320 : memref<1x128xi32, #tpu.memory_space<vmem>> -> memref<128xi32, #tpu.memory_space<vmem>>
      %dma_start3A_322 = arith.constant 0 : i32
      %dma_start3A_323 = arith.constant 0 : i32
      %dma_start3A_324 = tpu.memref_slice %arg2[%dma_start3A_322, %dma_start3A_323] : memref<100000x16xf32, #tpu.memory_space<hbm>> -> memref<100000x16xf32, #tpu.memory_space<hbm>>
      tpu.enqueue_indirect_dma source(%dma_start3A_324 : memref<100000x16xf32, #tpu.memory_space<hbm>>) target(%arg16 : memref<128x16xf32, #tpu.memory_space<vmem>>) offsets(%dma_start3A_321 : memref<128xi32, #tpu.memory_space<vmem>>) semaphore(%arg21 : memref<!tpu.dma_semaphore, #tpu.memory_space<semaphore_mem>>)
      %dma_wait3A_325 = arith.constant 2 : i32
      %dma_wait3A_326 = arith.constant 0 : i32
      %dma_wait3A_327 = tpu.memref_slice %arg7[%dma_wait3A_325, %dma_wait3A_326] : memref<4x128xi32, #tpu.memory_space<vmem>> -> memref<1x128xi32, #tpu.memory_space<vmem>>
      %dma_wait3A_328 = tpu.memref_squeeze %dma_wait3A_327 : memref<1x128xi32, #tpu.memory_space<vmem>> -> memref<128xi32, #tpu.memory_space<vmem>>
      %dma_wait3A_329 = arith.constant 0 : i32
      %dma_wait3A_330 = arith.constant 0 : i32
      %dma_wait3A_331 = tpu.memref_slice %arg2[%dma_wait3A_329, %dma_wait3A_330] : memref<100000x16xf32, #tpu.memory_space<hbm>> -> memref<100000x16xf32, #tpu.memory_space<hbm>>
      tpu.wait_indirect_dma semaphore(%arg22 : memref<!tpu.dma_semaphore, #tpu.memory_space<semaphore_mem>>) src(%dma_wait3A_331 : memref<100000x16xf32, #tpu.memory_space<hbm>>) dst(%arg13 : memref<128x16xf32, #tpu.memory_space<vmem>>)
      %dma_start3A_332 = arith.constant 2 : i32
      %dma_start3A_333 = arith.constant 0 : i32
      %dma_start3A_334 = tpu.memref_slice %arg8[%dma_start3A_332, %dma_start3A_333] : memref<4x128xi32, #tpu.memory_space<vmem>> -> memref<1x128xi32, #tpu.memory_space<vmem>>
      %dma_start3A_335 = tpu.memref_squeeze %dma_start3A_334 : memref<1x128xi32, #tpu.memory_space<vmem>> -> memref<128xi32, #tpu.memory_space<vmem>>
      %dma_start3A_336 = arith.constant 0 : i32
      %dma_start3A_337 = arith.constant 0 : i32
      %dma_start3A_338 = tpu.memref_slice %arg19[%dma_start3A_336, %dma_start3A_337] : memref<100096x16xf32, #tpu.memory_space<vmem_shared>> -> memref<100096x16xf32, #tpu.memory_space<vmem_shared>>
      tpu.enqueue_indirect_dma source(%arg13 : memref<128x16xf32, #tpu.memory_space<vmem>>) target(%dma_start3A_338 : memref<100096x16xf32, #tpu.memory_space<vmem_shared>>) offsets(%dma_start3A_335 : memref<128xi32, #tpu.memory_space<vmem>>) semaphore(%arg26 : memref<!tpu.dma_semaphore, #tpu.memory_space<semaphore_mem>>) {add = true}
      %dma_start3A_339 = arith.constant 2 : i32
      %dma_start3A_340 = arith.constant 0 : i32
      %dma_start3A_341 = tpu.memref_slice %arg9[%dma_start3A_339, %dma_start3A_340] : memref<4x128xi32, #tpu.memory_space<vmem>> -> memref<1x128xi32, #tpu.memory_space<vmem>>
      %dma_start3A_342 = tpu.memref_squeeze %dma_start3A_341 : memref<1x128xi32, #tpu.memory_space<vmem>> -> memref<128xi32, #tpu.memory_space<vmem>>
      %dma_start3A_343 = arith.constant 0 : i32
      %dma_start3A_344 = arith.constant 0 : i32
      %dma_start3A_345 = tpu.memref_slice %arg2[%dma_start3A_343, %dma_start3A_344] : memref<100000x16xf32, #tpu.memory_space<hbm>> -> memref<100000x16xf32, #tpu.memory_space<hbm>>
      tpu.enqueue_indirect_dma source(%dma_start3A_345 : memref<100000x16xf32, #tpu.memory_space<hbm>>) target(%arg17 : memref<128x16xf32, #tpu.memory_space<vmem>>) offsets(%dma_start3A_342 : memref<128xi32, #tpu.memory_space<vmem>>) semaphore(%arg22 : memref<!tpu.dma_semaphore, #tpu.memory_space<semaphore_mem>>)
      %dma_wait3A_346 = arith.constant 3 : i32
      %dma_wait3A_347 = arith.constant 0 : i32
      %dma_wait3A_348 = tpu.memref_slice %arg7[%dma_wait3A_346, %dma_wait3A_347] : memref<4x128xi32, #tpu.memory_space<vmem>> -> memref<1x128xi32, #tpu.memory_space<vmem>>
      %dma_wait3A_349 = tpu.memref_squeeze %dma_wait3A_348 : memref<1x128xi32, #tpu.memory_space<vmem>> -> memref<128xi32, #tpu.memory_space<vmem>>
      %dma_wait3A_350 = arith.constant 0 : i32
      %dma_wait3A_351 = arith.constant 0 : i32
      %dma_wait3A_352 = tpu.memref_slice %arg2[%dma_wait3A_350, %dma_wait3A_351] : memref<100000x16xf32, #tpu.memory_space<hbm>> -> memref<100000x16xf32, #tpu.memory_space<hbm>>
      tpu.wait_indirect_dma semaphore(%arg23 : memref<!tpu.dma_semaphore, #tpu.memory_space<semaphore_mem>>) src(%dma_wait3A_352 : memref<100000x16xf32, #tpu.memory_space<hbm>>) dst(%arg14 : memref<128x16xf32, #tpu.memory_space<vmem>>)
      %dma_start3A_353 = arith.constant 3 : i32
      %dma_start3A_354 = arith.constant 0 : i32
      %dma_start3A_355 = tpu.memref_slice %arg8[%dma_start3A_353, %dma_start3A_354] : memref<4x128xi32, #tpu.memory_space<vmem>> -> memref<1x128xi32, #tpu.memory_space<vmem>>
      %dma_start3A_356 = tpu.memref_squeeze %dma_start3A_355 : memref<1x128xi32, #tpu.memory_space<vmem>> -> memref<128xi32, #tpu.memory_space<vmem>>
      %dma_start3A_357 = arith.constant 0 : i32
      %dma_start3A_358 = arith.constant 0 : i32
      %dma_start3A_359 = tpu.memref_slice %arg19[%dma_start3A_357, %dma_start3A_358] : memref<100096x16xf32, #tpu.memory_space<vmem_shared>> -> memref<100096x16xf32, #tpu.memory_space<vmem_shared>>
      tpu.enqueue_indirect_dma source(%arg14 : memref<128x16xf32, #tpu.memory_space<vmem>>) target(%dma_start3A_359 : memref<100096x16xf32, #tpu.memory_space<vmem_shared>>) offsets(%dma_start3A_356 : memref<128xi32, #tpu.memory_space<vmem>>) semaphore(%arg27 : memref<!tpu.dma_semaphore, #tpu.memory_space<semaphore_mem>>) {add = true}
      %dma_start3A_360 = arith.constant 3 : i32
      %dma_start3A_361 = arith.constant 0 : i32
      %dma_start3A_362 = tpu.memref_slice %arg9[%dma_start3A_360, %dma_start3A_361] : memref<4x128xi32, #tpu.memory_space<vmem>> -> memref<1x128xi32, #tpu.memory_space<vmem>>
      %dma_start3A_363 = tpu.memref_squeeze %dma_start3A_362 : memref<1x128xi32, #tpu.memory_space<vmem>> -> memref<128xi32, #tpu.memory_space<vmem>>
      %dma_start3A_364 = arith.constant 0 : i32
      %dma_start3A_365 = arith.constant 0 : i32
      %dma_start3A_366 = tpu.memref_slice %arg2[%dma_start3A_364, %dma_start3A_365] : memref<100000x16xf32, #tpu.memory_space<hbm>> -> memref<100000x16xf32, #tpu.memory_space<hbm>>
      tpu.enqueue_indirect_dma source(%dma_start3A_366 : memref<100000x16xf32, #tpu.memory_space<hbm>>) target(%arg18 : memref<128x16xf32, #tpu.memory_space<vmem>>) offsets(%dma_start3A_363 : memref<128xi32, #tpu.memory_space<vmem>>) semaphore(%arg23 : memref<!tpu.dma_semaphore, #tpu.memory_space<semaphore_mem>>)
      %dma_wait3A_367 = arith.constant 0 : i32
      %dma_wait3A_368 = arith.constant 0 : i32
      %dma_wait3A_369 = tpu.memref_slice %arg8[%dma_wait3A_367, %dma_wait3A_368] : memref<4x128xi32, #tpu.memory_space<vmem>> -> memref<1x128xi32, #tpu.memory_space<vmem>>
      %dma_wait3A_370 = tpu.memref_squeeze %dma_wait3A_369 : memref<1x128xi32, #tpu.memory_space<vmem>> -> memref<128xi32, #tpu.memory_space<vmem>>
      %dma_wait3A_371 = arith.constant 0 : i32
      %dma_wait3A_372 = arith.constant 0 : i32
      %dma_wait3A_373 = tpu.memref_slice %arg19[%dma_wait3A_371, %dma_wait3A_372] : memref<100096x16xf32, #tpu.memory_space<vmem_shared>> -> memref<100096x16xf32, #tpu.memory_space<vmem_shared>>
      tpu.wait_indirect_dma semaphore(%arg24 : memref<!tpu.dma_semaphore, #tpu.memory_space<semaphore_mem>>) src(%arg11 : memref<128x16xf32, #tpu.memory_space<vmem>>) dst(%dma_wait3A_373 : memref<100096x16xf32, #tpu.memory_space<vmem_shared>>)
      %dma_wait3A_374 = arith.constant 1 : i32
      %dma_wait3A_375 = arith.constant 0 : i32
      %dma_wait3A_376 = tpu.memref_slice %arg8[%dma_wait3A_374, %dma_wait3A_375] : memref<4x128xi32, #tpu.memory_space<vmem>> -> memref<1x128xi32, #tpu.memory_space<vmem>>
      %dma_wait3A_377 = tpu.memref_squeeze %dma_wait3A_376 : memref<1x128xi32, #tpu.memory_space<vmem>> -> memref<128xi32, #tpu.memory_space<vmem>>
      %dma_wait3A_378 = arith.constant 0 : i32
      %dma_wait3A_379 = arith.constant 0 : i32
      %dma_wait3A_380 = tpu.memref_slice %arg19[%dma_wait3A_378, %dma_wait3A_379] : memref<100096x16xf32, #tpu.memory_space<vmem_shared>> -> memref<100096x16xf32, #tpu.memory_space<vmem_shared>>
      tpu.wait_indirect_dma semaphore(%arg25 : memref<!tpu.dma_semaphore, #tpu.memory_space<semaphore_mem>>) src(%arg12 : memref<128x16xf32, #tpu.memory_space<vmem>>) dst(%dma_wait3A_380 : memref<100096x16xf32, #tpu.memory_space<vmem_shared>>)
      %dma_wait3A_381 = arith.constant 2 : i32
      %dma_wait3A_382 = arith.constant 0 : i32
      %dma_wait3A_383 = tpu.memref_slice %arg8[%dma_wait3A_381, %dma_wait3A_382] : memref<4x128xi32, #tpu.memory_space<vmem>> -> memref<1x128xi32, #tpu.memory_space<vmem>>
      %dma_wait3A_384 = tpu.memref_squeeze %dma_wait3A_383 : memref<1x128xi32, #tpu.memory_space<vmem>> -> memref<128xi32, #tpu.memory_space<vmem>>
      %dma_wait3A_385 = arith.constant 0 : i32
      %dma_wait3A_386 = arith.constant 0 : i32
      %dma_wait3A_387 = tpu.memref_slice %arg19[%dma_wait3A_385, %dma_wait3A_386] : memref<100096x16xf32, #tpu.memory_space<vmem_shared>> -> memref<100096x16xf32, #tpu.memory_space<vmem_shared>>
      tpu.wait_indirect_dma semaphore(%arg26 : memref<!tpu.dma_semaphore, #tpu.memory_space<semaphore_mem>>) src(%arg13 : memref<128x16xf32, #tpu.memory_space<vmem>>) dst(%dma_wait3A_387 : memref<100096x16xf32, #tpu.memory_space<vmem_shared>>)
      %dma_wait3A_388 = arith.constant 3 : i32
      %dma_wait3A_389 = arith.constant 0 : i32
      %dma_wait3A_390 = tpu.memref_slice %arg8[%dma_wait3A_388, %dma_wait3A_389] : memref<4x128xi32, #tpu.memory_space<vmem>> -> memref<1x128xi32, #tpu.memory_space<vmem>>
      %dma_wait3A_391 = tpu.memref_squeeze %dma_wait3A_390 : memref<1x128xi32, #tpu.memory_space<vmem>> -> memref<128xi32, #tpu.memory_space<vmem>>
      %dma_wait3A_392 = arith.constant 0 : i32
      %dma_wait3A_393 = arith.constant 0 : i32
      %dma_wait3A_394 = tpu.memref_slice %arg19[%dma_wait3A_392, %dma_wait3A_393] : memref<100096x16xf32, #tpu.memory_space<vmem_shared>> -> memref<100096x16xf32, #tpu.memory_space<vmem_shared>>
      tpu.wait_indirect_dma semaphore(%arg27 : memref<!tpu.dma_semaphore, #tpu.memory_space<semaphore_mem>>) src(%arg14 : memref<128x16xf32, #tpu.memory_space<vmem>>) dst(%dma_wait3A_394 : memref<100096x16xf32, #tpu.memory_space<vmem_shared>>)
      %mul3A_395 = arith.constant 4 : i32
      %mul3A_396 = arith.muli %add3A_282, %mul3A_395 : i32
      %add3A_397 = arith.addi %mul3A_4, %mul3A_396 : i32
      %dma_start3A_398 = arith.constant 0 : i32
      %dma_start3A_399 = tpu.memref_slice %arg3[%add3A_397, %dma_start3A_398] : memref<25088x128xi32, #tpu.memory_space<hbm>> -> memref<4x128xi32, #tpu.memory_space<hbm>>
      %dma_start3A_400 = arith.constant 0 : i32
      %dma_start3A_401 = tpu.memref_slice %arg3[%add3A_397, %dma_start3A_400] : memref<25088x128xi32, #tpu.memory_space<hbm>> -> memref<4x128xi32, #tpu.memory_space<hbm>>
      tpu.enqueue_dma source(%dma_start3A_401 : memref<4x128xi32, #tpu.memory_space<hbm>>) target(%arg7 : memref<4x128xi32, #tpu.memory_space<vmem>>) target_semaphore(%arg28 : memref<!tpu.dma_semaphore, #tpu.memory_space<semaphore_mem>>)
      %mul3A_402 = arith.constant 4 : i32
      %mul3A_403 = arith.muli %add3A_282, %mul3A_402 : i32
      %add3A_404 = arith.addi %mul3A_4, %mul3A_403 : i32
      %dma_start3A_405 = arith.constant 0 : i32
      %dma_start3A_406 = tpu.memref_slice %arg4[%add3A_404, %dma_start3A_405] : memref<25088x128xi32, #tpu.memory_space<hbm>> -> memref<4x128xi32, #tpu.memory_space<hbm>>
      %dma_start3A_407 = arith.constant 0 : i32
      %dma_start3A_408 = tpu.memref_slice %arg4[%add3A_404, %dma_start3A_407] : memref<25088x128xi32, #tpu.memory_space<hbm>> -> memref<4x128xi32, #tpu.memory_space<hbm>>
      tpu.enqueue_dma source(%dma_start3A_408 : memref<4x128xi32, #tpu.memory_space<hbm>>) target(%arg8 : memref<4x128xi32, #tpu.memory_space<vmem>>) target_semaphore(%arg28 : memref<!tpu.dma_semaphore, #tpu.memory_space<semaphore_mem>>)
      %add3A_409 = arith.constant 0 : i32
      %add3A_410 = arith.addi %mul3A_4, %add3A_409 : i32
      %dma_wait3A_411 = arith.constant 0 : i32
      %dma_wait3A_412 = tpu.memref_slice %arg3[%add3A_410, %dma_wait3A_411] : memref<25088x128xi32, #tpu.memory_space<hbm>> -> memref<4x128xi32, #tpu.memory_space<hbm>>
      %dma_wait3A_413 = arith.constant 0 : i32
      %dma_wait3A_414 = tpu.memref_slice %arg3[%add3A_410, %dma_wait3A_413] : memref<25088x128xi32, #tpu.memory_space<hbm>> -> memref<4x128xi32, #tpu.memory_space<hbm>>
      tpu.wait_dma2 semaphore(%arg28 : memref<!tpu.dma_semaphore, #tpu.memory_space<semaphore_mem>>) src(%dma_wait3A_414 : memref<4x128xi32, #tpu.memory_space<hbm>>) dst(%arg7 : memref<4x128xi32, #tpu.memory_space<vmem>>)
      %add3A_415 = arith.constant 0 : i32
      %add3A_416 = arith.addi %mul3A_4, %add3A_415 : i32
      %dma_wait3A_417 = arith.constant 0 : i32
      %dma_wait3A_418 = tpu.memref_slice %arg4[%add3A_416, %dma_wait3A_417] : memref<25088x128xi32, #tpu.memory_space<hbm>> -> memref<4x128xi32, #tpu.memory_space<hbm>>
      %dma_wait3A_419 = arith.constant 0 : i32
      %dma_wait3A_420 = tpu.memref_slice %arg4[%add3A_416, %dma_wait3A_419] : memref<25088x128xi32, #tpu.memory_space<hbm>> -> memref<4x128xi32, #tpu.memory_space<hbm>>
      tpu.wait_dma2 semaphore(%arg28 : memref<!tpu.dma_semaphore, #tpu.memory_space<semaphore_mem>>) src(%dma_wait3A_420 : memref<4x128xi32, #tpu.memory_space<hbm>>) dst(%arg8 : memref<4x128xi32, #tpu.memory_space<vmem>>)
      %add3A_421 = arith.constant 3 : i32
      %add3A_422 = arith.addi %mul3A_268, %add3A_421 : i32
      %dma_wait3A_423 = arith.constant 0 : i32
      %dma_wait3A_424 = arith.constant 0 : i32
      %dma_wait3A_425 = tpu.memref_slice %arg9[%dma_wait3A_423, %dma_wait3A_424] : memref<4x128xi32, #tpu.memory_space<vmem>> -> memref<1x128xi32, #tpu.memory_space<vmem>>
      %dma_wait3A_426 = tpu.memref_squeeze %dma_wait3A_425 : memref<1x128xi32, #tpu.memory_space<vmem>> -> memref<128xi32, #tpu.memory_space<vmem>>
      %dma_wait3A_427 = arith.constant 0 : i32
      %dma_wait3A_428 = arith.constant 0 : i32
      %dma_wait3A_429 = tpu.memref_slice %arg2[%dma_wait3A_427, %dma_wait3A_428] : memref<100000x16xf32, #tpu.memory_space<hbm>> -> memref<100000x16xf32, #tpu.memory_space<hbm>>
      tpu.wait_indirect_dma semaphore(%arg20 : memref<!tpu.dma_semaphore, #tpu.memory_space<semaphore_mem>>) src(%dma_wait3A_429 : memref<100000x16xf32, #tpu.memory_space<hbm>>) dst(%arg15 : memref<128x16xf32, #tpu.memory_space<vmem>>)
      %dma_start3A_430 = arith.constant 0 : i32
      %dma_start3A_431 = arith.constant 0 : i32
      %dma_start3A_432 = tpu.memref_slice %arg10[%dma_start3A_430, %dma_start3A_431] : memref<4x128xi32, #tpu.memory_space<vmem>> -> memref<1x128xi32, #tpu.memory_space<vmem>>
      %dma_start3A_433 = tpu.memref_squeeze %dma_start3A_432 : memref<1x128xi32, #tpu.memory_space<vmem>> -> memref<128xi32, #tpu.memory_space<vmem>>
      %dma_start3A_434 = arith.constant 0 : i32
      %dma_start3A_435 = arith.constant 0 : i32
      %dma_start3A_436 = tpu.memref_slice %arg19[%dma_start3A_434, %dma_start3A_435] : memref<100096x16xf32, #tpu.memory_space<vmem_shared>> -> memref<100096x16xf32, #tpu.memory_space<vmem_shared>>
      tpu.enqueue_indirect_dma source(%arg15 : memref<128x16xf32, #tpu.memory_space<vmem>>) target(%dma_start3A_436 : memref<100096x16xf32, #tpu.memory_space<vmem_shared>>) offsets(%dma_start3A_433 : memref<128xi32, #tpu.memory_space<vmem>>) semaphore(%arg24 : memref<!tpu.dma_semaphore, #tpu.memory_space<semaphore_mem>>) {add = true}
      %dma_start3A_437 = arith.constant 0 : i32
      %dma_start3A_438 = arith.constant 0 : i32
      %dma_start3A_439 = tpu.memref_slice %arg7[%dma_start3A_437, %dma_start3A_438] : memref<4x128xi32, #tpu.memory_space<vmem>> -> memref<1x128xi32, #tpu.memory_space<vmem>>
      %dma_start3A_440 = tpu.memref_squeeze %dma_start3A_439 : memref<1x128xi32, #tpu.memory_space<vmem>> -> memref<128xi32, #tpu.memory_space<vmem>>
      %dma_start3A_441 = arith.constant 0 : i32
      %dma_start3A_442 = arith.constant 0 : i32
      %dma_start3A_443 = tpu.memref_slice %arg2[%dma_start3A_441, %dma_start3A_442] : memref<100000x16xf32, #tpu.memory_space<hbm>> -> memref<100000x16xf32, #tpu.memory_space<hbm>>
      tpu.enqueue_indirect_dma source(%dma_start3A_443 : memref<100000x16xf32, #tpu.memory_space<hbm>>) target(%arg11 : memref<128x16xf32, #tpu.memory_space<vmem>>) offsets(%dma_start3A_440 : memref<128xi32, #tpu.memory_space<vmem>>) semaphore(%arg20 : memref<!tpu.dma_semaphore, #tpu.memory_space<semaphore_mem>>)
      %dma_wait3A_444 = arith.constant 1 : i32
      %dma_wait3A_445 = arith.constant 0 : i32
      %dma_wait3A_446 = tpu.memref_slice %arg9[%dma_wait3A_444, %dma_wait3A_445] : memref<4x128xi32, #tpu.memory_space<vmem>> -> memref<1x128xi32, #tpu.memory_space<vmem>>
      %dma_wait3A_447 = tpu.memref_squeeze %dma_wait3A_446 : memref<1x128xi32, #tpu.memory_space<vmem>> -> memref<128xi32, #tpu.memory_space<vmem>>
      %dma_wait3A_448 = arith.constant 0 : i32
      %dma_wait3A_449 = arith.constant 0 : i32
      %dma_wait3A_450 = tpu.memref_slice %arg2[%dma_wait3A_448, %dma_wait3A_449] : memref<100000x16xf32, #tpu.memory_space<hbm>> -> memref<100000x16xf32, #tpu.memory_space<hbm>>
      tpu.wait_indirect_dma semaphore(%arg21 : memref<!tpu.dma_semaphore, #tpu.memory_space<semaphore_mem>>) src(%dma_wait3A_450 : memref<100000x16xf32, #tpu.memory_space<hbm>>) dst(%arg16 : memref<128x16xf32, #tpu.memory_space<vmem>>)
      %dma_start3A_451 = arith.constant 1 : i32
      %dma_start3A_452 = arith.constant 0 : i32
      %dma_start3A_453 = tpu.memref_slice %arg10[%dma_start3A_451, %dma_start3A_452] : memref<4x128xi32, #tpu.memory_space<vmem>> -> memref<1x128xi32, #tpu.memory_space<vmem>>
      %dma_start3A_454 = tpu.memref_squeeze %dma_start3A_453 : memref<1x128xi32, #tpu.memory_space<vmem>> -> memref<128xi32, #tpu.memory_space<vmem>>
      %dma_start3A_455 = arith.constant 0 : i32
      %dma_start3A_456 = arith.constant 0 : i32
      %dma_start3A_457 = tpu.memref_slice %arg19[%dma_start3A_455, %dma_start3A_456] : memref<100096x16xf32, #tpu.memory_space<vmem_shared>> -> memref<100096x16xf32, #tpu.memory_space<vmem_shared>>
      tpu.enqueue_indirect_dma source(%arg16 : memref<128x16xf32, #tpu.memory_space<vmem>>) target(%dma_start3A_457 : memref<100096x16xf32, #tpu.memory_space<vmem_shared>>) offsets(%dma_start3A_454 : memref<128xi32, #tpu.memory_space<vmem>>) semaphore(%arg25 : memref<!tpu.dma_semaphore, #tpu.memory_space<semaphore_mem>>) {add = true}
      %dma_start3A_458 = arith.constant 1 : i32
      %dma_start3A_459 = arith.constant 0 : i32
      %dma_start3A_460 = tpu.memref_slice %arg7[%dma_start3A_458, %dma_start3A_459] : memref<4x128xi32, #tpu.memory_space<vmem>> -> memref<1x128xi32, #tpu.memory_space<vmem>>
      %dma_start3A_461 = tpu.memref_squeeze %dma_start3A_460 : memref<1x128xi32, #tpu.memory_space<vmem>> -> memref<128xi32, #tpu.memory_space<vmem>>
      %dma_start3A_462 = arith.constant 0 : i32
      %dma_start3A_463 = arith.constant 0 : i32
      %dma_start3A_464 = tpu.memref_slice %arg2[%dma_start3A_462, %dma_start3A_463] : memref<100000x16xf32, #tpu.memory_space<hbm>> -> memref<100000x16xf32, #tpu.memory_space<hbm>>
      tpu.enqueue_indirect_dma source(%dma_start3A_464 : memref<100000x16xf32, #tpu.memory_space<hbm>>) target(%arg12 : memref<128x16xf32, #tpu.memory_space<vmem>>) offsets(%dma_start3A_461 : memref<128xi32, #tpu.memory_space<vmem>>) semaphore(%arg21 : memref<!tpu.dma_semaphore, #tpu.memory_space<semaphore_mem>>)
      %dma_wait3A_465 = arith.constant 2 : i32
      %dma_wait3A_466 = arith.constant 0 : i32
      %dma_wait3A_467 = tpu.memref_slice %arg9[%dma_wait3A_465, %dma_wait3A_466] : memref<4x128xi32, #tpu.memory_space<vmem>> -> memref<1x128xi32, #tpu.memory_space<vmem>>
      %dma_wait3A_468 = tpu.memref_squeeze %dma_wait3A_467 : memref<1x128xi32, #tpu.memory_space<vmem>> -> memref<128xi32, #tpu.memory_space<vmem>>
      %dma_wait3A_469 = arith.constant 0 : i32
      %dma_wait3A_470 = arith.constant 0 : i32
      %dma_wait3A_471 = tpu.memref_slice %arg2[%dma_wait3A_469, %dma_wait3A_470] : memref<100000x16xf32, #tpu.memory_space<hbm>> -> memref<100000x16xf32, #tpu.memory_space<hbm>>
      tpu.wait_indirect_dma semaphore(%arg22 : memref<!tpu.dma_semaphore, #tpu.memory_space<semaphore_mem>>) src(%dma_wait3A_471 : memref<100000x16xf32, #tpu.memory_space<hbm>>) dst(%arg17 : memref<128x16xf32, #tpu.memory_space<vmem>>)
      %dma_start3A_472 = arith.constant 2 : i32
      %dma_start3A_473 = arith.constant 0 : i32
      %dma_start3A_474 = tpu.memref_slice %arg10[%dma_start3A_472, %dma_start3A_473] : memref<4x128xi32, #tpu.memory_space<vmem>> -> memref<1x128xi32, #tpu.memory_space<vmem>>
      %dma_start3A_475 = tpu.memref_squeeze %dma_start3A_474 : memref<1x128xi32, #tpu.memory_space<vmem>> -> memref<128xi32, #tpu.memory_space<vmem>>
      %dma_start3A_476 = arith.constant 0 : i32
      %dma_start3A_477 = arith.constant 0 : i32
      %dma_start3A_478 = tpu.memref_slice %arg19[%dma_start3A_476, %dma_start3A_477] : memref<100096x16xf32, #tpu.memory_space<vmem_shared>> -> memref<100096x16xf32, #tpu.memory_space<vmem_shared>>
      tpu.enqueue_indirect_dma source(%arg17 : memref<128x16xf32, #tpu.memory_space<vmem>>) target(%dma_start3A_478 : memref<100096x16xf32, #tpu.memory_space<vmem_shared>>) offsets(%dma_start3A_475 : memref<128xi32, #tpu.memory_space<vmem>>) semaphore(%arg26 : memref<!tpu.dma_semaphore, #tpu.memory_space<semaphore_mem>>) {add = true}
      %dma_start3A_479 = arith.constant 2 : i32
      %dma_start3A_480 = arith.constant 0 : i32
      %dma_start3A_481 = tpu.memref_slice %arg7[%dma_start3A_479, %dma_start3A_480] : memref<4x128xi32, #tpu.memory_space<vmem>> -> memref<1x128xi32, #tpu.memory_space<vmem>>
      %dma_start3A_482 = tpu.memref_squeeze %dma_start3A_481 : memref<1x128xi32, #tpu.memory_space<vmem>> -> memref<128xi32, #tpu.memory_space<vmem>>
      %dma_start3A_483 = arith.constant 0 : i32
      %dma_start3A_484 = arith.constant 0 : i32
      %dma_start3A_485 = tpu.memref_slice %arg2[%dma_start3A_483, %dma_start3A_484] : memref<100000x16xf32, #tpu.memory_space<hbm>> -> memref<100000x16xf32, #tpu.memory_space<hbm>>
      tpu.enqueue_indirect_dma source(%dma_start3A_485 : memref<100000x16xf32, #tpu.memory_space<hbm>>) target(%arg13 : memref<128x16xf32, #tpu.memory_space<vmem>>) offsets(%dma_start3A_482 : memref<128xi32, #tpu.memory_space<vmem>>) semaphore(%arg22 : memref<!tpu.dma_semaphore, #tpu.memory_space<semaphore_mem>>)
      %dma_wait3A_486 = arith.constant 3 : i32
      %dma_wait3A_487 = arith.constant 0 : i32
      %dma_wait3A_488 = tpu.memref_slice %arg9[%dma_wait3A_486, %dma_wait3A_487] : memref<4x128xi32, #tpu.memory_space<vmem>> -> memref<1x128xi32, #tpu.memory_space<vmem>>
      %dma_wait3A_489 = tpu.memref_squeeze %dma_wait3A_488 : memref<1x128xi32, #tpu.memory_space<vmem>> -> memref<128xi32, #tpu.memory_space<vmem>>
      %dma_wait3A_490 = arith.constant 0 : i32
      %dma_wait3A_491 = arith.constant 0 : i32
      %dma_wait3A_492 = tpu.memref_slice %arg2[%dma_wait3A_490, %dma_wait3A_491] : memref<100000x16xf32, #tpu.memory_space<hbm>> -> memref<100000x16xf32, #tpu.memory_space<hbm>>
      tpu.wait_indirect_dma semaphore(%arg23 : memref<!tpu.dma_semaphore, #tpu.memory_space<semaphore_mem>>) src(%dma_wait3A_492 : memref<100000x16xf32, #tpu.memory_space<hbm>>) dst(%arg18 : memref<128x16xf32, #tpu.memory_space<vmem>>)
      %dma_start3A_493 = arith.constant 3 : i32
      %dma_start3A_494 = arith.constant 0 : i32
      %dma_start3A_495 = tpu.memref_slice %arg10[%dma_start3A_493, %dma_start3A_494] : memref<4x128xi32, #tpu.memory_space<vmem>> -> memref<1x128xi32, #tpu.memory_space<vmem>>
      %dma_start3A_496 = tpu.memref_squeeze %dma_start3A_495 : memref<1x128xi32, #tpu.memory_space<vmem>> -> memref<128xi32, #tpu.memory_space<vmem>>
      %dma_start3A_497 = arith.constant 0 : i32
      %dma_start3A_498 = arith.constant 0 : i32
      %dma_start3A_499 = tpu.memref_slice %arg19[%dma_start3A_497, %dma_start3A_498] : memref<100096x16xf32, #tpu.memory_space<vmem_shared>> -> memref<100096x16xf32, #tpu.memory_space<vmem_shared>>
      tpu.enqueue_indirect_dma source(%arg18 : memref<128x16xf32, #tpu.memory_space<vmem>>) target(%dma_start3A_499 : memref<100096x16xf32, #tpu.memory_space<vmem_shared>>) offsets(%dma_start3A_496 : memref<128xi32, #tpu.memory_space<vmem>>) semaphore(%arg27 : memref<!tpu.dma_semaphore, #tpu.memory_space<semaphore_mem>>) {add = true}
      %dma_start3A_500 = arith.constant 3 : i32
      %dma_start3A_501 = arith.constant 0 : i32
      %dma_start3A_502 = tpu.memref_slice %arg7[%dma_start3A_500, %dma_start3A_501] : memref<4x128xi32, #tpu.memory_space<vmem>> -> memref<1x128xi32, #tpu.memory_space<vmem>>
      %dma_start3A_503 = tpu.memref_squeeze %dma_start3A_502 : memref<1x128xi32, #tpu.memory_space<vmem>> -> memref<128xi32, #tpu.memory_space<vmem>>
      %dma_start3A_504 = arith.constant 0 : i32
      %dma_start3A_505 = arith.constant 0 : i32
      %dma_start3A_506 = tpu.memref_slice %arg2[%dma_start3A_504, %dma_start3A_505] : memref<100000x16xf32, #tpu.memory_space<hbm>> -> memref<100000x16xf32, #tpu.memory_space<hbm>>
      tpu.enqueue_indirect_dma source(%dma_start3A_506 : memref<100000x16xf32, #tpu.memory_space<hbm>>) target(%arg14 : memref<128x16xf32, #tpu.memory_space<vmem>>) offsets(%dma_start3A_503 : memref<128xi32, #tpu.memory_space<vmem>>) semaphore(%arg23 : memref<!tpu.dma_semaphore, #tpu.memory_space<semaphore_mem>>)
      %dma_wait3A_507 = arith.constant 0 : i32
      %dma_wait3A_508 = arith.constant 0 : i32
      %dma_wait3A_509 = tpu.memref_slice %arg10[%dma_wait3A_507, %dma_wait3A_508] : memref<4x128xi32, #tpu.memory_space<vmem>> -> memref<1x128xi32, #tpu.memory_space<vmem>>
      %dma_wait3A_510 = tpu.memref_squeeze %dma_wait3A_509 : memref<1x128xi32, #tpu.memory_space<vmem>> -> memref<128xi32, #tpu.memory_space<vmem>>
      %dma_wait3A_511 = arith.constant 0 : i32
      %dma_wait3A_512 = arith.constant 0 : i32
      %dma_wait3A_513 = tpu.memref_slice %arg19[%dma_wait3A_511, %dma_wait3A_512] : memref<100096x16xf32, #tpu.memory_space<vmem_shared>> -> memref<100096x16xf32, #tpu.memory_space<vmem_shared>>
      tpu.wait_indirect_dma semaphore(%arg24 : memref<!tpu.dma_semaphore, #tpu.memory_space<semaphore_mem>>) src(%arg15 : memref<128x16xf32, #tpu.memory_space<vmem>>) dst(%dma_wait3A_513 : memref<100096x16xf32, #tpu.memory_space<vmem_shared>>)
      %dma_wait3A_514 = arith.constant 1 : i32
      %dma_wait3A_515 = arith.constant 0 : i32
      %dma_wait3A_516 = tpu.memref_slice %arg10[%dma_wait3A_514, %dma_wait3A_515] : memref<4x128xi32, #tpu.memory_space<vmem>> -> memref<1x128xi32, #tpu.memory_space<vmem>>
      %dma_wait3A_517 = tpu.memref_squeeze %dma_wait3A_516 : memref<1x128xi32, #tpu.memory_space<vmem>> -> memref<128xi32, #tpu.memory_space<vmem>>
      %dma_wait3A_518 = arith.constant 0 : i32
      %dma_wait3A_519 = arith.constant 0 : i32
      %dma_wait3A_520 = tpu.memref_slice %arg19[%dma_wait3A_518, %dma_wait3A_519] : memref<100096x16xf32, #tpu.memory_space<vmem_shared>> -> memref<100096x16xf32, #tpu.memory_space<vmem_shared>>
      tpu.wait_indirect_dma semaphore(%arg25 : memref<!tpu.dma_semaphore, #tpu.memory_space<semaphore_mem>>) src(%arg16 : memref<128x16xf32, #tpu.memory_space<vmem>>) dst(%dma_wait3A_520 : memref<100096x16xf32, #tpu.memory_space<vmem_shared>>)
      %dma_wait3A_521 = arith.constant 2 : i32
      %dma_wait3A_522 = arith.constant 0 : i32
      %dma_wait3A_523 = tpu.memref_slice %arg10[%dma_wait3A_521, %dma_wait3A_522] : memref<4x128xi32, #tpu.memory_space<vmem>> -> memref<1x128xi32, #tpu.memory_space<vmem>>
      %dma_wait3A_524 = tpu.memref_squeeze %dma_wait3A_523 : memref<1x128xi32, #tpu.memory_space<vmem>> -> memref<128xi32, #tpu.memory_space<vmem>>
      %dma_wait3A_525 = arith.constant 0 : i32
      %dma_wait3A_526 = arith.constant 0 : i32
      %dma_wait3A_527 = tpu.memref_slice %arg19[%dma_wait3A_525, %dma_wait3A_526] : memref<100096x16xf32, #tpu.memory_space<vmem_shared>> -> memref<100096x16xf32, #tpu.memory_space<vmem_shared>>
      tpu.wait_indirect_dma semaphore(%arg26 : memref<!tpu.dma_semaphore, #tpu.memory_space<semaphore_mem>>) src(%arg17 : memref<128x16xf32, #tpu.memory_space<vmem>>) dst(%dma_wait3A_527 : memref<100096x16xf32, #tpu.memory_space<vmem_shared>>)
      %dma_wait3A_528 = arith.constant 3 : i32
      %dma_wait3A_529 = arith.constant 0 : i32
      %dma_wait3A_530 = tpu.memref_slice %arg10[%dma_wait3A_528, %dma_wait3A_529] : memref<4x128xi32, #tpu.memory_space<vmem>> -> memref<1x128xi32, #tpu.memory_space<vmem>>
      %dma_wait3A_531 = tpu.memref_squeeze %dma_wait3A_530 : memref<1x128xi32, #tpu.memory_space<vmem>> -> memref<128xi32, #tpu.memory_space<vmem>>
      %dma_wait3A_532 = arith.constant 0 : i32
      %dma_wait3A_533 = arith.constant 0 : i32
      %dma_wait3A_534 = tpu.memref_slice %arg19[%dma_wait3A_532, %dma_wait3A_533] : memref<100096x16xf32, #tpu.memory_space<vmem_shared>> -> memref<100096x16xf32, #tpu.memory_space<vmem_shared>>
      tpu.wait_indirect_dma semaphore(%arg27 : memref<!tpu.dma_semaphore, #tpu.memory_space<semaphore_mem>>) src(%arg18 : memref<128x16xf32, #tpu.memory_space<vmem>>) dst(%dma_wait3A_534 : memref<100096x16xf32, #tpu.memory_space<vmem_shared>>)
      %mul3A_535 = arith.constant 4 : i32
      %mul3A_536 = arith.muli %add3A_422, %mul3A_535 : i32
      %add3A_537 = arith.addi %mul3A_4, %mul3A_536 : i32
      %dma_start3A_538 = arith.constant 0 : i32
      %dma_start3A_539 = tpu.memref_slice %arg3[%add3A_537, %dma_start3A_538] : memref<25088x128xi32, #tpu.memory_space<hbm>> -> memref<4x128xi32, #tpu.memory_space<hbm>>
      %dma_start3A_540 = arith.constant 0 : i32
      %dma_start3A_541 = tpu.memref_slice %arg3[%add3A_537, %dma_start3A_540] : memref<25088x128xi32, #tpu.memory_space<hbm>> -> memref<4x128xi32, #tpu.memory_space<hbm>>
      tpu.enqueue_dma source(%dma_start3A_541 : memref<4x128xi32, #tpu.memory_space<hbm>>) target(%arg9 : memref<4x128xi32, #tpu.memory_space<vmem>>) target_semaphore(%arg29 : memref<!tpu.dma_semaphore, #tpu.memory_space<semaphore_mem>>)
      %mul3A_542 = arith.constant 4 : i32
      %mul3A_543 = arith.muli %add3A_422, %mul3A_542 : i32
      %add3A_544 = arith.addi %mul3A_4, %mul3A_543 : i32
      %dma_start3A_545 = arith.constant 0 : i32
      %dma_start3A_546 = tpu.memref_slice %arg4[%add3A_544, %dma_start3A_545] : memref<25088x128xi32, #tpu.memory_space<hbm>> -> memref<4x128xi32, #tpu.memory_space<hbm>>
      %dma_start3A_547 = arith.constant 0 : i32
      %dma_start3A_548 = tpu.memref_slice %arg4[%add3A_544, %dma_start3A_547] : memref<25088x128xi32, #tpu.memory_space<hbm>> -> memref<4x128xi32, #tpu.memory_space<hbm>>
      tpu.enqueue_dma source(%dma_start3A_548 : memref<4x128xi32, #tpu.memory_space<hbm>>) target(%arg10 : memref<4x128xi32, #tpu.memory_space<vmem>>) target_semaphore(%arg29 : memref<!tpu.dma_semaphore, #tpu.memory_space<semaphore_mem>>)
    }
    %scan3A_51 = arith.constant 97 : i32
    %add3A_52 = arith.constant 0 : i32
    %add3A_53 = arith.addi %mul3A_4, %add3A_52 : i32
    %dma_wait3A = arith.constant 0 : i32
    %dma_wait3A_54 = tpu.memref_slice %arg3[%add3A_53, %dma_wait3A] : memref<25088x128xi32, #tpu.memory_space<hbm>> -> memref<4x128xi32, #tpu.memory_space<hbm>>
    %dma_wait3A_55 = arith.constant 0 : i32
    %dma_wait3A_56 = tpu.memref_slice %arg3[%add3A_53, %dma_wait3A_55] : memref<25088x128xi32, #tpu.memory_space<hbm>> -> memref<4x128xi32, #tpu.memory_space<hbm>>
    tpu.wait_dma2 semaphore(%arg29 : memref<!tpu.dma_semaphore, #tpu.memory_space<semaphore_mem>>) src(%dma_wait3A_56 : memref<4x128xi32, #tpu.memory_space<hbm>>) dst(%arg9 : memref<4x128xi32, #tpu.memory_space<vmem>>)
    %add3A_57 = arith.constant 0 : i32
    %add3A_58 = arith.addi %mul3A_4, %add3A_57 : i32
    %dma_wait3A_59 = arith.constant 0 : i32
    %dma_wait3A_60 = tpu.memref_slice %arg4[%add3A_58, %dma_wait3A_59] : memref<25088x128xi32, #tpu.memory_space<hbm>> -> memref<4x128xi32, #tpu.memory_space<hbm>>
    %dma_wait3A_61 = arith.constant 0 : i32
    %dma_wait3A_62 = tpu.memref_slice %arg4[%add3A_58, %dma_wait3A_61] : memref<25088x128xi32, #tpu.memory_space<hbm>> -> memref<4x128xi32, #tpu.memory_space<hbm>>
    tpu.wait_dma2 semaphore(%arg29 : memref<!tpu.dma_semaphore, #tpu.memory_space<semaphore_mem>>) src(%dma_wait3A_62 : memref<4x128xi32, #tpu.memory_space<hbm>>) dst(%arg10 : memref<4x128xi32, #tpu.memory_space<vmem>>)
    %dma_wait3A_63 = arith.constant 0 : i32
    %dma_wait3A_64 = arith.constant 0 : i32
    %dma_wait3A_65 = tpu.memref_slice %arg7[%dma_wait3A_63, %dma_wait3A_64] : memref<4x128xi32, #tpu.memory_space<vmem>> -> memref<1x128xi32, #tpu.memory_space<vmem>>
    %dma_wait3A_66 = tpu.memref_squeeze %dma_wait3A_65 : memref<1x128xi32, #tpu.memory_space<vmem>> -> memref<128xi32, #tpu.memory_space<vmem>>
    %dma_wait3A_67 = arith.constant 0 : i32
    %dma_wait3A_68 = arith.constant 0 : i32
    %dma_wait3A_69 = tpu.memref_slice %arg2[%dma_wait3A_67, %dma_wait3A_68] : memref<100000x16xf32, #tpu.memory_space<hbm>> -> memref<100000x16xf32, #tpu.memory_space<hbm>>
    tpu.wait_indirect_dma semaphore(%arg20 : memref<!tpu.dma_semaphore, #tpu.memory_space<semaphore_mem>>) src(%dma_wait3A_69 : memref<100000x16xf32, #tpu.memory_space<hbm>>) dst(%arg11 : memref<128x16xf32, #tpu.memory_space<vmem>>)
    %dma_start3A_70 = arith.constant 0 : i32
    %dma_start3A_71 = arith.constant 0 : i32
    %dma_start3A_72 = tpu.memref_slice %arg8[%dma_start3A_70, %dma_start3A_71] : memref<4x128xi32, #tpu.memory_space<vmem>> -> memref<1x128xi32, #tpu.memory_space<vmem>>
    %dma_start3A_73 = tpu.memref_squeeze %dma_start3A_72 : memref<1x128xi32, #tpu.memory_space<vmem>> -> memref<128xi32, #tpu.memory_space<vmem>>
    %dma_start3A_74 = arith.constant 0 : i32
    %dma_start3A_75 = arith.constant 0 : i32
    %dma_start3A_76 = tpu.memref_slice %arg19[%dma_start3A_74, %dma_start3A_75] : memref<100096x16xf32, #tpu.memory_space<vmem_shared>> -> memref<100096x16xf32, #tpu.memory_space<vmem_shared>>
    tpu.enqueue_indirect_dma source(%arg11 : memref<128x16xf32, #tpu.memory_space<vmem>>) target(%dma_start3A_76 : memref<100096x16xf32, #tpu.memory_space<vmem_shared>>) offsets(%dma_start3A_73 : memref<128xi32, #tpu.memory_space<vmem>>) semaphore(%arg24 : memref<!tpu.dma_semaphore, #tpu.memory_space<semaphore_mem>>) {add = true}
    %dma_start3A_77 = arith.constant 0 : i32
    %dma_start3A_78 = arith.constant 0 : i32
    %dma_start3A_79 = tpu.memref_slice %arg9[%dma_start3A_77, %dma_start3A_78] : memref<4x128xi32, #tpu.memory_space<vmem>> -> memref<1x128xi32, #tpu.memory_space<vmem>>
    %dma_start3A_80 = tpu.memref_squeeze %dma_start3A_79 : memref<1x128xi32, #tpu.memory_space<vmem>> -> memref<128xi32, #tpu.memory_space<vmem>>
    %dma_start3A_81 = arith.constant 0 : i32
    %dma_start3A_82 = arith.constant 0 : i32
    %dma_start3A_83 = tpu.memref_slice %arg2[%dma_start3A_81, %dma_start3A_82] : memref<100000x16xf32, #tpu.memory_space<hbm>> -> memref<100000x16xf32, #tpu.memory_space<hbm>>
    tpu.enqueue_indirect_dma source(%dma_start3A_83 : memref<100000x16xf32, #tpu.memory_space<hbm>>) target(%arg15 : memref<128x16xf32, #tpu.memory_space<vmem>>) offsets(%dma_start3A_80 : memref<128xi32, #tpu.memory_space<vmem>>) semaphore(%arg20 : memref<!tpu.dma_semaphore, #tpu.memory_space<semaphore_mem>>)
    %dma_wait3A_84 = arith.constant 1 : i32
    %dma_wait3A_85 = arith.constant 0 : i32
    %dma_wait3A_86 = tpu.memref_slice %arg7[%dma_wait3A_84, %dma_wait3A_85] : memref<4x128xi32, #tpu.memory_space<vmem>> -> memref<1x128xi32, #tpu.memory_space<vmem>>
    %dma_wait3A_87 = tpu.memref_squeeze %dma_wait3A_86 : memref<1x128xi32, #tpu.memory_space<vmem>> -> memref<128xi32, #tpu.memory_space<vmem>>
    %dma_wait3A_88 = arith.constant 0 : i32
    %dma_wait3A_89 = arith.constant 0 : i32
    %dma_wait3A_90 = tpu.memref_slice %arg2[%dma_wait3A_88, %dma_wait3A_89] : memref<100000x16xf32, #tpu.memory_space<hbm>> -> memref<100000x16xf32, #tpu.memory_space<hbm>>
    tpu.wait_indirect_dma semaphore(%arg21 : memref<!tpu.dma_semaphore, #tpu.memory_space<semaphore_mem>>) src(%dma_wait3A_90 : memref<100000x16xf32, #tpu.memory_space<hbm>>) dst(%arg12 : memref<128x16xf32, #tpu.memory_space<vmem>>)
    %dma_start3A_91 = arith.constant 1 : i32
    %dma_start3A_92 = arith.constant 0 : i32
    %dma_start3A_93 = tpu.memref_slice %arg8[%dma_start3A_91, %dma_start3A_92] : memref<4x128xi32, #tpu.memory_space<vmem>> -> memref<1x128xi32, #tpu.memory_space<vmem>>
    %dma_start3A_94 = tpu.memref_squeeze %dma_start3A_93 : memref<1x128xi32, #tpu.memory_space<vmem>> -> memref<128xi32, #tpu.memory_space<vmem>>
    %dma_start3A_95 = arith.constant 0 : i32
    %dma_start3A_96 = arith.constant 0 : i32
    %dma_start3A_97 = tpu.memref_slice %arg19[%dma_start3A_95, %dma_start3A_96] : memref<100096x16xf32, #tpu.memory_space<vmem_shared>> -> memref<100096x16xf32, #tpu.memory_space<vmem_shared>>
    tpu.enqueue_indirect_dma source(%arg12 : memref<128x16xf32, #tpu.memory_space<vmem>>) target(%dma_start3A_97 : memref<100096x16xf32, #tpu.memory_space<vmem_shared>>) offsets(%dma_start3A_94 : memref<128xi32, #tpu.memory_space<vmem>>) semaphore(%arg25 : memref<!tpu.dma_semaphore, #tpu.memory_space<semaphore_mem>>) {add = true}
    %dma_start3A_98 = arith.constant 1 : i32
    %dma_start3A_99 = arith.constant 0 : i32
    %dma_start3A_100 = tpu.memref_slice %arg9[%dma_start3A_98, %dma_start3A_99] : memref<4x128xi32, #tpu.memory_space<vmem>> -> memref<1x128xi32, #tpu.memory_space<vmem>>
    %dma_start3A_101 = tpu.memref_squeeze %dma_start3A_100 : memref<1x128xi32, #tpu.memory_space<vmem>> -> memref<128xi32, #tpu.memory_space<vmem>>
    %dma_start3A_102 = arith.constant 0 : i32
    %dma_start3A_103 = arith.constant 0 : i32
    %dma_start3A_104 = tpu.memref_slice %arg2[%dma_start3A_102, %dma_start3A_103] : memref<100000x16xf32, #tpu.memory_space<hbm>> -> memref<100000x16xf32, #tpu.memory_space<hbm>>
    tpu.enqueue_indirect_dma source(%dma_start3A_104 : memref<100000x16xf32, #tpu.memory_space<hbm>>) target(%arg16 : memref<128x16xf32, #tpu.memory_space<vmem>>) offsets(%dma_start3A_101 : memref<128xi32, #tpu.memory_space<vmem>>) semaphore(%arg21 : memref<!tpu.dma_semaphore, #tpu.memory_space<semaphore_mem>>)
    %dma_wait3A_105 = arith.constant 2 : i32
    %dma_wait3A_106 = arith.constant 0 : i32
    %dma_wait3A_107 = tpu.memref_slice %arg7[%dma_wait3A_105, %dma_wait3A_106] : memref<4x128xi32, #tpu.memory_space<vmem>> -> memref<1x128xi32, #tpu.memory_space<vmem>>
    %dma_wait3A_108 = tpu.memref_squeeze %dma_wait3A_107 : memref<1x128xi32, #tpu.memory_space<vmem>> -> memref<128xi32, #tpu.memory_space<vmem>>
    %dma_wait3A_109 = arith.constant 0 : i32
    %dma_wait3A_110 = arith.constant 0 : i32
    %dma_wait3A_111 = tpu.memref_slice %arg2[%dma_wait3A_109, %dma_wait3A_110] : memref<100000x16xf32, #tpu.memory_space<hbm>> -> memref<100000x16xf32, #tpu.memory_space<hbm>>
    tpu.wait_indirect_dma semaphore(%arg22 : memref<!tpu.dma_semaphore, #tpu.memory_space<semaphore_mem>>) src(%dma_wait3A_111 : memref<100000x16xf32, #tpu.memory_space<hbm>>) dst(%arg13 : memref<128x16xf32, #tpu.memory_space<vmem>>)
    %dma_start3A_112 = arith.constant 2 : i32
    %dma_start3A_113 = arith.constant 0 : i32
    %dma_start3A_114 = tpu.memref_slice %arg8[%dma_start3A_112, %dma_start3A_113] : memref<4x128xi32, #tpu.memory_space<vmem>> -> memref<1x128xi32, #tpu.memory_space<vmem>>
    %dma_start3A_115 = tpu.memref_squeeze %dma_start3A_114 : memref<1x128xi32, #tpu.memory_space<vmem>> -> memref<128xi32, #tpu.memory_space<vmem>>
    %dma_start3A_116 = arith.constant 0 : i32
    %dma_start3A_117 = arith.constant 0 : i32
    %dma_start3A_118 = tpu.memref_slice %arg19[%dma_start3A_116, %dma_start3A_117] : memref<100096x16xf32, #tpu.memory_space<vmem_shared>> -> memref<100096x16xf32, #tpu.memory_space<vmem_shared>>
    tpu.enqueue_indirect_dma source(%arg13 : memref<128x16xf32, #tpu.memory_space<vmem>>) target(%dma_start3A_118 : memref<100096x16xf32, #tpu.memory_space<vmem_shared>>) offsets(%dma_start3A_115 : memref<128xi32, #tpu.memory_space<vmem>>) semaphore(%arg26 : memref<!tpu.dma_semaphore, #tpu.memory_space<semaphore_mem>>) {add = true}
    %dma_start3A_119 = arith.constant 2 : i32
    %dma_start3A_120 = arith.constant 0 : i32
    %dma_start3A_121 = tpu.memref_slice %arg9[%dma_start3A_119, %dma_start3A_120] : memref<4x128xi32, #tpu.memory_space<vmem>> -> memref<1x128xi32, #tpu.memory_space<vmem>>
    %dma_start3A_122 = tpu.memref_squeeze %dma_start3A_121 : memref<1x128xi32, #tpu.memory_space<vmem>> -> memref<128xi32, #tpu.memory_space<vmem>>
    %dma_start3A_123 = arith.constant 0 : i32
    %dma_start3A_124 = arith.constant 0 : i32
    %dma_start3A_125 = tpu.memref_slice %arg2[%dma_start3A_123, %dma_start3A_124] : memref<100000x16xf32, #tpu.memory_space<hbm>> -> memref<100000x16xf32, #tpu.memory_space<hbm>>
    tpu.enqueue_indirect_dma source(%dma_start3A_125 : memref<100000x16xf32, #tpu.memory_space<hbm>>) target(%arg17 : memref<128x16xf32, #tpu.memory_space<vmem>>) offsets(%dma_start3A_122 : memref<128xi32, #tpu.memory_space<vmem>>) semaphore(%arg22 : memref<!tpu.dma_semaphore, #tpu.memory_space<semaphore_mem>>)
    %dma_wait3A_126 = arith.constant 3 : i32
    %dma_wait3A_127 = arith.constant 0 : i32
    %dma_wait3A_128 = tpu.memref_slice %arg7[%dma_wait3A_126, %dma_wait3A_127] : memref<4x128xi32, #tpu.memory_space<vmem>> -> memref<1x128xi32, #tpu.memory_space<vmem>>
    %dma_wait3A_129 = tpu.memref_squeeze %dma_wait3A_128 : memref<1x128xi32, #tpu.memory_space<vmem>> -> memref<128xi32, #tpu.memory_space<vmem>>
    %dma_wait3A_130 = arith.constant 0 : i32
    %dma_wait3A_131 = arith.constant 0 : i32
    %dma_wait3A_132 = tpu.memref_slice %arg2[%dma_wait3A_130, %dma_wait3A_131] : memref<100000x16xf32, #tpu.memory_space<hbm>> -> memref<100000x16xf32, #tpu.memory_space<hbm>>
    tpu.wait_indirect_dma semaphore(%arg23 : memref<!tpu.dma_semaphore, #tpu.memory_space<semaphore_mem>>) src(%dma_wait3A_132 : memref<100000x16xf32, #tpu.memory_space<hbm>>) dst(%arg14 : memref<128x16xf32, #tpu.memory_space<vmem>>)
    %dma_start3A_133 = arith.constant 3 : i32
    %dma_start3A_134 = arith.constant 0 : i32
    %dma_start3A_135 = tpu.memref_slice %arg8[%dma_start3A_133, %dma_start3A_134] : memref<4x128xi32, #tpu.memory_space<vmem>> -> memref<1x128xi32, #tpu.memory_space<vmem>>
    %dma_start3A_136 = tpu.memref_squeeze %dma_start3A_135 : memref<1x128xi32, #tpu.memory_space<vmem>> -> memref<128xi32, #tpu.memory_space<vmem>>
    %dma_start3A_137 = arith.constant 0 : i32
    %dma_start3A_138 = arith.constant 0 : i32
    %dma_start3A_139 = tpu.memref_slice %arg19[%dma_start3A_137, %dma_start3A_138] : memref<100096x16xf32, #tpu.memory_space<vmem_shared>> -> memref<100096x16xf32, #tpu.memory_space<vmem_shared>>
    tpu.enqueue_indirect_dma source(%arg14 : memref<128x16xf32, #tpu.memory_space<vmem>>) target(%dma_start3A_139 : memref<100096x16xf32, #tpu.memory_space<vmem_shared>>) offsets(%dma_start3A_136 : memref<128xi32, #tpu.memory_space<vmem>>) semaphore(%arg27 : memref<!tpu.dma_semaphore, #tpu.memory_space<semaphore_mem>>) {add = true}
    %dma_start3A_140 = arith.constant 3 : i32
    %dma_start3A_141 = arith.constant 0 : i32
    %dma_start3A_142 = tpu.memref_slice %arg9[%dma_start3A_140, %dma_start3A_141] : memref<4x128xi32, #tpu.memory_space<vmem>> -> memref<1x128xi32, #tpu.memory_space<vmem>>
    %dma_start3A_143 = tpu.memref_squeeze %dma_start3A_142 : memref<1x128xi32, #tpu.memory_space<vmem>> -> memref<128xi32, #tpu.memory_space<vmem>>
    %dma_start3A_144 = arith.constant 0 : i32
    %dma_start3A_145 = arith.constant 0 : i32
    %dma_start3A_146 = tpu.memref_slice %arg2[%dma_start3A_144, %dma_start3A_145] : memref<100000x16xf32, #tpu.memory_space<hbm>> -> memref<100000x16xf32, #tpu.memory_space<hbm>>
    tpu.enqueue_indirect_dma source(%dma_start3A_146 : memref<100000x16xf32, #tpu.memory_space<hbm>>) target(%arg18 : memref<128x16xf32, #tpu.memory_space<vmem>>) offsets(%dma_start3A_143 : memref<128xi32, #tpu.memory_space<vmem>>) semaphore(%arg23 : memref<!tpu.dma_semaphore, #tpu.memory_space<semaphore_mem>>)
    %dma_wait3A_147 = arith.constant 0 : i32
    %dma_wait3A_148 = arith.constant 0 : i32
    %dma_wait3A_149 = tpu.memref_slice %arg8[%dma_wait3A_147, %dma_wait3A_148] : memref<4x128xi32, #tpu.memory_space<vmem>> -> memref<1x128xi32, #tpu.memory_space<vmem>>
    %dma_wait3A_150 = tpu.memref_squeeze %dma_wait3A_149 : memref<1x128xi32, #tpu.memory_space<vmem>> -> memref<128xi32, #tpu.memory_space<vmem>>
    %dma_wait3A_151 = arith.constant 0 : i32
    %dma_wait3A_152 = arith.constant 0 : i32
    %dma_wait3A_153 = tpu.memref_slice %arg19[%dma_wait3A_151, %dma_wait3A_152] : memref<100096x16xf32, #tpu.memory_space<vmem_shared>> -> memref<100096x16xf32, #tpu.memory_space<vmem_shared>>
    tpu.wait_indirect_dma semaphore(%arg24 : memref<!tpu.dma_semaphore, #tpu.memory_space<semaphore_mem>>) src(%arg11 : memref<128x16xf32, #tpu.memory_space<vmem>>) dst(%dma_wait3A_153 : memref<100096x16xf32, #tpu.memory_space<vmem_shared>>)
    %dma_wait3A_154 = arith.constant 1 : i32
    %dma_wait3A_155 = arith.constant 0 : i32
    %dma_wait3A_156 = tpu.memref_slice %arg8[%dma_wait3A_154, %dma_wait3A_155] : memref<4x128xi32, #tpu.memory_space<vmem>> -> memref<1x128xi32, #tpu.memory_space<vmem>>
    %dma_wait3A_157 = tpu.memref_squeeze %dma_wait3A_156 : memref<1x128xi32, #tpu.memory_space<vmem>> -> memref<128xi32, #tpu.memory_space<vmem>>
    %dma_wait3A_158 = arith.constant 0 : i32
    %dma_wait3A_159 = arith.constant 0 : i32
    %dma_wait3A_160 = tpu.memref_slice %arg19[%dma_wait3A_158, %dma_wait3A_159] : memref<100096x16xf32, #tpu.memory_space<vmem_shared>> -> memref<100096x16xf32, #tpu.memory_space<vmem_shared>>
    tpu.wait_indirect_dma semaphore(%arg25 : memref<!tpu.dma_semaphore, #tpu.memory_space<semaphore_mem>>) src(%arg12 : memref<128x16xf32, #tpu.memory_space<vmem>>) dst(%dma_wait3A_160 : memref<100096x16xf32, #tpu.memory_space<vmem_shared>>)
    %dma_wait3A_161 = arith.constant 2 : i32
    %dma_wait3A_162 = arith.constant 0 : i32
    %dma_wait3A_163 = tpu.memref_slice %arg8[%dma_wait3A_161, %dma_wait3A_162] : memref<4x128xi32, #tpu.memory_space<vmem>> -> memref<1x128xi32, #tpu.memory_space<vmem>>
    %dma_wait3A_164 = tpu.memref_squeeze %dma_wait3A_163 : memref<1x128xi32, #tpu.memory_space<vmem>> -> memref<128xi32, #tpu.memory_space<vmem>>
    %dma_wait3A_165 = arith.constant 0 : i32
    %dma_wait3A_166 = arith.constant 0 : i32
    %dma_wait3A_167 = tpu.memref_slice %arg19[%dma_wait3A_165, %dma_wait3A_166] : memref<100096x16xf32, #tpu.memory_space<vmem_shared>> -> memref<100096x16xf32, #tpu.memory_space<vmem_shared>>
    tpu.wait_indirect_dma semaphore(%arg26 : memref<!tpu.dma_semaphore, #tpu.memory_space<semaphore_mem>>) src(%arg13 : memref<128x16xf32, #tpu.memory_space<vmem>>) dst(%dma_wait3A_167 : memref<100096x16xf32, #tpu.memory_space<vmem_shared>>)
    %dma_wait3A_168 = arith.constant 3 : i32
    %dma_wait3A_169 = arith.constant 0 : i32
    %dma_wait3A_170 = tpu.memref_slice %arg8[%dma_wait3A_168, %dma_wait3A_169] : memref<4x128xi32, #tpu.memory_space<vmem>> -> memref<1x128xi32, #tpu.memory_space<vmem>>
    %dma_wait3A_171 = tpu.memref_squeeze %dma_wait3A_170 : memref<1x128xi32, #tpu.memory_space<vmem>> -> memref<128xi32, #tpu.memory_space<vmem>>
    %dma_wait3A_172 = arith.constant 0 : i32
    %dma_wait3A_173 = arith.constant 0 : i32
    %dma_wait3A_174 = tpu.memref_slice %arg19[%dma_wait3A_172, %dma_wait3A_173] : memref<100096x16xf32, #tpu.memory_space<vmem_shared>> -> memref<100096x16xf32, #tpu.memory_space<vmem_shared>>
    tpu.wait_indirect_dma semaphore(%arg27 : memref<!tpu.dma_semaphore, #tpu.memory_space<semaphore_mem>>) src(%arg14 : memref<128x16xf32, #tpu.memory_space<vmem>>) dst(%dma_wait3A_174 : memref<100096x16xf32, #tpu.memory_space<vmem_shared>>)
    %dma_wait3A_175 = arith.constant 0 : i32
    %dma_wait3A_176 = arith.constant 0 : i32
    %dma_wait3A_177 = tpu.memref_slice %arg9[%dma_wait3A_175, %dma_wait3A_176] : memref<4x128xi32, #tpu.memory_space<vmem>> -> memref<1x128xi32, #tpu.memory_space<vmem>>
    %dma_wait3A_178 = tpu.memref_squeeze %dma_wait3A_177 : memref<1x128xi32, #tpu.memory_space<vmem>> -> memref<128xi32, #tpu.memory_space<vmem>>
    %dma_wait3A_179 = arith.constant 0 : i32
    %dma_wait3A_180 = arith.constant 0 : i32
    %dma_wait3A_181 = tpu.memref_slice %arg2[%dma_wait3A_179, %dma_wait3A_180] : memref<100000x16xf32, #tpu.memory_space<hbm>> -> memref<100000x16xf32, #tpu.memory_space<hbm>>
    tpu.wait_indirect_dma semaphore(%arg20 : memref<!tpu.dma_semaphore, #tpu.memory_space<semaphore_mem>>) src(%dma_wait3A_181 : memref<100000x16xf32, #tpu.memory_space<hbm>>) dst(%arg15 : memref<128x16xf32, #tpu.memory_space<vmem>>)
    %dma_start3A_182 = arith.constant 0 : i32
    %dma_start3A_183 = arith.constant 0 : i32
    %dma_start3A_184 = tpu.memref_slice %arg10[%dma_start3A_182, %dma_start3A_183] : memref<4x128xi32, #tpu.memory_space<vmem>> -> memref<1x128xi32, #tpu.memory_space<vmem>>
    %dma_start3A_185 = tpu.memref_squeeze %dma_start3A_184 : memref<1x128xi32, #tpu.memory_space<vmem>> -> memref<128xi32, #tpu.memory_space<vmem>>
    %dma_start3A_186 = arith.constant 0 : i32
    %dma_start3A_187 = arith.constant 0 : i32
    %dma_start3A_188 = tpu.memref_slice %arg19[%dma_start3A_186, %dma_start3A_187] : memref<100096x16xf32, #tpu.memory_space<vmem_shared>> -> memref<100096x16xf32, #tpu.memory_space<vmem_shared>>
    tpu.enqueue_indirect_dma source(%arg15 : memref<128x16xf32, #tpu.memory_space<vmem>>) target(%dma_start3A_188 : memref<100096x16xf32, #tpu.memory_space<vmem_shared>>) offsets(%dma_start3A_185 : memref<128xi32, #tpu.memory_space<vmem>>) semaphore(%arg24 : memref<!tpu.dma_semaphore, #tpu.memory_space<semaphore_mem>>) {add = true}
    %dma_wait3A_189 = arith.constant 1 : i32
    %dma_wait3A_190 = arith.constant 0 : i32
    %dma_wait3A_191 = tpu.memref_slice %arg9[%dma_wait3A_189, %dma_wait3A_190] : memref<4x128xi32, #tpu.memory_space<vmem>> -> memref<1x128xi32, #tpu.memory_space<vmem>>
    %dma_wait3A_192 = tpu.memref_squeeze %dma_wait3A_191 : memref<1x128xi32, #tpu.memory_space<vmem>> -> memref<128xi32, #tpu.memory_space<vmem>>
    %dma_wait3A_193 = arith.constant 0 : i32
    %dma_wait3A_194 = arith.constant 0 : i32
    %dma_wait3A_195 = tpu.memref_slice %arg2[%dma_wait3A_193, %dma_wait3A_194] : memref<100000x16xf32, #tpu.memory_space<hbm>> -> memref<100000x16xf32, #tpu.memory_space<hbm>>
    tpu.wait_indirect_dma semaphore(%arg21 : memref<!tpu.dma_semaphore, #tpu.memory_space<semaphore_mem>>) src(%dma_wait3A_195 : memref<100000x16xf32, #tpu.memory_space<hbm>>) dst(%arg16 : memref<128x16xf32, #tpu.memory_space<vmem>>)
    %dma_start3A_196 = arith.constant 1 : i32
    %dma_start3A_197 = arith.constant 0 : i32
    %dma_start3A_198 = tpu.memref_slice %arg10[%dma_start3A_196, %dma_start3A_197] : memref<4x128xi32, #tpu.memory_space<vmem>> -> memref<1x128xi32, #tpu.memory_space<vmem>>
    %dma_start3A_199 = tpu.memref_squeeze %dma_start3A_198 : memref<1x128xi32, #tpu.memory_space<vmem>> -> memref<128xi32, #tpu.memory_space<vmem>>
    %dma_start3A_200 = arith.constant 0 : i32
    %dma_start3A_201 = arith.constant 0 : i32
    %dma_start3A_202 = tpu.memref_slice %arg19[%dma_start3A_200, %dma_start3A_201] : memref<100096x16xf32, #tpu.memory_space<vmem_shared>> -> memref<100096x16xf32, #tpu.memory_space<vmem_shared>>
    tpu.enqueue_indirect_dma source(%arg16 : memref<128x16xf32, #tpu.memory_space<vmem>>) target(%dma_start3A_202 : memref<100096x16xf32, #tpu.memory_space<vmem_shared>>) offsets(%dma_start3A_199 : memref<128xi32, #tpu.memory_space<vmem>>) semaphore(%arg25 : memref<!tpu.dma_semaphore, #tpu.memory_space<semaphore_mem>>) {add = true}
    %dma_wait3A_203 = arith.constant 2 : i32
    %dma_wait3A_204 = arith.constant 0 : i32
    %dma_wait3A_205 = tpu.memref_slice %arg9[%dma_wait3A_203, %dma_wait3A_204] : memref<4x128xi32, #tpu.memory_space<vmem>> -> memref<1x128xi32, #tpu.memory_space<vmem>>
    %dma_wait3A_206 = tpu.memref_squeeze %dma_wait3A_205 : memref<1x128xi32, #tpu.memory_space<vmem>> -> memref<128xi32, #tpu.memory_space<vmem>>
    %dma_wait3A_207 = arith.constant 0 : i32
    %dma_wait3A_208 = arith.constant 0 : i32
    %dma_wait3A_209 = tpu.memref_slice %arg2[%dma_wait3A_207, %dma_wait3A_208] : memref<100000x16xf32, #tpu.memory_space<hbm>> -> memref<100000x16xf32, #tpu.memory_space<hbm>>
    tpu.wait_indirect_dma semaphore(%arg22 : memref<!tpu.dma_semaphore, #tpu.memory_space<semaphore_mem>>) src(%dma_wait3A_209 : memref<100000x16xf32, #tpu.memory_space<hbm>>) dst(%arg17 : memref<128x16xf32, #tpu.memory_space<vmem>>)
    %dma_start3A_210 = arith.constant 2 : i32
    %dma_start3A_211 = arith.constant 0 : i32
    %dma_start3A_212 = tpu.memref_slice %arg10[%dma_start3A_210, %dma_start3A_211] : memref<4x128xi32, #tpu.memory_space<vmem>> -> memref<1x128xi32, #tpu.memory_space<vmem>>
    %dma_start3A_213 = tpu.memref_squeeze %dma_start3A_212 : memref<1x128xi32, #tpu.memory_space<vmem>> -> memref<128xi32, #tpu.memory_space<vmem>>
    %dma_start3A_214 = arith.constant 0 : i32
    %dma_start3A_215 = arith.constant 0 : i32
    %dma_start3A_216 = tpu.memref_slice %arg19[%dma_start3A_214, %dma_start3A_215] : memref<100096x16xf32, #tpu.memory_space<vmem_shared>> -> memref<100096x16xf32, #tpu.memory_space<vmem_shared>>
    tpu.enqueue_indirect_dma source(%arg17 : memref<128x16xf32, #tpu.memory_space<vmem>>) target(%dma_start3A_216 : memref<100096x16xf32, #tpu.memory_space<vmem_shared>>) offsets(%dma_start3A_213 : memref<128xi32, #tpu.memory_space<vmem>>) semaphore(%arg26 : memref<!tpu.dma_semaphore, #tpu.memory_space<semaphore_mem>>) {add = true}
    %dma_wait3A_217 = arith.constant 3 : i32
    %dma_wait3A_218 = arith.constant 0 : i32
    %dma_wait3A_219 = tpu.memref_slice %arg9[%dma_wait3A_217, %dma_wait3A_218] : memref<4x128xi32, #tpu.memory_space<vmem>> -> memref<1x128xi32, #tpu.memory_space<vmem>>
    %dma_wait3A_220 = tpu.memref_squeeze %dma_wait3A_219 : memref<1x128xi32, #tpu.memory_space<vmem>> -> memref<128xi32, #tpu.memory_space<vmem>>
    %dma_wait3A_221 = arith.constant 0 : i32
    %dma_wait3A_222 = arith.constant 0 : i32
    %dma_wait3A_223 = tpu.memref_slice %arg2[%dma_wait3A_221, %dma_wait3A_222] : memref<100000x16xf32, #tpu.memory_space<hbm>> -> memref<100000x16xf32, #tpu.memory_space<hbm>>
    tpu.wait_indirect_dma semaphore(%arg23 : memref<!tpu.dma_semaphore, #tpu.memory_space<semaphore_mem>>) src(%dma_wait3A_223 : memref<100000x16xf32, #tpu.memory_space<hbm>>) dst(%arg18 : memref<128x16xf32, #tpu.memory_space<vmem>>)
    %dma_start3A_224 = arith.constant 3 : i32
    %dma_start3A_225 = arith.constant 0 : i32
    %dma_start3A_226 = tpu.memref_slice %arg10[%dma_start3A_224, %dma_start3A_225] : memref<4x128xi32, #tpu.memory_space<vmem>> -> memref<1x128xi32, #tpu.memory_space<vmem>>
    %dma_start3A_227 = tpu.memref_squeeze %dma_start3A_226 : memref<1x128xi32, #tpu.memory_space<vmem>> -> memref<128xi32, #tpu.memory_space<vmem>>
    %dma_start3A_228 = arith.constant 0 : i32
    %dma_start3A_229 = arith.constant 0 : i32
    %dma_start3A_230 = tpu.memref_slice %arg19[%dma_start3A_228, %dma_start3A_229] : memref<100096x16xf32, #tpu.memory_space<vmem_shared>> -> memref<100096x16xf32, #tpu.memory_space<vmem_shared>>
    tpu.enqueue_indirect_dma source(%arg18 : memref<128x16xf32, #tpu.memory_space<vmem>>) target(%dma_start3A_230 : memref<100096x16xf32, #tpu.memory_space<vmem_shared>>) offsets(%dma_start3A_227 : memref<128xi32, #tpu.memory_space<vmem>>) semaphore(%arg27 : memref<!tpu.dma_semaphore, #tpu.memory_space<semaphore_mem>>) {add = true}
    %dma_wait3A_231 = arith.constant 0 : i32
    %dma_wait3A_232 = arith.constant 0 : i32
    %dma_wait3A_233 = tpu.memref_slice %arg10[%dma_wait3A_231, %dma_wait3A_232] : memref<4x128xi32, #tpu.memory_space<vmem>> -> memref<1x128xi32, #tpu.memory_space<vmem>>
    %dma_wait3A_234 = tpu.memref_squeeze %dma_wait3A_233 : memref<1x128xi32, #tpu.memory_space<vmem>> -> memref<128xi32, #tpu.memory_space<vmem>>
    %dma_wait3A_235 = arith.constant 0 : i32
    %dma_wait3A_236 = arith.constant 0 : i32
    %dma_wait3A_237 = tpu.memref_slice %arg19[%dma_wait3A_235, %dma_wait3A_236] : memref<100096x16xf32, #tpu.memory_space<vmem_shared>> -> memref<100096x16xf32, #tpu.memory_space<vmem_shared>>
    tpu.wait_indirect_dma semaphore(%arg24 : memref<!tpu.dma_semaphore, #tpu.memory_space<semaphore_mem>>) src(%arg15 : memref<128x16xf32, #tpu.memory_space<vmem>>) dst(%dma_wait3A_237 : memref<100096x16xf32, #tpu.memory_space<vmem_shared>>)
    %dma_wait3A_238 = arith.constant 1 : i32
    %dma_wait3A_239 = arith.constant 0 : i32
    %dma_wait3A_240 = tpu.memref_slice %arg10[%dma_wait3A_238, %dma_wait3A_239] : memref<4x128xi32, #tpu.memory_space<vmem>> -> memref<1x128xi32, #tpu.memory_space<vmem>>
    %dma_wait3A_241 = tpu.memref_squeeze %dma_wait3A_240 : memref<1x128xi32, #tpu.memory_space<vmem>> -> memref<128xi32, #tpu.memory_space<vmem>>
    %dma_wait3A_242 = arith.constant 0 : i32
    %dma_wait3A_243 = arith.constant 0 : i32
    %dma_wait3A_244 = tpu.memref_slice %arg19[%dma_wait3A_242, %dma_wait3A_243] : memref<100096x16xf32, #tpu.memory_space<vmem_shared>> -> memref<100096x16xf32, #tpu.memory_space<vmem_shared>>
    tpu.wait_indirect_dma semaphore(%arg25 : memref<!tpu.dma_semaphore, #tpu.memory_space<semaphore_mem>>) src(%arg16 : memref<128x16xf32, #tpu.memory_space<vmem>>) dst(%dma_wait3A_244 : memref<100096x16xf32, #tpu.memory_space<vmem_shared>>)
    %dma_wait3A_245 = arith.constant 2 : i32
    %dma_wait3A_246 = arith.constant 0 : i32
    %dma_wait3A_247 = tpu.memref_slice %arg10[%dma_wait3A_245, %dma_wait3A_246] : memref<4x128xi32, #tpu.memory_space<vmem>> -> memref<1x128xi32, #tpu.memory_space<vmem>>
    %dma_wait3A_248 = tpu.memref_squeeze %dma_wait3A_247 : memref<1x128xi32, #tpu.memory_space<vmem>> -> memref<128xi32, #tpu.memory_space<vmem>>
    %dma_wait3A_249 = arith.constant 0 : i32
    %dma_wait3A_250 = arith.constant 0 : i32
    %dma_wait3A_251 = tpu.memref_slice %arg19[%dma_wait3A_249, %dma_wait3A_250] : memref<100096x16xf32, #tpu.memory_space<vmem_shared>> -> memref<100096x16xf32, #tpu.memory_space<vmem_shared>>
    tpu.wait_indirect_dma semaphore(%arg26 : memref<!tpu.dma_semaphore, #tpu.memory_space<semaphore_mem>>) src(%arg17 : memref<128x16xf32, #tpu.memory_space<vmem>>) dst(%dma_wait3A_251 : memref<100096x16xf32, #tpu.memory_space<vmem_shared>>)
    %dma_wait3A_252 = arith.constant 3 : i32
    %dma_wait3A_253 = arith.constant 0 : i32
    %dma_wait3A_254 = tpu.memref_slice %arg10[%dma_wait3A_252, %dma_wait3A_253] : memref<4x128xi32, #tpu.memory_space<vmem>> -> memref<1x128xi32, #tpu.memory_space<vmem>>
    %dma_wait3A_255 = tpu.memref_squeeze %dma_wait3A_254 : memref<1x128xi32, #tpu.memory_space<vmem>> -> memref<128xi32, #tpu.memory_space<vmem>>
    %dma_wait3A_256 = arith.constant 0 : i32
    %dma_wait3A_257 = arith.constant 0 : i32
    %dma_wait3A_258 = tpu.memref_slice %arg19[%dma_wait3A_256, %dma_wait3A_257] : memref<100096x16xf32, #tpu.memory_space<vmem_shared>> -> memref<100096x16xf32, #tpu.memory_space<vmem_shared>>
    tpu.wait_indirect_dma semaphore(%arg27 : memref<!tpu.dma_semaphore, #tpu.memory_space<semaphore_mem>>) src(%arg18 : memref<128x16xf32, #tpu.memory_space<vmem>>) dst(%dma_wait3A_258 : memref<100096x16xf32, #tpu.memory_space<vmem_shared>>)
    %barrier3A_259 = arith.constant 0 : index
    tpu.barrier barrier_id(%barrier3A_259)
    %mul3A_260 = arith.constant 6256 : i32
    %mul3A_261 = arith.muli %arg1, %mul3A_260 : i32
    "tpu.region"() ({
      %run_scoped3A = tpu.sem_alloc : memref<!tpu.dma_semaphore, #tpu.memory_space<semaphore_mem>>
      %dma_start3A_262 = arith.constant 0 : i32
      %dma_start3A_263 = arith.constant 0 : i32
      %dma_start3A_264 = tpu.memref_slice %arg6[%arg0, %dma_start3A_262, %dma_start3A_263] : memref<2x100096x16xf32, #tpu.memory_space<hbm>> -> memref<1x100096x16xf32, #tpu.memory_space<hbm>>
      %dma_start3A_265 = tpu.memref_squeeze %dma_start3A_264 : memref<1x100096x16xf32, #tpu.memory_space<hbm>> -> memref<100096x16xf32, #tpu.memory_space<hbm>>
      %dma_start3A_266 = arith.constant 0 : i32
      %dma_start3A_267 = tpu.memref_slice %dma_start3A_265[%mul3A_261, %dma_start3A_266] : memref<100096x16xf32, #tpu.memory_space<hbm>> -> memref<6256x16xf32, #tpu.memory_space<hbm>>
      %dma_start3A_268 = arith.constant 0 : i32
      %dma_start3A_269 = tpu.memref_slice %arg19[%mul3A_261, %dma_start3A_268] : memref<100096x16xf32, #tpu.memory_space<vmem_shared>> -> memref<6256x16xf32, #tpu.memory_space<vmem_shared>>
      tpu.enqueue_dma source(%dma_start3A_269 : memref<6256x16xf32, #tpu.memory_space<vmem_shared>>) target(%dma_start3A_267 : memref<6256x16xf32, #tpu.memory_space<hbm>>) target_semaphore(%run_scoped3A : memref<!tpu.dma_semaphore, #tpu.memory_space<semaphore_mem>>)
      %dma_wait3A_270 = arith.constant 0 : i32
      %dma_wait3A_271 = arith.constant 0 : i32
      %dma_wait3A_272 = tpu.memref_slice %arg6[%arg0, %dma_wait3A_270, %dma_wait3A_271] : memref<2x100096x16xf32, #tpu.memory_space<hbm>> -> memref<1x100096x16xf32, #tpu.memory_space<hbm>>
      %dma_wait3A_273 = tpu.memref_squeeze %dma_wait3A_272 : memref<1x100096x16xf32, #tpu.memory_space<hbm>> -> memref<100096x16xf32, #tpu.memory_space<hbm>>
      %dma_wait3A_274 = arith.constant 0 : i32
      %dma_wait3A_275 = tpu.memref_slice %dma_wait3A_273[%mul3A_261, %dma_wait3A_274] : memref<100096x16xf32, #tpu.memory_space<hbm>> -> memref<6256x16xf32, #tpu.memory_space<hbm>>
      %dma_wait3A_276 = arith.constant 0 : i32
      %dma_wait3A_277 = tpu.memref_slice %arg19[%mul3A_261, %dma_wait3A_276] : memref<100096x16xf32, #tpu.memory_space<vmem_shared>> -> memref<6256x16xf32, #tpu.memory_space<vmem_shared>>
      tpu.wait_dma2 semaphore(%run_scoped3A : memref<!tpu.dma_semaphore, #tpu.memory_space<semaphore_mem>>) src(%dma_wait3A_277 : memref<6256x16xf32, #tpu.memory_space<vmem_shared>>) dst(%dma_wait3A_275 : memref<6256x16xf32, #tpu.memory_space<hbm>>)
      tpu.yield
    }) : () -> ()
    return
  }
}

module attributes {stable_mosaic.version = 14 : i64} {
  func.func @body(%arg0: i32, %arg1: memref<2x2000x16xf32, #tpu.memory_space<vmem>>, %arg2: memref<2000x3xf32, #tpu.memory_space<vmem>>, %arg3: memref<2000x1xf32, #tpu.memory_space<vmem>>, %arg4: memref<2000x16xf32, #tpu.memory_space<vmem>>) attributes {dimension_semantics = [#tpu.dimension_semantics<arbitrary>], iteration_bounds = array<i64: 50>, scalar_prefetch = 0 : i64, scratch_operands = 0 : i64, tpu.core_type = #tpu.core_type<tc>, window_params = [{transform_indices = @transform_0, window_bounds = array<i64: 2, 2000, 16>}, {transform_indices = @transform_1, window_bounds = array<i64: 2000, 3>}, {transform_indices = @transform_2, window_bounds = array<i64: 2000, 1>}, {transform_indices = @transform_3, window_bounds = array<i64: 2000, 16>}]} {
    %get3A = arith.constant 0 : index
    %get3A_0 = arith.constant 0 : index
    %get3A_1 = arith.constant 0 : index
    %get3A_2 = vector.load %arg1[%get3A, %get3A_0, %get3A_1] : memref<2x2000x16xf32, #tpu.memory_space<vmem>>, vector<1x2000x1xf32>
    %get3A_3 = vector.shape_cast %get3A_2 : vector<1x2000x1xf32> to vector<2000xf32>
    %get3A_4 = arith.constant 1 : index
    %get3A_5 = arith.constant 0 : index
    %get3A_6 = arith.constant 0 : index
    %get3A_7 = vector.load %arg1[%get3A_4, %get3A_5, %get3A_6] : memref<2x2000x16xf32, #tpu.memory_space<vmem>>, vector<1x2000x1xf32>
    %get3A_8 = vector.shape_cast %get3A_7 : vector<1x2000x1xf32> to vector<2000xf32>
    %add3A = arith.addf %get3A_3, %get3A_8 : vector<2000xf32>
    %add3A_9 = arith.constant 1.000000e+00 : f32
    %add3A_10 = vector.broadcast %add3A_9 : f32 to vector<2000xf32>
    %add3A_11 = arith.addf %add3A, %add3A_10 : vector<2000xf32>
    %sqrt3A = math.sqrt %add3A_11 : vector<2000xf32>
    %div3A = arith.constant 1.000000e+00 : f32
    %div3A_12 = vector.broadcast %div3A : f32 to vector<2000xf32>
    %div3A_13 = arith.divf %div3A_12, %sqrt3A : vector<2000xf32>
    %broadcast_in_dim3A = vector.shape_cast %div3A_13 : vector<2000xf32> to vector<2000x1xf32>
    %swap3A = arith.constant 0 : index
    %swap3A_14 = arith.constant 0 : index
    %swap3A_15 = vector.load %arg3[%swap3A, %swap3A_14] : memref<2000x1xf32, #tpu.memory_space<vmem>>, vector<2000x1xf32>
    tpu.vector_store %arg3[%swap3A, %swap3A_14], %broadcast_in_dim3A {strides = array<i32>} : memref<2000x1xf32, #tpu.memory_space<vmem>>, vector<2000x1xf32>,
    %get3A_16 = arith.constant 0 : index
    %get3A_17 = arith.constant 0 : index
    %get3A_18 = vector.load %arg2[%get3A_16, %get3A_17] : memref<2000x3xf32, #tpu.memory_space<vmem>>, vector<2000x3xf32>
    %convert_element_type3A = arith.truncf %get3A_18 : vector<2000x3xf32> to vector<2000x3xbf16>
    %convert_element_type3A_19 = arith.extf %convert_element_type3A : vector<2000x3xbf16> to vector<2000x3xf32>
    %mul3A = vector.broadcast %broadcast_in_dim3A : vector<2000x1xf32> to vector<2000x3xf32>
    %mul3A_20 = arith.mulf %convert_element_type3A_19, %mul3A : vector<2000x3xf32>
    %broadcast_in_dim3A_21 = arith.constant 0.000000e+00 : f32
    %broadcast_in_dim3A_22 = vector.broadcast %broadcast_in_dim3A_21 : f32 to vector<2000x13xf32>
    %concatenate3A = tpu.concatenate %mul3A_20, %broadcast_in_dim3A_22 in 1 : vector<2000x3xf32>, vector<2000x13xf32> -> vector<2000x16xf32>
    %swap3A_23 = arith.constant 0 : index
    %swap3A_24 = arith.constant 0 : index
    %swap3A_25 = vector.load %arg4[%swap3A_23, %swap3A_24] : memref<2000x16xf32, #tpu.memory_space<vmem>>, vector<2000x16xf32>
    tpu.vector_store %arg4[%swap3A_23, %swap3A_24], %concatenate3A {strides = array<i32>} : memref<2000x16xf32, #tpu.memory_space<vmem>>, vector<2000x16xf32>,
    return
  }
  func.func @transform_0(%arg0: i32) -> (i32, i32, i32) {
    %c0_i32 = arith.constant 0 : i32
    %c0_i32_0 = arith.constant 0 : i32
    %c0_i32_1 = arith.constant 0 : i32
    return %c0_i32, %arg0, %c0_i32_0 : i32, i32, i32
  }
  func.func @transform_1(%arg0: i32) -> (i32, i32) {
    %c0_i32 = arith.constant 0 : i32
    %c0_i32_0 = arith.constant 0 : i32
    return %arg0, %c0_i32 : i32, i32
  }
  func.func @transform_2(%arg0: i32) -> (i32, i32) {
    %c0_i32 = arith.constant 0 : i32
    %c0_i32_0 = arith.constant 0 : i32
    return %arg0, %c0_i32 : i32, i32
  }
  func.func @transform_3(%arg0: i32) -> (i32, i32) {
    %c0_i32 = arith.constant 0 : i32
    %c0_i32_0 = arith.constant 0 : i32
    return %arg0, %c0_i32 : i32, i32
  }
}

module attributes {stable_mosaic.version = 14 : i64} {
  func.func @body(%arg0: i32, %arg1: memref<2x2000x16xf32, #tpu.memory_space<vmem>>, %arg2: memref<2000x16xf32, #tpu.memory_space<vmem>>, %arg3: memref<2000x1xf32, #tpu.memory_space<vmem>>, %arg4: memref<16x64xf32, #tpu.memory_space<vmem>>, %arg5: memref<1x64xf32, #tpu.memory_space<vmem>>, %arg6: memref<2000x64xf32, #tpu.memory_space<vmem>>, %arg7: memref<1x64xf32, #tpu.memory_space<vmem>>, %arg8: memref<1x64xf32, #tpu.memory_space<vmem>>) attributes {dimension_semantics = [#tpu.dimension_semantics<arbitrary>], iteration_bounds = array<i64: 50>, scalar_prefetch = 0 : i64, scratch_operands = 0 : i64, tpu.core_type = #tpu.core_type<tc>, window_params = [{transform_indices = @transform_0, window_bounds = array<i64: 2, 2000, 16>}, {transform_indices = @transform_1, window_bounds = array<i64: 2000, 16>}, {transform_indices = @transform_2, window_bounds = array<i64: 2000, 1>}, {pipeline_mode = #tpu.pipeline_mode<synchronous>, transform_indices = @transform_3, window_bounds = array<i64: 16, 64>}, {pipeline_mode = #tpu.pipeline_mode<synchronous>, transform_indices = @transform_4, window_bounds = array<i64: 1, 64>}, {transform_indices = @transform_5, window_bounds = array<i64: 2000, 64>}, {pipeline_mode = #tpu.pipeline_mode<synchronous>, transform_indices = @transform_6, window_bounds = array<i64: 1, 64>}, {pipeline_mode = #tpu.pipeline_mode<synchronous>, transform_indices = @transform_7, window_bounds = array<i64: 1, 64>}]} {
    %get3A = arith.constant 0 : index
    %get3A_0 = arith.constant 0 : index
    %get3A_1 = arith.constant 0 : index
    %get3A_2 = vector.load %arg1[%get3A, %get3A_0, %get3A_1] : memref<2x2000x16xf32, #tpu.memory_space<vmem>>, vector<1x2000x16xf32>
    %get3A_3 = vector.shape_cast %get3A_2 : vector<1x2000x16xf32> to vector<2000x16xf32>
    %get3A_4 = arith.constant 1 : index
    %get3A_5 = arith.constant 0 : index
    %get3A_6 = arith.constant 0 : index
    %get3A_7 = vector.load %arg1[%get3A_4, %get3A_5, %get3A_6] : memref<2x2000x16xf32, #tpu.memory_space<vmem>>, vector<1x2000x16xf32>
    %get3A_8 = vector.shape_cast %get3A_7 : vector<1x2000x16xf32> to vector<2000x16xf32>
    %add3A = arith.addf %get3A_3, %get3A_8 : vector<2000x16xf32>
    %get3A_9 = arith.constant 0 : index
    %get3A_10 = arith.constant 0 : index
    %get3A_11 = vector.load %arg2[%get3A_9, %get3A_10] : memref<2000x16xf32, #tpu.memory_space<vmem>>, vector<2000x16xf32>
    %add3A_12 = arith.addf %add3A, %get3A_11 : vector<2000x16xf32>
    %get3A_13 = arith.constant 0 : index
    %get3A_14 = arith.constant 0 : index
    %get3A_15 = vector.load %arg3[%get3A_13, %get3A_14] : memref<2000x1xf32, #tpu.memory_space<vmem>>, vector<2000x1xf32>
    %mul3A = vector.broadcast %get3A_15 : vector<2000x1xf32> to vector<2000x16xf32>
    %mul3A_16 = arith.mulf %add3A_12, %mul3A : vector<2000x16xf32>
    %get3A_17 = arith.constant 0 : index
    %get3A_18 = arith.constant 0 : index
    %get3A_19 = vector.load %arg4[%get3A_17, %get3A_18] : memref<16x64xf32, #tpu.memory_space<vmem>>, vector<16x64xf32>
    %dot_general3A = arith.constant dense<0.000000e+00> : vector<2000x64xf32>
    %dot_general3A_20 = tpu.matmul %mul3A_16, %get3A_19, %dot_general3A {dimension_numbers = #tpu.dot_dimension_numbers<[1], [0], [0], [1], [0, 0, 1, 1], [], []>, precision = #tpu.contract_precision<fp32>, transpose_lhs_hint = false} : vector<2000x16xf32>, vector<16x64xf32>, vector<2000x64xf32> -> vector<2000x64xf32>
    %get3A_21 = arith.constant 0 : index
    %get3A_22 = arith.constant 0 : index
    %get3A_23 = vector.load %arg5[%get3A_21, %get3A_22] : memref<1x64xf32, #tpu.memory_space<vmem>>, vector<1x64xf32>
    %add3A_24 = vector.broadcast %get3A_23 : vector<1x64xf32> to vector<2000x64xf32>
    %add3A_25 = arith.addf %dot_general3A_20, %add3A_24 : vector<2000x64xf32>
    %swap3A = arith.constant 0 : index
    %swap3A_26 = arith.constant 0 : index
    %swap3A_27 = vector.load %arg6[%swap3A, %swap3A_26] : memref<2000x64xf32, #tpu.memory_space<vmem>>, vector<2000x64xf32>
    tpu.vector_store %arg6[%swap3A, %swap3A_26], %add3A_25 {strides = array<i32>} : memref<2000x64xf32, #tpu.memory_space<vmem>>, vector<2000x64xf32>,
    %eq3A = arith.constant 0 : i32
    %eq3A_28 = arith.cmpi eq, %arg0, %eq3A : i32
    %convert_element_type3A = arith.extui %eq3A_28 : i1 to i32
    %cond3A = arith.constant 0 : i32
    %cond3A_29 = arith.cmpi ne, %convert_element_type3A, %cond3A : i32
    scf.if %cond3A_29 {
      %broadcast_in_dim3A_49 = arith.constant 0.000000e+00 : f32
      %broadcast_in_dim3A_50 = vector.broadcast %broadcast_in_dim3A_49 : f32 to vector<1x64xf32>
      %swap3A_51 = arith.constant 0 : index
      %swap3A_52 = arith.constant 0 : index
      %swap3A_53 = vector.load %arg7[%swap3A_51, %swap3A_52] : memref<1x64xf32, #tpu.memory_space<vmem>>, vector<1x64xf32>
      tpu.vector_store %arg7[%swap3A_51, %swap3A_52], %broadcast_in_dim3A_50 {strides = array<i32>} : memref<1x64xf32, #tpu.memory_space<vmem>>, vector<1x64xf32>,
      %broadcast_in_dim3A_54 = arith.constant 0.000000e+00 : f32
      %broadcast_in_dim3A_55 = vector.broadcast %broadcast_in_dim3A_54 : f32 to vector<1x64xf32>
      %swap3A_56 = arith.constant 0 : index
      %swap3A_57 = arith.constant 0 : index
      %swap3A_58 = vector.load %arg8[%swap3A_56, %swap3A_57] : memref<1x64xf32, #tpu.memory_space<vmem>>, vector<1x64xf32>
      tpu.vector_store %arg8[%swap3A_56, %swap3A_57], %broadcast_in_dim3A_55 {strides = array<i32>} : memref<1x64xf32, #tpu.memory_space<vmem>>, vector<1x64xf32>,
    } else {
    }
    %get3A_30 = arith.constant 0 : index
    %get3A_31 = arith.constant 0 : index
    %get3A_32 = vector.load %arg7[%get3A_30, %get3A_31] : memref<1x64xf32, #tpu.memory_space<vmem>>, vector<1x64xf32>
    %reduce_sum3A = arith.constant dense<0.000000e+00> : vector<64xf32>
    %reduce_sum3A_33 = vector.multi_reduction <add>, %add3A_25, %reduce_sum3A [0] : vector<2000x64xf32> to vector<64xf32>
    %broadcast_in_dim3A = vector.shape_cast %reduce_sum3A_33 : vector<64xf32> to vector<1x64xf32>
    %add3A_34 = arith.addf %get3A_32, %broadcast_in_dim3A : vector<1x64xf32>
    %swap3A_35 = arith.constant 0 : index
    %swap3A_36 = arith.constant 0 : index
    %swap3A_37 = vector.load %arg7[%swap3A_35, %swap3A_36] : memref<1x64xf32, #tpu.memory_space<vmem>>, vector<1x64xf32>
    tpu.vector_store %arg7[%swap3A_35, %swap3A_36], %add3A_34 {strides = array<i32>} : memref<1x64xf32, #tpu.memory_space<vmem>>, vector<1x64xf32>,
    %get3A_38 = arith.constant 0 : index
    %get3A_39 = arith.constant 0 : index
    %get3A_40 = vector.load %arg8[%get3A_38, %get3A_39] : memref<1x64xf32, #tpu.memory_space<vmem>>, vector<1x64xf32>
    %mul3A_41 = arith.mulf %add3A_25, %add3A_25 : vector<2000x64xf32>
    %reduce_sum3A_42 = arith.constant dense<0.000000e+00> : vector<64xf32>
    %reduce_sum3A_43 = vector.multi_reduction <add>, %mul3A_41, %reduce_sum3A_42 [0] : vector<2000x64xf32> to vector<64xf32>
    %broadcast_in_dim3A_44 = vector.shape_cast %reduce_sum3A_43 : vector<64xf32> to vector<1x64xf32>
    %add3A_45 = arith.addf %get3A_40, %broadcast_in_dim3A_44 : vector<1x64xf32>
    %swap3A_46 = arith.constant 0 : index
    %swap3A_47 = arith.constant 0 : index
    %swap3A_48 = vector.load %arg8[%swap3A_46, %swap3A_47] : memref<1x64xf32, #tpu.memory_space<vmem>>, vector<1x64xf32>
    tpu.vector_store %arg8[%swap3A_46, %swap3A_47], %add3A_45 {strides = array<i32>} : memref<1x64xf32, #tpu.memory_space<vmem>>, vector<1x64xf32>,
    return
  }
  func.func @transform_0(%arg0: i32) -> (i32, i32, i32) {
    %c0_i32 = arith.constant 0 : i32
    %c0_i32_0 = arith.constant 0 : i32
    %c0_i32_1 = arith.constant 0 : i32
    return %c0_i32, %arg0, %c0_i32_0 : i32, i32, i32
  }
  func.func @transform_1(%arg0: i32) -> (i32, i32) {
    %c0_i32 = arith.constant 0 : i32
    %c0_i32_0 = arith.constant 0 : i32
    return %arg0, %c0_i32 : i32, i32
  }
  func.func @transform_2(%arg0: i32) -> (i32, i32) {
    %c0_i32 = arith.constant 0 : i32
    %c0_i32_0 = arith.constant 0 : i32
    return %arg0, %c0_i32 : i32, i32
  }
  func.func @transform_3(%arg0: i32) -> (i32, i32) {
    %c0_i32 = arith.constant 0 : i32
    %c0_i32_0 = arith.constant 0 : i32
    %c0_i32_1 = arith.constant 0 : i32
    return %c0_i32, %c0_i32_0 : i32, i32
  }
  func.func @transform_4(%arg0: i32) -> (i32, i32) {
    %c0_i32 = arith.constant 0 : i32
    %c0_i32_0 = arith.constant 0 : i32
    %c0_i32_1 = arith.constant 0 : i32
    return %c0_i32, %c0_i32_0 : i32, i32
  }
  func.func @transform_5(%arg0: i32) -> (i32, i32) {
    %c0_i32 = arith.constant 0 : i32
    %c0_i32_0 = arith.constant 0 : i32
    return %arg0, %c0_i32 : i32, i32
  }
  func.func @transform_6(%arg0: i32) -> (i32, i32) {
    %c0_i32 = arith.constant 0 : i32
    %c0_i32_0 = arith.constant 0 : i32
    %c0_i32_1 = arith.constant 0 : i32
    return %c0_i32, %c0_i32_0 : i32, i32
  }
  func.func @transform_7(%arg0: i32) -> (i32, i32) {
    %c0_i32 = arith.constant 0 : i32
    %c0_i32_0 = arith.constant 0 : i32
    %c0_i32_1 = arith.constant 0 : i32
    return %c0_i32, %c0_i32_0 : i32, i32
  }
}

module attributes {stable_mosaic.version = 14 : i64} {
  func.func @body(%arg0: i32, %arg1: memref<2000x64xf32, #tpu.memory_space<vmem>>, %arg2: memref<1x64xf32, #tpu.memory_space<vmem>>, %arg3: memref<1x64xf32, #tpu.memory_space<vmem>>, %arg4: memref<1x64xf32, #tpu.memory_space<vmem>>, %arg5: memref<1x64xf32, #tpu.memory_space<vmem>>, %arg6: memref<2000x3xf32, #tpu.memory_space<vmem>>, %arg7: memref<3x64xf32, #tpu.memory_space<vmem>>, %arg8: memref<1x64xf32, #tpu.memory_space<vmem>>, %arg9: memref<64x32xf32, #tpu.memory_space<vmem>>, %arg10: memref<2000x1xf32, #tpu.memory_space<vmem>>, %arg11: memref<2000x64xf32, #tpu.memory_space<vmem>>, %arg12: memref<2x2000x16xf32, #tpu.memory_space<vmem>>) attributes {dimension_semantics = [#tpu.dimension_semantics<arbitrary>], iteration_bounds = array<i64: 50>, scalar_prefetch = 0 : i64, scratch_operands = 0 : i64, tpu.core_type = #tpu.core_type<tc>, window_params = [{transform_indices = @transform_0, window_bounds = array<i64: 2000, 64>}, {pipeline_mode = #tpu.pipeline_mode<synchronous>, transform_indices = @transform_1, window_bounds = array<i64: 1, 64>}, {pipeline_mode = #tpu.pipeline_mode<synchronous>, transform_indices = @transform_2, window_bounds = array<i64: 1, 64>}, {pipeline_mode = #tpu.pipeline_mode<synchronous>, transform_indices = @transform_3, window_bounds = array<i64: 1, 64>}, {pipeline_mode = #tpu.pipeline_mode<synchronous>, transform_indices = @transform_4, window_bounds = array<i64: 1, 64>}, {transform_indices = @transform_5, window_bounds = array<i64: 2000, 3>}, {pipeline_mode = #tpu.pipeline_mode<synchronous>, transform_indices = @transform_6, window_bounds = array<i64: 3, 64>}, {pipeline_mode = #tpu.pipeline_mode<synchronous>, transform_indices = @transform_7, window_bounds = array<i64: 1, 64>}, {pipeline_mode = #tpu.pipeline_mode<synchronous>, transform_indices = @transform_8, window_bounds = array<i64: 64, 32>}, {transform_indices = @transform_9, window_bounds = array<i64: 2000, 1>}, {transform_indices = @transform_10, window_bounds = array<i64: 2000, 64>}, {transform_indices = @transform_11, window_bounds = array<i64: 2, 2000, 16>}]} {
    %get3A = arith.constant 0 : index
    %get3A_0 = arith.constant 0 : index
    %get3A_1 = vector.load %arg2[%get3A, %get3A_0] : memref<1x64xf32, #tpu.memory_space<vmem>>, vector<1x64xf32>
    %div3A = arith.constant 1.000000e+05 : f32
    %div3A_2 = vector.broadcast %div3A : f32 to vector<1x64xf32>
    %div3A_3 = arith.divf %get3A_1, %div3A_2 : vector<1x64xf32>
    %get3A_4 = arith.constant 0 : index
    %get3A_5 = arith.constant 0 : index
    %get3A_6 = vector.load %arg3[%get3A_4, %get3A_5] : memref<1x64xf32, #tpu.memory_space<vmem>>, vector<1x64xf32>
    %div3A_7 = arith.constant 1.000000e+05 : f32
    %div3A_8 = vector.broadcast %div3A_7 : f32 to vector<1x64xf32>
    %div3A_9 = arith.divf %get3A_6, %div3A_8 : vector<1x64xf32>
    %mul3A = arith.mulf %div3A_3, %div3A_3 : vector<1x64xf32>
    %sub3A = arith.subf %div3A_9, %mul3A : vector<1x64xf32>
    %get3A_10 = arith.constant 0 : index
    %get3A_11 = arith.constant 0 : index
    %get3A_12 = vector.load %arg1[%get3A_10, %get3A_11] : memref<2000x64xf32, #tpu.memory_space<vmem>>, vector<2000x64xf32>
    %sub3A_13 = vector.broadcast %div3A_3 : vector<1x64xf32> to vector<2000x64xf32>
    %sub3A_14 = arith.subf %get3A_12, %sub3A_13 : vector<2000x64xf32>
    %add3A = arith.constant 9.99999974E-6 : f32
    %add3A_15 = vector.broadcast %add3A : f32 to vector<1x64xf32>
    %add3A_16 = arith.addf %sub3A, %add3A_15 : vector<1x64xf32>
    %rsqrt3A = math.rsqrt %add3A_16 : vector<1x64xf32>
    %mul3A_17 = vector.broadcast %rsqrt3A : vector<1x64xf32> to vector<2000x64xf32>
    %mul3A_18 = arith.mulf %sub3A_14, %mul3A_17 : vector<2000x64xf32>
    %get3A_19 = arith.constant 0 : index
    %get3A_20 = arith.constant 0 : index
    %get3A_21 = vector.load %arg4[%get3A_19, %get3A_20] : memref<1x64xf32, #tpu.memory_space<vmem>>, vector<1x64xf32>
    %mul3A_22 = vector.broadcast %get3A_21 : vector<1x64xf32> to vector<2000x64xf32>
    %mul3A_23 = arith.mulf %mul3A_18, %mul3A_22 : vector<2000x64xf32>
    %get3A_24 = arith.constant 0 : index
    %get3A_25 = arith.constant 0 : index
    %get3A_26 = vector.load %arg5[%get3A_24, %get3A_25] : memref<1x64xf32, #tpu.memory_space<vmem>>, vector<1x64xf32>
    %add3A_27 = vector.broadcast %get3A_26 : vector<1x64xf32> to vector<2000x64xf32>
    %add3A_28 = arith.addf %mul3A_23, %add3A_27 : vector<2000x64xf32>
    %get3A_29 = arith.constant 0 : index
    %get3A_30 = arith.constant 0 : index
    %get3A_31 = vector.load %arg6[%get3A_29, %get3A_30] : memref<2000x3xf32, #tpu.memory_space<vmem>>, vector<2000x3xf32>
    %get3A_32 = arith.constant 0 : index
    %get3A_33 = arith.constant 0 : index
    %get3A_34 = vector.load %arg7[%get3A_32, %get3A_33] : memref<3x64xf32, #tpu.memory_space<vmem>>, vector<3x64xf32>
    %dot_general3A = arith.constant dense<0.000000e+00> : vector<2000x64xf32>
    %dot_general3A_35 = tpu.matmul %get3A_31, %get3A_34, %dot_general3A {dimension_numbers = #tpu.dot_dimension_numbers<[1], [0], [0], [1], [0, 0, 1, 1], [], []>, transpose_lhs_hint = false} : vector<2000x3xf32>, vector<3x64xf32>, vector<2000x64xf32> -> vector<2000x64xf32>
    %get3A_36 = arith.constant 0 : index
    %get3A_37 = arith.constant 0 : index
    %get3A_38 = vector.load %arg8[%get3A_36, %get3A_37] : memref<1x64xf32, #tpu.memory_space<vmem>>, vector<1x64xf32>
    %add3A_39 = vector.broadcast %get3A_38 : vector<1x64xf32> to vector<2000x64xf32>
    %add3A_40 = arith.addf %dot_general3A_35, %add3A_39 : vector<2000x64xf32>
    %max3A = arith.constant 0.000000e+00 : f32
    %max3A_41 = vector.broadcast %max3A : f32 to vector<2000x64xf32>
    %max3A_42 = arith.maximumf %add3A_28, %max3A_41 : vector<2000x64xf32>
    %add3A_43 = arith.addf %max3A_42, %add3A_40 : vector<2000x64xf32>
    %swap3A = arith.constant 0 : index
    %swap3A_44 = arith.constant 0 : index
    %swap3A_45 = vector.load %arg11[%swap3A, %swap3A_44] : memref<2000x64xf32, #tpu.memory_space<vmem>>, vector<2000x64xf32>
    tpu.vector_store %arg11[%swap3A, %swap3A_44], %add3A_43 {strides = array<i32>} : memref<2000x64xf32, #tpu.memory_space<vmem>>, vector<2000x64xf32>,
    %get3A_46 = arith.constant 0 : index
    %get3A_47 = arith.constant 0 : index
    %get3A_48 = vector.load %arg9[%get3A_46, %get3A_47] : memref<64x32xf32, #tpu.memory_space<vmem>>, vector<64x32xf32>
    %dot_general3A_49 = arith.constant dense<0.000000e+00> : vector<2000x32xf32>
    %dot_general3A_50 = tpu.matmul %add3A_43, %get3A_48, %dot_general3A_49 {dimension_numbers = #tpu.dot_dimension_numbers<[1], [0], [0], [1], [0, 0, 1, 1], [], []>, transpose_lhs_hint = false} : vector<2000x64xf32>, vector<64x32xf32>, vector<2000x32xf32> -> vector<2000x32xf32>
    %get3A_51 = arith.constant 0 : index
    %get3A_52 = arith.constant 0 : index
    %get3A_53 = vector.load %arg10[%get3A_51, %get3A_52] : memref<2000x1xf32, #tpu.memory_space<vmem>>, vector<2000x1xf32>
    %mul3A_54 = vector.broadcast %get3A_53 : vector<2000x1xf32> to vector<2000x32xf32>
    %mul3A_55 = arith.mulf %dot_general3A_50, %mul3A_54 : vector<2000x32xf32>
    %slice3A = vector.extract_strided_slice %mul3A_55 {offsets = [0, 0], sizes = [2000, 16], strides = [1, 1]} : vector<2000x32xf32> to vector<2000x16xf32>
    %swap3A_56 = arith.constant 0 : index
    %swap3A_57 = arith.constant 0 : index
    %swap3A_58 = arith.constant 0 : index
    %swap3A_59 = vector.load %arg12[%swap3A_56, %swap3A_57, %swap3A_58] : memref<2x2000x16xf32, #tpu.memory_space<vmem>>, vector<1x2000x16xf32>
    %swap3A_60 = vector.shape_cast %swap3A_59 : vector<1x2000x16xf32> to vector<2000x16xf32>
    %swap3A_61 = vector.shape_cast %slice3A : vector<2000x16xf32> to vector<1x2000x16xf32>
    tpu.vector_store %arg12[%swap3A_56, %swap3A_57, %swap3A_58], %swap3A_61 {strides = array<i32>} : memref<2x2000x16xf32, #tpu.memory_space<vmem>>, vector<1x2000x16xf32>,
    %slice3A_62 = vector.extract_strided_slice %mul3A_55 {offsets = [0, 16], sizes = [2000, 16], strides = [1, 1]} : vector<2000x32xf32> to vector<2000x16xf32>
    %swap3A_63 = arith.constant 1 : index
    %swap3A_64 = arith.constant 0 : index
    %swap3A_65 = arith.constant 0 : index
    %swap3A_66 = vector.load %arg12[%swap3A_63, %swap3A_64, %swap3A_65] : memref<2x2000x16xf32, #tpu.memory_space<vmem>>, vector<1x2000x16xf32>
    %swap3A_67 = vector.shape_cast %swap3A_66 : vector<1x2000x16xf32> to vector<2000x16xf32>
    %swap3A_68 = vector.shape_cast %slice3A_62 : vector<2000x16xf32> to vector<1x2000x16xf32>
    tpu.vector_store %arg12[%swap3A_63, %swap3A_64, %swap3A_65], %swap3A_68 {strides = array<i32>} : memref<2x2000x16xf32, #tpu.memory_space<vmem>>, vector<1x2000x16xf32>,
    return
  }
  func.func @transform_0(%arg0: i32) -> (i32, i32) {
    %c0_i32 = arith.constant 0 : i32
    %c0_i32_0 = arith.constant 0 : i32
    return %arg0, %c0_i32 : i32, i32
  }
  func.func @transform_1(%arg0: i32) -> (i32, i32) {
    %c0_i32 = arith.constant 0 : i32
    %c0_i32_0 = arith.constant 0 : i32
    %c0_i32_1 = arith.constant 0 : i32
    return %c0_i32, %c0_i32_0 : i32, i32
  }
  func.func @transform_2(%arg0: i32) -> (i32, i32) {
    %c0_i32 = arith.constant 0 : i32
    %c0_i32_0 = arith.constant 0 : i32
    %c0_i32_1 = arith.constant 0 : i32
    return %c0_i32, %c0_i32_0 : i32, i32
  }
  func.func @transform_3(%arg0: i32) -> (i32, i32) {
    %c0_i32 = arith.constant 0 : i32
    %c0_i32_0 = arith.constant 0 : i32
    %c0_i32_1 = arith.constant 0 : i32
    return %c0_i32, %c0_i32_0 : i32, i32
  }
  func.func @transform_4(%arg0: i32) -> (i32, i32) {
    %c0_i32 = arith.constant 0 : i32
    %c0_i32_0 = arith.constant 0 : i32
    %c0_i32_1 = arith.constant 0 : i32
    return %c0_i32, %c0_i32_0 : i32, i32
  }
  func.func @transform_5(%arg0: i32) -> (i32, i32) {
    %c0_i32 = arith.constant 0 : i32
    %c0_i32_0 = arith.constant 0 : i32
    return %arg0, %c0_i32 : i32, i32
  }
  func.func @transform_6(%arg0: i32) -> (i32, i32) {
    %c0_i32 = arith.constant 0 : i32
    %c0_i32_0 = arith.constant 0 : i32
    %c0_i32_1 = arith.constant 0 : i32
    return %c0_i32, %c0_i32_0 : i32, i32
  }
  func.func @transform_7(%arg0: i32) -> (i32, i32) {
    %c0_i32 = arith.constant 0 : i32
    %c0_i32_0 = arith.constant 0 : i32
    %c0_i32_1 = arith.constant 0 : i32
    return %c0_i32, %c0_i32_0 : i32, i32
  }
  func.func @transform_8(%arg0: i32) -> (i32, i32) {
    %c0_i32 = arith.constant 0 : i32
    %c0_i32_0 = arith.constant 0 : i32
    %c0_i32_1 = arith.constant 0 : i32
    return %c0_i32, %c0_i32_0 : i32, i32
  }
  func.func @transform_9(%arg0: i32) -> (i32, i32) {
    %c0_i32 = arith.constant 0 : i32
    %c0_i32_0 = arith.constant 0 : i32
    return %arg0, %c0_i32 : i32, i32
  }
  func.func @transform_10(%arg0: i32) -> (i32, i32) {
    %c0_i32 = arith.constant 0 : i32
    %c0_i32_0 = arith.constant 0 : i32
    return %arg0, %c0_i32 : i32, i32
  }
  func.func @transform_11(%arg0: i32) -> (i32, i32, i32) {
    %c0_i32 = arith.constant 0 : i32
    %c0_i32_0 = arith.constant 0 : i32
    %c0_i32_1 = arith.constant 0 : i32
    return %c0_i32, %arg0, %c0_i32_0 : i32, i32, i32
  }
}

module attributes {stable_mosaic.version = 14 : i64} {
  func.func @body(%arg0: i32, %arg1: memref<2x2000x16xf32, #tpu.memory_space<vmem>>, %arg2: memref<2x2000x16xf32, #tpu.memory_space<vmem>>, %arg3: memref<2000x1xf32, #tpu.memory_space<vmem>>, %arg4: memref<1x32xf32, #tpu.memory_space<vmem>>, %arg5: memref<2000x32xf32, #tpu.memory_space<vmem>>, %arg6: memref<1x32xf32, #tpu.memory_space<vmem>>, %arg7: memref<1x32xf32, #tpu.memory_space<vmem>>) attributes {dimension_semantics = [#tpu.dimension_semantics<arbitrary>], iteration_bounds = array<i64: 50>, scalar_prefetch = 0 : i64, scratch_operands = 0 : i64, tpu.core_type = #tpu.core_type<tc>, window_params = [{transform_indices = @transform_0, window_bounds = array<i64: 2, 2000, 16>}, {transform_indices = @transform_1, window_bounds = array<i64: 2, 2000, 16>}, {transform_indices = @transform_2, window_bounds = array<i64: 2000, 1>}, {pipeline_mode = #tpu.pipeline_mode<synchronous>, transform_indices = @transform_3, window_bounds = array<i64: 1, 32>}, {transform_indices = @transform_4, window_bounds = array<i64: 2000, 32>}, {pipeline_mode = #tpu.pipeline_mode<synchronous>, transform_indices = @transform_5, window_bounds = array<i64: 1, 32>}, {pipeline_mode = #tpu.pipeline_mode<synchronous>, transform_indices = @transform_6, window_bounds = array<i64: 1, 32>}]} {
    %get3A = arith.constant 0 : index
    %get3A_0 = arith.constant 0 : index
    %get3A_1 = arith.constant 0 : index
    %get3A_2 = vector.load %arg1[%get3A, %get3A_0, %get3A_1] : memref<2x2000x16xf32, #tpu.memory_space<vmem>>, vector<1x2000x16xf32>
    %get3A_3 = vector.shape_cast %get3A_2 : vector<1x2000x16xf32> to vector<2000x16xf32>
    %get3A_4 = arith.constant 0 : index
    %get3A_5 = arith.constant 0 : index
    %get3A_6 = arith.constant 0 : index
    %get3A_7 = vector.load %arg2[%get3A_4, %get3A_5, %get3A_6] : memref<2x2000x16xf32, #tpu.memory_space<vmem>>, vector<1x2000x16xf32>
    %get3A_8 = vector.shape_cast %get3A_7 : vector<1x2000x16xf32> to vector<2000x16xf32>
    %add3A = arith.addf %get3A_3, %get3A_8 : vector<2000x16xf32>
    %get3A_9 = arith.constant 1 : index
    %get3A_10 = arith.constant 0 : index
    %get3A_11 = arith.constant 0 : index
    %get3A_12 = vector.load %arg1[%get3A_9, %get3A_10, %get3A_11] : memref<2x2000x16xf32, #tpu.memory_space<vmem>>, vector<1x2000x16xf32>
    %get3A_13 = vector.shape_cast %get3A_12 : vector<1x2000x16xf32> to vector<2000x16xf32>
    %get3A_14 = arith.constant 1 : index
    %get3A_15 = arith.constant 0 : index
    %get3A_16 = arith.constant 0 : index
    %get3A_17 = vector.load %arg2[%get3A_14, %get3A_15, %get3A_16] : memref<2x2000x16xf32, #tpu.memory_space<vmem>>, vector<1x2000x16xf32>
    %get3A_18 = vector.shape_cast %get3A_17 : vector<1x2000x16xf32> to vector<2000x16xf32>
    %add3A_19 = arith.addf %get3A_13, %get3A_18 : vector<2000x16xf32>
    %concatenate3A = tpu.concatenate %add3A, %add3A_19 in 1 : vector<2000x16xf32>, vector<2000x16xf32> -> vector<2000x32xf32>
    %get3A_20 = arith.constant 0 : index
    %get3A_21 = arith.constant 0 : index
    %get3A_22 = vector.load %arg3[%get3A_20, %get3A_21] : memref<2000x1xf32, #tpu.memory_space<vmem>>, vector<2000x1xf32>
    %mul3A = vector.broadcast %get3A_22 : vector<2000x1xf32> to vector<2000x32xf32>
    %mul3A_23 = arith.mulf %concatenate3A, %mul3A : vector<2000x32xf32>
    %get3A_24 = arith.constant 0 : index
    %get3A_25 = arith.constant 0 : index
    %get3A_26 = vector.load %arg4[%get3A_24, %get3A_25] : memref<1x32xf32, #tpu.memory_space<vmem>>, vector<1x32xf32>
    %add3A_27 = vector.broadcast %get3A_26 : vector<1x32xf32> to vector<2000x32xf32>
    %add3A_28 = arith.addf %mul3A_23, %add3A_27 : vector<2000x32xf32>
    %swap3A = arith.constant 0 : index
    %swap3A_29 = arith.constant 0 : index
    %swap3A_30 = vector.load %arg5[%swap3A, %swap3A_29] : memref<2000x32xf32, #tpu.memory_space<vmem>>, vector<2000x32xf32>
    tpu.vector_store %arg5[%swap3A, %swap3A_29], %add3A_28 {strides = array<i32>} : memref<2000x32xf32, #tpu.memory_space<vmem>>, vector<2000x32xf32>,
    %eq3A = arith.constant 0 : i32
    %eq3A_31 = arith.cmpi eq, %arg0, %eq3A : i32
    %convert_element_type3A = arith.extui %eq3A_31 : i1 to i32
    %cond3A = arith.constant 0 : i32
    %cond3A_32 = arith.cmpi ne, %convert_element_type3A, %cond3A : i32
    scf.if %cond3A_32 {
      %broadcast_in_dim3A_52 = arith.constant 0.000000e+00 : f32
      %broadcast_in_dim3A_53 = vector.broadcast %broadcast_in_dim3A_52 : f32 to vector<1x32xf32>
      %swap3A_54 = arith.constant 0 : index
      %swap3A_55 = arith.constant 0 : index
      %swap3A_56 = vector.load %arg6[%swap3A_54, %swap3A_55] : memref<1x32xf32, #tpu.memory_space<vmem>>, vector<1x32xf32>
      tpu.vector_store %arg6[%swap3A_54, %swap3A_55], %broadcast_in_dim3A_53 {strides = array<i32>} : memref<1x32xf32, #tpu.memory_space<vmem>>, vector<1x32xf32>,
      %broadcast_in_dim3A_57 = arith.constant 0.000000e+00 : f32
      %broadcast_in_dim3A_58 = vector.broadcast %broadcast_in_dim3A_57 : f32 to vector<1x32xf32>
      %swap3A_59 = arith.constant 0 : index
      %swap3A_60 = arith.constant 0 : index
      %swap3A_61 = vector.load %arg7[%swap3A_59, %swap3A_60] : memref<1x32xf32, #tpu.memory_space<vmem>>, vector<1x32xf32>
      tpu.vector_store %arg7[%swap3A_59, %swap3A_60], %broadcast_in_dim3A_58 {strides = array<i32>} : memref<1x32xf32, #tpu.memory_space<vmem>>, vector<1x32xf32>,
    } else {
    }
    %get3A_33 = arith.constant 0 : index
    %get3A_34 = arith.constant 0 : index
    %get3A_35 = vector.load %arg6[%get3A_33, %get3A_34] : memref<1x32xf32, #tpu.memory_space<vmem>>, vector<1x32xf32>
    %reduce_sum3A = arith.constant dense<0.000000e+00> : vector<32xf32>
    %reduce_sum3A_36 = vector.multi_reduction <add>, %add3A_28, %reduce_sum3A [0] : vector<2000x32xf32> to vector<32xf32>
    %broadcast_in_dim3A = vector.shape_cast %reduce_sum3A_36 : vector<32xf32> to vector<1x32xf32>
    %add3A_37 = arith.addf %get3A_35, %broadcast_in_dim3A : vector<1x32xf32>
    %swap3A_38 = arith.constant 0 : index
    %swap3A_39 = arith.constant 0 : index
    %swap3A_40 = vector.load %arg6[%swap3A_38, %swap3A_39] : memref<1x32xf32, #tpu.memory_space<vmem>>, vector<1x32xf32>
    tpu.vector_store %arg6[%swap3A_38, %swap3A_39], %add3A_37 {strides = array<i32>} : memref<1x32xf32, #tpu.memory_space<vmem>>, vector<1x32xf32>,
    %get3A_41 = arith.constant 0 : index
    %get3A_42 = arith.constant 0 : index
    %get3A_43 = vector.load %arg7[%get3A_41, %get3A_42] : memref<1x32xf32, #tpu.memory_space<vmem>>, vector<1x32xf32>
    %mul3A_44 = arith.mulf %add3A_28, %add3A_28 : vector<2000x32xf32>
    %reduce_sum3A_45 = arith.constant dense<0.000000e+00> : vector<32xf32>
    %reduce_sum3A_46 = vector.multi_reduction <add>, %mul3A_44, %reduce_sum3A_45 [0] : vector<2000x32xf32> to vector<32xf32>
    %broadcast_in_dim3A_47 = vector.shape_cast %reduce_sum3A_46 : vector<32xf32> to vector<1x32xf32>
    %add3A_48 = arith.addf %get3A_43, %broadcast_in_dim3A_47 : vector<1x32xf32>
    %swap3A_49 = arith.constant 0 : index
    %swap3A_50 = arith.constant 0 : index
    %swap3A_51 = vector.load %arg7[%swap3A_49, %swap3A_50] : memref<1x32xf32, #tpu.memory_space<vmem>>, vector<1x32xf32>
    tpu.vector_store %arg7[%swap3A_49, %swap3A_50], %add3A_48 {strides = array<i32>} : memref<1x32xf32, #tpu.memory_space<vmem>>, vector<1x32xf32>,
    return
  }
  func.func @transform_0(%arg0: i32) -> (i32, i32, i32) {
    %c0_i32 = arith.constant 0 : i32
    %c0_i32_0 = arith.constant 0 : i32
    %c0_i32_1 = arith.constant 0 : i32
    return %c0_i32, %arg0, %c0_i32_0 : i32, i32, i32
  }
  func.func @transform_1(%arg0: i32) -> (i32, i32, i32) {
    %c0_i32 = arith.constant 0 : i32
    %c0_i32_0 = arith.constant 0 : i32
    %c0_i32_1 = arith.constant 0 : i32
    return %c0_i32, %arg0, %c0_i32_0 : i32, i32, i32
  }
  func.func @transform_2(%arg0: i32) -> (i32, i32) {
    %c0_i32 = arith.constant 0 : i32
    %c0_i32_0 = arith.constant 0 : i32
    return %arg0, %c0_i32 : i32, i32
  }
  func.func @transform_3(%arg0: i32) -> (i32, i32) {
    %c0_i32 = arith.constant 0 : i32
    %c0_i32_0 = arith.constant 0 : i32
    %c0_i32_1 = arith.constant 0 : i32
    return %c0_i32, %c0_i32_0 : i32, i32
  }
  func.func @transform_4(%arg0: i32) -> (i32, i32) {
    %c0_i32 = arith.constant 0 : i32
    %c0_i32_0 = arith.constant 0 : i32
    return %arg0, %c0_i32 : i32, i32
  }
  func.func @transform_5(%arg0: i32) -> (i32, i32) {
    %c0_i32 = arith.constant 0 : i32
    %c0_i32_0 = arith.constant 0 : i32
    %c0_i32_1 = arith.constant 0 : i32
    return %c0_i32, %c0_i32_0 : i32, i32
  }
  func.func @transform_6(%arg0: i32) -> (i32, i32) {
    %c0_i32 = arith.constant 0 : i32
    %c0_i32_0 = arith.constant 0 : i32
    %c0_i32_1 = arith.constant 0 : i32
    return %c0_i32, %c0_i32_0 : i32, i32
  }
}

module attributes {stable_mosaic.version = 14 : i64} {
  func.func @body(%arg0: i32, %arg1: memref<2000x32xf32, #tpu.memory_space<vmem>>, %arg2: memref<1x32xf32, #tpu.memory_space<vmem>>, %arg3: memref<1x32xf32, #tpu.memory_space<vmem>>, %arg4: memref<1x32xf32, #tpu.memory_space<vmem>>, %arg5: memref<1x32xf32, #tpu.memory_space<vmem>>, %arg6: memref<2000x64xf32, #tpu.memory_space<vmem>>, %arg7: memref<64x32xf32, #tpu.memory_space<vmem>>, %arg8: memref<1x32xf32, #tpu.memory_space<vmem>>, %arg9: memref<32x1xf32, #tpu.memory_space<vmem>>, %arg10: memref<2000x1xf32, #tpu.memory_space<vmem>>, %arg11: memref<2000x16xf32, #tpu.memory_space<vmem>>) attributes {dimension_semantics = [#tpu.dimension_semantics<arbitrary>], iteration_bounds = array<i64: 50>, scalar_prefetch = 0 : i64, scratch_operands = 0 : i64, tpu.core_type = #tpu.core_type<tc>, window_params = [{transform_indices = @transform_0, window_bounds = array<i64: 2000, 32>}, {pipeline_mode = #tpu.pipeline_mode<synchronous>, transform_indices = @transform_1, window_bounds = array<i64: 1, 32>}, {pipeline_mode = #tpu.pipeline_mode<synchronous>, transform_indices = @transform_2, window_bounds = array<i64: 1, 32>}, {pipeline_mode = #tpu.pipeline_mode<synchronous>, transform_indices = @transform_3, window_bounds = array<i64: 1, 32>}, {pipeline_mode = #tpu.pipeline_mode<synchronous>, transform_indices = @transform_4, window_bounds = array<i64: 1, 32>}, {transform_indices = @transform_5, window_bounds = array<i64: 2000, 64>}, {pipeline_mode = #tpu.pipeline_mode<synchronous>, transform_indices = @transform_6, window_bounds = array<i64: 64, 32>}, {pipeline_mode = #tpu.pipeline_mode<synchronous>, transform_indices = @transform_7, window_bounds = array<i64: 1, 32>}, {pipeline_mode = #tpu.pipeline_mode<synchronous>, transform_indices = @transform_8, window_bounds = array<i64: 32, 1>}, {transform_indices = @transform_9, window_bounds = array<i64: 2000, 1>}, {transform_indices = @transform_10, window_bounds = array<i64: 2000, 16>}]} {
    %get3A = arith.constant 0 : index
    %get3A_0 = arith.constant 0 : index
    %get3A_1 = vector.load %arg2[%get3A, %get3A_0] : memref<1x32xf32, #tpu.memory_space<vmem>>, vector<1x32xf32>
    %div3A = arith.constant 1.000000e+05 : f32
    %div3A_2 = vector.broadcast %div3A : f32 to vector<1x32xf32>
    %div3A_3 = arith.divf %get3A_1, %div3A_2 : vector<1x32xf32>
    %get3A_4 = arith.constant 0 : index
    %get3A_5 = arith.constant 0 : index
    %get3A_6 = vector.load %arg3[%get3A_4, %get3A_5] : memref<1x32xf32, #tpu.memory_space<vmem>>, vector<1x32xf32>
    %div3A_7 = arith.constant 1.000000e+05 : f32
    %div3A_8 = vector.broadcast %div3A_7 : f32 to vector<1x32xf32>
    %div3A_9 = arith.divf %get3A_6, %div3A_8 : vector<1x32xf32>
    %mul3A = arith.mulf %div3A_3, %div3A_3 : vector<1x32xf32>
    %sub3A = arith.subf %div3A_9, %mul3A : vector<1x32xf32>
    %get3A_10 = arith.constant 0 : index
    %get3A_11 = arith.constant 0 : index
    %get3A_12 = vector.load %arg1[%get3A_10, %get3A_11] : memref<2000x32xf32, #tpu.memory_space<vmem>>, vector<2000x32xf32>
    %sub3A_13 = vector.broadcast %div3A_3 : vector<1x32xf32> to vector<2000x32xf32>
    %sub3A_14 = arith.subf %get3A_12, %sub3A_13 : vector<2000x32xf32>
    %add3A = arith.constant 9.99999974E-6 : f32
    %add3A_15 = vector.broadcast %add3A : f32 to vector<1x32xf32>
    %add3A_16 = arith.addf %sub3A, %add3A_15 : vector<1x32xf32>
    %rsqrt3A = math.rsqrt %add3A_16 : vector<1x32xf32>
    %mul3A_17 = vector.broadcast %rsqrt3A : vector<1x32xf32> to vector<2000x32xf32>
    %mul3A_18 = arith.mulf %sub3A_14, %mul3A_17 : vector<2000x32xf32>
    %get3A_19 = arith.constant 0 : index
    %get3A_20 = arith.constant 0 : index
    %get3A_21 = vector.load %arg4[%get3A_19, %get3A_20] : memref<1x32xf32, #tpu.memory_space<vmem>>, vector<1x32xf32>
    %mul3A_22 = vector.broadcast %get3A_21 : vector<1x32xf32> to vector<2000x32xf32>
    %mul3A_23 = arith.mulf %mul3A_18, %mul3A_22 : vector<2000x32xf32>
    %get3A_24 = arith.constant 0 : index
    %get3A_25 = arith.constant 0 : index
    %get3A_26 = vector.load %arg5[%get3A_24, %get3A_25] : memref<1x32xf32, #tpu.memory_space<vmem>>, vector<1x32xf32>
    %add3A_27 = vector.broadcast %get3A_26 : vector<1x32xf32> to vector<2000x32xf32>
    %add3A_28 = arith.addf %mul3A_23, %add3A_27 : vector<2000x32xf32>
    %get3A_29 = arith.constant 0 : index
    %get3A_30 = arith.constant 0 : index
    %get3A_31 = vector.load %arg6[%get3A_29, %get3A_30] : memref<2000x64xf32, #tpu.memory_space<vmem>>, vector<2000x64xf32>
    %get3A_32 = arith.constant 0 : index
    %get3A_33 = arith.constant 0 : index
    %get3A_34 = vector.load %arg7[%get3A_32, %get3A_33] : memref<64x32xf32, #tpu.memory_space<vmem>>, vector<64x32xf32>
    %dot_general3A = arith.constant dense<0.000000e+00> : vector<2000x32xf32>
    %dot_general3A_35 = tpu.matmul %get3A_31, %get3A_34, %dot_general3A {dimension_numbers = #tpu.dot_dimension_numbers<[1], [0], [0], [1], [0, 0, 1, 1], [], []>, transpose_lhs_hint = false} : vector<2000x64xf32>, vector<64x32xf32>, vector<2000x32xf32> -> vector<2000x32xf32>
    %get3A_36 = arith.constant 0 : index
    %get3A_37 = arith.constant 0 : index
    %get3A_38 = vector.load %arg8[%get3A_36, %get3A_37] : memref<1x32xf32, #tpu.memory_space<vmem>>, vector<1x32xf32>
    %add3A_39 = vector.broadcast %get3A_38 : vector<1x32xf32> to vector<2000x32xf32>
    %add3A_40 = arith.addf %dot_general3A_35, %add3A_39 : vector<2000x32xf32>
    %max3A = arith.constant 0.000000e+00 : f32
    %max3A_41 = vector.broadcast %max3A : f32 to vector<2000x32xf32>
    %max3A_42 = arith.maximumf %add3A_28, %max3A_41 : vector<2000x32xf32>
    %add3A_43 = arith.addf %max3A_42, %add3A_40 : vector<2000x32xf32>
    %get3A_44 = arith.constant 0 : index
    %get3A_45 = arith.constant 0 : index
    %get3A_46 = vector.load %arg9[%get3A_44, %get3A_45] : memref<32x1xf32, #tpu.memory_space<vmem>>, vector<32x1xf32>
    %dot_general3A_47 = arith.constant dense<0.000000e+00> : vector<2000x1xf32>
    %dot_general3A_48 = tpu.matmul %add3A_43, %get3A_46, %dot_general3A_47 {dimension_numbers = #tpu.dot_dimension_numbers<[1], [0], [0], [1], [0, 0, 1, 1], [], []>, transpose_lhs_hint = false} : vector<2000x32xf32>, vector<32x1xf32>, vector<2000x1xf32> -> vector<2000x1xf32>
    %get3A_49 = arith.constant 0 : index
    %get3A_50 = arith.constant 0 : index
    %get3A_51 = vector.load %arg10[%get3A_49, %get3A_50] : memref<2000x1xf32, #tpu.memory_space<vmem>>, vector<2000x1xf32>
    %mul3A_52 = arith.mulf %dot_general3A_48, %get3A_51 : vector<2000x1xf32>
    %broadcast_in_dim3A = arith.constant 0.000000e+00 : f32
    %broadcast_in_dim3A_53 = vector.broadcast %broadcast_in_dim3A : f32 to vector<2000x15xf32>
    %concatenate3A = tpu.concatenate %mul3A_52, %broadcast_in_dim3A_53 in 1 : vector<2000x1xf32>, vector<2000x15xf32> -> vector<2000x16xf32>
    %swap3A = arith.constant 0 : index
    %swap3A_54 = arith.constant 0 : index
    %swap3A_55 = vector.load %arg11[%swap3A, %swap3A_54] : memref<2000x16xf32, #tpu.memory_space<vmem>>, vector<2000x16xf32>
    tpu.vector_store %arg11[%swap3A, %swap3A_54], %concatenate3A {strides = array<i32>} : memref<2000x16xf32, #tpu.memory_space<vmem>>, vector<2000x16xf32>,
    return
  }
  func.func @transform_0(%arg0: i32) -> (i32, i32) {
    %c0_i32 = arith.constant 0 : i32
    %c0_i32_0 = arith.constant 0 : i32
    return %arg0, %c0_i32 : i32, i32
  }
  func.func @transform_1(%arg0: i32) -> (i32, i32) {
    %c0_i32 = arith.constant 0 : i32
    %c0_i32_0 = arith.constant 0 : i32
    %c0_i32_1 = arith.constant 0 : i32
    return %c0_i32, %c0_i32_0 : i32, i32
  }
  func.func @transform_2(%arg0: i32) -> (i32, i32) {
    %c0_i32 = arith.constant 0 : i32
    %c0_i32_0 = arith.constant 0 : i32
    %c0_i32_1 = arith.constant 0 : i32
    return %c0_i32, %c0_i32_0 : i32, i32
  }
  func.func @transform_3(%arg0: i32) -> (i32, i32) {
    %c0_i32 = arith.constant 0 : i32
    %c0_i32_0 = arith.constant 0 : i32
    %c0_i32_1 = arith.constant 0 : i32
    return %c0_i32, %c0_i32_0 : i32, i32
  }
  func.func @transform_4(%arg0: i32) -> (i32, i32) {
    %c0_i32 = arith.constant 0 : i32
    %c0_i32_0 = arith.constant 0 : i32
    %c0_i32_1 = arith.constant 0 : i32
    return %c0_i32, %c0_i32_0 : i32, i32
  }
  func.func @transform_5(%arg0: i32) -> (i32, i32) {
    %c0_i32 = arith.constant 0 : i32
    %c0_i32_0 = arith.constant 0 : i32
    return %arg0, %c0_i32 : i32, i32
  }
  func.func @transform_6(%arg0: i32) -> (i32, i32) {
    %c0_i32 = arith.constant 0 : i32
    %c0_i32_0 = arith.constant 0 : i32
    %c0_i32_1 = arith.constant 0 : i32
    return %c0_i32, %c0_i32_0 : i32, i32
  }
  func.func @transform_7(%arg0: i32) -> (i32, i32) {
    %c0_i32 = arith.constant 0 : i32
    %c0_i32_0 = arith.constant 0 : i32
    %c0_i32_1 = arith.constant 0 : i32
    return %c0_i32, %c0_i32_0 : i32, i32
  }
  func.func @transform_8(%arg0: i32) -> (i32, i32) {
    %c0_i32 = arith.constant 0 : i32
    %c0_i32_0 = arith.constant 0 : i32
    %c0_i32_1 = arith.constant 0 : i32
    return %c0_i32, %c0_i32_0 : i32, i32
  }
  func.func @transform_9(%arg0: i32) -> (i32, i32) {
    %c0_i32 = arith.constant 0 : i32
    %c0_i32_0 = arith.constant 0 : i32
    return %arg0, %c0_i32 : i32, i32
  }
  func.func @transform_10(%arg0: i32) -> (i32, i32) {
    %c0_i32 = arith.constant 0 : i32
    %c0_i32_0 = arith.constant 0 : i32
    return %arg0, %c0_i32 : i32, i32
  }
}

module attributes {stable_mosaic.version = 14 : i64} {
  func.func @body(%arg0: i32, %arg1: memref<2x2000x16xf32, #tpu.memory_space<vmem>>, %arg2: memref<2000x16xf32, #tpu.memory_space<vmem>>, %arg3: memref<2000x1xf32, #tpu.memory_space<vmem>>, %arg4: memref<1x1xf32, #tpu.memory_space<vmem>>, %arg5: memref<1x32xf32, #tpu.memory_space<vmem>>, %arg6: memref<1x32xf32, #tpu.memory_space<vmem>>, %arg7: memref<32x64xf32, #tpu.memory_space<vmem>>, %arg8: memref<1x64xf32, #tpu.memory_space<vmem>>, %arg9: memref<64x3xf32, #tpu.memory_space<vmem>>, %arg10: memref<1x3xf32, #tpu.memory_space<vmem>>, %arg11: memref<1x16xf32, #tpu.memory_space<vmem>>, %arg12: memref<1x16xf32, #tpu.memory_space<vmem>>, %arg13: memref<16x1xf32, #tpu.memory_space<vmem>>, %arg14: memref<1x1xf32, #tpu.memory_space<vmem>>, %arg15: memref<2000x3xf32, #tpu.memory_space<vmem>>, %arg16: memref<2000x1xf32, #tpu.memory_space<vmem>>, %arg17: memref<2000x1xf32, #tpu.memory_space<vmem>>) attributes {dimension_semantics = [#tpu.dimension_semantics<arbitrary>], iteration_bounds = array<i64: 50>, scalar_prefetch = 0 : i64, scratch_operands = 0 : i64, tpu.core_type = #tpu.core_type<tc>, window_params = [{transform_indices = @transform_0, window_bounds = array<i64: 2, 2000, 16>}, {transform_indices = @transform_1, window_bounds = array<i64: 2000, 16>}, {transform_indices = @transform_2, window_bounds = array<i64: 2000, 1>}, {pipeline_mode = #tpu.pipeline_mode<synchronous>, transform_indices = @transform_3, window_bounds = array<i64: 1, 1>}, {pipeline_mode = #tpu.pipeline_mode<synchronous>, transform_indices = @transform_4, window_bounds = array<i64: 1, 32>}, {pipeline_mode = #tpu.pipeline_mode<synchronous>, transform_indices = @transform_5, window_bounds = array<i64: 1, 32>}, {pipeline_mode = #tpu.pipeline_mode<synchronous>, transform_indices = @transform_6, window_bounds = array<i64: 32, 64>}, {pipeline_mode = #tpu.pipeline_mode<synchronous>, transform_indices = @transform_7, window_bounds = array<i64: 1, 64>}, {pipeline_mode = #tpu.pipeline_mode<synchronous>, transform_indices = @transform_8, window_bounds = array<i64: 64, 3>}, {pipeline_mode = #tpu.pipeline_mode<synchronous>, transform_indices = @transform_9, window_bounds = array<i64: 1, 3>}, {pipeline_mode = #tpu.pipeline_mode<synchronous>, transform_indices = @transform_10, window_bounds = array<i64: 1, 16>}, {pipeline_mode = #tpu.pipeline_mode<synchronous>, transform_indices = @transform_11, window_bounds = array<i64: 1, 16>}, {pipeline_mode = #tpu.pipeline_mode<synchronous>, transform_indices = @transform_12, window_bounds = array<i64: 16, 1>}, {pipeline_mode = #tpu.pipeline_mode<synchronous>, transform_indices = @transform_13, window_bounds = array<i64: 1, 1>}, {transform_indices = @transform_14, window_bounds = array<i64: 2000, 3>}, {transform_indices = @transform_15, window_bounds = array<i64: 2000, 1>}, {transform_indices = @transform_16, window_bounds = array<i64: 2000, 1>}]} {
    %get3A = arith.constant 0 : index
    %get3A_0 = arith.constant 0 : index
    %get3A_1 = arith.constant 0 : index
    %get3A_2 = vector.load %arg1[%get3A, %get3A_0, %get3A_1] : memref<2x2000x16xf32, #tpu.memory_space<vmem>>, vector<1x2000x1xf32>
    %get3A_3 = vector.shape_cast %get3A_2 : vector<1x2000x1xf32> to vector<2000x1xf32>
    %get3A_4 = arith.constant 1 : index
    %get3A_5 = arith.constant 0 : index
    %get3A_6 = arith.constant 0 : index
    %get3A_7 = vector.load %arg1[%get3A_4, %get3A_5, %get3A_6] : memref<2x2000x16xf32, #tpu.memory_space<vmem>>, vector<1x2000x1xf32>
    %get3A_8 = vector.shape_cast %get3A_7 : vector<1x2000x1xf32> to vector<2000x1xf32>
    %add3A = arith.addf %get3A_3, %get3A_8 : vector<2000x1xf32>
    %get3A_9 = arith.constant 0 : index
    %get3A_10 = arith.constant 0 : index
    %get3A_11 = vector.load %arg2[%get3A_9, %get3A_10] : memref<2000x16xf32, #tpu.memory_space<vmem>>, vector<2000x1xf32>
    %add3A_12 = arith.addf %add3A, %get3A_11 : vector<2000x1xf32>
    %get3A_13 = arith.constant 0 : index
    %get3A_14 = arith.constant 0 : index
    %get3A_15 = vector.load %arg3[%get3A_13, %get3A_14] : memref<2000x1xf32, #tpu.memory_space<vmem>>, vector<2000x1xf32>
    %mul3A = arith.mulf %add3A_12, %get3A_15 : vector<2000x1xf32>
    %get3A_16 = arith.constant 0 : index
    %get3A_17 = arith.constant 0 : index
    %get3A_18 = vector.load %arg4[%get3A_16, %get3A_17] : memref<1x1xf32, #tpu.memory_space<vmem>>, vector<1x1xf32>
    %add3A_19 = vector.broadcast %get3A_18 : vector<1x1xf32> to vector<2000x1xf32>
    %add3A_20 = arith.addf %mul3A, %add3A_19 : vector<2000x1xf32>
    %swap3A = arith.constant 0 : index
    %swap3A_21 = arith.constant 0 : index
    %swap3A_22 = vector.load %arg17[%swap3A, %swap3A_21] : memref<2000x1xf32, #tpu.memory_space<vmem>>, vector<2000x1xf32>
    tpu.vector_store %arg17[%swap3A, %swap3A_21], %add3A_20 {strides = array<i32>} : memref<2000x1xf32, #tpu.memory_space<vmem>>, vector<2000x1xf32>,
    %get3A_23 = arith.constant 0 : index
    %get3A_24 = arith.constant 0 : index
    %get3A_25 = vector.load %arg5[%get3A_23, %get3A_24] : memref<1x32xf32, #tpu.memory_space<vmem>>, vector<1x32xf32>
    %dot_general3A = arith.constant dense<0.000000e+00> : vector<2000x32xf32>
    %dot_general3A_26 = tpu.matmul %add3A_20, %get3A_25, %dot_general3A {dimension_numbers = #tpu.dot_dimension_numbers<[1], [0], [0], [1], [0, 0, 1, 1], [], []>, transpose_lhs_hint = false} : vector<2000x1xf32>, vector<1x32xf32>, vector<2000x32xf32> -> vector<2000x32xf32>
    %get3A_27 = arith.constant 0 : index
    %get3A_28 = arith.constant 0 : index
    %get3A_29 = vector.load %arg6[%get3A_27, %get3A_28] : memref<1x32xf32, #tpu.memory_space<vmem>>, vector<1x32xf32>
    %add3A_30 = vector.broadcast %get3A_29 : vector<1x32xf32> to vector<2000x32xf32>
    %add3A_31 = arith.addf %dot_general3A_26, %add3A_30 : vector<2000x32xf32>
    %max3A = arith.constant 0.000000e+00 : f32
    %max3A_32 = vector.broadcast %max3A : f32 to vector<2000x32xf32>
    %max3A_33 = arith.maximumf %add3A_31, %max3A_32 : vector<2000x32xf32>
    %get3A_34 = arith.constant 0 : index
    %get3A_35 = arith.constant 0 : index
    %get3A_36 = vector.load %arg7[%get3A_34, %get3A_35] : memref<32x64xf32, #tpu.memory_space<vmem>>, vector<32x64xf32>
    %dot_general3A_37 = arith.constant dense<0.000000e+00> : vector<2000x64xf32>
    %dot_general3A_38 = tpu.matmul %max3A_33, %get3A_36, %dot_general3A_37 {dimension_numbers = #tpu.dot_dimension_numbers<[1], [0], [0], [1], [0, 0, 1, 1], [], []>, transpose_lhs_hint = false} : vector<2000x32xf32>, vector<32x64xf32>, vector<2000x64xf32> -> vector<2000x64xf32>
    %get3A_39 = arith.constant 0 : index
    %get3A_40 = arith.constant 0 : index
    %get3A_41 = vector.load %arg8[%get3A_39, %get3A_40] : memref<1x64xf32, #tpu.memory_space<vmem>>, vector<1x64xf32>
    %add3A_42 = vector.broadcast %get3A_41 : vector<1x64xf32> to vector<2000x64xf32>
    %add3A_43 = arith.addf %dot_general3A_38, %add3A_42 : vector<2000x64xf32>
    %max3A_44 = arith.constant 0.000000e+00 : f32
    %max3A_45 = vector.broadcast %max3A_44 : f32 to vector<2000x64xf32>
    %max3A_46 = arith.maximumf %add3A_43, %max3A_45 : vector<2000x64xf32>
    %get3A_47 = arith.constant 0 : index
    %get3A_48 = arith.constant 0 : index
    %get3A_49 = vector.load %arg9[%get3A_47, %get3A_48] : memref<64x3xf32, #tpu.memory_space<vmem>>, vector<64x3xf32>
    %dot_general3A_50 = arith.constant dense<0.000000e+00> : vector<2000x3xf32>
    %dot_general3A_51 = tpu.matmul %max3A_46, %get3A_49, %dot_general3A_50 {dimension_numbers = #tpu.dot_dimension_numbers<[1], [0], [0], [1], [0, 0, 1, 1], [], []>, transpose_lhs_hint = false} : vector<2000x64xf32>, vector<64x3xf32>, vector<2000x3xf32> -> vector<2000x3xf32>
    %get3A_52 = arith.constant 0 : index
    %get3A_53 = arith.constant 0 : index
    %get3A_54 = vector.load %arg10[%get3A_52, %get3A_53] : memref<1x3xf32, #tpu.memory_space<vmem>>, vector<1x3xf32>
    %add3A_55 = vector.broadcast %get3A_54 : vector<1x3xf32> to vector<2000x3xf32>
    %add3A_56 = arith.addf %dot_general3A_51, %add3A_55 : vector<2000x3xf32>
    %swap3A_57 = arith.constant 0 : index
    %swap3A_58 = arith.constant 0 : index
    %swap3A_59 = vector.load %arg15[%swap3A_57, %swap3A_58] : memref<2000x3xf32, #tpu.memory_space<vmem>>, vector<2000x3xf32>
    tpu.vector_store %arg15[%swap3A_57, %swap3A_58], %add3A_56 {strides = array<i32>} : memref<2000x3xf32, #tpu.memory_space<vmem>>, vector<2000x3xf32>,
    %get3A_60 = arith.constant 0 : index
    %get3A_61 = arith.constant 0 : index
    %get3A_62 = vector.load %arg11[%get3A_60, %get3A_61] : memref<1x16xf32, #tpu.memory_space<vmem>>, vector<1x16xf32>
    %dot_general3A_63 = arith.constant dense<0.000000e+00> : vector<2000x16xf32>
    %dot_general3A_64 = tpu.matmul %add3A_20, %get3A_62, %dot_general3A_63 {dimension_numbers = #tpu.dot_dimension_numbers<[1], [0], [0], [1], [0, 0, 1, 1], [], []>, transpose_lhs_hint = false} : vector<2000x1xf32>, vector<1x16xf32>, vector<2000x16xf32> -> vector<2000x16xf32>
    %get3A_65 = arith.constant 0 : index
    %get3A_66 = arith.constant 0 : index
    %get3A_67 = vector.load %arg12[%get3A_65, %get3A_66] : memref<1x16xf32, #tpu.memory_space<vmem>>, vector<1x16xf32>
    %add3A_68 = vector.broadcast %get3A_67 : vector<1x16xf32> to vector<2000x16xf32>
    %add3A_69 = arith.addf %dot_general3A_64, %add3A_68 : vector<2000x16xf32>
    %max3A_70 = arith.constant 0.000000e+00 : f32
    %max3A_71 = vector.broadcast %max3A_70 : f32 to vector<2000x16xf32>
    %max3A_72 = arith.maximumf %add3A_69, %max3A_71 : vector<2000x16xf32>
    %get3A_73 = arith.constant 0 : index
    %get3A_74 = arith.constant 0 : index
    %get3A_75 = vector.load %arg13[%get3A_73, %get3A_74] : memref<16x1xf32, #tpu.memory_space<vmem>>, vector<16x1xf32>
    %dot_general3A_76 = arith.constant dense<0.000000e+00> : vector<2000x1xf32>
    %dot_general3A_77 = tpu.matmul %max3A_72, %get3A_75, %dot_general3A_76 {dimension_numbers = #tpu.dot_dimension_numbers<[1], [0], [0], [1], [0, 0, 1, 1], [], []>, transpose_lhs_hint = false} : vector<2000x16xf32>, vector<16x1xf32>, vector<2000x1xf32> -> vector<2000x1xf32>
    %get3A_78 = arith.constant 0 : index
    %get3A_79 = arith.constant 0 : index
    %get3A_80 = vector.load %arg14[%get3A_78, %get3A_79] : memref<1x1xf32, #tpu.memory_space<vmem>>, vector<1x1xf32>
    %add3A_81 = vector.broadcast %get3A_80 : vector<1x1xf32> to vector<2000x1xf32>
    %add3A_82 = arith.addf %dot_general3A_77, %add3A_81 : vector<2000x1xf32>
    %swap3A_83 = arith.constant 0 : index
    %swap3A_84 = arith.constant 0 : index
    %swap3A_85 = vector.load %arg16[%swap3A_83, %swap3A_84] : memref<2000x1xf32, #tpu.memory_space<vmem>>, vector<2000x1xf32>
    tpu.vector_store %arg16[%swap3A_83, %swap3A_84], %add3A_82 {strides = array<i32>} : memref<2000x1xf32, #tpu.memory_space<vmem>>, vector<2000x1xf32>,
    return
  }
  func.func @transform_0(%arg0: i32) -> (i32, i32, i32) {
    %c0_i32 = arith.constant 0 : i32
    %c0_i32_0 = arith.constant 0 : i32
    %c0_i32_1 = arith.constant 0 : i32
    return %c0_i32, %arg0, %c0_i32_0 : i32, i32, i32
  }
  func.func @transform_1(%arg0: i32) -> (i32, i32) {
    %c0_i32 = arith.constant 0 : i32
    %c0_i32_0 = arith.constant 0 : i32
    return %arg0, %c0_i32 : i32, i32
  }
  func.func @transform_2(%arg0: i32) -> (i32, i32) {
    %c0_i32 = arith.constant 0 : i32
    %c0_i32_0 = arith.constant 0 : i32
    return %arg0, %c0_i32 : i32, i32
  }
  func.func @transform_3(%arg0: i32) -> (i32, i32) {
    %c0_i32 = arith.constant 0 : i32
    %c0_i32_0 = arith.constant 0 : i32
    %c0_i32_1 = arith.constant 0 : i32
    return %c0_i32, %c0_i32_0 : i32, i32
  }
  func.func @transform_4(%arg0: i32) -> (i32, i32) {
    %c0_i32 = arith.constant 0 : i32
    %c0_i32_0 = arith.constant 0 : i32
    %c0_i32_1 = arith.constant 0 : i32
    return %c0_i32, %c0_i32_0 : i32, i32
  }
  func.func @transform_5(%arg0: i32) -> (i32, i32) {
    %c0_i32 = arith.constant 0 : i32
    %c0_i32_0 = arith.constant 0 : i32
    %c0_i32_1 = arith.constant 0 : i32
    return %c0_i32, %c0_i32_0 : i32, i32
  }
  func.func @transform_6(%arg0: i32) -> (i32, i32) {
    %c0_i32 = arith.constant 0 : i32
    %c0_i32_0 = arith.constant 0 : i32
    %c0_i32_1 = arith.constant 0 : i32
    return %c0_i32, %c0_i32_0 : i32, i32
  }
  func.func @transform_7(%arg0: i32) -> (i32, i32) {
    %c0_i32 = arith.constant 0 : i32
    %c0_i32_0 = arith.constant 0 : i32
    %c0_i32_1 = arith.constant 0 : i32
    return %c0_i32, %c0_i32_0 : i32, i32
  }
  func.func @transform_8(%arg0: i32) -> (i32, i32) {
    %c0_i32 = arith.constant 0 : i32
    %c0_i32_0 = arith.constant 0 : i32
    %c0_i32_1 = arith.constant 0 : i32
    return %c0_i32, %c0_i32_0 : i32, i32
  }
  func.func @transform_9(%arg0: i32) -> (i32, i32) {
    %c0_i32 = arith.constant 0 : i32
    %c0_i32_0 = arith.constant 0 : i32
    %c0_i32_1 = arith.constant 0 : i32
    return %c0_i32, %c0_i32_0 : i32, i32
  }
  func.func @transform_10(%arg0: i32) -> (i32, i32) {
    %c0_i32 = arith.constant 0 : i32
    %c0_i32_0 = arith.constant 0 : i32
    %c0_i32_1 = arith.constant 0 : i32
    return %c0_i32, %c0_i32_0 : i32, i32
  }
  func.func @transform_11(%arg0: i32) -> (i32, i32) {
    %c0_i32 = arith.constant 0 : i32
    %c0_i32_0 = arith.constant 0 : i32
    %c0_i32_1 = arith.constant 0 : i32
    return %c0_i32, %c0_i32_0 : i32, i32
  }
  func.func @transform_12(%arg0: i32) -> (i32, i32) {
    %c0_i32 = arith.constant 0 : i32
    %c0_i32_0 = arith.constant 0 : i32
    %c0_i32_1 = arith.constant 0 : i32
    return %c0_i32, %c0_i32_0 : i32, i32
  }
  func.func @transform_13(%arg0: i32) -> (i32, i32) {
    %c0_i32 = arith.constant 0 : i32
    %c0_i32_0 = arith.constant 0 : i32
    %c0_i32_1 = arith.constant 0 : i32
    return %c0_i32, %c0_i32_0 : i32, i32
  }
  func.func @transform_14(%arg0: i32) -> (i32, i32) {
    %c0_i32 = arith.constant 0 : i32
    %c0_i32_0 = arith.constant 0 : i32
    return %arg0, %c0_i32 : i32, i32
  }
  func.func @transform_15(%arg0: i32) -> (i32, i32) {
    %c0_i32 = arith.constant 0 : i32
    %c0_i32_0 = arith.constant 0 : i32
    return %arg0, %c0_i32 : i32, i32
  }
  func.func @transform_16(%arg0: i32) -> (i32, i32) {
    %c0_i32 = arith.constant 0 : i32
    %c0_i32_0 = arith.constant 0 : i32
    return %arg0, %c0_i32 : i32, i32
  }
}

</mosaic_0001>

<sc_bundles>
// kernel: kernel.12.cloned.1.call-start
scs
__scs_entry_jumppad:
0x0: {  	(pc) =	sbr.rel $0x88, $3  }
0x1: {  	(tag) =	ssettag $0x0;
	lr =	simm.s32 $0x1  }
0x2: {  	[smem:$0x3F87] =	sst lr;
	_ =	strace $0xD0000000  }
0x3: {  	_ = 	snop  }
0x4: {  	_ = 	snop  }
0x5: {  	_ = 	snop  }
0x6: {  	_ = 	snop  }
0x7: {  	_ = 	snop  }
__scs_overlays_trampoline_lowered:
0x8: {  	[smem:$0x3F96] =	sst s0  }
0x9: {  	[smem:$0x3F97] =	sst s1  }
0xa: {  	[smem:$0x3F98] =	sst s2  }
0xb: {  	[smem:$0x3F99] =	sst s3  }
0xc: {  	[smem:$0x3F9A] =	sst s4  }
0xd: {  	[smem:$0x3F9B] =	sst s5  }
0xe: {  	[smem:$0x3F9C] =	sst s6  }
0xf: {  	[smem:$0x3F9D] =	sst s7  }
0x10: {  	[smem:$0x3F9E] =	sst s8  }
0x11: {  	[smem:$0x3F9F] =	sst s9;
	s0 =	simm.s32 @!p0 $0x0  }
0x12: {  	s1 =	sld [smem:$0x3F85];
	s0 =	simm.s32 @p0 $0x1  }
0x13: {  	[smem:$0x3FA0] =	sst s0;
	s0 =	simm.s32 @!p1 $0x0  }
0x14: {  	s2 =	sld [smem:$0x3F84];
	s0 =	simm.s32 @p1 $0x1  }
0x15: {  	[smem:$0x3FA1] =	sst s0;
	s0 =	simm.s32 @!p2 $0x0  }
0x16: {  	s3 =	sld [smem:$0x3FDB];
	s0 =	simm.s32 @p2 $0x1  }
0x17: {  	s4 =	simm.s32 $0x1BF5;
	[smem:$0x3FA3] =	sst s0  }
0x18: {  	s0 =	sld [smem:$0x3F86];
	_ =	swait.ge [sflag:s4], $0x0  }
0x19: {  	s7 =	sld [smem:$0x3F87]  }
0x1a: {  	s8 =	sadd.s32 $0xFFFFE003, lr  }
0x1b: {  	s9 =	sadd.s32 $0xFFFFFEF7, lr;
	s5 =	simm.s32 $0xFFFFFFFF;
	p2 =	slt.u32 s8, $0xFFFFF086  }
0x1c: {  	p1 =	slt.u32 s9, $0xF7A;
	s5 =	simm.s32 @!p2 $0x0  }
0x1d: {  	s5 =	simm.s32 @p1 $0x1;
	p0 =	seq.s32 s7, s2  }
0x1e: {  	s7 =	smul.u32 @!p0 $0xF7A, s2;
	p2 =	seq.s32 @!p0 s5, $0x0  }
0x1f: {  	s9 =	smul.u32 $0xF7A, s1;
	s8 =	simm.s32 @!p0 $0x1BF5;
	p2 =	por !p2, p0  }
0x20: {  	[sflag:s8] =	ssyncset.s32 @!p0 $0xFFFFF086;
	s6 =	sadd.s32 @!p0 s3, s7;
	s7 =	simm.s32 @!p0 $0x108  }
0x21: {  	s3 =	sadd.s32 s3, s9;
	s6 =	sadd.s32 @!p0 $0x88, s6;
	s7 =	simm.s32 @p2 $0x1082  }
0x22: {  	[simem:s7], [sflag:s8] =	dma.local @!p0 [hbm:s6], $0xF7A  }
0x23: {  	s9 =	sor.u32 $0xD0000000, s2;
	s6 =	simm.s32 $0x108;
	_ =	swait.ge @!p0 [sflag:s8], $0x0  }
0x24: {  	s3 =	sadd.s32 $0x88, s3;
	s6 =	simm.s32 @!p1 $0x1082;
	[sflag:s4] =	ssyncset.s32 $0xFFFFF086  }
0x25: {  	[simem:s6], [sflag:s4] =	dma.local [hbm:s3], $0xF7A  }
0x26: {  	[smem:$0x3F87] =	sst s1;
	(tag) =	ssettag s2;
	_ =	strace s9  }
0x27: {  	s1 =	sld [smem:$0x3F97]  }
0x28: {  	s2 =	sld [smem:$0x3F98]  }
0x29: {  	s4 =	sld [smem:$0x3F9A]  }
0x2a: {  	p0 =	seq.s32 s5, $0x0;
	s5 =	sld [smem:$0x3F9B]  }
0x2b: {  	s6 =	sld [smem:$0x3F9C]  }
0x2c: {  	s7 =	sld [smem:$0x3F9D]  }
0x2d: {  	s3 =	simm.s32 $0x108;
	s8 =	sld [smem:$0x3F9E]  }
0x2e: {  	s3 =	simm.s32 @!p0 $0x1082;
	s9 =	sld [smem:$0x3F9F]  }
0x2f: {  	lr =	sadd.s32 s0, s3;
	s0 =	sld [smem:$0x3F96]  }
0x30: {  	s3 =	sld [smem:$0x3F99]  }
0x31: {  	[smem:$0x3FA2] =	sst s10  }
0x32: {  	s10 =	sld [smem:$0x3FA0];
	_ =	sdelay $0x3  }
0x33: {  	p0 =	seq.s32 s10, $0x1;
	s10 =	sld [smem:$0x3FA2];
	_ =	sdelay $0x3  }
0x34: {  	[smem:$0x3FA2] =	sst s10  }
0x35: {  	s10 =	sld [smem:$0x3FA1];
	_ =	sdelay $0x3  }
0x36: {  	p1 =	seq.s32 s10, $0x1;
	s10 =	sld [smem:$0x3FA2];
	_ =	sdelay $0x3  }
0x37: {  	[smem:$0x3FA2] =	sst s10  }
0x38: {  	s10 =	sld [smem:$0x3FA3]  }
0x39: {  	_ = 	snop;
	(pc) =	sbr.ind lr, $3  }
0x3a: {  	_ = 	snop  }
0x3b: {  	_ = 	snop  }
0x3c: {  	p2 =	seq.s32 s10, $0x1;
	s10 =	sld [smem:$0x3FA2]  }
0x3d: {  	_ =	shalt  }
0x3e: {  	_ =	shalt  }
0x3f: {  	_ =	shalt  }
0x40: {  	_ =	shalt  }
0x41: {  	_ =	shalt  }
0x42: {  	_ =	shalt  }
0x43: {  	_ =	shalt  }
0x44: {  	_ =	shalt  }
0x45: {  	_ =	shalt  }
0x46: {  	_ =	shalt  }
0x47: {  	_ =	shalt  }
0x48: {  	_ =	shalt  }
0x49: {  	_ =	shalt  }
0x4a: {  	_ =	shalt  }
0x4b: {  	_ =	shalt  }
0x4c: {  	_ =	shalt  }
0x4d: {  	_ =	shalt  }
0x4e: {  	_ =	shalt  }
0x4f: {  	_ =	shalt  }
0x50: {  	_ =	shalt  }
0x51: {  	_ =	shalt  }
0x52: {  	_ =	shalt  }
0x53: {  	_ =	shalt  }
0x54: {  	_ =	shalt  }
0x55: {  	_ =	shalt  }
0x56: {  	_ =	shalt  }
0x57: {  	_ =	shalt  }
0x58: {  	_ =	shalt  }
0x59: {  	_ =	shalt  }
0x5a: {  	_ =	shalt  }
0x5b: {  	_ =	shalt  }
0x5c: {  	_ =	shalt  }
0x5d: {  	_ =	shalt  }
0x5e: {  	_ =	shalt  }
0x5f: {  	_ =	shalt  }
0x60: {  	_ =	shalt  }
0x61: {  	_ =	shalt  }
0x62: {  	_ =	shalt  }
0x63: {  	_ =	shalt  }
0x64: {  	_ =	shalt  }
0x65: {  	_ =	shalt  }
0x66: {  	_ =	shalt  }
0x67: {  	_ =	shalt  }
0x68: {  	_ =	shalt  }
0x69: {  	_ =	shalt  }
0x6a: {  	_ =	shalt  }
0x6b: {  	_ =	shalt  }
0x6c: {  	_ =	shalt  }
0x6d: {  	_ =	shalt  }
0x6e: {  	_ =	shalt  }
0x6f: {  	_ =	shalt  }
0x70: {  	_ =	shalt  }
0x71: {  	_ =	shalt  }
0x72: {  	_ =	shalt  }
0x73: {  	_ =	shalt  }
0x74: {  	_ =	shalt  }
0x75: {  	_ =	shalt  }
0x76: {  	_ =	shalt  }
0x77: {  	_ =	shalt  }
0x78: {  	_ =	shalt  }
0x79: {  	_ =	shalt  }
0x7a: {  	_ =	shalt  }
0x7b: {  	_ =	shalt  }
0x7c: {  	_ =	shalt  }
0x7d: {  	_ =	shalt  }
0x7e: {  	_ =	shalt  }
0x7f: {  	_ =	shalt  }
0x80: {  	_ =	shalt  }
0x81: {  	_ =	shalt  }
0x82: {  	_ =	shalt  }
0x83: {  	_ =	shalt  }
0x84: {  	_ =	shalt  }
0x85: {  	_ =	shalt  }
0x86: {  	_ =	shalt  }
0x87: {  	_ =	shalt  }
.Lfunc_end0:
.L_simem_size_0:
called_computation_lowered:
.L_overlay_start_0:
0x88: {  	s2 =	sld [smem:$0x3FD9]  }
0x89: {  	s3 =	sld [smem:$0x3FFE];
	_ =	sdelay $0x1  }
0x8a: {  	s1 =	srdreg.scid  }
0x8b: {  	s0 =	sand.u32 $0x1, s1  }
0x8c: {  	s14 =	sshll.u32 s0, $0xA;
	s2 =	sadd.s32 s3, s2  }
0x8d: {  	s2 =	sadd.s32 s2, s14  }
0x8e: {  	[smem:$0x3FAE] =	sst s2  }
0x8f: {  	_ = 	snop  }
0x90: {  	s2 =	sld [smem:$0x3FD0];
	_ =	sdelay $0x2  }
0x91: {  	s15 =	simm.s32 $0xA;
	s4 =	simm.s32 $0x10  }
0x92: {  	[smem:s4], [sflag:s15] =	dma.local [hbm:s2], $0x1  }
0x93: {  	_ =	swait.eq [sflag:s15], $0x1  }
0x94: {  	[sflag:s15] =	ssyncset.done $0x0  }
0x95: {  	[sflag:s15] =	ssyncadd.s32 $0xFFFFFFFF  }
0x96: {  	s16 =	sld [smem:$0x12];
	(tm) =	ssettm $0x1  }
0x97: {  	s17 =	sld [smem:$0x3FFB];
	_ =	sdelay $0x3  }
0x98: {  	_ =	strace s17  }
0x99: {  	s3 =	sld [smem:$0x3FFC];
	_ =	sdelay $0x3  }
0x9a: {  	_ =	strace s3  }
0x9b: {  	s3 =	sld [smem:$0x3FFD];
	_ =	sdelay $0x3  }
0x9c: {  	_ =	strace s3  }
0x9d: {  	_ =	strace $0x8FFFFFFF  }
0x9e: {  	s18 =	sld [smem:$0x3FDB];
	_ =	sdelay $0x1  }
0x9f: {  	s19 =	simm.s32 $_scs_section_size  }
0xa0: {  	s5 =	simm.s32 $_size__tile_overlayer_lowered;
	s6 =	simm.s32 $_tile_overlayer_lowered  }
0xa1: {  	s22 =	simm.s32 $0x1BFF;
	s21 =	sshll.u32 s6, $0x1;
	s3 =	sadd.s32 s19, s18  }
0xa2: {  	s7 =	simm.s32 $0x0;
	s20 =	sshll.u32 s5, $0x1;
	s5 =	sadd.s32 s21, s3  }
0xa3: {  	[timem:s7], [sflag:s22] =	dma.local [hbm:s5], s20  }
0xa4: {  	_ =	swait.ge [sflag:s22], s20  }
0xa5: {  	s4 =	ssub.s32 $0x0, s20;
	[sflag:s22] =	ssyncset.done $0x0  }
0xa6: {  	[sflag:s22] =	ssyncadd.s32 s4;
	_ =	sdelay $0x1  }
0xa7: {  	s23 =	simm.s32 $0x1B8B  }
0xa8: {  	_ =	swait.ge [sflag:s23], $0x1  }
0xa9: {  	[sflag:s23] =	ssyncset.done $0x0  }
0xaa: {  	s25 =	simm.s32 $0x1B8E;
	s24 =	sld [smem:$0x3FFE];
	[sflag:s23] =	ssyncadd.s32 $0xFFFFFFFF  }
0xab: {  	s26 =	simm.s32 $execute0_lowered;
	[smem:$0x3FD2] =	sst s25  }
0xac: {  	s5 =	sshll.u32 s26, $0x1;
	_ =	strace $0x80000046;
	[dreg:$0x1] =	wrdreg $0xFFFFFFFF  }
0xad: {  	s28 =	simm.s32 $_size_execute0_lowered;
	s3 =	sadd.s32 s3, s5;
	[dreg:$0x0] =	wrdreg $0x0  }
0xae: {  	s5 =	sshll.u32 s28, $0x1;
	[dreg:$0x2] =	wrdreg s3  }
0xaf: {  	[dreg:$0x3] =	wrdreg s5  }
0xb0: {  	[dreg:$0x4] =	wrdreg $0xC0  }
0xb1: {  	_ =	task [dreg:s7], $0x5FFFF  }
0xb2: {  	[dreg:$0x1] =	wrdreg $0xFFFFFFFF  }
0xb3: {  	[dreg:$0x0] =	wrdreg $0x60  }
0xb4: {  	[dreg:$0x2] =	wrdreg s24  }
0xb5: {  	[dreg:$0x3] =	wrdreg s16  }
0xb6: {  	[dreg:$0x4] =	wrdreg $0xC000  }
0xb7: {  	[dreg:$0x5] =	wrdreg $0x9  }
0xb8: {  	_ =	task.clear_ibuf [dreg:s7], $0x6FFFF;
	_ =	strace $0x90000046  }
0xb9: {  	s29 =	simm.s32 $0x9;
	_ =	strace $0x80000048  }
0xba: {  	_ =	swait.ge [sflag:s29], $0x1  }
0xbb: {  	[sflag:s29] =	ssyncadd.s32 $0xFFFFFFFF  }
0xbc: {  	_ =	strace $0x90000048  }
0xbd: {  	_ =	sfence  }
0xbe: {  	s30 =	sld [smem:$0x0];
	_ =	sdelay $0x2  }
0xbf: {  	s31 =	sshll.u32 s1, $0xD;
	s1 =	sshrl.u32 s1, $0x2  }
0xc0: {  	s3 =	sand.u32 $0x4000, s31;
	s1 =	sadd.s32 s1, s30  }
0xc1: {  	s0 =	sor.u32 s3, s0;
	s1 =	sshll.u32 s1, $0x11  }
0xc2: {  	s0 =	sor.u32 s1, s0  }
0xc3: {  	s0 =	sadd.s32 $0x8F2B, s0  }
0xc4: {  	[sflag:s0] =	ssyncadd.remote.s32 $0x1  }
0xc5: {  	_ =	sfence.sel $0xFFFF  }
0xc6: {  	[dreg:$0x0] =	wrdreg $0xFFFFFFFF;
	(pc) =	sbr.abs _section_cstart, $3  }
0xc7: {  	[dreg:$0x1] =	wrdreg $0xFFFFFFFF  }
0xc8: {  	_ =	task.clear_ibuf [dreg:s7], $0x2FFFF;
	_ =	strace $0x9FFFFFFF  }
0xc9: {  	(tm) =	ssettm $0x7FFFFFFF  }
tec
execute0_lowered:
.L_overlay_start_1:
0x0: {  	(tag) =	ssettag $0x1  }
0x1: {  	s0 =	rddreg [dreg:$0x0]  }
0x2: {  	s2 =	rddreg [dreg:$0x1]  }
0x3: {  	s3 =	rddreg [dreg:$0x2]  }
0x4: {  	s4 =	simm.s32 $0x0;
	s1 =	stileid.u32;
	s5 =	srdreg.scid  }
0x5: {  	s15 =	simm.s32 $0x200;
	s16 =	simm.s32 $0x6;
	s17 =	simm.s32 $0x80  }
0x6: {  	s18 =	simm.s32 $0x100;
	s19 =	simm.s32 $0x180;
	s20 =	simm.s32 $0x1  }
0x7: {  	s21 =	simm.s32 $0x2;
	s22 =	simm.s32 $0x3;
	s28 =	simm.s32 $0x300  }
0x8: {  	s29 =	simm.s32 $0x380;
	s30 =	simm.s32 $0x0;
	s6 =	smul.u32 $0x18700, s1  }
0x9: {  	[smem:$0x7FF] =	sst s4;
	s5 =	sand.u32 $0x1, s5;
	s11 =	smul.u32 $0x310, s1  }
0xa: {  	s8 =	sadd.s32 $0x4000, s0;
	s31 =	sshll.u32 s1, $0x6;
	s7 =	smul.u32 $0x30E00, s5  }
0xb: {  	_ =	strace $0x80000047;
	s9 =	sshll.u32 s5, $0x4;
	s10 =	smul.u32 $0x3100, s5  }
0xc: {  	s5 =	ssub.s32 $0x2, s5;
	s24 =	sshrl.u32 s6, $0x3;
	s9 =	sor.u32 s1, s9  }
0xd: {  	s13 =	sshrl.u32 s5, $0x1;
	s14 =	sadd.s32 s6, s3;
	s12 =	sadd.s32 s24, s0  }
0xe: {  	s9 =	smul.u32 $0x3100, s9;
	s0 =	sadd.s32 s7, s0;
	s13 =	ssub.s32 s5, s13  }
0xf: {  	s23 =	sadd.s32 s11, s10;
	s11 =	simm.s32 $0x400;
	s14 =	sshrl.u32 s14, $0x3  }
0x10: {  	s25 =	sshll.u32 s23, $0x4;
	s6 =	sadd.s32 $0x66000, s12;
	s0 =	sadd.s32 $0x96E00, s0  }
0x11: {  	s12 =	simm.s32 $0x7;
	s23 =	simm.s32 $0x4;
	s5 =	sadd.s32 s8, s9  }
0x12: {  	s26 =	sadd.s32 s25, s8;
	s8 =	smax.u32 s13, $0x1;
	s13 =	sor.u32 $0x1C07, s31  }
0x13: {  	s24 =	sadd.s32 s24, s0;
	s25 =	simm.s32 $0x5;
	s7 =	sadd.s32 $0x40, s5  }
0x14: {  	s9 =	sadd.s32 $0xC0, s26;
	s10 =	sadd.s32 $0x80, s26;
	s26 =	simm.s32 $0x280  }
.LBB2_1:
0x15: {  	[tilespmem:s11], [sflag:$0x7] =	stream.linear.gather [hbm4b:s2+s4], $0x800, $0x38;
	[tilespmem:$0x19300] =	vst v63  }
0x16: {  	_ =	swait.ge [sflag:s12], $0x800  }
0x17: {  	[sflag:s12] =	ssyncset.done $0x0  }
0x18: {  	[sflag:s12] =	ssyncadd.s32 $0xFFFFF800  }
0x19: {  	[spmem:s14], [sflag:s13] =	dma.local [hbm:s6], $0x30E0  }
0x1a: {  	_ =	swait.ge [sflag:s12], $0x30E0  }
0x1b: {  	[sflag:s12] =	ssyncset.done $0x0  }
0x1c: {  	[sflag:s12] =	ssyncadd.s32 $0xFFFFCF20  }
0x1d: {  	[bflag:$0x0] =	sbarrier.arrive $0xFFFF  }
0x1e: {  	[tilespmem:s4], [sflag:$0x7] =	stream.linear.gather [hbm4b:s5+s4], $0x200, $0x38;
	[tilespmem:$0x19300] =	vst v63  }
0x1f: {  	_ =	swait.ge [sflag:s12], $0x200  }
0x20: {  	[sflag:s12] =	ssyncset.done $0x0  }
0x21: {  	[sflag:s12] =	ssyncadd.s32 $0xFFFFFE00  }
0x22: {  	[tilespmem:s15], [sflag:$0x6] =	stream.linear.gather [hbm4b:s7+s4], $0x200, $0x38;
	[tilespmem:$0x19300] =	vst v63  }
0x23: {  	_ =	swait.ge [sflag:s16], $0x200  }
0x24: {  	[sflag:s16] =	ssyncset.done $0x0  }
0x25: {  	[sflag:s16] =	ssyncadd.s32 $0xFFFFFE00  }
0x26: {  	[spmem:s3] =	stream.indirect.scatter.add.f32 [tilespmem:s11], [sflag:$0x1], $0x10, s4, s17, $0xb8;
	[tilespmem:$0x19300] =	vst v63  }
0x27: {  	_ = 	snop  }
0x28: {  	[spmem:s3] =	stream.indirect.scatter.add.f32 [tilespmem:s11], [sflag:$0x2], $0x10, s17, s17, $0xb8;
	[tilespmem:$0x19300] =	vst v63  }
0x29: {  	_ = 	snop  }
0x2a: {  	[spmem:s3] =	stream.indirect.scatter.add.f32 [tilespmem:s11], [sflag:$0x3], $0x10, s18, s17, $0xb8;
	[tilespmem:$0x19300] =	vst v63  }
0x2b: {  	_ = 	snop  }
0x2c: {  	[spmem:s3] =	stream.indirect.scatter.add.f32 [tilespmem:s11], [sflag:$0x4], $0x10, s19, s17, $0xb8;
	[tilespmem:$0x19300] =	vst v63  }
0x2d: {  	_ =	swait.ge [sflag:s20], $0x800  }
0x2e: {  	[sflag:s20] =	ssyncset.done $0x0  }
0x2f: {  	[sflag:s20] =	ssyncadd.s32 $0xFFFFF800  }
0x30: {  	_ =	swait.ge [sflag:s21], $0x800  }
0x31: {  	[sflag:s21] =	ssyncset.done $0x0  }
0x32: {  	[sflag:s21] =	ssyncadd.s32 $0xFFFFF800  }
0x33: {  	_ =	swait.ge [sflag:s22], $0x800  }
0x34: {  	[sflag:s22] =	ssyncset.done $0x0  }
0x35: {  	[sflag:s22] =	ssyncadd.s32 $0xFFFFF800  }
0x36: {  	_ =	swait.ge [sflag:s23], $0x800  }
0x37: {  	[sflag:s23] =	ssyncset.done $0x0  }
0x38: {  	s0 =	sadd.s32 $0x0, s10;
	[sflag:s23] =	ssyncadd.s32 $0xFFFFF800  }
0x39: {  	[tilespmem:s4], [sflag:$0x5] =	stream.linear.gather [hbm4b:s0+s4], $0x200, $0x38;
	[tilespmem:$0x19300] =	vst v63  }
0x3a: {  	_ =	swait.ge [sflag:s25], $0x200  }
0x3b: {  	[sflag:s25] =	ssyncset.done $0x0  }
0x3c: {  	[sflag:s25] =	ssyncadd.s32 $0xFFFFFE00  }
0x3d: {  	[spmem:s3] =	stream.indirect.scatter.add.f32 [tilespmem:s11], [sflag:$0x1], $0x10, s15, s17, $0xb8;
	[tilespmem:$0x19300] =	vst v63  }
0x3e: {  	_ = 	snop  }
0x3f: {  	[spmem:s3] =	stream.indirect.scatter.add.f32 [tilespmem:s11], [sflag:$0x2], $0x10, s26, s17, $0xb8;
	[tilespmem:$0x19300] =	vst v63  }
0x40: {  	_ = 	snop  }
0x41: {  	[spmem:s3] =	stream.indirect.scatter.add.f32 [tilespmem:s11], [sflag:$0x3], $0x10, s28, s17, $0xb8;
	[tilespmem:$0x19300] =	vst v63  }
0x42: {  	_ = 	snop  }
0x43: {  	[spmem:s3] =	stream.indirect.scatter.add.f32 [tilespmem:s11], [sflag:$0x4], $0x10, s29, s17, $0xb8;
	[tilespmem:$0x19300] =	vst v63  }
0x44: {  	_ =	swait.ge [sflag:s20], $0x800  }
0x45: {  	[sflag:s20] =	ssyncset.done $0x0  }
0x46: {  	[sflag:s20] =	ssyncadd.s32 $0xFFFFF800  }
0x47: {  	_ =	swait.ge [sflag:s21], $0x800  }
0x48: {  	[sflag:s21] =	ssyncset.done $0x0  }
0x49: {  	[sflag:s21] =	ssyncadd.s32 $0xFFFFF800  }
0x4a: {  	_ =	swait.ge [sflag:s22], $0x800  }
0x4b: {  	[sflag:s22] =	ssyncset.done $0x0  }
0x4c: {  	[sflag:s22] =	ssyncadd.s32 $0xFFFFF800  }
0x4d: {  	_ =	swait.ge [sflag:s23], $0x800  }
0x4e: {  	[sflag:s23] =	ssyncset.done $0x0  }
0x4f: {  	s31 =	simm.s32 $0x80;
	s0 =	sadd.s32 $0x0, s9;
	[sflag:s23] =	ssyncadd.s32 $0xFFFFF800  }
.LBB2_2:
0x50: {  	[tilespmem:s15], [sflag:$0x6] =	stream.linear.gather [hbm4b:s0+s4], $0x200, $0x38;
	[tilespmem:$0x19300] =	vst v63  }
0x51: {  	s0 =	smov.u32 s31  }
0x52: {  	p0 =	sne.s32 s31, $0x3000;
	s31 =	sadd.s32 $0x80, s31;
	_ =	swait.ge [sflag:s16], $0x200  }
0x53: {  	[sflag:s16] =	ssyncset.done $0x0  }
0x54: {  	[sflag:s16] =	ssyncadd.s32 $0xFFFFFE00  }
0x55: {  	[spmem:s3] =	stream.indirect.scatter.add.f32 [tilespmem:s11], [sflag:$0x1], $0x10, s4, s17, $0xb8;
	[tilespmem:$0x19300] =	vst v63  }
0x56: {  	_ = 	snop  }
0x57: {  	[spmem:s3] =	stream.indirect.scatter.add.f32 [tilespmem:s11], [sflag:$0x2], $0x10, s17, s17, $0xb8;
	[tilespmem:$0x19300] =	vst v63  }
0x58: {  	_ = 	snop  }
0x59: {  	[spmem:s3] =	stream.indirect.scatter.add.f32 [tilespmem:s11], [sflag:$0x3], $0x10, s18, s17, $0xb8;
	[tilespmem:$0x19300] =	vst v63  }
0x5a: {  	_ = 	snop  }
0x5b: {  	[spmem:s3] =	stream.indirect.scatter.add.f32 [tilespmem:s11], [sflag:$0x4], $0x10, s19, s17, $0xb8;
	[tilespmem:$0x19300] =	vst v63  }
0x5c: {  	_ =	swait.ge [sflag:s20], $0x800  }
0x5d: {  	[sflag:s20] =	ssyncset.done $0x0  }
0x5e: {  	[sflag:s20] =	ssyncadd.s32 $0xFFFFF800  }
0x5f: {  	_ =	swait.ge [sflag:s21], $0x800  }
0x60: {  	[sflag:s21] =	ssyncset.done $0x0  }
0x61: {  	[sflag:s21] =	ssyncadd.s32 $0xFFFFF800  }
0x62: {  	_ =	swait.ge [sflag:s22], $0x800  }
0x63: {  	[sflag:s22] =	ssyncset.done $0x0  }
0x64: {  	[sflag:s22] =	ssyncadd.s32 $0xFFFFF800  }
0x65: {  	_ =	swait.ge [sflag:s23], $0x800  }
0x66: {  	[sflag:s23] =	ssyncset.done $0x0  }
0x67: {  	s1 =	sadd.s32 s0, s10;
	[sflag:s23] =	ssyncadd.s32 $0xFFFFF800  }
0x68: {  	[tilespmem:s4], [sflag:$0x5] =	stream.linear.gather [hbm4b:s1+s4], $0x200, $0x38;
	[tilespmem:$0x19300] =	vst v63  }
0x69: {  	_ =	swait.ge [sflag:s25], $0x200  }
0x6a: {  	[sflag:s25] =	ssyncset.done $0x0  }
0x6b: {  	[sflag:s25] =	ssyncadd.s32 $0xFFFFFE00  }
0x6c: {  	[spmem:s3] =	stream.indirect.scatter.add.f32 [tilespmem:s11], [sflag:$0x1], $0x10, s15, s17, $0xb8;
	[tilespmem:$0x19300] =	vst v63  }
0x6d: {  	_ = 	snop  }
0x6e: {  	[spmem:s3] =	stream.indirect.scatter.add.f32 [tilespmem:s11], [sflag:$0x2], $0x10, s26, s17, $0xb8;
	[tilespmem:$0x19300] =	vst v63  }
0x6f: {  	_ = 	snop  }
0x70: {  	[spmem:s3] =	stream.indirect.scatter.add.f32 [tilespmem:s11], [sflag:$0x3], $0x10, s28, s17, $0xb8;
	[tilespmem:$0x19300] =	vst v63  }
0x71: {  	_ = 	snop  }
0x72: {  	[spmem:s3] =	stream.indirect.scatter.add.f32 [tilespmem:s11], [sflag:$0x4], $0x10, s29, s17, $0xb8;
	[tilespmem:$0x19300] =	vst v63  }
0x73: {  	_ =	swait.ge [sflag:s20], $0x800  }
0x74: {  	[sflag:s20] =	ssyncset.done $0x0  }
0x75: {  	[sflag:s20] =	ssyncadd.s32 $0xFFFFF800  }
0x76: {  	_ =	swait.ge [sflag:s21], $0x800  }
0x77: {  	[sflag:s21] =	ssyncset.done $0x0  }
0x78: {  	[sflag:s21] =	ssyncadd.s32 $0xFFFFF800  }
0x79: {  	_ =	swait.ge [sflag:s22], $0x800  }
.Ltmp0:
0x7a: {  	[sflag:s22] =	ssyncset.done $0x0;
	(pc) =	sbr.rel @p0 .LBB2_2-.Ltmp0, $4  }
0x7b: {  	[sflag:s22] =	ssyncadd.s32 $0xFFFFF800  }
0x7c: {  	_ =	swait.ge [sflag:s23], $0x800  }
0x7d: {  	[sflag:s23] =	ssyncset.done $0x0  }
0x7e: {  	s0 =	sadd.s32 s0, s9;
	[sflag:s23] =	ssyncadd.s32 $0xFFFFF800  }
0x7f: {  	[tilespmem:s15], [sflag:$0x6] =	stream.linear.gather [hbm4b:s0+s4], $0x200, $0x38;
	[tilespmem:$0x19300] =	vst v63  }
0x80: {  	_ =	swait.ge [sflag:s16], $0x200  }
0x81: {  	[sflag:s16] =	ssyncset.done $0x0  }
0x82: {  	[sflag:s16] =	ssyncadd.s32 $0xFFFFFE00  }
0x83: {  	[spmem:s3] =	stream.indirect.scatter.add.f32 [tilespmem:s11], [sflag:$0x1], $0x10, s4, s17, $0xb8;
	[tilespmem:$0x19300] =	vst v63  }
0x84: {  	_ = 	snop  }
0x85: {  	[spmem:s3] =	stream.indirect.scatter.add.f32 [tilespmem:s11], [sflag:$0x2], $0x10, s17, s17, $0xb8;
	[tilespmem:$0x19300] =	vst v63  }
0x86: {  	_ = 	snop  }
0x87: {  	[spmem:s3] =	stream.indirect.scatter.add.f32 [tilespmem:s11], [sflag:$0x3], $0x10, s18, s17, $0xb8;
	[tilespmem:$0x19300] =	vst v63  }
0x88: {  	_ = 	snop  }
0x89: {  	[spmem:s3] =	stream.indirect.scatter.add.f32 [tilespmem:s11], [sflag:$0x4], $0x10, s19, s17, $0xb8;
	[tilespmem:$0x19300] =	vst v63  }
0x8a: {  	_ =	swait.ge [sflag:s20], $0x800  }
0x8b: {  	[sflag:s20] =	ssyncset.done $0x0  }
0x8c: {  	[sflag:s20] =	ssyncadd.s32 $0xFFFFF800  }
0x8d: {  	_ =	swait.ge [sflag:s21], $0x800  }
0x8e: {  	[sflag:s21] =	ssyncset.done $0x0  }
0x8f: {  	[sflag:s21] =	ssyncadd.s32 $0xFFFFF800  }
0x90: {  	_ =	swait.ge [sflag:s22], $0x800  }
0x91: {  	[sflag:s22] =	ssyncset.done $0x0  }
0x92: {  	[sflag:s22] =	ssyncadd.s32 $0xFFFFF800  }
0x93: {  	_ =	swait.ge [sflag:s23], $0x800  }
0x94: {  	[sflag:s23] =	ssyncset.done $0x0  }
0x95: {  	[sflag:s23] =	ssyncadd.s32 $0xFFFFF800  }
0x96: {  	[spmem:s3] =	stream.indirect.scatter.add.f32 [tilespmem:s11], [sflag:$0x1], $0x10, s15, s17, $0xb8;
	[tilespmem:$0x19300] =	vst v63  }
0x97: {  	_ = 	snop  }
0x98: {  	[spmem:s3] =	stream.indirect.scatter.add.f32 [tilespmem:s11], [sflag:$0x2], $0x10, s26, s17, $0xb8;
	[tilespmem:$0x19300] =	vst v63  }
0x99: {  	_ = 	snop  }
0x9a: {  	[spmem:s3] =	stream.indirect.scatter.add.f32 [tilespmem:s11], [sflag:$0x3], $0x10, s28, s17, $0xb8;
	[tilespmem:$0x19300] =	vst v63  }
0x9b: {  	_ = 	snop  }
0x9c: {  	[spmem:s3] =	stream.indirect.scatter.add.f32 [tilespmem:s11], [sflag:$0x4], $0x10, s29, s17, $0xb8;
	[tilespmem:$0x19300] =	vst v63  }
0x9d: {  	_ =	swait.ge [sflag:s20], $0x800  }
0x9e: {  	[sflag:s20] =	ssyncset.done $0x0  }
0x9f: {  	[sflag:s20] =	ssyncadd.s32 $0xFFFFF800  }
0xa0: {  	_ =	swait.ge [sflag:s21], $0x800  }
0xa1: {  	[sflag:s21] =	ssyncset.done $0x0  }
0xa2: {  	[sflag:s21] =	ssyncadd.s32 $0xFFFFF800  }
0xa3: {  	_ =	swait.ge [sflag:s22], $0x800  }
0xa4: {  	[sflag:s22] =	ssyncset.done $0x0  }
0xa5: {  	[sflag:s22] =	ssyncadd.s32 $0xFFFFF800  }
0xa6: {  	_ =	swait.ge [sflag:s23], $0x800  }
0xa7: {  	s30 =	sadd.s32 $0x1, s30;
	[sflag:s23] =	ssyncset.done $0x0  }
0xa8: {  	p0 =	sne.s32 s30, s8;
	[sflag:s23] =	ssyncadd.s32 $0xFFFFF800  }
.Ltmp1:
0xa9: {  	[bflag:$0x0] =	sbarrier.arrive $0xFFFF;
	(pc) =	sbr.rel @p0 .LBB2_1-.Ltmp1, $4  }
0xaa: {  	[hbm:s24], [sflag:s13] =	dma.local [spmem:s14], $0x30E0  }
0xab: {  	_ =	swait.ge [sflag:s12], $0x30E0  }
0xac: {  	[sflag:s12] =	ssyncset.done $0x0  }
0xad: {  	[sflag:s12] =	ssyncadd.s32 $0xFFFFCF20  }
0xae: {  	_ =	sfence.sel $0x180000  }
0xaf: {  	[bflag:$0x0] =	sbarrier.arrive $0xFFFF  }
0xb0: {  	_ =	strace $0x90000047  }
0xb1: {  	s0 =	stileid.u32;
	[bflag:$0x2] =	sbarrier.arrive $0xFFFF  }
0xb2: {  	p0 =	sne.s32 s0, $0x0;
	s0 =	rddreg [dreg:$0x3]  }
0xb3: {  	s0 =	sadd.s32 @!p0 $0x100000, s0  }
0xb4: {  	[sflag:s0] =	ssyncadd.tile.s32 @!p0 $0x1;
	_ =	shalt  }
.Lfunc_end2:
_tile_overlayer_lowered:
.L_overlay_start_2:
0xb5: {  	(tag) =	ssettag $0x2  }
0xb6: {  	s0 =	rddreg [dreg:$0x0];
	s2 =	stileid.u32  }
0xb7: {  	s1 =	rddreg [dreg:$0x1];
	p0 =	sne.s32 s2, $0x0  }
0xb8: {  	s3 =	rddreg [dreg:$0x2];
	[bflag:$0x3] =	sbarrier.arrive $0xFFFF;
	s2 =	simm.s32 @!p0 $0x1C07  }
0xb9: {  	[timem:s3], [sflag:s2] =	dma.local @!p0 [hbm:s0], s1  }
0xba: {  	s0 =	simm.s32 @!p0 $0x7  }
0xbb: {  	_ =	swait.ge @!p0 [sflag:s0], s1  }
0xbc: {  	s1 =	ssub.s32 @!p0 $0x0, s1;
	[sflag:s0] =	ssyncset.done @!p0 $0x0  }
0xbd: {  	[sflag:s0] =	ssyncadd.s32 @!p0 s1  }
0xbe: {  	[bflag:$0x3] =	sbarrier.arrive $0xFFFF  }
0xbf: {  	_ =	shalt  }

// kernel: kernel.15.cloned.1.call-start
scs
__scs_entry_jumppad:
0x0: {  	(pc) =	sbr.rel $0x88, $3  }
0x1: {  	(tag) =	ssettag $0x0;
	lr =	simm.s32 $0x1  }
0x2: {  	[smem:$0x3F87] =	sst lr;
	_ =	strace $0xD0000000  }
0x3: {  	_ = 	snop  }
0x4: {  	_ = 	snop  }
0x5: {  	_ = 	snop  }
0x6: {  	_ = 	snop  }
0x7: {  	_ = 	snop  }
__scs_overlays_trampoline_lowered:
0x8: {  	[smem:$0x3F96] =	sst s0  }
0x9: {  	[smem:$0x3F97] =	sst s1  }
0xa: {  	[smem:$0x3F98] =	sst s2  }
0xb: {  	[smem:$0x3F99] =	sst s3  }
0xc: {  	[smem:$0x3F9A] =	sst s4  }
0xd: {  	[smem:$0x3F9B] =	sst s5  }
0xe: {  	[smem:$0x3F9C] =	sst s6  }
0xf: {  	[smem:$0x3F9D] =	sst s7  }
0x10: {  	[smem:$0x3F9E] =	sst s8  }
0x11: {  	[smem:$0x3F9F] =	sst s9;
	s0 =	simm.s32 @!p0 $0x0  }
0x12: {  	s1 =	sld [smem:$0x3F85];
	s0 =	simm.s32 @p0 $0x1  }
0x13: {  	[smem:$0x3FA0] =	sst s0;
	s0 =	simm.s32 @!p1 $0x0  }
0x14: {  	s2 =	sld [smem:$0x3F84];
	s0 =	simm.s32 @p1 $0x1  }
0x15: {  	[smem:$0x3FA1] =	sst s0;
	s0 =	simm.s32 @!p2 $0x0  }
0x16: {  	s3 =	sld [smem:$0x3FDB];
	s0 =	simm.s32 @p2 $0x1  }
0x17: {  	s4 =	simm.s32 $0x1BF5;
	[smem:$0x3FA3] =	sst s0  }
0x18: {  	s0 =	sld [smem:$0x3F86];
	_ =	swait.ge [sflag:s4], $0x0  }
0x19: {  	s7 =	sld [smem:$0x3F87]  }
0x1a: {  	s8 =	sadd.s32 $0xFFFFE003, lr  }
0x1b: {  	s9 =	sadd.s32 $0xFFFFFEF7, lr;
	s5 =	simm.s32 $0xFFFFFFFF;
	p2 =	slt.u32 s8, $0xFFFFF086  }
0x1c: {  	p1 =	slt.u32 s9, $0xF7A;
	s5 =	simm.s32 @!p2 $0x0  }
0x1d: {  	s5 =	simm.s32 @p1 $0x1;
	p0 =	seq.s32 s7, s2  }
0x1e: {  	s7 =	smul.u32 @!p0 $0xF7A, s2;
	p2 =	seq.s32 @!p0 s5, $0x0  }
0x1f: {  	s9 =	smul.u32 $0xF7A, s1;
	s8 =	simm.s32 @!p0 $0x1BF5;
	p2 =	por !p2, p0  }
0x20: {  	[sflag:s8] =	ssyncset.s32 @!p0 $0xFFFFF086;
	s6 =	sadd.s32 @!p0 s3, s7;
	s7 =	simm.s32 @!p0 $0x108  }
0x21: {  	s3 =	sadd.s32 s3, s9;
	s6 =	sadd.s32 @!p0 $0x88, s6;
	s7 =	simm.s32 @p2 $0x1082  }
0x22: {  	[simem:s7], [sflag:s8] =	dma.local @!p0 [hbm:s6], $0xF7A  }
0x23: {  	s9 =	sor.u32 $0xD0000000, s2;
	s6 =	simm.s32 $0x108;
	_ =	swait.ge @!p0 [sflag:s8], $0x0  }
0x24: {  	s3 =	sadd.s32 $0x88, s3;
	s6 =	simm.s32 @!p1 $0x1082;
	[sflag:s4] =	ssyncset.s32 $0xFFFFF086  }
0x25: {  	[simem:s6], [sflag:s4] =	dma.local [hbm:s3], $0xF7A  }
0x26: {  	[smem:$0x3F87] =	sst s1;
	(tag) =	ssettag s2;
	_ =	strace s9  }
0x27: {  	s1 =	sld [smem:$0x3F97]  }
0x28: {  	s2 =	sld [smem:$0x3F98]  }
0x29: {  	s4 =	sld [smem:$0x3F9A]  }
0x2a: {  	p0 =	seq.s32 s5, $0x0;
	s5 =	sld [smem:$0x3F9B]  }
0x2b: {  	s6 =	sld [smem:$0x3F9C]  }
0x2c: {  	s7 =	sld [smem:$0x3F9D]  }
0x2d: {  	s3 =	simm.s32 $0x108;
	s8 =	sld [smem:$0x3F9E]  }
0x2e: {  	s3 =	simm.s32 @!p0 $0x1082;
	s9 =	sld [smem:$0x3F9F]  }
0x2f: {  	lr =	sadd.s32 s0, s3;
	s0 =	sld [smem:$0x3F96]  }
0x30: {  	s3 =	sld [smem:$0x3F99]  }
0x31: {  	[smem:$0x3FA2] =	sst s10  }
0x32: {  	s10 =	sld [smem:$0x3FA0];
	_ =	sdelay $0x3  }
0x33: {  	p0 =	seq.s32 s10, $0x1;
	s10 =	sld [smem:$0x3FA2];
	_ =	sdelay $0x3  }
0x34: {  	[smem:$0x3FA2] =	sst s10  }
0x35: {  	s10 =	sld [smem:$0x3FA1];
	_ =	sdelay $0x3  }
0x36: {  	p1 =	seq.s32 s10, $0x1;
	s10 =	sld [smem:$0x3FA2];
	_ =	sdelay $0x3  }
0x37: {  	[smem:$0x3FA2] =	sst s10  }
0x38: {  	s10 =	sld [smem:$0x3FA3]  }
0x39: {  	_ = 	snop;
	(pc) =	sbr.ind lr, $3  }
0x3a: {  	_ = 	snop  }
0x3b: {  	_ = 	snop  }
0x3c: {  	p2 =	seq.s32 s10, $0x1;
	s10 =	sld [smem:$0x3FA2]  }
0x3d: {  	_ =	shalt  }
0x3e: {  	_ =	shalt  }
0x3f: {  	_ =	shalt  }
0x40: {  	_ =	shalt  }
0x41: {  	_ =	shalt  }
0x42: {  	_ =	shalt  }
0x43: {  	_ =	shalt  }
0x44: {  	_ =	shalt  }
0x45: {  	_ =	shalt  }
0x46: {  	_ =	shalt  }
0x47: {  	_ =	shalt  }
0x48: {  	_ =	shalt  }
0x49: {  	_ =	shalt  }
0x4a: {  	_ =	shalt  }
0x4b: {  	_ =	shalt  }
0x4c: {  	_ =	shalt  }
0x4d: {  	_ =	shalt  }
0x4e: {  	_ =	shalt  }
0x4f: {  	_ =	shalt  }
0x50: {  	_ =	shalt  }
0x51: {  	_ =	shalt  }
0x52: {  	_ =	shalt  }
0x53: {  	_ =	shalt  }
0x54: {  	_ =	shalt  }
0x55: {  	_ =	shalt  }
0x56: {  	_ =	shalt  }
0x57: {  	_ =	shalt  }
0x58: {  	_ =	shalt  }
0x59: {  	_ =	shalt  }
0x5a: {  	_ =	shalt  }
0x5b: {  	_ =	shalt  }
0x5c: {  	_ =	shalt  }
0x5d: {  	_ =	shalt  }
0x5e: {  	_ =	shalt  }
0x5f: {  	_ =	shalt  }
0x60: {  	_ =	shalt  }
0x61: {  	_ =	shalt  }
0x62: {  	_ =	shalt  }
0x63: {  	_ =	shalt  }
0x64: {  	_ =	shalt  }
0x65: {  	_ =	shalt  }
0x66: {  	_ =	shalt  }
0x67: {  	_ =	shalt  }
0x68: {  	_ =	shalt  }
0x69: {  	_ =	shalt  }
0x6a: {  	_ =	shalt  }
0x6b: {  	_ =	shalt  }
0x6c: {  	_ =	shalt  }
0x6d: {  	_ =	shalt  }
0x6e: {  	_ =	shalt  }
0x6f: {  	_ =	shalt  }
0x70: {  	_ =	shalt  }
0x71: {  	_ =	shalt  }
0x72: {  	_ =	shalt  }
0x73: {  	_ =	shalt  }
0x74: {  	_ =	shalt  }
0x75: {  	_ =	shalt  }
0x76: {  	_ =	shalt  }
0x77: {  	_ =	shalt  }
0x78: {  	_ =	shalt  }
0x79: {  	_ =	shalt  }
0x7a: {  	_ =	shalt  }
0x7b: {  	_ =	shalt  }
0x7c: {  	_ =	shalt  }
0x7d: {  	_ =	shalt  }
0x7e: {  	_ =	shalt  }
0x7f: {  	_ =	shalt  }
0x80: {  	_ =	shalt  }
0x81: {  	_ =	shalt  }
0x82: {  	_ =	shalt  }
0x83: {  	_ =	shalt  }
0x84: {  	_ =	shalt  }
0x85: {  	_ =	shalt  }
0x86: {  	_ =	shalt  }
0x87: {  	_ =	shalt  }
.Lfunc_end0:
.L_simem_size_0:
called_computation.1_lowered:
.L_overlay_start_0:
0x88: {  	s2 =	sld [smem:$0x3FD9]  }
0x89: {  	s3 =	sld [smem:$0x3FFE];
	_ =	sdelay $0x1  }
0x8a: {  	s1 =	srdreg.scid  }
0x8b: {  	s0 =	sand.u32 $0x1, s1  }
0x8c: {  	s16 =	sshll.u32 s0, $0xA;
	s2 =	sadd.s32 s3, s2  }
0x8d: {  	s2 =	sadd.s32 s2, s16  }
0x8e: {  	[smem:$0x3FAE] =	sst s2  }
0x8f: {  	_ = 	snop  }
0x90: {  	(tm) =	ssettm $0x1  }
0x91: {  	s17 =	sld [smem:$0x3FFB];
	_ =	sdelay $0x3  }
0x92: {  	_ =	strace s17  }
0x93: {  	s2 =	sld [smem:$0x3FFC];
	_ =	sdelay $0x3  }
0x94: {  	_ =	strace s2  }
0x95: {  	s2 =	sld [smem:$0x3FFD];
	_ =	sdelay $0x3  }
0x96: {  	_ =	strace s2  }
0x97: {  	_ =	strace $0x8FFFFFFF  }
0x98: {  	s18 =	sld [smem:$0x3FDB];
	_ =	sdelay $0x1  }
0x99: {  	s19 =	simm.s32 $_scs_section_size  }
0x9a: {  	s4 =	simm.s32 $_size__tile_overlayer_lowered;
	s5 =	simm.s32 $_tile_overlayer_lowered  }
0x9b: {  	s22 =	simm.s32 $0x1BFF;
	s21 =	sshll.u32 s5, $0x1;
	s2 =	sadd.s32 s19, s18  }
0x9c: {  	s6 =	simm.s32 $0x0;
	s20 =	sshll.u32 s4, $0x1;
	s4 =	sadd.s32 s21, s2  }
0x9d: {  	[timem:s6], [sflag:s22] =	dma.local [hbm:s4], s20  }
0x9e: {  	_ =	swait.ge [sflag:s22], s20  }
0x9f: {  	s3 =	ssub.s32 $0x0, s20;
	[sflag:s22] =	ssyncset.done $0x0  }
0xa0: {  	[sflag:s22] =	ssyncadd.s32 s3;
	_ =	sdelay $0x1  }
0xa1: {  	s23 =	simm.s32 $0x1B8B  }
0xa2: {  	_ =	swait.ge [sflag:s23], $0x1  }
0xa3: {  	[sflag:s23] =	ssyncset.done $0x0  }
0xa4: {  	s25 =	simm.s32 $0x1B8E;
	s24 =	sld [smem:$0x3FFE];
	[sflag:s23] =	ssyncadd.s32 $0xFFFFFFFF  }
0xa5: {  	s26 =	simm.s32 $execute0_lowered;
	[smem:$0x3FD2] =	sst s25  }
0xa6: {  	s4 =	sshll.u32 s26, $0x1;
	_ =	strace $0x80000049;
	[dreg:$0x1] =	wrdreg $0xFFFFFFFF  }
0xa7: {  	s28 =	simm.s32 $_size_execute0_lowered;
	s2 =	sadd.s32 s2, s4;
	[dreg:$0x0] =	wrdreg $0x0  }
0xa8: {  	s4 =	sshll.u32 s28, $0x1;
	[dreg:$0x2] =	wrdreg s2  }
0xa9: {  	[dreg:$0x3] =	wrdreg s4  }
0xaa: {  	[dreg:$0x4] =	wrdreg $0xC0  }
0xab: {  	_ =	task [dreg:s6], $0x5FFFF  }
0xac: {  	[dreg:$0x1] =	wrdreg $0xFFFFFFFF  }
0xad: {  	[dreg:$0x0] =	wrdreg $0x60  }
0xae: {  	[dreg:$0x2] =	wrdreg s24  }
0xaf: {  	[dreg:$0x3] =	wrdreg $0x48000  }
0xb0: {  	[dreg:$0x4] =	wrdreg $0x9  }
0xb1: {  	_ =	task.clear_ibuf [dreg:s6], $0x5FFFF;
	_ =	strace $0x90000049  }
0xb2: {  	s29 =	simm.s32 $0x9;
	_ =	strace $0x8000004B  }
0xb3: {  	_ =	swait.ge [sflag:s29], $0x1  }
0xb4: {  	[sflag:s29] =	ssyncadd.s32 $0xFFFFFFFF  }
0xb5: {  	_ =	strace $0x9000004B  }
0xb6: {  	_ =	sfence  }
0xb7: {  	s30 =	sld [smem:$0x0];
	_ =	sdelay $0x2  }
0xb8: {  	s31 =	sshll.u32 s1, $0xD;
	s1 =	sshrl.u32 s1, $0x2  }
0xb9: {  	s3 =	sand.u32 $0x4000, s31;
	s1 =	sadd.s32 s1, s30  }
0xba: {  	s0 =	sor.u32 s3, s0;
	s1 =	sshll.u32 s1, $0x11  }
0xbb: {  	s0 =	sor.u32 s1, s0  }
0xbc: {  	s0 =	sadd.s32 $0x8F2B, s0  }
0xbd: {  	[sflag:s0] =	ssyncadd.remote.s32 $0x1  }
0xbe: {  	_ =	sfence.sel $0xFFFF  }
0xbf: {  	[dreg:$0x0] =	wrdreg $0xFFFFFFFF;
	(pc) =	sbr.abs _section_cstart, $3  }
0xc0: {  	[dreg:$0x1] =	wrdreg $0xFFFFFFFF  }
0xc1: {  	_ =	task.clear_ibuf [dreg:s6], $0x2FFFF;
	_ =	strace $0x9FFFFFFF  }
0xc2: {  	(tm) =	ssettm $0x7FFFFFFF  }
0xc3: {  	_ =	shalt  }
tec
execute0_lowered:
.L_overlay_start_1:
0x0: {  	(tag) =	ssettag $0x1  }
0x1: {  	s0 =	rddreg [dreg:$0x0]  }
0x2: {  	s2 =	rddreg [dreg:$0x1]  }
0x3: {  	s3 =	simm.s32 $0x0;
	s14 =	stileid.u32;
	s4 =	srdreg.scid  }
0x4: {  	s15 =	simm.s32 $0x80;
	s28 =	simm.s32 $0x2800;
	s29 =	simm.s32 $0x2  }
0x5: {  	s31 =	simm.s32 $0x100;
	[smem:$0x7FF] =	sst s3;
	s1 =	smul.u32 $0x18700, s14  }
0x6: {  	s5 =	sand.u32 $0x1, s4;
	s4 =	sadd.s32 $0x96E00, s0;
	s8 =	sadd.s32 $0x27F400, s0  }
0x7: {  	s9 =	sadd.s32 $0x4000, s0;
	s13 =	smul.u32 $0x310, s14;
	s17 =	sshll.u32 s14, $0x6  }
0x8: {  	_ =	strace $0x8000004A;
	s7 =	smul.u32 $0x30E00, s5;
	s16 =	ssub.s32 $0x2, s5  }
0x9: {  	s11 =	smul.u32 $0x3100, s5;
	s5 =	sshll.u32 s5, $0x4;
	s30 =	sor.u32 $0x1C0B, s17  }
0xa: {  	s17 =	simm.s32 $0x1000;
	s6 =	sshrl.u32 s1, $0x3;
	s12 =	sshrl.u32 s16, $0x1  }
0xb: {  	s1 =	sadd.s32 s1, s2;
	s5 =	sor.u32 s14, s5;
	s14 =	simm.s32 $0x200  }
0xc: {  	[dreg:$0x8] =	wrdreg s30;
	s10 =	sadd.s32 s6, s0;
	s0 =	sadd.s32 s7, s0  }
0xd: {  	s7 =	ssub.s32 s16, s12;
	s5 =	smul.u32 $0x3100, s5;
	s11 =	sadd.s32 s13, s11  }
0xe: {  	s16 =	simm.s32 $0x800;
	s12 =	simm.s32 $0x6;
	s13 =	simm.s32 $0x7  }
0xf: {  	s10 =	sadd.s32 $0x66000, s10;
	s18 =	sshll.u32 s11, $0x4;
	s0 =	sadd.s32 $0x2E1400, s0  }
0x10: {  	s7 =	smax.u32 s7, $0x1;
	[dreg:$0x7] =	wrdreg s10;
	s19 =	sadd.s32 s8, s5  }
0x11: {  	s20 =	sor.u32 $0x40, s5;
	s21 =	sor.u32 $0xC0, s18;
	s5 =	sadd.s32 s9, s5  }
0x12: {  	s10 =	sor.u32 $0x80, s18;
	[dreg:$0xd] =	wrdreg s7;
	s0 =	sadd.s32 s6, s0  }
0x13: {  	s6 =	simm.s32 $0x5;
	s18 =	simm.s32 $0x8;
	[dreg:$0x9] =	wrdreg s19  }
0x14: {  	[dreg:$0xa] =	wrdreg s5;
	s22 =	sadd.s32 s8, s20;
	s23 =	sadd.s32 s21, s8  }
0x15: {  	s24 =	sadd.s32 s21, s9;
	s11 =	sadd.s32 s9, s20;
	[dreg:$0xf] =	wrdreg s0  }
0x16: {  	s25 =	sadd.s32 s10, s8;
	s26 =	sadd.s32 s10, s9;
	[dreg:$0xb] =	wrdreg s22  }
0x17: {  	s10 =	sshrl.u32 s1, $0x3;
	s19 =	simm.s32 $0x1800;
	[dreg:$0x3] =	wrdreg s23  }
0x18: {  	s21 =	simm.s32 $0x2000;
	s0 =	simm.s32 $0x3000;
	[dreg:$0xc] =	wrdreg s11  }
0x19: {  	s1 =	simm.s32 $0x3;
	s8 =	simm.s32 $0x3800;
	[dreg:$0x4] =	wrdreg s24  }
0x1a: {  	s9 =	simm.s32 $0x4;
	s20 =	simm.s32 $0x9;
	[dreg:$0x5] =	wrdreg s25  }
0x1b: {  	s5 =	simm.s32 $0x0;
	[dreg:$0x6] =	wrdreg s26;
	s11 =	simm.s32 $0xB  }
0x1c: {  	s22 =	simm.s32 $0x400;
	s23 =	simm.s32 $0x600;
	s25 =	simm.s32 $0xA  }
0x1d: {  	s26 =	simm.s32 $0x1;
	s24 =	simm.s32 $0x4000;
	[dreg:$0xe] =	wrdreg s10  }
.LBB2_1:
0x1e: {  	[dreg:$0x10] =	wrdreg s5  }
0x1f: {  	s7 =	rddreg [dreg:$0x7]  }
0x20: {  	[spmem:s10], [sflag:s30] =	dma.local [hbm:s7], $0x30E0  }
0x21: {  	_ =	swait.ge [sflag:s11], $0x30E0  }
0x22: {  	[sflag:s11] =	ssyncset.done $0x0  }
0x23: {  	[sflag:s11] =	ssyncadd.s32 $0xFFFFCF20  }
0x24: {  	[bflag:$0x0] =	sbarrier.arrive $0xFFFF  }
0x25: {  	s5 =	rddreg [dreg:$0x9]  }
0x26: {  	[tilespmem:s3], [sflag:$0xB] =	stream.linear.gather [hbm4b:s5+s3], $0x200, $0x38;
	[tilespmem:$0x1CF00] =	vst v63  }
0x27: {  	_ =	swait.ge [sflag:s11], $0x200  }
0x28: {  	[sflag:s11] =	ssyncset.done $0x0  }
0x29: {  	s10 =	rddreg [dreg:$0xa];
	[sflag:s11] =	ssyncadd.s32 $0xFFFFFE00  }
0x2a: {  	[tilespmem:s14], [sflag:$0xB] =	stream.linear.gather [hbm4b:s10+s3], $0x200, $0x38;
	[tilespmem:$0x1CF00] =	vst v63  }
0x2b: {  	_ =	swait.ge [sflag:s11], $0x200  }
0x2c: {  	[sflag:s11] =	ssyncset.done $0x0  }
0x2d: {  	[sflag:s11] =	ssyncadd.s32 $0xFFFFFE00  }
0x2e: {  	[tilespmem:s16], [sflag:$0x1] =	stream.indirect.gather [hbm4b:s4+s15], $0x10, s3, s15, $0xb8;
	[tilespmem:$0x1CF00] =	vst v63  }
0x2f: {  	_ = 	snop  }
0x30: {  	[tilespmem:s17], [sflag:$0x2] =	stream.indirect.gather [hbm4b:s4+s15], $0x10, s15, s15, $0xb8;
	[tilespmem:$0x1CF00] =	vst v63  }
0x31: {  	_ = 	snop  }
0x32: {  	[tilespmem:s19], [sflag:$0x3] =	stream.indirect.gather [hbm4b:s4+s15], $0x10, s31, s15, $0xb8;
	[tilespmem:$0x1CF00] =	vst v63  }
0x33: {  	s5 =	simm.s32 $0x180  }
0x34: {  	[tilespmem:s21], [sflag:$0x4] =	stream.indirect.gather [hbm4b:s4+s15], $0x10, s5, s15, $0xb8;
	[tilespmem:$0x1CF00] =	vst v63  }
0x35: {  	s30 =	rddreg [dreg:$0xb]  }
0x36: {  	[tilespmem:s22], [sflag:$0xA] =	stream.linear.gather [hbm4b:s30+s3], $0x200, $0x38;
	[tilespmem:$0x1CF00] =	vst v63  }
0x37: {  	s10 =	rddreg [dreg:$0xc]  }
0x38: {  	[tilespmem:s23], [sflag:$0xA] =	stream.linear.gather [hbm4b:s10+s3], $0x200, $0x38;
	[tilespmem:$0x1CF00] =	vst v63  }
0x39: {  	_ =	swait.ge [sflag:s25], $0x200  }
0x3a: {  	[sflag:s25] =	ssyncset.done $0x0  }
0x3b: {  	[sflag:s25] =	ssyncadd.s32 $0xFFFFFE00  }
0x3c: {  	_ =	swait.ge [sflag:s25], $0x200  }
0x3d: {  	[sflag:s25] =	ssyncset.done $0x0  }
0x3e: {  	[sflag:s25] =	ssyncadd.s32 $0xFFFFFE00  }
0x3f: {  	_ =	swait.ge [sflag:s26], $0x800  }
0x40: {  	[sflag:s26] =	ssyncset.done $0x0  }
0x41: {  	[sflag:s26] =	ssyncadd.s32 $0xFFFFF800  }
0x42: {  	[spmem:s2] =	stream.indirect.scatter.add.f32 [tilespmem:s16], [sflag:$0x5], $0x10, s14, s15, $0xb8;
	[tilespmem:$0x1CF00] =	vst v63  }
0x43: {  	_ = 	snop  }
0x44: {  	[tilespmem:s28], [sflag:$0x1] =	stream.indirect.gather [hbm4b:s4+s15], $0x10, s22, s15, $0xb8;
	[tilespmem:$0x1CF00] =	vst v63  }
0x45: {  	_ =	swait.ge [sflag:s29], $0x800  }
0x46: {  	[sflag:s29] =	ssyncset.done $0x0  }
0x47: {  	s11 =	simm.s32 $0x280;
	[sflag:s29] =	ssyncadd.s32 $0xFFFFF800  }
0x48: {  	[spmem:s2] =	stream.indirect.scatter.add.f32 [tilespmem:s17], [sflag:$0x6], $0x10, s11, s15, $0xb8;
	[tilespmem:$0x1CF00] =	vst v63  }
0x49: {  	s30 =	simm.s32 $0x480  }
0x4a: {  	[tilespmem:s0], [sflag:$0x2] =	stream.indirect.gather [hbm4b:s4+s15], $0x10, s30, s15, $0xb8;
	[tilespmem:$0x1CF00] =	vst v63  }
0x4b: {  	_ =	swait.ge [sflag:s1], $0x800  }
0x4c: {  	[sflag:s1] =	ssyncset.done $0x0  }
0x4d: {  	s10 =	simm.s32 $0x300;
	[sflag:s1] =	ssyncadd.s32 $0xFFFFF800  }
0x4e: {  	[spmem:s2] =	stream.indirect.scatter.add.f32 [tilespmem:s19], [sflag:$0x7], $0x10, s10, s15, $0xb8;
	[tilespmem:$0x1CF00] =	vst v63  }
0x4f: {  	s11 =	simm.s32 $0x500  }
0x50: {  	[tilespmem:s8], [sflag:$0x3] =	stream.indirect.gather [hbm4b:s4+s15], $0x10, s11, s15, $0xb8;
	[tilespmem:$0x1CF00] =	vst v63  }
0x51: {  	_ =	swait.ge [sflag:s9], $0x800  }
0x52: {  	[sflag:s9] =	ssyncset.done $0x0  }
0x53: {  	s30 =	simm.s32 $0x380;
	[sflag:s9] =	ssyncadd.s32 $0xFFFFF800  }
0x54: {  	[spmem:s2] =	stream.indirect.scatter.add.f32 [tilespmem:s21], [sflag:$0x8], $0x10, s30, s15, $0xb8;
	[tilespmem:$0x1CF00] =	vst v63  }
0x55: {  	s10 =	simm.s32 $0x580  }
0x56: {  	[tilespmem:s24], [sflag:$0x4] =	stream.indirect.gather [hbm4b:s4+s15], $0x10, s10, s15, $0xb8;
	[tilespmem:$0x1CF00] =	vst v63  }
0x57: {  	_ =	swait.ge [sflag:s6], $0x800  }
0x58: {  	[sflag:s6] =	ssyncset.done $0x0  }
0x59: {  	[sflag:s6] =	ssyncadd.s32 $0xFFFFF800  }
0x5a: {  	_ =	swait.ge [sflag:s12], $0x800  }
0x5b: {  	[sflag:s12] =	ssyncset.done $0x0  }
0x5c: {  	[sflag:s12] =	ssyncadd.s32 $0xFFFFF800  }
0x5d: {  	_ =	swait.ge [sflag:s13], $0x800  }
0x5e: {  	[sflag:s13] =	ssyncset.done $0x0  }
0x5f: {  	[sflag:s13] =	ssyncadd.s32 $0xFFFFF800  }
0x60: {  	_ =	swait.ge [sflag:s18], $0x800  }
0x61: {  	s11 =	rddreg [dreg:$0x5];
	[sflag:s18] =	ssyncset.done $0x0  }
0x62: {  	s30 =	rddreg [dreg:$0x6];
	[sflag:s18] =	ssyncadd.s32 $0xFFFFF800;
	s7 =	sadd.s32 $0x0, s11  }
0x63: {  	[tilespmem:s3], [sflag:$0x9] =	stream.linear.gather [hbm4b:s7+s3], $0x200, $0x38;
	[tilespmem:$0x1CF00] =	vst v63  }
0x64: {  	s10 =	sadd.s32 $0x0, s30  }
0x65: {  	[tilespmem:s14], [sflag:$0x9] =	stream.linear.gather [hbm4b:s10+s3], $0x200, $0x38;
	[tilespmem:$0x1CF00] =	vst v63  }
0x66: {  	_ =	swait.ge [sflag:s20], $0x200  }
0x67: {  	[sflag:s20] =	ssyncset.done $0x0  }
0x68: {  	[sflag:s20] =	ssyncadd.s32 $0xFFFFFE00  }
0x69: {  	_ =	swait.ge [sflag:s20], $0x200  }
0x6a: {  	[sflag:s20] =	ssyncset.done $0x0  }
0x6b: {  	[sflag:s20] =	ssyncadd.s32 $0xFFFFFE00  }
0x6c: {  	_ =	swait.ge [sflag:s26], $0x800  }
0x6d: {  	[sflag:s26] =	ssyncset.done $0x0  }
0x6e: {  	[sflag:s26] =	ssyncadd.s32 $0xFFFFF800  }
0x6f: {  	[spmem:s2] =	stream.indirect.scatter.add.f32 [tilespmem:s28], [sflag:$0x5], $0x10, s23, s15, $0xb8;
	[tilespmem:$0x1CF00] =	vst v63  }
0x70: {  	_ = 	snop  }
0x71: {  	[tilespmem:s16], [sflag:$0x1] =	stream.indirect.gather [hbm4b:s4+s15], $0x10, s3, s15, $0xb8;
	[tilespmem:$0x1CF00] =	vst v63  }
0x72: {  	_ =	swait.ge [sflag:s29], $0x800  }
0x73: {  	[sflag:s29] =	ssyncset.done $0x0  }
0x74: {  	s11 =	simm.s32 $0x680;
	[sflag:s29] =	ssyncadd.s32 $0xFFFFF800  }
0x75: {  	[spmem:s2] =	stream.indirect.scatter.add.f32 [tilespmem:s0], [sflag:$0x6], $0x10, s11, s15, $0xb8;
	[tilespmem:$0x1CF00] =	vst v63  }
0x76: {  	_ = 	snop  }
0x77: {  	[tilespmem:s17], [sflag:$0x2] =	stream.indirect.gather [hbm4b:s4+s15], $0x10, s15, s15, $0xb8;
	[tilespmem:$0x1CF00] =	vst v63  }
0x78: {  	_ =	swait.ge [sflag:s1], $0x800  }
0x79: {  	[sflag:s1] =	ssyncset.done $0x0  }
0x7a: {  	s30 =	simm.s32 $0x700;
	[sflag:s1] =	ssyncadd.s32 $0xFFFFF800  }
0x7b: {  	[spmem:s2] =	stream.indirect.scatter.add.f32 [tilespmem:s8], [sflag:$0x7], $0x10, s30, s15, $0xb8;
	[tilespmem:$0x1CF00] =	vst v63  }
0x7c: {  	_ = 	snop  }
0x7d: {  	[tilespmem:s19], [sflag:$0x3] =	stream.indirect.gather [hbm4b:s4+s15], $0x10, s31, s15, $0xb8;
	[tilespmem:$0x1CF00] =	vst v63  }
0x7e: {  	_ =	swait.ge [sflag:s9], $0x800  }
0x7f: {  	[sflag:s9] =	ssyncset.done $0x0  }
0x80: {  	s10 =	simm.s32 $0x780;
	[sflag:s9] =	ssyncadd.s32 $0xFFFFF800  }
0x81: {  	[spmem:s2] =	stream.indirect.scatter.add.f32 [tilespmem:s24], [sflag:$0x8], $0x10, s10, s15, $0xb8;
	[tilespmem:$0x1CF00] =	vst v63  }
0x82: {  	_ = 	snop  }
0x83: {  	[tilespmem:s21], [sflag:$0x4] =	stream.indirect.gather [hbm4b:s4+s15], $0x10, s5, s15, $0xb8;
	[tilespmem:$0x1CF00] =	vst v63  }
0x84: {  	_ =	swait.ge [sflag:s6], $0x800  }
0x85: {  	[sflag:s6] =	ssyncset.done $0x0  }
0x86: {  	[sflag:s6] =	ssyncadd.s32 $0xFFFFF800  }
0x87: {  	_ =	swait.ge [sflag:s12], $0x800  }
0x88: {  	[sflag:s12] =	ssyncset.done $0x0  }
0x89: {  	[sflag:s12] =	ssyncadd.s32 $0xFFFFF800  }
0x8a: {  	_ =	swait.ge [sflag:s13], $0x800  }
0x8b: {  	[sflag:s13] =	ssyncset.done $0x0  }
0x8c: {  	[sflag:s13] =	ssyncadd.s32 $0xFFFFF800  }
0x8d: {  	_ =	swait.ge [sflag:s18], $0x800  }
0x8e: {  	s11 =	rddreg [dreg:$0x3];
	[sflag:s18] =	ssyncset.done $0x0  }
0x8f: {  	s30 =	rddreg [dreg:$0x4];
	[sflag:s18] =	ssyncadd.s32 $0xFFFFF800;
	s7 =	sadd.s32 $0x0, s11  }
0x90: {  	[tilespmem:s22], [sflag:$0xA] =	stream.linear.gather [hbm4b:s7+s3], $0x200, $0x38;
	[tilespmem:$0x1CF00] =	vst v63  }
0x91: {  	s10 =	sadd.s32 $0x0, s30;
	s7 =	simm.s32 $0x80  }
.LBB2_2:
0x92: {  	[tilespmem:s23], [sflag:$0xA] =	stream.linear.gather [hbm4b:s10+s3], $0x200, $0x38;
	[tilespmem:$0x1CF00] =	vst v63  }
0x93: {  	_ =	swait.ge [sflag:s25], $0x200  }
0x94: {  	[sflag:s25] =	ssyncset.done $0x0  }
0x95: {  	[sflag:s25] =	ssyncadd.s32 $0xFFFFFE00  }
0x96: {  	_ =	swait.ge [sflag:s25], $0x200  }
0x97: {  	[sflag:s25] =	ssyncset.done $0x0  }
0x98: {  	[sflag:s25] =	ssyncadd.s32 $0xFFFFFE00  }
0x99: {  	_ =	swait.ge [sflag:s26], $0x800  }
0x9a: {  	[sflag:s26] =	ssyncset.done $0x0  }
0x9b: {  	[sflag:s26] =	ssyncadd.s32 $0xFFFFF800  }
0x9c: {  	[spmem:s2] =	stream.indirect.scatter.add.f32 [tilespmem:s16], [sflag:$0x5], $0x10, s14, s15, $0xb8;
	[tilespmem:$0x1CF00] =	vst v63  }
0x9d: {  	_ = 	snop  }
0x9e: {  	[tilespmem:s28], [sflag:$0x1] =	stream.indirect.gather [hbm4b:s4+s15], $0x10, s22, s15, $0xb8;
	[tilespmem:$0x1CF00] =	vst v63  }
0x9f: {  	_ =	swait.ge [sflag:s29], $0x800  }
0xa0: {  	[sflag:s29] =	ssyncset.done $0x0  }
0xa1: {  	s11 =	simm.s32 $0x280;
	[sflag:s29] =	ssyncadd.s32 $0xFFFFF800  }
0xa2: {  	[spmem:s2] =	stream.indirect.scatter.add.f32 [tilespmem:s17], [sflag:$0x6], $0x10, s11, s15, $0xb8;
	[tilespmem:$0x1CF00] =	vst v63  }
0xa3: {  	s30 =	simm.s32 $0x480  }
0xa4: {  	[tilespmem:s0], [sflag:$0x2] =	stream.indirect.gather [hbm4b:s4+s15], $0x10, s30, s15, $0xb8;
	[tilespmem:$0x1CF00] =	vst v63  }
0xa5: {  	_ =	swait.ge [sflag:s1], $0x800  }
0xa6: {  	[sflag:s1] =	ssyncset.done $0x0  }
0xa7: {  	s30 =	simm.s32 $0x300;
	[sflag:s1] =	ssyncadd.s32 $0xFFFFF800  }
0xa8: {  	[spmem:s2] =	stream.indirect.scatter.add.f32 [tilespmem:s19], [sflag:$0x7], $0x10, s30, s15, $0xb8;
	[tilespmem:$0x1CF00] =	vst v63  }
0xa9: {  	s30 =	simm.s32 $0x500  }
0xaa: {  	[tilespmem:s8], [sflag:$0x3] =	stream.indirect.gather [hbm4b:s4+s15], $0x10, s30, s15, $0xb8;
	[tilespmem:$0x1CF00] =	vst v63  }
0xab: {  	_ =	swait.ge [sflag:s9], $0x800  }
0xac: {  	[sflag:s9] =	ssyncset.done $0x0  }
0xad: {  	s30 =	simm.s32 $0x380;
	[sflag:s9] =	ssyncadd.s32 $0xFFFFF800  }
0xae: {  	[spmem:s2] =	stream.indirect.scatter.add.f32 [tilespmem:s21], [sflag:$0x8], $0x10, s30, s15, $0xb8;
	[tilespmem:$0x1CF00] =	vst v63  }
0xaf: {  	s30 =	simm.s32 $0x580  }
0xb0: {  	[tilespmem:s24], [sflag:$0x4] =	stream.indirect.gather [hbm4b:s4+s15], $0x10, s30, s15, $0xb8;
	[tilespmem:$0x1CF00] =	vst v63  }
0xb1: {  	_ =	swait.ge [sflag:s6], $0x800  }
0xb2: {  	[sflag:s6] =	ssyncset.done $0x0  }
0xb3: {  	[sflag:s6] =	ssyncadd.s32 $0xFFFFF800  }
0xb4: {  	_ =	swait.ge [sflag:s12], $0x800  }
0xb5: {  	[sflag:s12] =	ssyncset.done $0x0  }
0xb6: {  	[sflag:s12] =	ssyncadd.s32 $0xFFFFF800  }
0xb7: {  	_ =	swait.ge [sflag:s13], $0x800  }
0xb8: {  	[sflag:s13] =	ssyncset.done $0x0  }
0xb9: {  	[sflag:s13] =	ssyncadd.s32 $0xFFFFF800  }
0xba: {  	_ =	swait.ge [sflag:s18], $0x800  }
0xbb: {  	s10 =	smov.u32 s7;
	s11 =	rddreg [dreg:$0x5];
	[sflag:s18] =	ssyncset.done $0x0  }
0xbc: {  	s30 =	rddreg [dreg:$0x6];
	[sflag:s18] =	ssyncadd.s32 $0xFFFFF800;
	s11 =	sadd.s32 s10, s11  }
0xbd: {  	[tilespmem:s3], [sflag:$0x9] =	stream.linear.gather [hbm4b:s11+s3], $0x200, $0x38;
	[tilespmem:$0x1CF00] =	vst v63  }
0xbe: {  	s30 =	sadd.s32 s10, s30  }
0xbf: {  	[tilespmem:s14], [sflag:$0x9] =	stream.linear.gather [hbm4b:s30+s3], $0x200, $0x38;
	[tilespmem:$0x1CF00] =	vst v63  }
0xc0: {  	_ =	swait.ge [sflag:s20], $0x200  }
0xc1: {  	[sflag:s20] =	ssyncset.done $0x0  }
0xc2: {  	[sflag:s20] =	ssyncadd.s32 $0xFFFFFE00  }
0xc3: {  	_ =	swait.ge [sflag:s20], $0x200  }
0xc4: {  	[sflag:s20] =	ssyncset.done $0x0  }
0xc5: {  	[sflag:s20] =	ssyncadd.s32 $0xFFFFFE00  }
0xc6: {  	_ =	swait.ge [sflag:s26], $0x800  }
0xc7: {  	[sflag:s26] =	ssyncset.done $0x0  }
0xc8: {  	[sflag:s26] =	ssyncadd.s32 $0xFFFFF800  }
0xc9: {  	[spmem:s2] =	stream.indirect.scatter.add.f32 [tilespmem:s28], [sflag:$0x5], $0x10, s23, s15, $0xb8;
	[tilespmem:$0x1CF00] =	vst v63  }
0xca: {  	_ = 	snop  }
0xcb: {  	[tilespmem:s16], [sflag:$0x1] =	stream.indirect.gather [hbm4b:s4+s15], $0x10, s3, s15, $0xb8;
	[tilespmem:$0x1CF00] =	vst v63  }
0xcc: {  	_ =	swait.ge [sflag:s29], $0x800  }
0xcd: {  	[sflag:s29] =	ssyncset.done $0x0  }
0xce: {  	s30 =	simm.s32 $0x680;
	[sflag:s29] =	ssyncadd.s32 $0xFFFFF800  }
0xcf: {  	[spmem:s2] =	stream.indirect.scatter.add.f32 [tilespmem:s0], [sflag:$0x6], $0x10, s30, s15, $0xb8;
	[tilespmem:$0x1CF00] =	vst v63  }
0xd0: {  	_ = 	snop  }
0xd1: {  	[tilespmem:s17], [sflag:$0x2] =	stream.indirect.gather [hbm4b:s4+s15], $0x10, s15, s15, $0xb8;
	[tilespmem:$0x1CF00] =	vst v63  }
0xd2: {  	_ =	swait.ge [sflag:s1], $0x800  }
0xd3: {  	[sflag:s1] =	ssyncset.done $0x0  }
0xd4: {  	s30 =	simm.s32 $0x700;
	[sflag:s1] =	ssyncadd.s32 $0xFFFFF800  }
0xd5: {  	[spmem:s2] =	stream.indirect.scatter.add.f32 [tilespmem:s8], [sflag:$0x7], $0x10, s30, s15, $0xb8;
	[tilespmem:$0x1CF00] =	vst v63  }
0xd6: {  	_ = 	snop  }
0xd7: {  	[tilespmem:s19], [sflag:$0x3] =	stream.indirect.gather [hbm4b:s4+s15], $0x10, s31, s15, $0xb8;
	[tilespmem:$0x1CF00] =	vst v63  }
0xd8: {  	_ =	swait.ge [sflag:s9], $0x800  }
0xd9: {  	[sflag:s9] =	ssyncset.done $0x0  }
0xda: {  	s30 =	simm.s32 $0x780;
	[sflag:s9] =	ssyncadd.s32 $0xFFFFF800  }
0xdb: {  	[spmem:s2] =	stream.indirect.scatter.add.f32 [tilespmem:s24], [sflag:$0x8], $0x10, s30, s15, $0xb8;
	[tilespmem:$0x1CF00] =	vst v63  }
0xdc: {  	_ = 	snop  }
0xdd: {  	[tilespmem:s21], [sflag:$0x4] =	stream.indirect.gather [hbm4b:s4+s15], $0x10, s5, s15, $0xb8;
	[tilespmem:$0x1CF00] =	vst v63  }
0xde: {  	_ =	swait.ge [sflag:s6], $0x800  }
0xdf: {  	[sflag:s6] =	ssyncset.done $0x0  }
0xe0: {  	[sflag:s6] =	ssyncadd.s32 $0xFFFFF800  }
0xe1: {  	_ =	swait.ge [sflag:s12], $0x800  }
0xe2: {  	[sflag:s12] =	ssyncset.done $0x0  }
0xe3: {  	[sflag:s12] =	ssyncadd.s32 $0xFFFFF800  }
0xe4: {  	_ =	swait.ge [sflag:s13], $0x800  }
0xe5: {  	[sflag:s13] =	ssyncset.done $0x0  }
0xe6: {  	p0 =	sne.s32 s7, $0x3000;
	[sflag:s13] =	ssyncadd.s32 $0xFFFFF800  }
.Ltmp0:
0xe7: {  	_ =	swait.ge [sflag:s18], $0x800;
	(pc) =	sbr.rel @p0 .LBB2_2-.Ltmp0, $4  }
0xe8: {  	s11 =	rddreg [dreg:$0x3]  }
0xe9: {  	s7 =	sadd.s32 $0x80, s7;
	s30 =	rddreg [dreg:$0x4];
	[sflag:s18] =	ssyncset.done $0x0  }
0xea: {  	[sflag:s18] =	ssyncadd.s32 $0xFFFFF800;
	s11 =	sadd.s32 s10, s11;
	s10 =	sadd.s32 s10, s30  }
0xeb: {  	[tilespmem:s22], [sflag:$0xA] =	stream.linear.gather [hbm4b:s11+s3], $0x200, $0x38;
	[tilespmem:$0x1CF00] =	vst v63  }
0xec: {  	[tilespmem:s23], [sflag:$0xA] =	stream.linear.gather [hbm4b:s10+s3], $0x200, $0x38;
	[tilespmem:$0x1CF00] =	vst v63  }
0xed: {  	_ =	swait.ge [sflag:s25], $0x200  }
0xee: {  	[sflag:s25] =	ssyncset.done $0x0  }
0xef: {  	[sflag:s25] =	ssyncadd.s32 $0xFFFFFE00  }
0xf0: {  	_ =	swait.ge [sflag:s25], $0x200  }
0xf1: {  	[sflag:s25] =	ssyncset.done $0x0  }
0xf2: {  	[sflag:s25] =	ssyncadd.s32 $0xFFFFFE00  }
0xf3: {  	_ =	swait.ge [sflag:s26], $0x800  }
0xf4: {  	[sflag:s26] =	ssyncset.done $0x0  }
0xf5: {  	[sflag:s26] =	ssyncadd.s32 $0xFFFFF800  }
0xf6: {  	[spmem:s2] =	stream.indirect.scatter.add.f32 [tilespmem:s16], [sflag:$0x5], $0x10, s14, s15, $0xb8;
	[tilespmem:$0x1CF00] =	vst v63  }
0xf7: {  	_ = 	snop  }
0xf8: {  	[tilespmem:s28], [sflag:$0x1] =	stream.indirect.gather [hbm4b:s4+s15], $0x10, s22, s15, $0xb8;
	[tilespmem:$0x1CF00] =	vst v63  }
0xf9: {  	_ =	swait.ge [sflag:s29], $0x800  }
0xfa: {  	[sflag:s29] =	ssyncset.done $0x0  }
0xfb: {  	s5 =	simm.s32 $0x280;
	[sflag:s29] =	ssyncadd.s32 $0xFFFFF800  }
0xfc: {  	[spmem:s2] =	stream.indirect.scatter.add.f32 [tilespmem:s17], [sflag:$0x6], $0x10, s5, s15, $0xb8;
	[tilespmem:$0x1CF00] =	vst v63  }
0xfd: {  	s7 =	simm.s32 $0x480  }
0xfe: {  	[tilespmem:s0], [sflag:$0x2] =	stream.indirect.gather [hbm4b:s4+s15], $0x10, s7, s15, $0xb8;
	[tilespmem:$0x1CF00] =	vst v63  }
0xff: {  	_ =	swait.ge [sflag:s1], $0x800  }
0x100: {  	[sflag:s1] =	ssyncset.done $0x0  }
0x101: {  	s10 =	simm.s32 $0x300;
	[sflag:s1] =	ssyncadd.s32 $0xFFFFF800  }
0x102: {  	[spmem:s2] =	stream.indirect.scatter.add.f32 [tilespmem:s19], [sflag:$0x7], $0x10, s10, s15, $0xb8;
	[tilespmem:$0x1CF00] =	vst v63  }
0x103: {  	s11 =	simm.s32 $0x500  }
0x104: {  	[tilespmem:s8], [sflag:$0x3] =	stream.indirect.gather [hbm4b:s4+s15], $0x10, s11, s15, $0xb8;
	[tilespmem:$0x1CF00] =	vst v63  }
0x105: {  	_ =	swait.ge [sflag:s9], $0x800  }
0x106: {  	[sflag:s9] =	ssyncset.done $0x0  }
0x107: {  	s7 =	simm.s32 $0x380;
	[sflag:s9] =	ssyncadd.s32 $0xFFFFF800  }
0x108: {  	[spmem:s2] =	stream.indirect.scatter.add.f32 [tilespmem:s21], [sflag:$0x8], $0x10, s7, s15, $0xb8;
	[tilespmem:$0x1CF00] =	vst v63  }
0x109: {  	s10 =	simm.s32 $0x580  }
0x10a: {  	[tilespmem:s24], [sflag:$0x4] =	stream.indirect.gather [hbm4b:s4+s15], $0x10, s10, s15, $0xb8;
	[tilespmem:$0x1CF00] =	vst v63  }
0x10b: {  	_ =	swait.ge [sflag:s6], $0x800  }
0x10c: {  	[sflag:s6] =	ssyncset.done $0x0  }
0x10d: {  	[sflag:s6] =	ssyncadd.s32 $0xFFFFF800  }
0x10e: {  	_ =	swait.ge [sflag:s12], $0x800  }
0x10f: {  	[sflag:s12] =	ssyncset.done $0x0  }
0x110: {  	[sflag:s12] =	ssyncadd.s32 $0xFFFFF800  }
0x111: {  	_ =	swait.ge [sflag:s13], $0x800  }
0x112: {  	[sflag:s13] =	ssyncset.done $0x0  }
0x113: {  	[sflag:s13] =	ssyncadd.s32 $0xFFFFF800  }
0x114: {  	_ =	swait.ge [sflag:s18], $0x800  }
0x115: {  	[sflag:s18] =	ssyncset.done $0x0  }
0x116: {  	[sflag:s18] =	ssyncadd.s32 $0xFFFFF800  }
0x117: {  	_ =	swait.ge [sflag:s26], $0x800  }
0x118: {  	[sflag:s26] =	ssyncset.done $0x0  }
0x119: {  	[sflag:s26] =	ssyncadd.s32 $0xFFFFF800  }
0x11a: {  	[spmem:s2] =	stream.indirect.scatter.add.f32 [tilespmem:s28], [sflag:$0x5], $0x10, s23, s15, $0xb8;
	[tilespmem:$0x1CF00] =	vst v63  }
0x11b: {  	_ =	swait.ge [sflag:s29], $0x800  }
0x11c: {  	[sflag:s29] =	ssyncset.done $0x0  }
0x11d: {  	s11 =	simm.s32 $0x680;
	[sflag:s29] =	ssyncadd.s32 $0xFFFFF800  }
0x11e: {  	[spmem:s2] =	stream.indirect.scatter.add.f32 [tilespmem:s0], [sflag:$0x6], $0x10, s11, s15, $0xb8;
	[tilespmem:$0x1CF00] =	vst v63  }
0x11f: {  	_ =	swait.ge [sflag:s1], $0x800  }
0x120: {  	[sflag:s1] =	ssyncset.done $0x0  }
0x121: {  	s7 =	simm.s32 $0x700;
	[sflag:s1] =	ssyncadd.s32 $0xFFFFF800  }
0x122: {  	[spmem:s2] =	stream.indirect.scatter.add.f32 [tilespmem:s8], [sflag:$0x7], $0x10, s7, s15, $0xb8;
	[tilespmem:$0x1CF00] =	vst v63  }
0x123: {  	_ =	swait.ge [sflag:s9], $0x800  }
0x124: {  	[sflag:s9] =	ssyncset.done $0x0  }
0x125: {  	s10 =	simm.s32 $0x780;
	[sflag:s9] =	ssyncadd.s32 $0xFFFFF800  }
0x126: {  	[spmem:s2] =	stream.indirect.scatter.add.f32 [tilespmem:s24], [sflag:$0x8], $0x10, s10, s15, $0xb8;
	[tilespmem:$0x1CF00] =	vst v63  }
0x127: {  	_ =	swait.ge [sflag:s6], $0x800  }
0x128: {  	[sflag:s6] =	ssyncset.done $0x0  }
0x129: {  	[sflag:s6] =	ssyncadd.s32 $0xFFFFF800  }
0x12a: {  	_ =	swait.ge [sflag:s12], $0x800  }
0x12b: {  	[sflag:s12] =	ssyncset.done $0x0  }
0x12c: {  	[sflag:s12] =	ssyncadd.s32 $0xFFFFF800  }
0x12d: {  	_ =	swait.ge [sflag:s13], $0x800  }
0x12e: {  	[sflag:s13] =	ssyncset.done $0x0  }
0x12f: {  	[sflag:s13] =	ssyncadd.s32 $0xFFFFF800  }
0x130: {  	_ =	swait.ge [sflag:s18], $0x800  }
0x131: {  	[sflag:s18] =	ssyncset.done $0x0  }
0x132: {  	[sflag:s18] =	ssyncadd.s32 $0xFFFFF800  }
0x133: {  	[bflag:$0x0] =	sbarrier.arrive $0xFFFF  }
0x134: {  	s30 =	rddreg [dreg:$0x8]  }
0x135: {  	s10 =	rddreg [dreg:$0xe]  }
0x136: {  	s11 =	rddreg [dreg:$0xf]  }
0x137: {  	[hbm:s11], [sflag:s30] =	dma.local [spmem:s10], $0x30E0  }
0x138: {  	s11 =	simm.s32 $0xB  }
0x139: {  	_ =	swait.ge [sflag:s11], $0x30E0  }
0x13a: {  	s7 =	rddreg [dreg:$0x10]  }
0x13b: {  	s5 =	sadd.s32 $0x1, s7;
	s7 =	rddreg [dreg:$0xd]  }
0x13c: {  	p0 =	sne.s32 s5, s7  }
.Ltmp1:
0x13d: {  	_ = 	snop;
	(pc) =	sbr.rel @p0 .LBB2_1-.Ltmp1, $3  }
0x13e: {  	_ =	sdelay $0x1  }
0x13f: {  	[sflag:s11] =	ssyncset.done $0x0  }
0x140: {  	[sflag:s11] =	ssyncadd.s32 $0xFFFFCF20  }
0x141: {  	_ =	sfence.sel $0x180000  }
0x142: {  	[bflag:$0x0] =	sbarrier.arrive $0xFFFF  }
0x143: {  	_ =	strace $0x9000004A  }
0x144: {  	s0 =	stileid.u32;
	[bflag:$0x2] =	sbarrier.arrive $0xFFFF  }
0x145: {  	p0 =	sne.s32 s0, $0x0;
	s0 =	rddreg [dreg:$0x2]  }
0x146: {  	s0 =	sadd.s32 @!p0 $0x100000, s0  }
0x147: {  	[sflag:s0] =	ssyncadd.tile.s32 @!p0 $0x1;
	_ =	shalt  }
.Lfunc_end2:
_tile_overlayer_lowered:
.L_overlay_start_2:
0x148: {  	(tag) =	ssettag $0x2  }
0x149: {  	s0 =	rddreg [dreg:$0x0];
	s2 =	stileid.u32  }
0x14a: {  	s1 =	rddreg [dreg:$0x1];
	p0 =	sne.s32 s2, $0x0  }
0x14b: {  	s3 =	rddreg [dreg:$0x2];
	[bflag:$0x3] =	sbarrier.arrive $0xFFFF;
	s2 =	simm.s32 @!p0 $0x1C0B  }
0x14c: {  	[timem:s3], [sflag:s2] =	dma.local @!p0 [hbm:s0], s1  }
0x14d: {  	s0 =	simm.s32 @!p0 $0xB  }
0x14e: {  	_ =	swait.ge @!p0 [sflag:s0], s1  }
0x14f: {  	s1 =	ssub.s32 @!p0 $0x0, s1;
	[sflag:s0] =	ssyncset.done @!p0 $0x0  }
0x150: {  	[sflag:s0] =	ssyncadd.s32 @!p0 s1  }
0x151: {  	[bflag:$0x3] =	sbarrier.arrive $0xFFFF  }
0x152: {  	_ =	shalt  }

// kernel: kernel.18.cloned.1.call-start
scs
__scs_entry_jumppad:
0x0: {  	(pc) =	sbr.rel $0x88, $3  }
0x1: {  	(tag) =	ssettag $0x0;
	lr =	simm.s32 $0x1  }
0x2: {  	[smem:$0x3F87] =	sst lr;
	_ =	strace $0xD0000000  }
0x3: {  	_ = 	snop  }
0x4: {  	_ = 	snop  }
0x5: {  	_ = 	snop  }
0x6: {  	_ = 	snop  }
0x7: {  	_ = 	snop  }
__scs_overlays_trampoline_lowered:
0x8: {  	[smem:$0x3F96] =	sst s0  }
0x9: {  	[smem:$0x3F97] =	sst s1  }
0xa: {  	[smem:$0x3F98] =	sst s2  }
0xb: {  	[smem:$0x3F99] =	sst s3  }
0xc: {  	[smem:$0x3F9A] =	sst s4  }
0xd: {  	[smem:$0x3F9B] =	sst s5  }
0xe: {  	[smem:$0x3F9C] =	sst s6  }
0xf: {  	[smem:$0x3F9D] =	sst s7  }
0x10: {  	[smem:$0x3F9E] =	sst s8  }
0x11: {  	[smem:$0x3F9F] =	sst s9;
	s0 =	simm.s32 @!p0 $0x0  }
0x12: {  	s1 =	sld [smem:$0x3F85];
	s0 =	simm.s32 @p0 $0x1  }
0x13: {  	[smem:$0x3FA0] =	sst s0;
	s0 =	simm.s32 @!p1 $0x0  }
0x14: {  	s2 =	sld [smem:$0x3F84];
	s0 =	simm.s32 @p1 $0x1  }
0x15: {  	[smem:$0x3FA1] =	sst s0;
	s0 =	simm.s32 @!p2 $0x0  }
0x16: {  	s3 =	sld [smem:$0x3FDB];
	s0 =	simm.s32 @p2 $0x1  }
0x17: {  	s4 =	simm.s32 $0x1BF5;
	[smem:$0x3FA3] =	sst s0  }
0x18: {  	s0 =	sld [smem:$0x3F86];
	_ =	swait.ge [sflag:s4], $0x0  }
0x19: {  	s7 =	sld [smem:$0x3F87]  }
0x1a: {  	s8 =	sadd.s32 $0xFFFFE003, lr  }
0x1b: {  	s9 =	sadd.s32 $0xFFFFFEF7, lr;
	s5 =	simm.s32 $0xFFFFFFFF;
	p2 =	slt.u32 s8, $0xFFFFF086  }
0x1c: {  	p1 =	slt.u32 s9, $0xF7A;
	s5 =	simm.s32 @!p2 $0x0  }
0x1d: {  	s5 =	simm.s32 @p1 $0x1;
	p0 =	seq.s32 s7, s2  }
0x1e: {  	s7 =	smul.u32 @!p0 $0xF7A, s2;
	p2 =	seq.s32 @!p0 s5, $0x0  }
0x1f: {  	s9 =	smul.u32 $0xF7A, s1;
	s8 =	simm.s32 @!p0 $0x1BF5;
	p2 =	por !p2, p0  }
0x20: {  	[sflag:s8] =	ssyncset.s32 @!p0 $0xFFFFF086;
	s6 =	sadd.s32 @!p0 s3, s7;
	s7 =	simm.s32 @!p0 $0x108  }
0x21: {  	s3 =	sadd.s32 s3, s9;
	s6 =	sadd.s32 @!p0 $0x88, s6;
	s7 =	simm.s32 @p2 $0x1082  }
0x22: {  	[simem:s7], [sflag:s8] =	dma.local @!p0 [hbm:s6], $0xF7A  }
0x23: {  	s9 =	sor.u32 $0xD0000000, s2;
	s6 =	simm.s32 $0x108;
	_ =	swait.ge @!p0 [sflag:s8], $0x0  }
0x24: {  	s3 =	sadd.s32 $0x88, s3;
	s6 =	simm.s32 @!p1 $0x1082;
	[sflag:s4] =	ssyncset.s32 $0xFFFFF086  }
0x25: {  	[simem:s6], [sflag:s4] =	dma.local [hbm:s3], $0xF7A  }
0x26: {  	[smem:$0x3F87] =	sst s1;
	(tag) =	ssettag s2;
	_ =	strace s9  }
0x27: {  	s1 =	sld [smem:$0x3F97]  }
0x28: {  	s2 =	sld [smem:$0x3F98]  }
0x29: {  	s4 =	sld [smem:$0x3F9A]  }
0x2a: {  	p0 =	seq.s32 s5, $0x0;
	s5 =	sld [smem:$0x3F9B]  }
0x2b: {  	s6 =	sld [smem:$0x3F9C]  }
0x2c: {  	s7 =	sld [smem:$0x3F9D]  }
0x2d: {  	s3 =	simm.s32 $0x108;
	s8 =	sld [smem:$0x3F9E]  }
0x2e: {  	s3 =	simm.s32 @!p0 $0x1082;
	s9 =	sld [smem:$0x3F9F]  }
0x2f: {  	lr =	sadd.s32 s0, s3;
	s0 =	sld [smem:$0x3F96]  }
0x30: {  	s3 =	sld [smem:$0x3F99]  }
0x31: {  	[smem:$0x3FA2] =	sst s10  }
0x32: {  	s10 =	sld [smem:$0x3FA0];
	_ =	sdelay $0x3  }
0x33: {  	p0 =	seq.s32 s10, $0x1;
	s10 =	sld [smem:$0x3FA2];
	_ =	sdelay $0x3  }
0x34: {  	[smem:$0x3FA2] =	sst s10  }
0x35: {  	s10 =	sld [smem:$0x3FA1];
	_ =	sdelay $0x3  }
0x36: {  	p1 =	seq.s32 s10, $0x1;
	s10 =	sld [smem:$0x3FA2];
	_ =	sdelay $0x3  }
0x37: {  	[smem:$0x3FA2] =	sst s10  }
0x38: {  	s10 =	sld [smem:$0x3FA3]  }
0x39: {  	_ = 	snop;
	(pc) =	sbr.ind lr, $3  }
0x3a: {  	_ = 	snop  }
0x3b: {  	_ = 	snop  }
0x3c: {  	p2 =	seq.s32 s10, $0x1;
	s10 =	sld [smem:$0x3FA2]  }
0x3d: {  	_ =	shalt  }
0x3e: {  	_ =	shalt  }
0x3f: {  	_ =	shalt  }
0x40: {  	_ =	shalt  }
0x41: {  	_ =	shalt  }
0x42: {  	_ =	shalt  }
0x43: {  	_ =	shalt  }
0x44: {  	_ =	shalt  }
0x45: {  	_ =	shalt  }
0x46: {  	_ =	shalt  }
0x47: {  	_ =	shalt  }
0x48: {  	_ =	shalt  }
0x49: {  	_ =	shalt  }
0x4a: {  	_ =	shalt  }
0x4b: {  	_ =	shalt  }
0x4c: {  	_ =	shalt  }
0x4d: {  	_ =	shalt  }
0x4e: {  	_ =	shalt  }
0x4f: {  	_ =	shalt  }
0x50: {  	_ =	shalt  }
0x51: {  	_ =	shalt  }
0x52: {  	_ =	shalt  }
0x53: {  	_ =	shalt  }
0x54: {  	_ =	shalt  }
0x55: {  	_ =	shalt  }
0x56: {  	_ =	shalt  }
0x57: {  	_ =	shalt  }
0x58: {  	_ =	shalt  }
0x59: {  	_ =	shalt  }
0x5a: {  	_ =	shalt  }
0x5b: {  	_ =	shalt  }
0x5c: {  	_ =	shalt  }
0x5d: {  	_ =	shalt  }
0x5e: {  	_ =	shalt  }
0x5f: {  	_ =	shalt  }
0x60: {  	_ =	shalt  }
0x61: {  	_ =	shalt  }
0x62: {  	_ =	shalt  }
0x63: {  	_ =	shalt  }
0x64: {  	_ =	shalt  }
0x65: {  	_ =	shalt  }
0x66: {  	_ =	shalt  }
0x67: {  	_ =	shalt  }
0x68: {  	_ =	shalt  }
0x69: {  	_ =	shalt  }
0x6a: {  	_ =	shalt  }
0x6b: {  	_ =	shalt  }
0x6c: {  	_ =	shalt  }
0x6d: {  	_ =	shalt  }
0x6e: {  	_ =	shalt  }
0x6f: {  	_ =	shalt  }
0x70: {  	_ =	shalt  }
0x71: {  	_ =	shalt  }
0x72: {  	_ =	shalt  }
0x73: {  	_ =	shalt  }
0x74: {  	_ =	shalt  }
0x75: {  	_ =	shalt  }
0x76: {  	_ =	shalt  }
0x77: {  	_ =	shalt  }
0x78: {  	_ =	shalt  }
0x79: {  	_ =	shalt  }
0x7a: {  	_ =	shalt  }
0x7b: {  	_ =	shalt  }
0x7c: {  	_ =	shalt  }
0x7d: {  	_ =	shalt  }
0x7e: {  	_ =	shalt  }
0x7f: {  	_ =	shalt  }
0x80: {  	_ =	shalt  }
0x81: {  	_ =	shalt  }
0x82: {  	_ =	shalt  }
0x83: {  	_ =	shalt  }
0x84: {  	_ =	shalt  }
0x85: {  	_ =	shalt  }
0x86: {  	_ =	shalt  }
0x87: {  	_ =	shalt  }
.Lfunc_end0:
.L_simem_size_0:
called_computation.2_lowered:
.L_overlay_start_0:
0x88: {  	s2 =	sld [smem:$0x3FD9]  }
0x89: {  	s3 =	sld [smem:$0x3FFE];
	_ =	sdelay $0x1  }
0x8a: {  	s1 =	srdreg.scid  }
0x8b: {  	s0 =	sand.u32 $0x1, s1  }
0x8c: {  	s16 =	sshll.u32 s0, $0xA;
	s2 =	sadd.s32 s3, s2  }
0x8d: {  	s2 =	sadd.s32 s2, s16  }
0x8e: {  	[smem:$0x3FAE] =	sst s2  }
0x8f: {  	_ = 	snop  }
0x90: {  	(tm) =	ssettm $0x1  }
0x91: {  	s17 =	sld [smem:$0x3FFB];
	_ =	sdelay $0x3  }
0x92: {  	_ =	strace s17  }
0x93: {  	s2 =	sld [smem:$0x3FFC];
	_ =	sdelay $0x3  }
0x94: {  	_ =	strace s2  }
0x95: {  	s2 =	sld [smem:$0x3FFD];
	_ =	sdelay $0x3  }
0x96: {  	_ =	strace s2  }
0x97: {  	_ =	strace $0x8FFFFFFF  }
0x98: {  	s18 =	sld [smem:$0x3FDB];
	_ =	sdelay $0x1  }
0x99: {  	s19 =	simm.s32 $_scs_section_size  }
0x9a: {  	s4 =	simm.s32 $_size__tile_overlayer_lowered;
	s5 =	simm.s32 $_tile_overlayer_lowered  }
0x9b: {  	s22 =	simm.s32 $0x1BFF;
	s21 =	sshll.u32 s5, $0x1;
	s2 =	sadd.s32 s19, s18  }
0x9c: {  	s6 =	simm.s32 $0x0;
	s20 =	sshll.u32 s4, $0x1;
	s4 =	sadd.s32 s21, s2  }
0x9d: {  	[timem:s6], [sflag:s22] =	dma.local [hbm:s4], s20  }
0x9e: {  	_ =	swait.ge [sflag:s22], s20  }
0x9f: {  	s3 =	ssub.s32 $0x0, s20;
	[sflag:s22] =	ssyncset.done $0x0  }
0xa0: {  	[sflag:s22] =	ssyncadd.s32 s3;
	_ =	sdelay $0x1  }
0xa1: {  	s23 =	simm.s32 $0x1B8B  }
0xa2: {  	_ =	swait.ge [sflag:s23], $0x1  }
0xa3: {  	[sflag:s23] =	ssyncset.done $0x0  }
0xa4: {  	s25 =	simm.s32 $0x1B8E;
	s24 =	sld [smem:$0x3FFE];
	[sflag:s23] =	ssyncadd.s32 $0xFFFFFFFF  }
0xa5: {  	s26 =	simm.s32 $execute0_lowered;
	[smem:$0x3FD2] =	sst s25  }
0xa6: {  	s4 =	sshll.u32 s26, $0x1;
	_ =	strace $0x8000004C;
	[dreg:$0x1] =	wrdreg $0xFFFFFFFF  }
0xa7: {  	s28 =	simm.s32 $_size_execute0_lowered;
	s2 =	sadd.s32 s2, s4;
	[dreg:$0x0] =	wrdreg $0x0  }
0xa8: {  	s4 =	sshll.u32 s28, $0x1;
	[dreg:$0x2] =	wrdreg s2  }
0xa9: {  	[dreg:$0x3] =	wrdreg s4  }
0xaa: {  	[dreg:$0x4] =	wrdreg $0xC0  }
0xab: {  	_ =	task [dreg:s6], $0x5FFFF  }
0xac: {  	[dreg:$0x1] =	wrdreg $0xFFFFFFFF  }
0xad: {  	[dreg:$0x0] =	wrdreg $0x60  }
0xae: {  	[dreg:$0x2] =	wrdreg s24  }
0xaf: {  	[dreg:$0x3] =	wrdreg $0x48000  }
0xb0: {  	[dreg:$0x4] =	wrdreg $0x9  }
0xb1: {  	_ =	task.clear_ibuf [dreg:s6], $0x5FFFF;
	_ =	strace $0x9000004C  }
0xb2: {  	s29 =	simm.s32 $0x9;
	_ =	strace $0x8000004E  }
0xb3: {  	_ =	swait.ge [sflag:s29], $0x1  }
0xb4: {  	[sflag:s29] =	ssyncadd.s32 $0xFFFFFFFF  }
0xb5: {  	_ =	strace $0x9000004E  }
0xb6: {  	_ =	sfence  }
0xb7: {  	s30 =	sld [smem:$0x0];
	_ =	sdelay $0x2  }
0xb8: {  	s31 =	sshll.u32 s1, $0xD;
	s1 =	sshrl.u32 s1, $0x2  }
0xb9: {  	s3 =	sand.u32 $0x4000, s31;
	s1 =	sadd.s32 s1, s30  }
0xba: {  	s0 =	sor.u32 s3, s0;
	s1 =	sshll.u32 s1, $0x11  }
0xbb: {  	s0 =	sor.u32 s1, s0  }
0xbc: {  	s0 =	sadd.s32 $0x8F2B, s0  }
0xbd: {  	[sflag:s0] =	ssyncadd.remote.s32 $0x1  }
0xbe: {  	_ =	sfence.sel $0xFFFF  }
0xbf: {  	[dreg:$0x0] =	wrdreg $0xFFFFFFFF;
	(pc) =	sbr.abs _section_cstart, $3  }
0xc0: {  	[dreg:$0x1] =	wrdreg $0xFFFFFFFF  }
0xc1: {  	_ =	task.clear_ibuf [dreg:s6], $0x2FFFF;
	_ =	strace $0x9FFFFFFF  }
0xc2: {  	(tm) =	ssettm $0x7FFFFFFF  }
0xc3: {  	_ =	shalt  }
tec
execute0_lowered:
.L_overlay_start_1:
0x0: {  	(tag) =	ssettag $0x1  }
0x1: {  	s0 =	rddreg [dreg:$0x0]  }
0x2: {  	s1 =	rddreg [dreg:$0x1];
	s2 =	simm.s32 $0x0;
	s3 =	srdreg.scid  }
0x3: {  	s8 =	stileid.u32;
	s14 =	simm.s32 $0x200;
	s15 =	simm.s32 $0x80  }
0x4: {  	s16 =	simm.s32 $0x800;
	s17 =	simm.s32 $0x1000;
	s19 =	simm.s32 $0x1800  }
0x5: {  	s21 =	simm.s32 $0x2000;
	s22 =	simm.s32 $0x400;
	s28 =	simm.s32 $0x2800  }
0x6: {  	s29 =	simm.s32 $0x2;
	s13 =	simm.s32 $0x5;
	s18 =	simm.s32 $0x6  }
0x7: {  	s20 =	simm.s32 $0x7;
	s30 =	simm.s32 $0x8;
	s31 =	simm.s32 $0x9  }
0x8: {  	[smem:$0x7FF] =	sst s2;
	s3 =	sand.u32 $0x1, s3;
	s5 =	smul.u32 $0x18700, s8  }
0x9: {  	s9 =	sadd.s32 $0x27F400, s0;
	s24 =	sshll.u32 s8, $0x6;
	s8 =	smul.u32 $0x6200, s8  }
0xa: {  	s10 =	sadd.s32 $0x4000, s0;
	s4 =	smul.u32 $0x30D40, s3;
	_ =	strace $0x8000004D  }
0xb: {  	s6 =	smul.u32 $0x30E00, s3;
	s3 =	ssub.s32 $0x2, s3;
	s24 =	sor.u32 $0x1C0B, s24  }
0xc: {  	s11 =	sshrl.u32 s5, $0x3;
	s23 =	sshrl.u32 s3, $0x1;
	s5 =	sadd.s32 s5, s1  }
0xd: {  	s12 =	sor.u32 $0x40, s8;
	[dreg:$0x4] =	wrdreg s24;
	s4 =	sadd.s32 s4, s0  }
0xe: {  	s7 =	sadd.s32 s11, s0;
	s0 =	sadd.s32 s6, s0;
	s3 =	ssub.s32 s3, s23  }
0xf: {  	s6 =	sadd.s32 s9, s8;
	s25 =	sadd.s32 s9, s12;
	s26 =	sadd.s32 s10, s12  }
0x10: {  	s5 =	sshrl.u32 s5, $0x3;
	s9 =	simm.s32 $0xB;
	s23 =	simm.s32 $0x600  }
0x11: {  	s12 =	simm.s32 $0x4000;
	s7 =	sadd.s32 $0x66000, s7;
	[dreg:$0x5] =	wrdreg s25  }
0x12: {  	[dreg:$0x6] =	wrdreg s26;
	s0 =	sadd.s32 $0x343000, s0;
	s3 =	smax.u32 s3, $0x1  }
0x13: {  	s25 =	simm.s32 $0xA;
	s26 =	simm.s32 $0x1;
	[dreg:$0x8] =	wrdreg s5  }
0x14: {  	[dreg:$0x3] =	wrdreg s7;
	s7 =	sadd.s32 s10, s8;
	s8 =	sadd.s32 $0x2E1400, s4  }
0x15: {  	[dreg:$0x7] =	wrdreg s3;
	s0 =	sadd.s32 s11, s0;
	s3 =	simm.s32 $0x3  }
0x16: {  	s10 =	simm.s32 $0x3800;
	s4 =	simm.s32 $0x0;
	[dreg:$0x9] =	wrdreg s0  }
0x17: {  	s11 =	simm.s32 $0x4;
	s0 =	simm.s32 $0x3000;
	[dreg:$0xa] =	wrdreg s4  }
.LBB2_1:
0x18: {  	s4 =	rddreg [dreg:$0x3]  }
0x19: {  	[spmem:s5], [sflag:s24] =	dma.local [hbm:s4], $0x30E0  }
0x1a: {  	_ =	swait.ge [sflag:s9], $0x30E0  }
0x1b: {  	[sflag:s9] =	ssyncset.done $0x0  }
0x1c: {  	[sflag:s9] =	ssyncadd.s32 $0xFFFFCF20  }
0x1d: {  	[bflag:$0x0] =	sbarrier.arrive $0xFFFF  }
0x1e: {  	[tilespmem:s2], [sflag:$0xB] =	stream.linear.gather [hbm4b:s6+s2], $0x200, $0x38;
	[tilespmem:$0x1CF00] =	vst v63  }
0x1f: {  	_ =	swait.ge [sflag:s9], $0x200  }
0x20: {  	[sflag:s9] =	ssyncset.done $0x0  }
0x21: {  	[sflag:s9] =	ssyncadd.s32 $0xFFFFFE00  }
0x22: {  	[tilespmem:s14], [sflag:$0xB] =	stream.linear.gather [hbm4b:s7+s2], $0x200, $0x38;
	[tilespmem:$0x1CF00] =	vst v63  }
0x23: {  	_ =	swait.ge [sflag:s9], $0x200  }
0x24: {  	[sflag:s9] =	ssyncset.done $0x0  }
0x25: {  	[sflag:s9] =	ssyncadd.s32 $0xFFFFFE00  }
0x26: {  	[tilespmem:s16], [sflag:$0x1] =	stream.indirect.gather [hbm4b:s8+s15], $0x10, s2, s15, $0xb8;
	[tilespmem:$0x1CF00] =	vst v63  }
0x27: {  	_ = 	snop  }
0x28: {  	[tilespmem:s17], [sflag:$0x2] =	stream.indirect.gather [hbm4b:s8+s15], $0x10, s15, s15, $0xb8;
	[tilespmem:$0x1CF00] =	vst v63  }
0x29: {  	s24 =	simm.s32 $0x100  }
0x2a: {  	[tilespmem:s19], [sflag:$0x3] =	stream.indirect.gather [hbm4b:s8+s15], $0x10, s24, s15, $0xb8;
	[tilespmem:$0x1CF00] =	vst v63  }
0x2b: {  	s9 =	simm.s32 $0x180  }
0x2c: {  	[tilespmem:s21], [sflag:$0x4] =	stream.indirect.gather [hbm4b:s8+s15], $0x10, s9, s15, $0xb8;
	[tilespmem:$0x1CF00] =	vst v63  }
0x2d: {  	s5 =	rddreg [dreg:$0x5]  }
0x2e: {  	[tilespmem:s22], [sflag:$0xA] =	stream.linear.gather [hbm4b:s5+s2], $0x200, $0x38;
	[tilespmem:$0x1CF00] =	vst v63  }
0x2f: {  	s9 =	rddreg [dreg:$0x6]  }
0x30: {  	[tilespmem:s23], [sflag:$0xA] =	stream.linear.gather [hbm4b:s9+s2], $0x200, $0x38;
	[tilespmem:$0x1CF00] =	vst v63  }
0x31: {  	_ =	swait.ge [sflag:s25], $0x200  }
0x32: {  	[sflag:s25] =	ssyncset.done $0x0  }
0x33: {  	[sflag:s25] =	ssyncadd.s32 $0xFFFFFE00  }
0x34: {  	_ =	swait.ge [sflag:s25], $0x200  }
0x35: {  	[sflag:s25] =	ssyncset.done $0x0  }
0x36: {  	[sflag:s25] =	ssyncadd.s32 $0xFFFFFE00  }
0x37: {  	_ =	swait.ge [sflag:s26], $0x800  }
0x38: {  	[sflag:s26] =	ssyncset.done $0x0  }
0x39: {  	[sflag:s26] =	ssyncadd.s32 $0xFFFFF800  }
0x3a: {  	[spmem:s1] =	stream.indirect.scatter.add.f32 [tilespmem:s16], [sflag:$0x5], $0x10, s14, s15, $0xb8;
	[tilespmem:$0x1CF00] =	vst v63  }
0x3b: {  	_ = 	snop  }
0x3c: {  	[tilespmem:s28], [sflag:$0x1] =	stream.indirect.gather [hbm4b:s8+s15], $0x10, s22, s15, $0xb8;
	[tilespmem:$0x1CF00] =	vst v63  }
0x3d: {  	_ =	swait.ge [sflag:s29], $0x800  }
0x3e: {  	[sflag:s29] =	ssyncset.done $0x0  }
0x3f: {  	s5 =	simm.s32 $0x280;
	[sflag:s29] =	ssyncadd.s32 $0xFFFFF800  }
0x40: {  	[spmem:s1] =	stream.indirect.scatter.add.f32 [tilespmem:s17], [sflag:$0x6], $0x10, s5, s15, $0xb8;
	[tilespmem:$0x1CF00] =	vst v63  }
0x41: {  	s9 =	simm.s32 $0x480  }
0x42: {  	[tilespmem:s0], [sflag:$0x2] =	stream.indirect.gather [hbm4b:s8+s15], $0x10, s9, s15, $0xb8;
	[tilespmem:$0x1CF00] =	vst v63  }
0x43: {  	_ =	swait.ge [sflag:s3], $0x800  }
0x44: {  	[sflag:s3] =	ssyncset.done $0x0  }
0x45: {  	s5 =	simm.s32 $0x300;
	[sflag:s3] =	ssyncadd.s32 $0xFFFFF800  }
0x46: {  	[spmem:s1] =	stream.indirect.scatter.add.f32 [tilespmem:s19], [sflag:$0x7], $0x10, s5, s15, $0xb8;
	[tilespmem:$0x1CF00] =	vst v63  }
0x47: {  	s9 =	simm.s32 $0x500  }
0x48: {  	[tilespmem:s10], [sflag:$0x3] =	stream.indirect.gather [hbm4b:s8+s15], $0x10, s9, s15, $0xb8;
	[tilespmem:$0x1CF00] =	vst v63  }
0x49: {  	_ =	swait.ge [sflag:s11], $0x800  }
0x4a: {  	[sflag:s11] =	ssyncset.done $0x0  }
0x4b: {  	s5 =	simm.s32 $0x380;
	[sflag:s11] =	ssyncadd.s32 $0xFFFFF800  }
0x4c: {  	[spmem:s1] =	stream.indirect.scatter.add.f32 [tilespmem:s21], [sflag:$0x8], $0x10, s5, s15, $0xb8;
	[tilespmem:$0x1CF00] =	vst v63  }
0x4d: {  	s9 =	simm.s32 $0x580  }
0x4e: {  	[tilespmem:s12], [sflag:$0x4] =	stream.indirect.gather [hbm4b:s8+s15], $0x10, s9, s15, $0xb8;
	[tilespmem:$0x1CF00] =	vst v63  }
0x4f: {  	_ =	swait.ge [sflag:s13], $0x800  }
0x50: {  	[sflag:s13] =	ssyncset.done $0x0  }
0x51: {  	[sflag:s13] =	ssyncadd.s32 $0xFFFFF800  }
0x52: {  	_ =	swait.ge [sflag:s18], $0x800  }
0x53: {  	[sflag:s18] =	ssyncset.done $0x0  }
0x54: {  	[sflag:s18] =	ssyncadd.s32 $0xFFFFF800  }
0x55: {  	_ =	swait.ge [sflag:s20], $0x800  }
0x56: {  	[sflag:s20] =	ssyncset.done $0x0  }
0x57: {  	[sflag:s20] =	ssyncadd.s32 $0xFFFFF800  }
0x58: {  	_ =	swait.ge [sflag:s30], $0x800  }
0x59: {  	s4 =	sadd.s32 $0xFFFF9E80, s6;
	[sflag:s30] =	ssyncset.done $0x0  }
0x5a: {  	s5 =	sadd.s32 $0x6200, s4;
	s9 =	sadd.s32 $0xFFFF9E80, s7;
	[sflag:s30] =	ssyncadd.s32 $0xFFFFF800  }
0x5b: {  	[tilespmem:s2], [sflag:$0x9] =	stream.linear.gather [hbm4b:s5+s2], $0x200, $0x38;
	[tilespmem:$0x1CF00] =	vst v63  }
0x5c: {  	s5 =	sadd.s32 $0x6200, s9  }
0x5d: {  	[tilespmem:s14], [sflag:$0x9] =	stream.linear.gather [hbm4b:s5+s2], $0x200, $0x38;
	[tilespmem:$0x1CF00] =	vst v63  }
0x5e: {  	_ =	swait.ge [sflag:s31], $0x200  }
0x5f: {  	[sflag:s31] =	ssyncset.done $0x0  }
0x60: {  	[sflag:s31] =	ssyncadd.s32 $0xFFFFFE00  }
0x61: {  	_ =	swait.ge [sflag:s31], $0x200  }
0x62: {  	[sflag:s31] =	ssyncset.done $0x0  }
0x63: {  	[sflag:s31] =	ssyncadd.s32 $0xFFFFFE00  }
0x64: {  	_ =	swait.ge [sflag:s26], $0x800  }
0x65: {  	[sflag:s26] =	ssyncset.done $0x0  }
0x66: {  	[sflag:s26] =	ssyncadd.s32 $0xFFFFF800  }
0x67: {  	[spmem:s1] =	stream.indirect.scatter.add.f32 [tilespmem:s28], [sflag:$0x5], $0x10, s23, s15, $0xb8;
	[tilespmem:$0x1CF00] =	vst v63  }
0x68: {  	_ = 	snop  }
0x69: {  	[tilespmem:s16], [sflag:$0x1] =	stream.indirect.gather [hbm4b:s8+s15], $0x10, s2, s15, $0xb8;
	[tilespmem:$0x1CF00] =	vst v63  }
0x6a: {  	_ =	swait.ge [sflag:s29], $0x800  }
0x6b: {  	[sflag:s29] =	ssyncset.done $0x0  }
0x6c: {  	s5 =	simm.s32 $0x680;
	[sflag:s29] =	ssyncadd.s32 $0xFFFFF800  }
0x6d: {  	[spmem:s1] =	stream.indirect.scatter.add.f32 [tilespmem:s0], [sflag:$0x6], $0x10, s5, s15, $0xb8;
	[tilespmem:$0x1CF00] =	vst v63  }
0x6e: {  	_ = 	snop  }
0x6f: {  	[tilespmem:s17], [sflag:$0x2] =	stream.indirect.gather [hbm4b:s8+s15], $0x10, s15, s15, $0xb8;
	[tilespmem:$0x1CF00] =	vst v63  }
0x70: {  	_ =	swait.ge [sflag:s3], $0x800  }
0x71: {  	[sflag:s3] =	ssyncset.done $0x0  }
0x72: {  	s5 =	simm.s32 $0x700;
	[sflag:s3] =	ssyncadd.s32 $0xFFFFF800  }
0x73: {  	[spmem:s1] =	stream.indirect.scatter.add.f32 [tilespmem:s10], [sflag:$0x7], $0x10, s5, s15, $0xb8;
	[tilespmem:$0x1CF00] =	vst v63  }
0x74: {  	_ = 	snop  }
0x75: {  	[tilespmem:s19], [sflag:$0x3] =	stream.indirect.gather [hbm4b:s8+s15], $0x10, s24, s15, $0xb8;
	[tilespmem:$0x1CF00] =	vst v63  }
0x76: {  	_ =	swait.ge [sflag:s11], $0x800  }
0x77: {  	[sflag:s11] =	ssyncset.done $0x0  }
0x78: {  	s24 =	simm.s32 $0x780;
	[sflag:s11] =	ssyncadd.s32 $0xFFFFF800  }
0x79: {  	[spmem:s1] =	stream.indirect.scatter.add.f32 [tilespmem:s12], [sflag:$0x8], $0x10, s24, s15, $0xb8;
	[tilespmem:$0x1CF00] =	vst v63  }
0x7a: {  	s24 =	simm.s32 $0x180  }
0x7b: {  	[tilespmem:s21], [sflag:$0x4] =	stream.indirect.gather [hbm4b:s8+s15], $0x10, s24, s15, $0xb8;
	[tilespmem:$0x1CF00] =	vst v63  }
0x7c: {  	_ =	swait.ge [sflag:s13], $0x800  }
0x7d: {  	[sflag:s13] =	ssyncset.done $0x0  }
0x7e: {  	[sflag:s13] =	ssyncadd.s32 $0xFFFFF800  }
0x7f: {  	_ =	swait.ge [sflag:s18], $0x800  }
0x80: {  	[sflag:s18] =	ssyncset.done $0x0  }
0x81: {  	[sflag:s18] =	ssyncadd.s32 $0xFFFFF800  }
0x82: {  	_ =	swait.ge [sflag:s20], $0x800  }
0x83: {  	[sflag:s20] =	ssyncset.done $0x0  }
0x84: {  	[sflag:s20] =	ssyncadd.s32 $0xFFFFF800  }
0x85: {  	_ =	swait.ge [sflag:s30], $0x800  }
0x86: {  	[sflag:s30] =	ssyncset.done $0x0  }
0x87: {  	s4 =	sadd.s32 $0x6240, s4;
	[sflag:s30] =	ssyncadd.s32 $0xFFFFF800  }
0x88: {  	[tilespmem:s22], [sflag:$0xA] =	stream.linear.gather [hbm4b:s4+s2], $0x200, $0x38;
	[tilespmem:$0x1CF00] =	vst v63  }
0x89: {  	s5 =	simm.s32 $0xFFFF9F00;
	s4 =	sadd.s32 $0x6240, s9  }
.LBB2_2:
0x8a: {  	[tilespmem:s23], [sflag:$0xA] =	stream.linear.gather [hbm4b:s4+s2], $0x200, $0x38;
	[tilespmem:$0x1CF00] =	vst v63  }
0x8b: {  	s9 =	smov.u32 s5  }
0x8c: {  	p0 =	sne.s32 s5, $0xFFFFFF80;
	s5 =	sadd.s32 $0x80, s5;
	_ =	swait.ge [sflag:s25], $0x200  }
0x8d: {  	[sflag:s25] =	ssyncset.done $0x0  }
0x8e: {  	[sflag:s25] =	ssyncadd.s32 $0xFFFFFE00  }
0x8f: {  	_ =	swait.ge [sflag:s25], $0x200  }
0x90: {  	[sflag:s25] =	ssyncset.done $0x0  }
0x91: {  	[sflag:s25] =	ssyncadd.s32 $0xFFFFFE00  }
0x92: {  	_ =	swait.ge [sflag:s26], $0x800  }
0x93: {  	[sflag:s26] =	ssyncset.done $0x0  }
0x94: {  	[sflag:s26] =	ssyncadd.s32 $0xFFFFF800  }
0x95: {  	[spmem:s1] =	stream.indirect.scatter.add.f32 [tilespmem:s16], [sflag:$0x5], $0x10, s14, s15, $0xb8;
	[tilespmem:$0x1CF00] =	vst v63  }
0x96: {  	_ = 	snop  }
0x97: {  	[tilespmem:s28], [sflag:$0x1] =	stream.indirect.gather [hbm4b:s8+s15], $0x10, s22, s15, $0xb8;
	[tilespmem:$0x1CF00] =	vst v63  }
0x98: {  	_ =	swait.ge [sflag:s29], $0x800  }
0x99: {  	[sflag:s29] =	ssyncset.done $0x0  }
0x9a: {  	s4 =	simm.s32 $0x280;
	[sflag:s29] =	ssyncadd.s32 $0xFFFFF800  }
0x9b: {  	[spmem:s1] =	stream.indirect.scatter.add.f32 [tilespmem:s17], [sflag:$0x6], $0x10, s4, s15, $0xb8;
	[tilespmem:$0x1CF00] =	vst v63  }
0x9c: {  	s4 =	simm.s32 $0x480  }
0x9d: {  	[tilespmem:s0], [sflag:$0x2] =	stream.indirect.gather [hbm4b:s8+s15], $0x10, s4, s15, $0xb8;
	[tilespmem:$0x1CF00] =	vst v63  }
0x9e: {  	_ =	swait.ge [sflag:s3], $0x800  }
0x9f: {  	[sflag:s3] =	ssyncset.done $0x0  }
0xa0: {  	s4 =	simm.s32 $0x300;
	[sflag:s3] =	ssyncadd.s32 $0xFFFFF800  }
0xa1: {  	[spmem:s1] =	stream.indirect.scatter.add.f32 [tilespmem:s19], [sflag:$0x7], $0x10, s4, s15, $0xb8;
	[tilespmem:$0x1CF00] =	vst v63  }
0xa2: {  	s4 =	simm.s32 $0x500  }
0xa3: {  	[tilespmem:s10], [sflag:$0x3] =	stream.indirect.gather [hbm4b:s8+s15], $0x10, s4, s15, $0xb8;
	[tilespmem:$0x1CF00] =	vst v63  }
0xa4: {  	_ =	swait.ge [sflag:s11], $0x800  }
0xa5: {  	[sflag:s11] =	ssyncset.done $0x0  }
0xa6: {  	s4 =	simm.s32 $0x380;
	[sflag:s11] =	ssyncadd.s32 $0xFFFFF800  }
0xa7: {  	[spmem:s1] =	stream.indirect.scatter.add.f32 [tilespmem:s21], [sflag:$0x8], $0x10, s4, s15, $0xb8;
	[tilespmem:$0x1CF00] =	vst v63  }
0xa8: {  	s4 =	simm.s32 $0x580  }
0xa9: {  	[tilespmem:s12], [sflag:$0x4] =	stream.indirect.gather [hbm4b:s8+s15], $0x10, s4, s15, $0xb8;
	[tilespmem:$0x1CF00] =	vst v63  }
0xaa: {  	_ =	swait.ge [sflag:s13], $0x800  }
0xab: {  	[sflag:s13] =	ssyncset.done $0x0  }
0xac: {  	[sflag:s13] =	ssyncadd.s32 $0xFFFFF800  }
0xad: {  	_ =	swait.ge [sflag:s18], $0x800  }
0xae: {  	[sflag:s18] =	ssyncset.done $0x0  }
0xaf: {  	[sflag:s18] =	ssyncadd.s32 $0xFFFFF800  }
0xb0: {  	_ =	swait.ge [sflag:s20], $0x800  }
0xb1: {  	[sflag:s20] =	ssyncset.done $0x0  }
0xb2: {  	[sflag:s20] =	ssyncadd.s32 $0xFFFFF800  }
0xb3: {  	_ =	swait.ge [sflag:s30], $0x800  }
0xb4: {  	s4 =	sadd.s32 s9, s6;
	[sflag:s30] =	ssyncset.done $0x0  }
0xb5: {  	s9 =	sadd.s32 s9, s7;
	s24 =	sadd.s32 $0x6200, s4;
	[sflag:s30] =	ssyncadd.s32 $0xFFFFF800  }
0xb6: {  	[tilespmem:s2], [sflag:$0x9] =	stream.linear.gather [hbm4b:s24+s2], $0x200, $0x38;
	[tilespmem:$0x1CF00] =	vst v63  }
0xb7: {  	s24 =	sadd.s32 $0x6200, s9  }
0xb8: {  	[tilespmem:s14], [sflag:$0x9] =	stream.linear.gather [hbm4b:s24+s2], $0x200, $0x38;
	[tilespmem:$0x1CF00] =	vst v63  }
0xb9: {  	_ =	swait.ge [sflag:s31], $0x200  }
0xba: {  	[sflag:s31] =	ssyncset.done $0x0  }
0xbb: {  	[sflag:s31] =	ssyncadd.s32 $0xFFFFFE00  }
0xbc: {  	_ =	swait.ge [sflag:s31], $0x200  }
0xbd: {  	[sflag:s31] =	ssyncset.done $0x0  }
0xbe: {  	[sflag:s31] =	ssyncadd.s32 $0xFFFFFE00  }
0xbf: {  	_ =	swait.ge [sflag:s26], $0x800  }
0xc0: {  	[sflag:s26] =	ssyncset.done $0x0  }
0xc1: {  	[sflag:s26] =	ssyncadd.s32 $0xFFFFF800  }
0xc2: {  	[spmem:s1] =	stream.indirect.scatter.add.f32 [tilespmem:s28], [sflag:$0x5], $0x10, s23, s15, $0xb8;
	[tilespmem:$0x1CF00] =	vst v63  }
0xc3: {  	_ = 	snop  }
0xc4: {  	[tilespmem:s16], [sflag:$0x1] =	stream.indirect.gather [hbm4b:s8+s15], $0x10, s2, s15, $0xb8;
	[tilespmem:$0x1CF00] =	vst v63  }
0xc5: {  	_ =	swait.ge [sflag:s29], $0x800  }
0xc6: {  	[sflag:s29] =	ssyncset.done $0x0  }
0xc7: {  	s24 =	simm.s32 $0x680;
	[sflag:s29] =	ssyncadd.s32 $0xFFFFF800  }
0xc8: {  	[spmem:s1] =	stream.indirect.scatter.add.f32 [tilespmem:s0], [sflag:$0x6], $0x10, s24, s15, $0xb8;
	[tilespmem:$0x1CF00] =	vst v63  }
0xc9: {  	_ = 	snop  }
0xca: {  	[tilespmem:s17], [sflag:$0x2] =	stream.indirect.gather [hbm4b:s8+s15], $0x10, s15, s15, $0xb8;
	[tilespmem:$0x1CF00] =	vst v63  }
0xcb: {  	_ =	swait.ge [sflag:s3], $0x800  }
0xcc: {  	[sflag:s3] =	ssyncset.done $0x0  }
0xcd: {  	s24 =	simm.s32 $0x700;
	[sflag:s3] =	ssyncadd.s32 $0xFFFFF800  }
0xce: {  	[spmem:s1] =	stream.indirect.scatter.add.f32 [tilespmem:s10], [sflag:$0x7], $0x10, s24, s15, $0xb8;
	[tilespmem:$0x1CF00] =	vst v63  }
0xcf: {  	s24 =	simm.s32 $0x100  }
0xd0: {  	[tilespmem:s19], [sflag:$0x3] =	stream.indirect.gather [hbm4b:s8+s15], $0x10, s24, s15, $0xb8;
	[tilespmem:$0x1CF00] =	vst v63  }
0xd1: {  	_ =	swait.ge [sflag:s11], $0x800  }
0xd2: {  	[sflag:s11] =	ssyncset.done $0x0  }
0xd3: {  	s24 =	simm.s32 $0x780;
	[sflag:s11] =	ssyncadd.s32 $0xFFFFF800  }
0xd4: {  	[spmem:s1] =	stream.indirect.scatter.add.f32 [tilespmem:s12], [sflag:$0x8], $0x10, s24, s15, $0xb8;
	[tilespmem:$0x1CF00] =	vst v63  }
0xd5: {  	s24 =	simm.s32 $0x180  }
0xd6: {  	[tilespmem:s21], [sflag:$0x4] =	stream.indirect.gather [hbm4b:s8+s15], $0x10, s24, s15, $0xb8;
	[tilespmem:$0x1CF00] =	vst v63  }
0xd7: {  	_ =	swait.ge [sflag:s13], $0x800  }
0xd8: {  	[sflag:s13] =	ssyncset.done $0x0  }
0xd9: {  	[sflag:s13] =	ssyncadd.s32 $0xFFFFF800  }
0xda: {  	_ =	swait.ge [sflag:s18], $0x800  }
0xdb: {  	[sflag:s18] =	ssyncset.done $0x0  }
0xdc: {  	[sflag:s18] =	ssyncadd.s32 $0xFFFFF800  }
0xdd: {  	_ =	swait.ge [sflag:s20], $0x800  }
0xde: {  	[sflag:s20] =	ssyncset.done $0x0  }
0xdf: {  	[sflag:s20] =	ssyncadd.s32 $0xFFFFF800  }
.Ltmp0:
0xe0: {  	_ =	swait.ge [sflag:s30], $0x800;
	(pc) =	sbr.rel @p0 .LBB2_2-.Ltmp0, $4  }
0xe1: {  	[sflag:s30] =	ssyncset.done $0x0  }
0xe2: {  	s4 =	sadd.s32 $0x6240, s4;
	[sflag:s30] =	ssyncadd.s32 $0xFFFFF800  }
0xe3: {  	[tilespmem:s22], [sflag:$0xA] =	stream.linear.gather [hbm4b:s4+s2], $0x200, $0x38;
	[tilespmem:$0x1CF00] =	vst v63  }
0xe4: {  	s4 =	sadd.s32 $0x6240, s9  }
0xe5: {  	[tilespmem:s23], [sflag:$0xA] =	stream.linear.gather [hbm4b:s4+s2], $0x200, $0x38;
	[tilespmem:$0x1CF00] =	vst v63  }
0xe6: {  	_ =	swait.ge [sflag:s25], $0x200  }
0xe7: {  	[sflag:s25] =	ssyncset.done $0x0  }
0xe8: {  	[sflag:s25] =	ssyncadd.s32 $0xFFFFFE00  }
0xe9: {  	_ =	swait.ge [sflag:s25], $0x200  }
0xea: {  	[sflag:s25] =	ssyncset.done $0x0  }
0xeb: {  	[sflag:s25] =	ssyncadd.s32 $0xFFFFFE00  }
0xec: {  	_ =	swait.ge [sflag:s26], $0x800  }
0xed: {  	[sflag:s26] =	ssyncset.done $0x0  }
0xee: {  	[sflag:s26] =	ssyncadd.s32 $0xFFFFF800  }
0xef: {  	[spmem:s1] =	stream.indirect.scatter.add.f32 [tilespmem:s16], [sflag:$0x5], $0x10, s14, s15, $0xb8;
	[tilespmem:$0x1CF00] =	vst v63  }
0xf0: {  	_ = 	snop  }
0xf1: {  	[tilespmem:s28], [sflag:$0x1] =	stream.indirect.gather [hbm4b:s8+s15], $0x10, s22, s15, $0xb8;
	[tilespmem:$0x1CF00] =	vst v63  }
0xf2: {  	_ =	swait.ge [sflag:s29], $0x800  }
0xf3: {  	[sflag:s29] =	ssyncset.done $0x0  }
0xf4: {  	s24 =	simm.s32 $0x280;
	[sflag:s29] =	ssyncadd.s32 $0xFFFFF800  }
0xf5: {  	[spmem:s1] =	stream.indirect.scatter.add.f32 [tilespmem:s17], [sflag:$0x6], $0x10, s24, s15, $0xb8;
	[tilespmem:$0x1CF00] =	vst v63  }
0xf6: {  	s5 =	simm.s32 $0x480  }
0xf7: {  	[tilespmem:s0], [sflag:$0x2] =	stream.indirect.gather [hbm4b:s8+s15], $0x10, s5, s15, $0xb8;
	[tilespmem:$0x1CF00] =	vst v63  }
0xf8: {  	_ =	swait.ge [sflag:s3], $0x800  }
0xf9: {  	[sflag:s3] =	ssyncset.done $0x0  }
0xfa: {  	s9 =	simm.s32 $0x300;
	[sflag:s3] =	ssyncadd.s32 $0xFFFFF800  }
0xfb: {  	[spmem:s1] =	stream.indirect.scatter.add.f32 [tilespmem:s19], [sflag:$0x7], $0x10, s9, s15, $0xb8;
	[tilespmem:$0x1CF00] =	vst v63  }
0xfc: {  	s24 =	simm.s32 $0x500  }
0xfd: {  	[tilespmem:s10], [sflag:$0x3] =	stream.indirect.gather [hbm4b:s8+s15], $0x10, s24, s15, $0xb8;
	[tilespmem:$0x1CF00] =	vst v63  }
0xfe: {  	_ =	swait.ge [sflag:s11], $0x800  }
0xff: {  	[sflag:s11] =	ssyncset.done $0x0  }
0x100: {  	s5 =	simm.s32 $0x380;
	[sflag:s11] =	ssyncadd.s32 $0xFFFFF800  }
0x101: {  	[spmem:s1] =	stream.indirect.scatter.add.f32 [tilespmem:s21], [sflag:$0x8], $0x10, s5, s15, $0xb8;
	[tilespmem:$0x1CF00] =	vst v63  }
0x102: {  	s9 =	simm.s32 $0x580  }
0x103: {  	[tilespmem:s12], [sflag:$0x4] =	stream.indirect.gather [hbm4b:s8+s15], $0x10, s9, s15, $0xb8;
	[tilespmem:$0x1CF00] =	vst v63  }
0x104: {  	_ =	swait.ge [sflag:s13], $0x800  }
0x105: {  	[sflag:s13] =	ssyncset.done $0x0  }
0x106: {  	[sflag:s13] =	ssyncadd.s32 $0xFFFFF800  }
0x107: {  	_ =	swait.ge [sflag:s18], $0x800  }
0x108: {  	[sflag:s18] =	ssyncset.done $0x0  }
0x109: {  	[sflag:s18] =	ssyncadd.s32 $0xFFFFF800  }
0x10a: {  	_ =	swait.ge [sflag:s20], $0x800  }
0x10b: {  	[sflag:s20] =	ssyncset.done $0x0  }
0x10c: {  	[sflag:s20] =	ssyncadd.s32 $0xFFFFF800  }
0x10d: {  	_ =	swait.ge [sflag:s30], $0x800  }
0x10e: {  	[sflag:s30] =	ssyncset.done $0x0  }
0x10f: {  	[sflag:s30] =	ssyncadd.s32 $0xFFFFF800  }
0x110: {  	_ =	swait.ge [sflag:s26], $0x800  }
0x111: {  	[sflag:s26] =	ssyncset.done $0x0  }
0x112: {  	[sflag:s26] =	ssyncadd.s32 $0xFFFFF800  }
0x113: {  	[spmem:s1] =	stream.indirect.scatter.add.f32 [tilespmem:s28], [sflag:$0x5], $0x10, s23, s15, $0xb8;
	[tilespmem:$0x1CF00] =	vst v63  }
0x114: {  	_ =	swait.ge [sflag:s29], $0x800  }
0x115: {  	[sflag:s29] =	ssyncset.done $0x0  }
0x116: {  	s24 =	simm.s32 $0x680;
	[sflag:s29] =	ssyncadd.s32 $0xFFFFF800  }
0x117: {  	[spmem:s1] =	stream.indirect.scatter.add.f32 [tilespmem:s0], [sflag:$0x6], $0x10, s24, s15, $0xb8;
	[tilespmem:$0x1CF00] =	vst v63  }
0x118: {  	_ =	swait.ge [sflag:s3], $0x800  }
0x119: {  	[sflag:s3] =	ssyncset.done $0x0  }
0x11a: {  	s5 =	simm.s32 $0x700;
	[sflag:s3] =	ssyncadd.s32 $0xFFFFF800  }
0x11b: {  	[spmem:s1] =	stream.indirect.scatter.add.f32 [tilespmem:s10], [sflag:$0x7], $0x10, s5, s15, $0xb8;
	[tilespmem:$0x1CF00] =	vst v63  }
0x11c: {  	_ =	swait.ge [sflag:s11], $0x800  }
0x11d: {  	[sflag:s11] =	ssyncset.done $0x0  }
0x11e: {  	s9 =	simm.s32 $0x780;
	[sflag:s11] =	ssyncadd.s32 $0xFFFFF800  }
0x11f: {  	[spmem:s1] =	stream.indirect.scatter.add.f32 [tilespmem:s12], [sflag:$0x8], $0x10, s9, s15, $0xb8;
	[tilespmem:$0x1CF00] =	vst v63  }
0x120: {  	_ =	swait.ge [sflag:s13], $0x800  }
0x121: {  	[sflag:s13] =	ssyncset.done $0x0  }
0x122: {  	[sflag:s13] =	ssyncadd.s32 $0xFFFFF800  }
0x123: {  	_ =	swait.ge [sflag:s18], $0x800  }
0x124: {  	[sflag:s18] =	ssyncset.done $0x0  }
0x125: {  	[sflag:s18] =	ssyncadd.s32 $0xFFFFF800  }
0x126: {  	_ =	swait.ge [sflag:s20], $0x800  }
0x127: {  	[sflag:s20] =	ssyncset.done $0x0  }
0x128: {  	[sflag:s20] =	ssyncadd.s32 $0xFFFFF800  }
0x129: {  	_ =	swait.ge [sflag:s30], $0x800  }
0x12a: {  	[sflag:s30] =	ssyncset.done $0x0  }
0x12b: {  	[sflag:s30] =	ssyncadd.s32 $0xFFFFF800  }
0x12c: {  	[bflag:$0x0] =	sbarrier.arrive $0xFFFF  }
0x12d: {  	s5 =	rddreg [dreg:$0x4]  }
0x12e: {  	s9 =	rddreg [dreg:$0x8]  }
0x12f: {  	s24 =	rddreg [dreg:$0x9]  }
0x130: {  	[hbm:s24], [sflag:s5] =	dma.local [spmem:s9], $0x30E0  }
0x131: {  	s9 =	simm.s32 $0xB  }
0x132: {  	_ =	swait.ge [sflag:s9], $0x30E0  }
0x133: {  	s24 =	rddreg [dreg:$0xa]  }
0x134: {  	s4 =	rddreg [dreg:$0x7];
	s24 =	sadd.s32 $0x1, s24  }
0x135: {  	p0 =	sne.s32 s24, s4  }
.Ltmp1:
0x136: {  	_ = 	snop;
	(pc) =	sbr.rel @p0 .LBB2_1-.Ltmp1, $3  }
0x137: {  	_ =	sdelay $0x1  }
0x138: {  	[sflag:s9] =	ssyncset.done $0x0;
	[dreg:$0xa] =	wrdreg s24  }
0x139: {  	[sflag:s9] =	ssyncadd.s32 $0xFFFFCF20;
	s24 =	smov.u32 s5;
	s5 =	rddreg [dreg:$0x8]  }
0x13a: {  	_ =	sfence.sel $0x180000  }
0x13b: {  	[bflag:$0x0] =	sbarrier.arrive $0xFFFF  }
0x13c: {  	_ =	strace $0x9000004D  }
0x13d: {  	s0 =	stileid.u32;
	[bflag:$0x2] =	sbarrier.arrive $0xFFFF  }
0x13e: {  	p0 =	sne.s32 s0, $0x0;
	s0 =	rddreg [dreg:$0x2]  }
0x13f: {  	s0 =	sadd.s32 @!p0 $0x100000, s0  }
0x140: {  	[sflag:s0] =	ssyncadd.tile.s32 @!p0 $0x1;
	_ =	shalt  }
.Lfunc_end2:
_tile_overlayer_lowered:
.L_overlay_start_2:
0x141: {  	(tag) =	ssettag $0x2  }
0x142: {  	s0 =	rddreg [dreg:$0x0];
	s2 =	stileid.u32  }
0x143: {  	s1 =	rddreg [dreg:$0x1];
	p0 =	sne.s32 s2, $0x0  }
0x144: {  	s3 =	rddreg [dreg:$0x2];
	[bflag:$0x3] =	sbarrier.arrive $0xFFFF;
	s2 =	simm.s32 @!p0 $0x1C0B  }
0x145: {  	[timem:s3], [sflag:s2] =	dma.local @!p0 [hbm:s0], s1  }
0x146: {  	s0 =	simm.s32 @!p0 $0xB  }
0x147: {  	_ =	swait.ge @!p0 [sflag:s0], s1  }
0x148: {  	s1 =	ssub.s32 @!p0 $0x0, s1;
	[sflag:s0] =	ssyncset.done @!p0 $0x0  }
0x149: {  	[sflag:s0] =	ssyncadd.s32 @!p0 s1  }
0x14a: {  	[bflag:$0x3] =	sbarrier.arrive $0xFFFF  }
0x14b: {  	_ =	shalt  }

// kernel: kernel.21.cloned.1.call-start
scs
__scs_entry_jumppad:
0x0: {  	(pc) =	sbr.rel $0x88, $3  }
0x1: {  	(tag) =	ssettag $0x0;
	lr =	simm.s32 $0x1  }
0x2: {  	[smem:$0x3F87] =	sst lr;
	_ =	strace $0xD0000000  }
0x3: {  	_ = 	snop  }
0x4: {  	_ = 	snop  }
0x5: {  	_ = 	snop  }
0x6: {  	_ = 	snop  }
0x7: {  	_ = 	snop  }
__scs_overlays_trampoline_lowered:
0x8: {  	[smem:$0x3F96] =	sst s0  }
0x9: {  	[smem:$0x3F97] =	sst s1  }
0xa: {  	[smem:$0x3F98] =	sst s2  }
0xb: {  	[smem:$0x3F99] =	sst s3  }
0xc: {  	[smem:$0x3F9A] =	sst s4  }
0xd: {  	[smem:$0x3F9B] =	sst s5  }
0xe: {  	[smem:$0x3F9C] =	sst s6  }
0xf: {  	[smem:$0x3F9D] =	sst s7  }
0x10: {  	[smem:$0x3F9E] =	sst s8  }
0x11: {  	[smem:$0x3F9F] =	sst s9;
	s0 =	simm.s32 @!p0 $0x0  }
0x12: {  	s1 =	sld [smem:$0x3F85];
	s0 =	simm.s32 @p0 $0x1  }
0x13: {  	[smem:$0x3FA0] =	sst s0;
	s0 =	simm.s32 @!p1 $0x0  }
0x14: {  	s2 =	sld [smem:$0x3F84];
	s0 =	simm.s32 @p1 $0x1  }
0x15: {  	[smem:$0x3FA1] =	sst s0;
	s0 =	simm.s32 @!p2 $0x0  }
0x16: {  	s3 =	sld [smem:$0x3FDB];
	s0 =	simm.s32 @p2 $0x1  }
0x17: {  	s4 =	simm.s32 $0x1BF5;
	[smem:$0x3FA3] =	sst s0  }
0x18: {  	s0 =	sld [smem:$0x3F86];
	_ =	swait.ge [sflag:s4], $0x0  }
0x19: {  	s7 =	sld [smem:$0x3F87]  }
0x1a: {  	s8 =	sadd.s32 $0xFFFFE003, lr  }
0x1b: {  	s9 =	sadd.s32 $0xFFFFFEF7, lr;
	s5 =	simm.s32 $0xFFFFFFFF;
	p2 =	slt.u32 s8, $0xFFFFF086  }
0x1c: {  	p1 =	slt.u32 s9, $0xF7A;
	s5 =	simm.s32 @!p2 $0x0  }
0x1d: {  	s5 =	simm.s32 @p1 $0x1;
	p0 =	seq.s32 s7, s2  }
0x1e: {  	s7 =	smul.u32 @!p0 $0xF7A, s2;
	p2 =	seq.s32 @!p0 s5, $0x0  }
0x1f: {  	s9 =	smul.u32 $0xF7A, s1;
	s8 =	simm.s32 @!p0 $0x1BF5;
	p2 =	por !p2, p0  }
0x20: {  	[sflag:s8] =	ssyncset.s32 @!p0 $0xFFFFF086;
	s6 =	sadd.s32 @!p0 s3, s7;
	s7 =	simm.s32 @!p0 $0x108  }
0x21: {  	s3 =	sadd.s32 s3, s9;
	s6 =	sadd.s32 @!p0 $0x88, s6;
	s7 =	simm.s32 @p2 $0x1082  }
0x22: {  	[simem:s7], [sflag:s8] =	dma.local @!p0 [hbm:s6], $0xF7A  }
0x23: {  	s9 =	sor.u32 $0xD0000000, s2;
	s6 =	simm.s32 $0x108;
	_ =	swait.ge @!p0 [sflag:s8], $0x0  }
0x24: {  	s3 =	sadd.s32 $0x88, s3;
	s6 =	simm.s32 @!p1 $0x1082;
	[sflag:s4] =	ssyncset.s32 $0xFFFFF086  }
0x25: {  	[simem:s6], [sflag:s4] =	dma.local [hbm:s3], $0xF7A  }
0x26: {  	[smem:$0x3F87] =	sst s1;
	(tag) =	ssettag s2;
	_ =	strace s9  }
0x27: {  	s1 =	sld [smem:$0x3F97]  }
0x28: {  	s2 =	sld [smem:$0x3F98]  }
0x29: {  	s4 =	sld [smem:$0x3F9A]  }
0x2a: {  	p0 =	seq.s32 s5, $0x0;
	s5 =	sld [smem:$0x3F9B]  }
0x2b: {  	s6 =	sld [smem:$0x3F9C]  }
0x2c: {  	s7 =	sld [smem:$0x3F9D]  }
0x2d: {  	s3 =	simm.s32 $0x108;
	s8 =	sld [smem:$0x3F9E]  }
0x2e: {  	s3 =	simm.s32 @!p0 $0x1082;
	s9 =	sld [smem:$0x3F9F]  }
0x2f: {  	lr =	sadd.s32 s0, s3;
	s0 =	sld [smem:$0x3F96]  }
0x30: {  	s3 =	sld [smem:$0x3F99]  }
0x31: {  	[smem:$0x3FA2] =	sst s10  }
0x32: {  	s10 =	sld [smem:$0x3FA0];
	_ =	sdelay $0x3  }
0x33: {  	p0 =	seq.s32 s10, $0x1;
	s10 =	sld [smem:$0x3FA2];
	_ =	sdelay $0x3  }
0x34: {  	[smem:$0x3FA2] =	sst s10  }
0x35: {  	s10 =	sld [smem:$0x3FA1];
	_ =	sdelay $0x3  }
0x36: {  	p1 =	seq.s32 s10, $0x1;
	s10 =	sld [smem:$0x3FA2];
	_ =	sdelay $0x3  }
0x37: {  	[smem:$0x3FA2] =	sst s10  }
0x38: {  	s10 =	sld [smem:$0x3FA3]  }
0x39: {  	_ = 	snop;
	(pc) =	sbr.ind lr, $3  }
0x3a: {  	_ = 	snop  }
0x3b: {  	_ = 	snop  }
0x3c: {  	p2 =	seq.s32 s10, $0x1;
	s10 =	sld [smem:$0x3FA2]  }
0x3d: {  	_ =	shalt  }
0x3e: {  	_ =	shalt  }
0x3f: {  	_ =	shalt  }
0x40: {  	_ =	shalt  }
0x41: {  	_ =	shalt  }
0x42: {  	_ =	shalt  }
0x43: {  	_ =	shalt  }
0x44: {  	_ =	shalt  }
0x45: {  	_ =	shalt  }
0x46: {  	_ =	shalt  }
0x47: {  	_ =	shalt  }
0x48: {  	_ =	shalt  }
0x49: {  	_ =	shalt  }
0x4a: {  	_ =	shalt  }
0x4b: {  	_ =	shalt  }
0x4c: {  	_ =	shalt  }
0x4d: {  	_ =	shalt  }
0x4e: {  	_ =	shalt  }
0x4f: {  	_ =	shalt  }
0x50: {  	_ =	shalt  }
0x51: {  	_ =	shalt  }
0x52: {  	_ =	shalt  }
0x53: {  	_ =	shalt  }
0x54: {  	_ =	shalt  }
0x55: {  	_ =	shalt  }
0x56: {  	_ =	shalt  }
0x57: {  	_ =	shalt  }
0x58: {  	_ =	shalt  }
0x59: {  	_ =	shalt  }
0x5a: {  	_ =	shalt  }
0x5b: {  	_ =	shalt  }
0x5c: {  	_ =	shalt  }
0x5d: {  	_ =	shalt  }
0x5e: {  	_ =	shalt  }
0x5f: {  	_ =	shalt  }
0x60: {  	_ =	shalt  }
0x61: {  	_ =	shalt  }
0x62: {  	_ =	shalt  }
0x63: {  	_ =	shalt  }
0x64: {  	_ =	shalt  }
0x65: {  	_ =	shalt  }
0x66: {  	_ =	shalt  }
0x67: {  	_ =	shalt  }
0x68: {  	_ =	shalt  }
0x69: {  	_ =	shalt  }
0x6a: {  	_ =	shalt  }
0x6b: {  	_ =	shalt  }
0x6c: {  	_ =	shalt  }
0x6d: {  	_ =	shalt  }
0x6e: {  	_ =	shalt  }
0x6f: {  	_ =	shalt  }
0x70: {  	_ =	shalt  }
0x71: {  	_ =	shalt  }
0x72: {  	_ =	shalt  }
0x73: {  	_ =	shalt  }
0x74: {  	_ =	shalt  }
0x75: {  	_ =	shalt  }
0x76: {  	_ =	shalt  }
0x77: {  	_ =	shalt  }
0x78: {  	_ =	shalt  }
0x79: {  	_ =	shalt  }
0x7a: {  	_ =	shalt  }
0x7b: {  	_ =	shalt  }
0x7c: {  	_ =	shalt  }
0x7d: {  	_ =	shalt  }
0x7e: {  	_ =	shalt  }
0x7f: {  	_ =	shalt  }
0x80: {  	_ =	shalt  }
0x81: {  	_ =	shalt  }
0x82: {  	_ =	shalt  }
0x83: {  	_ =	shalt  }
0x84: {  	_ =	shalt  }
0x85: {  	_ =	shalt  }
0x86: {  	_ =	shalt  }
0x87: {  	_ =	shalt  }
.Lfunc_end0:
.L_simem_size_0:
called_computation.3_lowered:
.L_overlay_start_0:
0x88: {  	s2 =	sld [smem:$0x3FD9]  }
0x89: {  	s3 =	sld [smem:$0x3FFE];
	_ =	sdelay $0x1  }
0x8a: {  	s1 =	srdreg.scid  }
0x8b: {  	s0 =	sand.u32 $0x1, s1  }
0x8c: {  	s16 =	sshll.u32 s0, $0xA;
	s2 =	sadd.s32 s3, s2  }
0x8d: {  	s2 =	sadd.s32 s2, s16  }
0x8e: {  	[smem:$0x3FAE] =	sst s2  }
0x8f: {  	_ = 	snop  }
0x90: {  	(tm) =	ssettm $0x1  }
0x91: {  	s17 =	sld [smem:$0x3FFB];
	_ =	sdelay $0x3  }
0x92: {  	_ =	strace s17  }
0x93: {  	s2 =	sld [smem:$0x3FFC];
	_ =	sdelay $0x3  }
0x94: {  	_ =	strace s2  }
0x95: {  	s2 =	sld [smem:$0x3FFD];
	_ =	sdelay $0x3  }
0x96: {  	_ =	strace s2  }
0x97: {  	_ =	strace $0x8FFFFFFF  }
0x98: {  	s18 =	sld [smem:$0x3FDB];
	_ =	sdelay $0x1  }
0x99: {  	s19 =	simm.s32 $_scs_section_size  }
0x9a: {  	s4 =	simm.s32 $_size__tile_overlayer_lowered;
	s5 =	simm.s32 $_tile_overlayer_lowered  }
0x9b: {  	s22 =	simm.s32 $0x1BFF;
	s21 =	sshll.u32 s5, $0x1;
	s2 =	sadd.s32 s19, s18  }
0x9c: {  	s6 =	simm.s32 $0x0;
	s20 =	sshll.u32 s4, $0x1;
	s4 =	sadd.s32 s21, s2  }
0x9d: {  	[timem:s6], [sflag:s22] =	dma.local [hbm:s4], s20  }
0x9e: {  	_ =	swait.ge [sflag:s22], s20  }
0x9f: {  	s3 =	ssub.s32 $0x0, s20;
	[sflag:s22] =	ssyncset.done $0x0  }
0xa0: {  	[sflag:s22] =	ssyncadd.s32 s3;
	_ =	sdelay $0x1  }
0xa1: {  	s23 =	simm.s32 $0x1B8B  }
0xa2: {  	_ =	swait.ge [sflag:s23], $0x1  }
0xa3: {  	[sflag:s23] =	ssyncset.done $0x0  }
0xa4: {  	s25 =	simm.s32 $0x1B8E;
	s24 =	sld [smem:$0x3FFE];
	[sflag:s23] =	ssyncadd.s32 $0xFFFFFFFF  }
0xa5: {  	s26 =	simm.s32 $execute0_lowered;
	[smem:$0x3FD2] =	sst s25  }
0xa6: {  	s4 =	sshll.u32 s26, $0x1;
	_ =	strace $0x8000004F;
	[dreg:$0x1] =	wrdreg $0xFFFFFFFF  }
0xa7: {  	s28 =	simm.s32 $_size_execute0_lowered;
	s2 =	sadd.s32 s2, s4;
	[dreg:$0x0] =	wrdreg $0x0  }
0xa8: {  	s4 =	sshll.u32 s28, $0x1;
	[dreg:$0x2] =	wrdreg s2  }
0xa9: {  	[dreg:$0x3] =	wrdreg s4  }
0xaa: {  	[dreg:$0x4] =	wrdreg $0xC0  }
0xab: {  	_ =	task [dreg:s6], $0x5FFFF  }
0xac: {  	[dreg:$0x1] =	wrdreg $0xFFFFFFFF  }
0xad: {  	[dreg:$0x0] =	wrdreg $0x60  }
0xae: {  	[dreg:$0x2] =	wrdreg s24  }
0xaf: {  	[dreg:$0x3] =	wrdreg $0x48000  }
0xb0: {  	[dreg:$0x4] =	wrdreg $0x9  }
0xb1: {  	_ =	task.clear_ibuf [dreg:s6], $0x5FFFF;
	_ =	strace $0x9000004F  }
0xb2: {  	s29 =	simm.s32 $0x9;
	_ =	strace $0x80000051  }
0xb3: {  	_ =	swait.ge [sflag:s29], $0x1  }
0xb4: {  	[sflag:s29] =	ssyncadd.s32 $0xFFFFFFFF  }
0xb5: {  	_ =	strace $0x90000051  }
0xb6: {  	_ =	sfence  }
0xb7: {  	s30 =	sld [smem:$0x0];
	_ =	sdelay $0x2  }
0xb8: {  	s31 =	sshll.u32 s1, $0xD;
	s1 =	sshrl.u32 s1, $0x2  }
0xb9: {  	s3 =	sand.u32 $0x4000, s31;
	s1 =	sadd.s32 s1, s30  }
0xba: {  	s0 =	sor.u32 s3, s0;
	s1 =	sshll.u32 s1, $0x11  }
0xbb: {  	s0 =	sor.u32 s1, s0  }
0xbc: {  	s0 =	sadd.s32 $0x8F2B, s0  }
0xbd: {  	[sflag:s0] =	ssyncadd.remote.s32 $0x1  }
0xbe: {  	_ =	sfence.sel $0xFFFF  }
0xbf: {  	[dreg:$0x0] =	wrdreg $0xFFFFFFFF;
	(pc) =	sbr.abs _section_cstart, $3  }
0xc0: {  	[dreg:$0x1] =	wrdreg $0xFFFFFFFF  }
0xc1: {  	_ =	task.clear_ibuf [dreg:s6], $0x2FFFF;
	_ =	strace $0x9FFFFFFF  }
0xc2: {  	(tm) =	ssettm $0x7FFFFFFF  }
0xc3: {  	_ =	shalt  }
tec
execute0_lowered:
.L_overlay_start_1:
0x0: {  	(tag) =	ssettag $0x1  }
0x1: {  	s0 =	rddreg [dreg:$0x0]  }
0x2: {  	s2 =	rddreg [dreg:$0x1]  }
0x3: {  	s3 =	simm.s32 $0x0;
	s14 =	stileid.u32;
	s4 =	srdreg.scid  }
0x4: {  	s15 =	simm.s32 $0x80;
	s28 =	simm.s32 $0x2800;
	s29 =	simm.s32 $0x2  }
0x5: {  	s31 =	simm.s32 $0x100;
	[smem:$0x7FF] =	sst s3;
	s1 =	smul.u32 $0x18700, s14  }
0x6: {  	s5 =	sand.u32 $0x1, s4;
	s4 =	sadd.s32 $0x21D800, s0;
	s8 =	sadd.s32 $0x27F400, s0  }
0x7: {  	s9 =	sadd.s32 $0x4000, s0;
	s13 =	smul.u32 $0x310, s14;
	s17 =	sshll.u32 s14, $0x6  }
0x8: {  	_ =	strace $0x80000050;
	s7 =	smul.u32 $0x30E00, s5;
	s16 =	ssub.s32 $0x2, s5  }
0x9: {  	s11 =	smul.u32 $0x3100, s5;
	s5 =	sshll.u32 s5, $0x4;
	s30 =	sor.u32 $0x1C0B, s17  }
0xa: {  	s17 =	simm.s32 $0x1000;
	s6 =	sshrl.u32 s1, $0x3;
	s12 =	sshrl.u32 s16, $0x1  }
0xb: {  	s1 =	sadd.s32 s1, s2;
	s5 =	sor.u32 s14, s5;
	s14 =	simm.s32 $0x200  }
0xc: {  	[dreg:$0x8] =	wrdreg s30;
	s10 =	sadd.s32 s6, s0;
	s0 =	sadd.s32 s7, s0  }
0xd: {  	s7 =	ssub.s32 s16, s12;
	s5 =	smul.u32 $0x3100, s5;
	s11 =	sadd.s32 s13, s11  }
0xe: {  	s16 =	simm.s32 $0x800;
	s12 =	simm.s32 $0x6;
	s13 =	simm.s32 $0x7  }
0xf: {  	s10 =	sadd.s32 $0x66000, s10;
	s18 =	sshll.u32 s11, $0x4;
	s0 =	sadd.s32 $0x2E1400, s0  }
0x10: {  	s7 =	smax.u32 s7, $0x1;
	[dreg:$0x7] =	wrdreg s10;
	s19 =	sadd.s32 s8, s5  }
0x11: {  	s20 =	sor.u32 $0x40, s5;
	s21 =	sor.u32 $0xC0, s18;
	s5 =	sadd.s32 s9, s5  }
0x12: {  	s10 =	sor.u32 $0x80, s18;
	[dreg:$0xd] =	wrdreg s7;
	s0 =	sadd.s32 s6, s0  }
0x13: {  	s6 =	simm.s32 $0x5;
	s18 =	simm.s32 $0x8;
	[dreg:$0x9] =	wrdreg s19  }
0x14: {  	[dreg:$0xa] =	wrdreg s5;
	s22 =	sadd.s32 s8, s20;
	s23 =	sadd.s32 s21, s8  }
0x15: {  	s24 =	sadd.s32 s21, s9;
	s11 =	sadd.s32 s9, s20;
	[dreg:$0xf] =	wrdreg s0  }
0x16: {  	s25 =	sadd.s32 s10, s8;
	s26 =	sadd.s32 s10, s9;
	[dreg:$0xb] =	wrdreg s22  }
0x17: {  	s10 =	sshrl.u32 s1, $0x3;
	s19 =	simm.s32 $0x1800;
	[dreg:$0x3] =	wrdreg s23  }
0x18: {  	s21 =	simm.s32 $0x2000;
	s0 =	simm.s32 $0x3000;
	[dreg:$0xc] =	wrdreg s11  }
0x19: {  	s1 =	simm.s32 $0x3;
	s8 =	simm.s32 $0x3800;
	[dreg:$0x4] =	wrdreg s24  }
0x1a: {  	s9 =	simm.s32 $0x4;
	s20 =	simm.s32 $0x9;
	[dreg:$0x5] =	wrdreg s25  }
0x1b: {  	s5 =	simm.s32 $0x0;
	[dreg:$0x6] =	wrdreg s26;
	s11 =	simm.s32 $0xB  }
0x1c: {  	s22 =	simm.s32 $0x400;
	s23 =	simm.s32 $0x600;
	s25 =	simm.s32 $0xA  }
0x1d: {  	s26 =	simm.s32 $0x1;
	s24 =	simm.s32 $0x4000;
	[dreg:$0xe] =	wrdreg s10  }
.LBB2_1:
0x1e: {  	[dreg:$0x10] =	wrdreg s5  }
0x1f: {  	s7 =	rddreg [dreg:$0x7]  }
0x20: {  	[spmem:s10], [sflag:s30] =	dma.local [hbm:s7], $0x30E0  }
0x21: {  	_ =	swait.ge [sflag:s11], $0x30E0  }
0x22: {  	[sflag:s11] =	ssyncset.done $0x0  }
0x23: {  	[sflag:s11] =	ssyncadd.s32 $0xFFFFCF20  }
0x24: {  	[bflag:$0x0] =	sbarrier.arrive $0xFFFF  }
0x25: {  	s5 =	rddreg [dreg:$0x9]  }
0x26: {  	[tilespmem:s3], [sflag:$0xB] =	stream.linear.gather [hbm4b:s5+s3], $0x200, $0x38;
	[tilespmem:$0x1CF00] =	vst v63  }
0x27: {  	_ =	swait.ge [sflag:s11], $0x200  }
0x28: {  	[sflag:s11] =	ssyncset.done $0x0  }
0x29: {  	s10 =	rddreg [dreg:$0xa];
	[sflag:s11] =	ssyncadd.s32 $0xFFFFFE00  }
0x2a: {  	[tilespmem:s14], [sflag:$0xB] =	stream.linear.gather [hbm4b:s10+s3], $0x200, $0x38;
	[tilespmem:$0x1CF00] =	vst v63  }
0x2b: {  	_ =	swait.ge [sflag:s11], $0x200  }
0x2c: {  	[sflag:s11] =	ssyncset.done $0x0  }
0x2d: {  	[sflag:s11] =	ssyncadd.s32 $0xFFFFFE00  }
0x2e: {  	[tilespmem:s16], [sflag:$0x1] =	stream.indirect.gather [hbm4b:s4+s15], $0x10, s3, s15, $0xb8;
	[tilespmem:$0x1CF00] =	vst v63  }
0x2f: {  	_ = 	snop  }
0x30: {  	[tilespmem:s17], [sflag:$0x2] =	stream.indirect.gather [hbm4b:s4+s15], $0x10, s15, s15, $0xb8;
	[tilespmem:$0x1CF00] =	vst v63  }
0x31: {  	_ = 	snop  }
0x32: {  	[tilespmem:s19], [sflag:$0x3] =	stream.indirect.gather [hbm4b:s4+s15], $0x10, s31, s15, $0xb8;
	[tilespmem:$0x1CF00] =	vst v63  }
0x33: {  	s5 =	simm.s32 $0x180  }
0x34: {  	[tilespmem:s21], [sflag:$0x4] =	stream.indirect.gather [hbm4b:s4+s15], $0x10, s5, s15, $0xb8;
	[tilespmem:$0x1CF00] =	vst v63  }
0x35: {  	s30 =	rddreg [dreg:$0xb]  }
0x36: {  	[tilespmem:s22], [sflag:$0xA] =	stream.linear.gather [hbm4b:s30+s3], $0x200, $0x38;
	[tilespmem:$0x1CF00] =	vst v63  }
0x37: {  	s10 =	rddreg [dreg:$0xc]  }
0x38: {  	[tilespmem:s23], [sflag:$0xA] =	stream.linear.gather [hbm4b:s10+s3], $0x200, $0x38;
	[tilespmem:$0x1CF00] =	vst v63  }
0x39: {  	_ =	swait.ge [sflag:s25], $0x200  }
0x3a: {  	[sflag:s25] =	ssyncset.done $0x0  }
0x3b: {  	[sflag:s25] =	ssyncadd.s32 $0xFFFFFE00  }
0x3c: {  	_ =	swait.ge [sflag:s25], $0x200  }
0x3d: {  	[sflag:s25] =	ssyncset.done $0x0  }
0x3e: {  	[sflag:s25] =	ssyncadd.s32 $0xFFFFFE00  }
0x3f: {  	_ =	swait.ge [sflag:s26], $0x800  }
0x40: {  	[sflag:s26] =	ssyncset.done $0x0  }
0x41: {  	[sflag:s26] =	ssyncadd.s32 $0xFFFFF800  }
0x42: {  	[spmem:s2] =	stream.indirect.scatter.add.f32 [tilespmem:s16], [sflag:$0x5], $0x10, s14, s15, $0xb8;
	[tilespmem:$0x1CF00] =	vst v63  }
0x43: {  	_ = 	snop  }
0x44: {  	[tilespmem:s28], [sflag:$0x1] =	stream.indirect.gather [hbm4b:s4+s15], $0x10, s22, s15, $0xb8;
	[tilespmem:$0x1CF00] =	vst v63  }
0x45: {  	_ =	swait.ge [sflag:s29], $0x800  }
0x46: {  	[sflag:s29] =	ssyncset.done $0x0  }
0x47: {  	s11 =	simm.s32 $0x280;
	[sflag:s29] =	ssyncadd.s32 $0xFFFFF800  }
0x48: {  	[spmem:s2] =	stream.indirect.scatter.add.f32 [tilespmem:s17], [sflag:$0x6], $0x10, s11, s15, $0xb8;
	[tilespmem:$0x1CF00] =	vst v63  }
0x49: {  	s30 =	simm.s32 $0x480  }
0x4a: {  	[tilespmem:s0], [sflag:$0x2] =	stream.indirect.gather [hbm4b:s4+s15], $0x10, s30, s15, $0xb8;
	[tilespmem:$0x1CF00] =	vst v63  }
0x4b: {  	_ =	swait.ge [sflag:s1], $0x800  }
0x4c: {  	[sflag:s1] =	ssyncset.done $0x0  }
0x4d: {  	s10 =	simm.s32 $0x300;
	[sflag:s1] =	ssyncadd.s32 $0xFFFFF800  }
0x4e: {  	[spmem:s2] =	stream.indirect.scatter.add.f32 [tilespmem:s19], [sflag:$0x7], $0x10, s10, s15, $0xb8;
	[tilespmem:$0x1CF00] =	vst v63  }
0x4f: {  	s11 =	simm.s32 $0x500  }
0x50: {  	[tilespmem:s8], [sflag:$0x3] =	stream.indirect.gather [hbm4b:s4+s15], $0x10, s11, s15, $0xb8;
	[tilespmem:$0x1CF00] =	vst v63  }
0x51: {  	_ =	swait.ge [sflag:s9], $0x800  }
0x52: {  	[sflag:s9] =	ssyncset.done $0x0  }
0x53: {  	s30 =	simm.s32 $0x380;
	[sflag:s9] =	ssyncadd.s32 $0xFFFFF800  }
0x54: {  	[spmem:s2] =	stream.indirect.scatter.add.f32 [tilespmem:s21], [sflag:$0x8], $0x10, s30, s15, $0xb8;
	[tilespmem:$0x1CF00] =	vst v63  }
0x55: {  	s10 =	simm.s32 $0x580  }
0x56: {  	[tilespmem:s24], [sflag:$0x4] =	stream.indirect.gather [hbm4b:s4+s15], $0x10, s10, s15, $0xb8;
	[tilespmem:$0x1CF00] =	vst v63  }
0x57: {  	_ =	swait.ge [sflag:s6], $0x800  }
0x58: {  	[sflag:s6] =	ssyncset.done $0x0  }
0x59: {  	[sflag:s6] =	ssyncadd.s32 $0xFFFFF800  }
0x5a: {  	_ =	swait.ge [sflag:s12], $0x800  }
0x5b: {  	[sflag:s12] =	ssyncset.done $0x0  }
0x5c: {  	[sflag:s12] =	ssyncadd.s32 $0xFFFFF800  }
0x5d: {  	_ =	swait.ge [sflag:s13], $0x800  }
0x5e: {  	[sflag:s13] =	ssyncset.done $0x0  }
0x5f: {  	[sflag:s13] =	ssyncadd.s32 $0xFFFFF800  }
0x60: {  	_ =	swait.ge [sflag:s18], $0x800  }
0x61: {  	s11 =	rddreg [dreg:$0x5];
	[sflag:s18] =	ssyncset.done $0x0  }
0x62: {  	s30 =	rddreg [dreg:$0x6];
	[sflag:s18] =	ssyncadd.s32 $0xFFFFF800;
	s7 =	sadd.s32 $0x0, s11  }
0x63: {  	[tilespmem:s3], [sflag:$0x9] =	stream.linear.gather [hbm4b:s7+s3], $0x200, $0x38;
	[tilespmem:$0x1CF00] =	vst v63  }
0x64: {  	s10 =	sadd.s32 $0x0, s30  }
0x65: {  	[tilespmem:s14], [sflag:$0x9] =	stream.linear.gather [hbm4b:s10+s3], $0x200, $0x38;
	[tilespmem:$0x1CF00] =	vst v63  }
0x66: {  	_ =	swait.ge [sflag:s20], $0x200  }
0x67: {  	[sflag:s20] =	ssyncset.done $0x0  }
0x68: {  	[sflag:s20] =	ssyncadd.s32 $0xFFFFFE00  }
0x69: {  	_ =	swait.ge [sflag:s20], $0x200  }
0x6a: {  	[sflag:s20] =	ssyncset.done $0x0  }
0x6b: {  	[sflag:s20] =	ssyncadd.s32 $0xFFFFFE00  }
0x6c: {  	_ =	swait.ge [sflag:s26], $0x800  }
0x6d: {  	[sflag:s26] =	ssyncset.done $0x0  }
0x6e: {  	[sflag:s26] =	ssyncadd.s32 $0xFFFFF800  }
0x6f: {  	[spmem:s2] =	stream.indirect.scatter.add.f32 [tilespmem:s28], [sflag:$0x5], $0x10, s23, s15, $0xb8;
	[tilespmem:$0x1CF00] =	vst v63  }
0x70: {  	_ = 	snop  }
0x71: {  	[tilespmem:s16], [sflag:$0x1] =	stream.indirect.gather [hbm4b:s4+s15], $0x10, s3, s15, $0xb8;
	[tilespmem:$0x1CF00] =	vst v63  }
0x72: {  	_ =	swait.ge [sflag:s29], $0x800  }
0x73: {  	[sflag:s29] =	ssyncset.done $0x0  }
0x74: {  	s11 =	simm.s32 $0x680;
	[sflag:s29] =	ssyncadd.s32 $0xFFFFF800  }
0x75: {  	[spmem:s2] =	stream.indirect.scatter.add.f32 [tilespmem:s0], [sflag:$0x6], $0x10, s11, s15, $0xb8;
	[tilespmem:$0x1CF00] =	vst v63  }
0x76: {  	_ = 	snop  }
0x77: {  	[tilespmem:s17], [sflag:$0x2] =	stream.indirect.gather [hbm4b:s4+s15], $0x10, s15, s15, $0xb8;
	[tilespmem:$0x1CF00] =	vst v63  }
0x78: {  	_ =	swait.ge [sflag:s1], $0x800  }
0x79: {  	[sflag:s1] =	ssyncset.done $0x0  }
0x7a: {  	s30 =	simm.s32 $0x700;
	[sflag:s1] =	ssyncadd.s32 $0xFFFFF800  }
0x7b: {  	[spmem:s2] =	stream.indirect.scatter.add.f32 [tilespmem:s8], [sflag:$0x7], $0x10, s30, s15, $0xb8;
	[tilespmem:$0x1CF00] =	vst v63  }
0x7c: {  	_ = 	snop  }
0x7d: {  	[tilespmem:s19], [sflag:$0x3] =	stream.indirect.gather [hbm4b:s4+s15], $0x10, s31, s15, $0xb8;
	[tilespmem:$0x1CF00] =	vst v63  }
0x7e: {  	_ =	swait.ge [sflag:s9], $0x800  }
0x7f: {  	[sflag:s9] =	ssyncset.done $0x0  }
0x80: {  	s10 =	simm.s32 $0x780;
	[sflag:s9] =	ssyncadd.s32 $0xFFFFF800  }
0x81: {  	[spmem:s2] =	stream.indirect.scatter.add.f32 [tilespmem:s24], [sflag:$0x8], $0x10, s10, s15, $0xb8;
	[tilespmem:$0x1CF00] =	vst v63  }
0x82: {  	_ = 	snop  }
0x83: {  	[tilespmem:s21], [sflag:$0x4] =	stream.indirect.gather [hbm4b:s4+s15], $0x10, s5, s15, $0xb8;
	[tilespmem:$0x1CF00] =	vst v63  }
0x84: {  	_ =	swait.ge [sflag:s6], $0x800  }
0x85: {  	[sflag:s6] =	ssyncset.done $0x0  }
0x86: {  	[sflag:s6] =	ssyncadd.s32 $0xFFFFF800  }
0x87: {  	_ =	swait.ge [sflag:s12], $0x800  }
0x88: {  	[sflag:s12] =	ssyncset.done $0x0  }
0x89: {  	[sflag:s12] =	ssyncadd.s32 $0xFFFFF800  }
0x8a: {  	_ =	swait.ge [sflag:s13], $0x800  }
0x8b: {  	[sflag:s13] =	ssyncset.done $0x0  }
0x8c: {  	[sflag:s13] =	ssyncadd.s32 $0xFFFFF800  }
0x8d: {  	_ =	swait.ge [sflag:s18], $0x800  }
0x8e: {  	s11 =	rddreg [dreg:$0x3];
	[sflag:s18] =	ssyncset.done $0x0  }
0x8f: {  	s30 =	rddreg [dreg:$0x4];
	[sflag:s18] =	ssyncadd.s32 $0xFFFFF800;
	s7 =	sadd.s32 $0x0, s11  }
0x90: {  	[tilespmem:s22], [sflag:$0xA] =	stream.linear.gather [hbm4b:s7+s3], $0x200, $0x38;
	[tilespmem:$0x1CF00] =	vst v63  }
0x91: {  	s10 =	sadd.s32 $0x0, s30;
	s7 =	simm.s32 $0x80  }
.LBB2_2:
0x92: {  	[tilespmem:s23], [sflag:$0xA] =	stream.linear.gather [hbm4b:s10+s3], $0x200, $0x38;
	[tilespmem:$0x1CF00] =	vst v63  }
0x93: {  	_ =	swait.ge [sflag:s25], $0x200  }
0x94: {  	[sflag:s25] =	ssyncset.done $0x0  }
0x95: {  	[sflag:s25] =	ssyncadd.s32 $0xFFFFFE00  }
0x96: {  	_ =	swait.ge [sflag:s25], $0x200  }
0x97: {  	[sflag:s25] =	ssyncset.done $0x0  }
0x98: {  	[sflag:s25] =	ssyncadd.s32 $0xFFFFFE00  }
0x99: {  	_ =	swait.ge [sflag:s26], $0x800  }
0x9a: {  	[sflag:s26] =	ssyncset.done $0x0  }
0x9b: {  	[sflag:s26] =	ssyncadd.s32 $0xFFFFF800  }
0x9c: {  	[spmem:s2] =	stream.indirect.scatter.add.f32 [tilespmem:s16], [sflag:$0x5], $0x10, s14, s15, $0xb8;
	[tilespmem:$0x1CF00] =	vst v63  }
0x9d: {  	_ = 	snop  }
0x9e: {  	[tilespmem:s28], [sflag:$0x1] =	stream.indirect.gather [hbm4b:s4+s15], $0x10, s22, s15, $0xb8;
	[tilespmem:$0x1CF00] =	vst v63  }
0x9f: {  	_ =	swait.ge [sflag:s29], $0x800  }
0xa0: {  	[sflag:s29] =	ssyncset.done $0x0  }
0xa1: {  	s11 =	simm.s32 $0x280;
	[sflag:s29] =	ssyncadd.s32 $0xFFFFF800  }
0xa2: {  	[spmem:s2] =	stream.indirect.scatter.add.f32 [tilespmem:s17], [sflag:$0x6], $0x10, s11, s15, $0xb8;
	[tilespmem:$0x1CF00] =	vst v63  }
0xa3: {  	s30 =	simm.s32 $0x480  }
0xa4: {  	[tilespmem:s0], [sflag:$0x2] =	stream.indirect.gather [hbm4b:s4+s15], $0x10, s30, s15, $0xb8;
	[tilespmem:$0x1CF00] =	vst v63  }
0xa5: {  	_ =	swait.ge [sflag:s1], $0x800  }
0xa6: {  	[sflag:s1] =	ssyncset.done $0x0  }
0xa7: {  	s30 =	simm.s32 $0x300;
	[sflag:s1] =	ssyncadd.s32 $0xFFFFF800  }
0xa8: {  	[spmem:s2] =	stream.indirect.scatter.add.f32 [tilespmem:s19], [sflag:$0x7], $0x10, s30, s15, $0xb8;
	[tilespmem:$0x1CF00] =	vst v63  }
0xa9: {  	s30 =	simm.s32 $0x500  }
0xaa: {  	[tilespmem:s8], [sflag:$0x3] =	stream.indirect.gather [hbm4b:s4+s15], $0x10, s30, s15, $0xb8;
	[tilespmem:$0x1CF00] =	vst v63  }
0xab: {  	_ =	swait.ge [sflag:s9], $0x800  }
0xac: {  	[sflag:s9] =	ssyncset.done $0x0  }
0xad: {  	s30 =	simm.s32 $0x380;
	[sflag:s9] =	ssyncadd.s32 $0xFFFFF800  }
0xae: {  	[spmem:s2] =	stream.indirect.scatter.add.f32 [tilespmem:s21], [sflag:$0x8], $0x10, s30, s15, $0xb8;
	[tilespmem:$0x1CF00] =	vst v63  }
0xaf: {  	s30 =	simm.s32 $0x580  }
0xb0: {  	[tilespmem:s24], [sflag:$0x4] =	stream.indirect.gather [hbm4b:s4+s15], $0x10, s30, s15, $0xb8;
	[tilespmem:$0x1CF00] =	vst v63  }
0xb1: {  	_ =	swait.ge [sflag:s6], $0x800  }
0xb2: {  	[sflag:s6] =	ssyncset.done $0x0  }
0xb3: {  	[sflag:s6] =	ssyncadd.s32 $0xFFFFF800  }
0xb4: {  	_ =	swait.ge [sflag:s12], $0x800  }
0xb5: {  	[sflag:s12] =	ssyncset.done $0x0  }
0xb6: {  	[sflag:s12] =	ssyncadd.s32 $0xFFFFF800  }
0xb7: {  	_ =	swait.ge [sflag:s13], $0x800  }
0xb8: {  	[sflag:s13] =	ssyncset.done $0x0  }
0xb9: {  	[sflag:s13] =	ssyncadd.s32 $0xFFFFF800  }
0xba: {  	_ =	swait.ge [sflag:s18], $0x800  }
0xbb: {  	s10 =	smov.u32 s7;
	s11 =	rddreg [dreg:$0x5];
	[sflag:s18] =	ssyncset.done $0x0  }
0xbc: {  	s30 =	rddreg [dreg:$0x6];
	[sflag:s18] =	ssyncadd.s32 $0xFFFFF800;
	s11 =	sadd.s32 s10, s11  }
0xbd: {  	[tilespmem:s3], [sflag:$0x9] =	stream.linear.gather [hbm4b:s11+s3], $0x200, $0x38;
	[tilespmem:$0x1CF00] =	vst v63  }
0xbe: {  	s30 =	sadd.s32 s10, s30  }
0xbf: {  	[tilespmem:s14], [sflag:$0x9] =	stream.linear.gather [hbm4b:s30+s3], $0x200, $0x38;
	[tilespmem:$0x1CF00] =	vst v63  }
0xc0: {  	_ =	swait.ge [sflag:s20], $0x200  }
0xc1: {  	[sflag:s20] =	ssyncset.done $0x0  }
0xc2: {  	[sflag:s20] =	ssyncadd.s32 $0xFFFFFE00  }
0xc3: {  	_ =	swait.ge [sflag:s20], $0x200  }
0xc4: {  	[sflag:s20] =	ssyncset.done $0x0  }
0xc5: {  	[sflag:s20] =	ssyncadd.s32 $0xFFFFFE00  }
0xc6: {  	_ =	swait.ge [sflag:s26], $0x800  }
0xc7: {  	[sflag:s26] =	ssyncset.done $0x0  }
0xc8: {  	[sflag:s26] =	ssyncadd.s32 $0xFFFFF800  }
0xc9: {  	[spmem:s2] =	stream.indirect.scatter.add.f32 [tilespmem:s28], [sflag:$0x5], $0x10, s23, s15, $0xb8;
	[tilespmem:$0x1CF00] =	vst v63  }
0xca: {  	_ = 	snop  }
0xcb: {  	[tilespmem:s16], [sflag:$0x1] =	stream.indirect.gather [hbm4b:s4+s15], $0x10, s3, s15, $0xb8;
	[tilespmem:$0x1CF00] =	vst v63  }
0xcc: {  	_ =	swait.ge [sflag:s29], $0x800  }
0xcd: {  	[sflag:s29] =	ssyncset.done $0x0  }
0xce: {  	s30 =	simm.s32 $0x680;
	[sflag:s29] =	ssyncadd.s32 $0xFFFFF800  }
0xcf: {  	[spmem:s2] =	stream.indirect.scatter.add.f32 [tilespmem:s0], [sflag:$0x6], $0x10, s30, s15, $0xb8;
	[tilespmem:$0x1CF00] =	vst v63  }
0xd0: {  	_ = 	snop  }
0xd1: {  	[tilespmem:s17], [sflag:$0x2] =	stream.indirect.gather [hbm4b:s4+s15], $0x10, s15, s15, $0xb8;
	[tilespmem:$0x1CF00] =	vst v63  }
0xd2: {  	_ =	swait.ge [sflag:s1], $0x800  }
0xd3: {  	[sflag:s1] =	ssyncset.done $0x0  }
0xd4: {  	s30 =	simm.s32 $0x700;
	[sflag:s1] =	ssyncadd.s32 $0xFFFFF800  }
0xd5: {  	[spmem:s2] =	stream.indirect.scatter.add.f32 [tilespmem:s8], [sflag:$0x7], $0x10, s30, s15, $0xb8;
	[tilespmem:$0x1CF00] =	vst v63  }
0xd6: {  	_ = 	snop  }
0xd7: {  	[tilespmem:s19], [sflag:$0x3] =	stream.indirect.gather [hbm4b:s4+s15], $0x10, s31, s15, $0xb8;
	[tilespmem:$0x1CF00] =	vst v63  }
0xd8: {  	_ =	swait.ge [sflag:s9], $0x800  }
0xd9: {  	[sflag:s9] =	ssyncset.done $0x0  }
0xda: {  	s30 =	simm.s32 $0x780;
	[sflag:s9] =	ssyncadd.s32 $0xFFFFF800  }
0xdb: {  	[spmem:s2] =	stream.indirect.scatter.add.f32 [tilespmem:s24], [sflag:$0x8], $0x10, s30, s15, $0xb8;
	[tilespmem:$0x1CF00] =	vst v63  }
0xdc: {  	_ = 	snop  }
0xdd: {  	[tilespmem:s21], [sflag:$0x4] =	stream.indirect.gather [hbm4b:s4+s15], $0x10, s5, s15, $0xb8;
	[tilespmem:$0x1CF00] =	vst v63  }
0xde: {  	_ =	swait.ge [sflag:s6], $0x800  }
0xdf: {  	[sflag:s6] =	ssyncset.done $0x0  }
0xe0: {  	[sflag:s6] =	ssyncadd.s32 $0xFFFFF800  }
0xe1: {  	_ =	swait.ge [sflag:s12], $0x800  }
0xe2: {  	[sflag:s12] =	ssyncset.done $0x0  }
0xe3: {  	[sflag:s12] =	ssyncadd.s32 $0xFFFFF800  }
0xe4: {  	_ =	swait.ge [sflag:s13], $0x800  }
0xe5: {  	[sflag:s13] =	ssyncset.done $0x0  }
0xe6: {  	p0 =	sne.s32 s7, $0x3000;
	[sflag:s13] =	ssyncadd.s32 $0xFFFFF800  }
.Ltmp0:
0xe7: {  	_ =	swait.ge [sflag:s18], $0x800;
	(pc) =	sbr.rel @p0 .LBB2_2-.Ltmp0, $4  }
0xe8: {  	s11 =	rddreg [dreg:$0x3]  }
0xe9: {  	s7 =	sadd.s32 $0x80, s7;
	s30 =	rddreg [dreg:$0x4];
	[sflag:s18] =	ssyncset.done $0x0  }
0xea: {  	[sflag:s18] =	ssyncadd.s32 $0xFFFFF800;
	s11 =	sadd.s32 s10, s11;
	s10 =	sadd.s32 s10, s30  }
0xeb: {  	[tilespmem:s22], [sflag:$0xA] =	stream.linear.gather [hbm4b:s11+s3], $0x200, $0x38;
	[tilespmem:$0x1CF00] =	vst v63  }
0xec: {  	[tilespmem:s23], [sflag:$0xA] =	stream.linear.gather [hbm4b:s10+s3], $0x200, $0x38;
	[tilespmem:$0x1CF00] =	vst v63  }
0xed: {  	_ =	swait.ge [sflag:s25], $0x200  }
0xee: {  	[sflag:s25] =	ssyncset.done $0x0  }
0xef: {  	[sflag:s25] =	ssyncadd.s32 $0xFFFFFE00  }
0xf0: {  	_ =	swait.ge [sflag:s25], $0x200  }
0xf1: {  	[sflag:s25] =	ssyncset.done $0x0  }
0xf2: {  	[sflag:s25] =	ssyncadd.s32 $0xFFFFFE00  }
0xf3: {  	_ =	swait.ge [sflag:s26], $0x800  }
0xf4: {  	[sflag:s26] =	ssyncset.done $0x0  }
0xf5: {  	[sflag:s26] =	ssyncadd.s32 $0xFFFFF800  }
0xf6: {  	[spmem:s2] =	stream.indirect.scatter.add.f32 [tilespmem:s16], [sflag:$0x5], $0x10, s14, s15, $0xb8;
	[tilespmem:$0x1CF00] =	vst v63  }
0xf7: {  	_ = 	snop  }
0xf8: {  	[tilespmem:s28], [sflag:$0x1] =	stream.indirect.gather [hbm4b:s4+s15], $0x10, s22, s15, $0xb8;
	[tilespmem:$0x1CF00] =	vst v63  }
0xf9: {  	_ =	swait.ge [sflag:s29], $0x800  }
0xfa: {  	[sflag:s29] =	ssyncset.done $0x0  }
0xfb: {  	s5 =	simm.s32 $0x280;
	[sflag:s29] =	ssyncadd.s32 $0xFFFFF800  }
0xfc: {  	[spmem:s2] =	stream.indirect.scatter.add.f32 [tilespmem:s17], [sflag:$0x6], $0x10, s5, s15, $0xb8;
	[tilespmem:$0x1CF00] =	vst v63  }
0xfd: {  	s7 =	simm.s32 $0x480  }
0xfe: {  	[tilespmem:s0], [sflag:$0x2] =	stream.indirect.gather [hbm4b:s4+s15], $0x10, s7, s15, $0xb8;
	[tilespmem:$0x1CF00] =	vst v63  }
0xff: {  	_ =	swait.ge [sflag:s1], $0x800  }
0x100: {  	[sflag:s1] =	ssyncset.done $0x0  }
0x101: {  	s10 =	simm.s32 $0x300;
	[sflag:s1] =	ssyncadd.s32 $0xFFFFF800  }
0x102: {  	[spmem:s2] =	stream.indirect.scatter.add.f32 [tilespmem:s19], [sflag:$0x7], $0x10, s10, s15, $0xb8;
	[tilespmem:$0x1CF00] =	vst v63  }
0x103: {  	s11 =	simm.s32 $0x500  }
0x104: {  	[tilespmem:s8], [sflag:$0x3] =	stream.indirect.gather [hbm4b:s4+s15], $0x10, s11, s15, $0xb8;
	[tilespmem:$0x1CF00] =	vst v63  }
0x105: {  	_ =	swait.ge [sflag:s9], $0x800  }
0x106: {  	[sflag:s9] =	ssyncset.done $0x0  }
0x107: {  	s7 =	simm.s32 $0x380;
	[sflag:s9] =	ssyncadd.s32 $0xFFFFF800  }
0x108: {  	[spmem:s2] =	stream.indirect.scatter.add.f32 [tilespmem:s21], [sflag:$0x8], $0x10, s7, s15, $0xb8;
	[tilespmem:$0x1CF00] =	vst v63  }
0x109: {  	s10 =	simm.s32 $0x580  }
0x10a: {  	[tilespmem:s24], [sflag:$0x4] =	stream.indirect.gather [hbm4b:s4+s15], $0x10, s10, s15, $0xb8;
	[tilespmem:$0x1CF00] =	vst v63  }
0x10b: {  	_ =	swait.ge [sflag:s6], $0x800  }
0x10c: {  	[sflag:s6] =	ssyncset.done $0x0  }
0x10d: {  	[sflag:s6] =	ssyncadd.s32 $0xFFFFF800  }
0x10e: {  	_ =	swait.ge [sflag:s12], $0x800  }
0x10f: {  	[sflag:s12] =	ssyncset.done $0x0  }
0x110: {  	[sflag:s12] =	ssyncadd.s32 $0xFFFFF800  }
0x111: {  	_ =	swait.ge [sflag:s13], $0x800  }
0x112: {  	[sflag:s13] =	ssyncset.done $0x0  }
0x113: {  	[sflag:s13] =	ssyncadd.s32 $0xFFFFF800  }
0x114: {  	_ =	swait.ge [sflag:s18], $0x800  }
0x115: {  	[sflag:s18] =	ssyncset.done $0x0  }
0x116: {  	[sflag:s18] =	ssyncadd.s32 $0xFFFFF800  }
0x117: {  	_ =	swait.ge [sflag:s26], $0x800  }
0x118: {  	[sflag:s26] =	ssyncset.done $0x0  }
0x119: {  	[sflag:s26] =	ssyncadd.s32 $0xFFFFF800  }
0x11a: {  	[spmem:s2] =	stream.indirect.scatter.add.f32 [tilespmem:s28], [sflag:$0x5], $0x10, s23, s15, $0xb8;
	[tilespmem:$0x1CF00] =	vst v63  }
0x11b: {  	_ =	swait.ge [sflag:s29], $0x800  }
0x11c: {  	[sflag:s29] =	ssyncset.done $0x0  }
0x11d: {  	s11 =	simm.s32 $0x680;
	[sflag:s29] =	ssyncadd.s32 $0xFFFFF800  }
0x11e: {  	[spmem:s2] =	stream.indirect.scatter.add.f32 [tilespmem:s0], [sflag:$0x6], $0x10, s11, s15, $0xb8;
	[tilespmem:$0x1CF00] =	vst v63  }
0x11f: {  	_ =	swait.ge [sflag:s1], $0x800  }
0x120: {  	[sflag:s1] =	ssyncset.done $0x0  }
0x121: {  	s7 =	simm.s32 $0x700;
	[sflag:s1] =	ssyncadd.s32 $0xFFFFF800  }
0x122: {  	[spmem:s2] =	stream.indirect.scatter.add.f32 [tilespmem:s8], [sflag:$0x7], $0x10, s7, s15, $0xb8;
	[tilespmem:$0x1CF00] =	vst v63  }
0x123: {  	_ =	swait.ge [sflag:s9], $0x800  }
0x124: {  	[sflag:s9] =	ssyncset.done $0x0  }
0x125: {  	s10 =	simm.s32 $0x780;
	[sflag:s9] =	ssyncadd.s32 $0xFFFFF800  }
0x126: {  	[spmem:s2] =	stream.indirect.scatter.add.f32 [tilespmem:s24], [sflag:$0x8], $0x10, s10, s15, $0xb8;
	[tilespmem:$0x1CF00] =	vst v63  }
0x127: {  	_ =	swait.ge [sflag:s6], $0x800  }
0x128: {  	[sflag:s6] =	ssyncset.done $0x0  }
0x129: {  	[sflag:s6] =	ssyncadd.s32 $0xFFFFF800  }
0x12a: {  	_ =	swait.ge [sflag:s12], $0x800  }
0x12b: {  	[sflag:s12] =	ssyncset.done $0x0  }
0x12c: {  	[sflag:s12] =	ssyncadd.s32 $0xFFFFF800  }
0x12d: {  	_ =	swait.ge [sflag:s13], $0x800  }
0x12e: {  	[sflag:s13] =	ssyncset.done $0x0  }
0x12f: {  	[sflag:s13] =	ssyncadd.s32 $0xFFFFF800  }
0x130: {  	_ =	swait.ge [sflag:s18], $0x800  }
0x131: {  	[sflag:s18] =	ssyncset.done $0x0  }
0x132: {  	[sflag:s18] =	ssyncadd.s32 $0xFFFFF800  }
0x133: {  	[bflag:$0x0] =	sbarrier.arrive $0xFFFF  }
0x134: {  	s30 =	rddreg [dreg:$0x8]  }
0x135: {  	s10 =	rddreg [dreg:$0xe]  }
0x136: {  	s11 =	rddreg [dreg:$0xf]  }
0x137: {  	[hbm:s11], [sflag:s30] =	dma.local [spmem:s10], $0x30E0  }
0x138: {  	s11 =	simm.s32 $0xB  }
0x139: {  	_ =	swait.ge [sflag:s11], $0x30E0  }
0x13a: {  	s7 =	rddreg [dreg:$0x10]  }
0x13b: {  	s5 =	sadd.s32 $0x1, s7;
	s7 =	rddreg [dreg:$0xd]  }
0x13c: {  	p0 =	sne.s32 s5, s7  }
.Ltmp1:
0x13d: {  	_ = 	snop;
	(pc) =	sbr.rel @p0 .LBB2_1-.Ltmp1, $3  }
0x13e: {  	_ =	sdelay $0x1  }
0x13f: {  	[sflag:s11] =	ssyncset.done $0x0  }
0x140: {  	[sflag:s11] =	ssyncadd.s32 $0xFFFFCF20  }
0x141: {  	_ =	sfence.sel $0x180000  }
0x142: {  	[bflag:$0x0] =	sbarrier.arrive $0xFFFF  }
0x143: {  	_ =	strace $0x90000050  }
0x144: {  	s0 =	stileid.u32;
	[bflag:$0x2] =	sbarrier.arrive $0xFFFF  }
0x145: {  	p0 =	sne.s32 s0, $0x0;
	s0 =	rddreg [dreg:$0x2]  }
0x146: {  	s0 =	sadd.s32 @!p0 $0x100000, s0  }
0x147: {  	[sflag:s0] =	ssyncadd.tile.s32 @!p0 $0x1;
	_ =	shalt  }
.Lfunc_end2:
_tile_overlayer_lowered:
.L_overlay_start_2:
0x148: {  	(tag) =	ssettag $0x2  }
0x149: {  	s0 =	rddreg [dreg:$0x0];
	s2 =	stileid.u32  }
0x14a: {  	s1 =	rddreg [dreg:$0x1];
	p0 =	sne.s32 s2, $0x0  }
0x14b: {  	s3 =	rddreg [dreg:$0x2];
	[bflag:$0x3] =	sbarrier.arrive $0xFFFF;
	s2 =	simm.s32 @!p0 $0x1C0B  }
0x14c: {  	[timem:s3], [sflag:s2] =	dma.local @!p0 [hbm:s0], s1  }
0x14d: {  	s0 =	simm.s32 @!p0 $0xB  }
0x14e: {  	_ =	swait.ge @!p0 [sflag:s0], s1  }
0x14f: {  	s1 =	ssub.s32 @!p0 $0x0, s1;
	[sflag:s0] =	ssyncset.done @!p0 $0x0  }
0x150: {  	[sflag:s0] =	ssyncadd.s32 @!p0 s1  }
0x151: {  	[bflag:$0x3] =	sbarrier.arrive $0xFFFF  }
0x152: {  	_ =	shalt  }

</sc_bundles>
